<compile_context>
chip_gen: v7x
topology: tpu7x:2x2x1
jax: 0.10.2.dev20260603
libtpu: 0.0.44.dev20260713+nightly
codegen_flags: <defaults>
</compile_context>

<pallas_src>
import functools

import jax
import jax.numpy as jnp
from jax import lax
from jax.experimental import pallas as pl
from jax.experimental.pallas import tpu as pltpu
from jax.experimental.pallas import tpu_sc as plsc

N_NODES = 10000
N_EDGES = 320000
R = 4

_NC = 2
_NS = 16
_HALF = N_NODES // _NC
_ROWS = _HALF * R
_TRASH = 480
_ACC_ROWS = _ROWS + _TRASH
_EPT = N_EDGES // _NS
_CH = 80
_SUB = 25
_BLK = _SUB * _CH
_NBLK = _EPT // _BLK
_ZCH = _ACC_ROWS // _NS // _CH


@functools.lru_cache(maxsize=None)
def _make_sc_scatter(D):
    mesh = plsc.VectorSubcoreMesh(core_axis_name="c", subcore_axis_name="s",
                                  num_cores=_NC, num_subcores=_NS)

    @functools.partial(
        pl.kernel,
        out_type=jax.ShapeDtypeStruct((_NC * _ROWS, D), jnp.float32),
        mesh=mesh,
        scratch_types=[
            pltpu.VMEM((_BLK,), jnp.int32),
            pltpu.VMEM((_BLK,), jnp.int32),
            pltpu.VMEM((1, _CH), jnp.int32),
            pltpu.VMEM((_CH, D), jnp.float32),
            pltpu.VMEM((_CH, D), jnp.float32),
            pltpu.VMEM_SHARED((_ACC_ROWS, D), jnp.float32),
            pltpu.SemaphoreType.DMA,
        ],
        compiler_params=pltpu.CompilerParams(use_tc_tiling_on_sc=False),
    )
    def body(h_hbm, src_hbm, gidx_hbm, out_hbm,
             srcv, gidxv, idxv, rowsv, zbuf, acc, sem):
        cid = lax.axis_index("c")
        sid = lax.axis_index("s")
        glo = cid * _ROWS

        zvec = jnp.zeros((16,), jnp.float32)
        for r in range(_CH):
            for c in range(D // 16):
                zbuf[r, pl.ds(c * 16, 16)] = zvec
        zb = sid * (_ACC_ROWS // _NS)
        for k in range(_ZCH):
            pltpu.sync_copy(zbuf, acc.at[pl.ds(zb + k * _CH, _CH)])
        plsc.subcore_barrier()

        lane = lax.iota(jnp.int32, 16)

        def block(bi, _):
            pltpu.sync_copy(src_hbm.at[sid, bi], srcv)
            pltpu.sync_copy(gidx_hbm.at[sid, bi], gidxv)

            def chunk(ci, _):
                eb = ci * _CH
                gather = pltpu.async_copy(
                    h_hbm.at[srcv.at[pl.ds(eb, _CH)]], rowsv, sem)
                for j in range(_CH // 16):
                    g = gidxv[pl.ds(eb + j * 16, 16)]
                    owned = (g >= glo) & (g < glo + _ROWS)
                    tr = (_ROWS + lax.rem(ci * (_CH // 16) + j,
                                          _TRASH // 16) * 16 + lane)
                    idxv[0, pl.ds(j * 16, 16)] = jnp.where(owned, g - glo, tr)
                gather.wait()
                pltpu.sync_copy(rowsv, acc.at[idxv.at[0]], add=True)
                return 0

            lax.fori_loop(0, _SUB, chunk, 0)
            return 0

        lax.fori_loop(0, _NBLK, block, 0)
        plsc.subcore_barrier()

        opt = 1248
        pltpu.sync_copy(acc.at[pl.ds(sid * opt, opt)],
                        out_hbm.at[pl.ds(cid * _ROWS + sid * opt, opt)])
        tail = _ROWS - _NS * opt
        @pl.when(sid == _NS - 1)
        def _():
            pltpu.sync_copy(acc.at[pl.ds(_NS * opt, tail)],
                            out_hbm.at[pl.ds(cid * _ROWS + _NS * opt, tail)])

    return body


def _tc1_body(x_ref, s1_ref, c1_ref, v1_ref, sw_ref, b_ref, g_ref, be_ref,
              h1_ref):
    c1 = c1_ref[...]
    blocks = []
    for r in range(R):
        w = c1[r, 0] * v1_ref[0]
        for b in range(1, R):
            w = w + c1[r, b] * v1_ref[b]
        blocks.append(w)
    W = jnp.concatenate(blocks, axis=0)
    out = (jnp.dot(s1_ref[...], W, preferred_element_type=jnp.float32)
           + jnp.dot(x_ref[...], sw_ref[...], preferred_element_type=jnp.float32)
           + b_ref[...])
    out = jnp.where(out > 0, out, 0.1 * out)
    mu = jnp.mean(out, axis=-1, keepdims=True)
    var = jnp.mean((out - mu) ** 2, axis=-1, keepdims=True)
    h1_ref[...] = (out - mu) * lax.rsqrt(var + 1e-5) * g_ref[...] + be_ref[...]


def _tc2_body(s2_ref, h1_ref, eps_ref, c2_ref, v2_ref, sw_ref, b_ref, g_ref,
              be_ref, gw1_ref, gb1_ref, gw2_ref, gb2_ref, muw_ref, mub_ref,
              lvw_ref, lvb_ref, lpw_ref, lpb_ref, new_ref, neb_ref, ndw1_ref,
              ndb1_ref, ndw2_ref, ndb2_ref, edw1_ref, edb1_ref, edw2_ref,
              edb2_ref, enw1_ref, enb1_ref, enw2_ref, enb2_ref, stw1_ref,
              stb1_ref, stw2_ref, stb2_ref,
              h2_ref, mu_ref, lv_ref, z_ref, rn_ref, re_ref, pe_ref, ps_ref):
    c2 = c2_ref[...]
    blocks = []
    for r in range(R):
        w = c2[r, 0] * v2_ref[0]
        for b in range(1, R):
            w = w + c2[r, b] * v2_ref[b]
        blocks.append(w)
    W = jnp.concatenate(blocks, axis=0)
    out = (jnp.dot(s2_ref[...], W, preferred_element_type=jnp.float32)
           + jnp.dot(h1_ref[...], sw_ref[...], preferred_element_type=jnp.float32)
           + b_ref[...])
    out = jnp.where(out > 0, out, 0.1 * out)
    m = jnp.mean(out, axis=-1, keepdims=True)
    var = jnp.mean((out - m) ** 2, axis=-1, keepdims=True)
    h2 = (out - m) * lax.rsqrt(var + 1e-5) * g_ref[...] + be_ref[...]
    h2_ref[...] = h2

    gate = jnp.dot(jnp.maximum(
        jnp.dot(h2, gw1_ref[...], preferred_element_type=jnp.float32)
        + gb1_ref[...], 0.0), gw2_ref[...],
        preferred_element_type=jnp.float32) + gb2_ref[...]
    gate = gate - jnp.max(gate, axis=0, keepdims=True)
    eg = jnp.exp(gate)
    a = eg / jnp.sum(eg, axis=0, keepdims=True)
    gemb = jnp.sum(a * h2, axis=0, keepdims=True)

    mu = jnp.clip(jnp.dot(gemb, muw_ref[...], preferred_element_type=jnp.float32)
                  + mub_ref[...], -5.0, 5.0)
    lv = jnp.clip(jnp.dot(gemb, lvw_ref[...], preferred_element_type=jnp.float32)
                  + lvb_ref[...], -10.0, 10.0)
    std = jnp.clip(jnp.exp(0.5 * lv), 1e-6, 1e6)
    z = mu + eps_ref[...] * std
    mu_ref[...] = mu
    lv_ref[...] = lv
    z_ref[...] = z

    zp = jnp.maximum(jnp.dot(z, lpw_ref[...], preferred_element_type=jnp.float32)
                     + lpb_ref[...], 0.0)
    nep = jnp.maximum(jnp.dot(h2, new_ref[...], preferred_element_type=jnp.float32)
                      + neb_ref[...], 0.0)
    rn = jnp.maximum(jnp.dot(zp + nep, ndw1_ref[...],
                             preferred_element_type=jnp.float32)
                     + ndb1_ref[...], 0.0)
    rn_ref[...] = jnp.dot(rn, ndw2_ref[...],
                          preferred_element_type=jnp.float32) + ndb2_ref[...]
    ei = jnp.concatenate([zp, zp], axis=1)
    re = jnp.maximum(jnp.dot(ei, edw1_ref[...],
                             preferred_element_type=jnp.float32)
                     + edb1_ref[...], 0.0)
    re_ref[...] = jnp.dot(re, edw2_ref[...],
                          preferred_element_type=jnp.float32) + edb2_ref[...]
    pe = jnp.maximum(jnp.dot(z, enw1_ref[0:32, :],
                             preferred_element_type=jnp.float32)
                     + enb1_ref[...], 0.0)
    pe_ref[...] = jnp.dot(pe, enw2_ref[...],
                          preferred_element_type=jnp.float32) + enb2_ref[...]
    ps = jnp.maximum(jnp.dot(z, stw1_ref[0:32, :],
                             preferred_element_type=jnp.float32)
                     + stb1_ref[...], 0.0)
    ps_ref[...] = jnp.dot(ps, stw2_ref[...],
                          preferred_element_type=jnp.float32) + stb2_ref[...]


def _sc_scatter(D, h, src3, gidx3):
    return _make_sc_scatter(D)(h, src3, gidx3)


def _prep_body(dst_ref, et_ref, out_ref):
    out_ref[...] = dst_ref[...] * R + et_ref[...]


def kernel(x, edge_index, edge_types, eps, params):
    p = params
    src = edge_index[0].astype(jnp.int32)
    dst = edge_index[1].astype(jnp.int32)
    et = edge_types.astype(jnp.int32)
    src3 = src.reshape(_NS, _NBLK, _BLK)

    gidx = pl.pallas_call(
        _prep_body,
        out_shape=jax.ShapeDtypeStruct((N_EDGES // 128, 128), jnp.int32),
    )(dst.reshape(N_EDGES // 128, 128), et.reshape(N_EDGES // 128, 128))
    gidx3 = gidx.reshape(_NS, _NBLK, _BLK)

    row2 = lambda v: v.reshape(1, -1)

    xpad = jnp.pad(x, ((0, 0), (0, 12)))
    s1 = _sc_scatter(16, xpad, src3, gidx3).reshape(N_NODES, R * 16)
    v1pad = jnp.pad(p['V1'], ((0, 0), (0, 12), (0, 0)))

    h1 = pl.pallas_call(
        _tc1_body,
        grid=(10,),
        in_specs=[
            pl.BlockSpec((1000, 4), lambda i: (i, 0)),
            pl.BlockSpec((1000, 64), lambda i: (i, 0)),
            pl.BlockSpec((4, 4), lambda i: (0, 0)),
            pl.BlockSpec((4, 16, 64), lambda i: (0, 0, 0)),
            pl.BlockSpec((4, 64), lambda i: (0, 0)),
            pl.BlockSpec((1, 64), lambda i: (0, 0)),
            pl.BlockSpec((1, 64), lambda i: (0, 0)),
            pl.BlockSpec((1, 64), lambda i: (0, 0)),
        ],
        out_specs=pl.BlockSpec((1000, 64), lambda i: (i, 0)),
        out_shape=jax.ShapeDtypeStruct((N_NODES, 64), jnp.float32),
    )(x, s1, p['c1'], v1pad, p['s1'], row2(p['b1']), row2(p['g1']),
      row2(p['be1']))

    s2 = _sc_scatter(64, h1, src3, gidx3).reshape(N_NODES, R * 64)

    outs = pl.pallas_call(
        _tc2_body,
        out_shape=(
            jax.ShapeDtypeStruct((N_NODES, 128), jnp.float32),
            jax.ShapeDtypeStruct((1, 32), jnp.float32),
            jax.ShapeDtypeStruct((1, 32), jnp.float32),
            jax.ShapeDtypeStruct((1, 32), jnp.float32),
            jax.ShapeDtypeStruct((N_NODES, 4), jnp.float32),
            jax.ShapeDtypeStruct((1, 3), jnp.float32),
            jax.ShapeDtypeStruct((1, 2), jnp.float32),
            jax.ShapeDtypeStruct((1, 9), jnp.float32),
        ),
    )(s2, h1, eps, p['c2'], p['V2'], p['s2'], row2(p['b2']), row2(p['g2']),
      row2(p['be2']), p['gW1'], row2(p['gb1']), p['gW2'], row2(p['gb2']),
      p['muW'], row2(p['mub']), p['lvW'], row2(p['lvb']), p['lpW'],
      row2(p['lpb']), p['neW'], row2(p['neb']), p['ndW1'], row2(p['ndb1']),
      p['ndW2'], row2(p['ndb2']), p['edW1'], row2(p['edb1']), p['edW2'],
      row2(p['edb2']), p['enW1'], row2(p['enb1']), p['enW2'], row2(p['enb2']),
      p['stW1'], row2(p['stb1']), p['stW2'], row2(p['stb2']))

    h2, mu, lv, z, rn, re_row, pe, ps = outs
    re = jnp.broadcast_to(re_row, (N_EDGES, 3))
    return (mu, lv, z, h2, rn, re, pe, ps)

# --- scband reference (transcript-rebuilt; emitter-appended) ---
"""Pipeline reference for scband-crystal-rgcnvae-79637283602841 (READ-ONLY COPY).

The authoritative reference and input builder live on the scoring server;
editing this copy changes nothing except your own understanding.
"""

import jax, jax.numpy as jnp
import numpy as np

N_NODES = 10000
N_EDGES = 320000


def _forward(x, eps, p, src, dst, et):
    N = x.shape[0]

    def rgcn(h, V, comp, Ws, b, g, be):
        # basis-decomposed relation weights: [R, in, out]
        W = jnp.einsum('rb,bio->rio', comp, V)
        # per-node per-relation projections [N, R, out]
        hr = jnp.einsum('ni,rio->nro', h, W)
        # gather message per edge by (src, edge_type)
        msg = hr[src, et]
        agg = jax.ops.segment_sum(msg, dst, num_segments=N)
        out = agg + h @ Ws + b  # self-loop + bias (DGL RelGraphConv defaults)
        out = jnp.where(out > 0, out, 0.1 * out)  # LeakyReLU(0.1)
        mu_ = out.mean(-1, keepdims=True)
        var_ = ((out - mu_) ** 2).mean(-1, keepdims=True)
        return (out - mu_) / jnp.sqrt(var_ + 1e-5) * g + be  # LayerNorm

    h = rgcn(x, p['V1'], p['c1'], p['s1'], p['b1'], p['g1'], p['be1'])
    h = rgcn(h, p['V2'], p['c2'], p['s2'], p['b2'], p['g2'], p['be2'])
    # GlobalAttentionPooling (single graph)
    gate = jax.nn.relu(h @ p['gW1'] + p['gb1']) @ p['gW2'] + p['gb2']
    a = jax.nn.softmax(gate, axis=0)
    gemb = jnp.sum(a * h, axis=0, keepdims=True)  # [1, 128]
    mu = jnp.clip(gemb @ p['muW'] + p['mub'], -5.0, 5.0)
    lv = jnp.clip(gemb @ p['lvW'] + p['lvb'], -10.0, 10.0)
    std = jnp.clip(jnp.exp(0.5 * lv), 1e-6, 1e6)
    z = mu + eps * std
    # decoder (dropout = identity in eval)
    zp = jax.nn.relu(z @ p['lpW'] + p['lpb'])  # latent_proj [1,128]
    zx = jnp.tile(zp, (N, 1))  # z_expanded
    nep = jax.nn.relu(h @ p['neW'] + p['neb'])
    rn = jax.nn.relu((zx + nep) @ p['ndW1'] + p['ndb1']) @ p['ndW2'] + p['ndb2']
    ei = jnp.concatenate([zx[src], zx[dst]], axis=1)  # [E, 256]
    re = jax.nn.relu(ei @ p['edW1'] + p['edb1']) @ p['edW2'] + p['edb2']
    zl = jnp.concatenate([z, jnp.zeros((z.shape[0], 6), z.dtype)], axis=1)  # no lattice attr -> zeros
    pe = jax.nn.relu(zl @ p['enW1'] + p['enb1']) @ p['enW2'] + p['enb2']
    ps = jax.nn.relu(zl @ p['stW1'] + p['stb1']) @ p['stW2'] + p['stb2']
    return (mu, lv, z, h, rn, re, pe, ps)


def setup_inputs(seed: int = 0) -> dict:
    key = jax.random.key(seed)
    ks = iter(jax.random.split(key, 64))

    def rn(*s):
        return jax.random.normal(next(ks), s, jnp.float32) * 0.1

    x = jax.random.normal(next(ks), (N_NODES, 4), jnp.float32)
    edge_index = jax.random.randint(next(ks), (2, N_EDGES), 0, N_NODES)
    edge_types = jax.random.randint(next(ks), (N_EDGES,), 0, 4)
    eps = jax.random.normal(next(ks), (1, 32), jnp.float32)
    p = {
        'V1': rn(4, 4, 64), 'c1': rn(4, 4), 's1': rn(4, 64),
        'b1': jnp.zeros(64), 'g1': jnp.ones(64), 'be1': jnp.zeros(64),
        'V2': rn(4, 64, 128), 'c2': rn(4, 4), 's2': rn(64, 128),
        'b2': jnp.zeros(128), 'g2': jnp.ones(128), 'be2': jnp.zeros(128),
        'gW1': rn(128, 64), 'gb1': jnp.zeros(64), 'gW2': rn(64, 1), 'gb2': jnp.zeros(1),
        'muW': rn(128, 32), 'mub': jnp.zeros(32),
        'lvW': jnp.full((128, 32), 0.01, jnp.float32), 'lvb': jnp.full((32,), -2.0, jnp.float32),
        'lpW': rn(32, 128), 'lpb': jnp.zeros(128),
        'neW': rn(128, 128), 'neb': jnp.zeros(128),
        'ndW1': rn(128, 64), 'ndb1': jnp.zeros(64), 'ndW2': rn(64, 4), 'ndb2': jnp.zeros(4),
        'edW1': rn(256, 64), 'edb1': jnp.zeros(64), 'edW2': rn(64, 3), 'edb2': jnp.zeros(3),
        'enW1': rn(38, 64), 'enb1': jnp.zeros(64), 'enW2': rn(64, 2), 'enb2': jnp.zeros(2),
        'stW1': rn(38, 64), 'stb1': jnp.zeros(64), 'stW2': rn(64, 9), 'stb2': jnp.zeros(9),
    }
    return {'x': x, 'edge_index': edge_index, 'edge_types': edge_types, 'eps': eps, 'params': p}


def reference(x, edge_index, edge_types, eps, params):
    src, dst = edge_index[0], edge_index[1]
    return _forward(x, eps, params, src, dst, edge_types)

if __name__ == "__main__":
    import jax
    _d = setup_inputs()
    print(jax.jit(kernel)(*tuple(_d.values())))

</pallas_src>

<mosaic_0001>
#map = affine_map<(d0, d1) -> (0, 0)>
#map1 = affine_map<(d0, d1) -> (0, 0, 0)>
module attributes {stable_mosaic.version = 14 : i64} {
  func.func @body(%arg0: i32, %arg1: i32, %arg2: memref<10000x16xf32, #tpu.memory_space<hbm>>, %arg3: memref<16x10x2000xi32, #tpu.memory_space<hbm>>, %arg4: memref<16x10x2000xi32, #tpu.memory_space<hbm>>, %arg5: memref<40000x16xf32, #tpu.memory_space<hbm>>, %arg6: memref<2000xi32, #tpu.memory_space<vmem>>, %arg7: memref<2000xi32, #tpu.memory_space<vmem>>, %arg8: memref<1x80xi32, #tpu.memory_space<vmem>>, %arg9: memref<80x16xf32, #tpu.memory_space<vmem>>, %arg10: memref<80x16xf32, #tpu.memory_space<vmem>>, %arg11: memref<20480x16xf32, #tpu.memory_space<vmem_shared>>, %arg12: memref<!tpu.dma_semaphore, #tpu.memory_space<semaphore_mem>>) attributes {dimension_semantics = [#tpu.dimension_semantics<core_parallel>, #tpu.dimension_semantics<subcore_parallel>], iteration_bounds = array<i64: 2, 16>, scalar_prefetch = 0 : i64, scratch_operands = 7 : i64, tpu.core_type = #tpu.core_type<sc_vector_subcore>, window_params = [{transform_indices = #map}, {transform_indices = #map1}, {transform_indices = #map1}, {transform_indices = #map}]} {
    %mul3A = arith.constant 20000 : i32
    %mul3A_0 = arith.muli %arg0, %mul3A : i32
    %broadcast_in_dim3A = arith.constant 0.000000e+00 : f32
    %broadcast_in_dim3A_1 = vector.broadcast %broadcast_in_dim3A : f32 to vector<16xf32>
    %swap3A = arith.constant 0 : i32
    %swap3A_2 = arith.index_cast %swap3A : i32 to index
    %swap3A_3 = arith.constant 0 : index
    %swap3A_4 = tpu.vector_load %arg10[%swap3A_2, %swap3A_3] {strides = array<i32>} : memref<80x16xf32, #tpu.memory_space<vmem>>, vector<1x16xf32>,
    %swap3A_5 = vector.shape_cast %swap3A_4 : vector<1x16xf32> to vector<16xf32>
    %swap3A_6 = vector.shape_cast %broadcast_in_dim3A_1 : vector<16xf32> to vector<1x16xf32>
    tpu.vector_store %arg10[%swap3A_2, %swap3A_3], %swap3A_6 {strides = array<i32>} : memref<80x16xf32, #tpu.memory_space<vmem>>, vector<1x16xf32>,
    %swap3A_7 = arith.constant 1 : i32
    %swap3A_8 = arith.index_cast %swap3A_7 : i32 to index
    %swap3A_9 = arith.constant 0 : index
    %swap3A_10 = tpu.vector_load %arg10[%swap3A_8, %swap3A_9] {strides = array<i32>} : memref<80x16xf32, #tpu.memory_space<vmem>>, vector<1x16xf32>,
    %swap3A_11 = vector.shape_cast %swap3A_10 : vector<1x16xf32> to vector<16xf32>
    %swap3A_12 = vector.shape_cast %broadcast_in_dim3A_1 : vector<16xf32> to vector<1x16xf32>
    tpu.vector_store %arg10[%swap3A_8, %swap3A_9], %swap3A_12 {strides = array<i32>} : memref<80x16xf32, #tpu.memory_space<vmem>>, vector<1x16xf32>,
    %swap3A_13 = arith.constant 2 : i32
    %swap3A_14 = arith.index_cast %swap3A_13 : i32 to index
    %swap3A_15 = arith.constant 0 : index
    %swap3A_16 = tpu.vector_load %arg10[%swap3A_14, %swap3A_15] {strides = array<i32>} : memref<80x16xf32, #tpu.memory_space<vmem>>, vector<1x16xf32>,
    %swap3A_17 = vector.shape_cast %swap3A_16 : vector<1x16xf32> to vector<16xf32>
    %swap3A_18 = vector.shape_cast %broadcast_in_dim3A_1 : vector<16xf32> to vector<1x16xf32>
    tpu.vector_store %arg10[%swap3A_14, %swap3A_15], %swap3A_18 {strides = array<i32>} : memref<80x16xf32, #tpu.memory_space<vmem>>, vector<1x16xf32>,
    %swap3A_19 = arith.constant 3 : i32
    %swap3A_20 = arith.index_cast %swap3A_19 : i32 to index
    %swap3A_21 = arith.constant 0 : index
    %swap3A_22 = tpu.vector_load %arg10[%swap3A_20, %swap3A_21] {strides = array<i32>} : memref<80x16xf32, #tpu.memory_space<vmem>>, vector<1x16xf32>,
    %swap3A_23 = vector.shape_cast %swap3A_22 : vector<1x16xf32> to vector<16xf32>
    %swap3A_24 = vector.shape_cast %broadcast_in_dim3A_1 : vector<16xf32> to vector<1x16xf32>
    tpu.vector_store %arg10[%swap3A_20, %swap3A_21], %swap3A_24 {strides = array<i32>} : memref<80x16xf32, #tpu.memory_space<vmem>>, vector<1x16xf32>,
    %swap3A_25 = arith.constant 4 : i32
    %swap3A_26 = arith.index_cast %swap3A_25 : i32 to index
    %swap3A_27 = arith.constant 0 : index
    %swap3A_28 = tpu.vector_load %arg10[%swap3A_26, %swap3A_27] {strides = array<i32>} : memref<80x16xf32, #tpu.memory_space<vmem>>, vector<1x16xf32>,
    %swap3A_29 = vector.shape_cast %swap3A_28 : vector<1x16xf32> to vector<16xf32>
    %swap3A_30 = vector.shape_cast %broadcast_in_dim3A_1 : vector<16xf32> to vector<1x16xf32>
    tpu.vector_store %arg10[%swap3A_26, %swap3A_27], %swap3A_30 {strides = array<i32>} : memref<80x16xf32, #tpu.memory_space<vmem>>, vector<1x16xf32>,
    %swap3A_31 = arith.constant 5 : i32
    %swap3A_32 = arith.index_cast %swap3A_31 : i32 to index
    %swap3A_33 = arith.constant 0 : index
    %swap3A_34 = tpu.vector_load %arg10[%swap3A_32, %swap3A_33] {strides = array<i32>} : memref<80x16xf32, #tpu.memory_space<vmem>>, vector<1x16xf32>,
    %swap3A_35 = vector.shape_cast %swap3A_34 : vector<1x16xf32> to vector<16xf32>
    %swap3A_36 = vector.shape_cast %broadcast_in_dim3A_1 : vector<16xf32> to vector<1x16xf32>
    tpu.vector_store %arg10[%swap3A_32, %swap3A_33], %swap3A_36 {strides = array<i32>} : memref<80x16xf32, #tpu.memory_space<vmem>>, vector<1x16xf32>,
    %swap3A_37 = arith.constant 6 : i32
    %swap3A_38 = arith.index_cast %swap3A_37 : i32 to index
    %swap3A_39 = arith.constant 0 : index
    %swap3A_40 = tpu.vector_load %arg10[%swap3A_38, %swap3A_39] {strides = array<i32>} : memref<80x16xf32, #tpu.memory_space<vmem>>, vector<1x16xf32>,
    %swap3A_41 = vector.shape_cast %swap3A_40 : vector<1x16xf32> to vector<16xf32>
    %swap3A_42 = vector.shape_cast %broadcast_in_dim3A_1 : vector<16xf32> to vector<1x16xf32>
    tpu.vector_store %arg10[%swap3A_38, %swap3A_39], %swap3A_42 {strides = array<i32>} : memref<80x16xf32, #tpu.memory_space<vmem>>, vector<1x16xf32>,
    %swap3A_43 = arith.constant 7 : i32
    %swap3A_44 = arith.index_cast %swap3A_43 : i32 to index
    %swap3A_45 = arith.constant 0 : index
    %swap3A_46 = tpu.vector_load %arg10[%swap3A_44, %swap3A_45] {strides = array<i32>} : memref<80x16xf32, #tpu.memory_space<vmem>>, vector<1x16xf32>,
    %swap3A_47 = vector.shape_cast %swap3A_46 : vector<1x16xf32> to vector<16xf32>
    %swap3A_48 = vector.shape_cast %broadcast_in_dim3A_1 : vector<16xf32> to vector<1x16xf32>
    tpu.vector_store %arg10[%swap3A_44, %swap3A_45], %swap3A_48 {strides = array<i32>} : memref<80x16xf32, #tpu.memory_space<vmem>>, vector<1x16xf32>,
    %swap3A_49 = arith.constant 8 : i32
    %swap3A_50 = arith.index_cast %swap3A_49 : i32 to index
    %swap3A_51 = arith.constant 0 : index
    %swap3A_52 = tpu.vector_load %arg10[%swap3A_50, %swap3A_51] {strides = array<i32>} : memref<80x16xf32, #tpu.memory_space<vmem>>, vector<1x16xf32>,
    %swap3A_53 = vector.shape_cast %swap3A_52 : vector<1x16xf32> to vector<16xf32>
    %swap3A_54 = vector.shape_cast %broadcast_in_dim3A_1 : vector<16xf32> to vector<1x16xf32>
    tpu.vector_store %arg10[%swap3A_50, %swap3A_51], %swap3A_54 {strides = array<i32>} : memref<80x16xf32, #tpu.memory_space<vmem>>, vector<1x16xf32>,
    %swap3A_55 = arith.constant 9 : i32
    %swap3A_56 = arith.index_cast %swap3A_55 : i32 to index
    %swap3A_57 = arith.constant 0 : index
    %swap3A_58 = tpu.vector_load %arg10[%swap3A_56, %swap3A_57] {strides = array<i32>} : memref<80x16xf32, #tpu.memory_space<vmem>>, vector<1x16xf32>,
    %swap3A_59 = vector.shape_cast %swap3A_58 : vector<1x16xf32> to vector<16xf32>
    %swap3A_60 = vector.shape_cast %broadcast_in_dim3A_1 : vector<16xf32> to vector<1x16xf32>
    tpu.vector_store %arg10[%swap3A_56, %swap3A_57], %swap3A_60 {strides = array<i32>} : memref<80x16xf32, #tpu.memory_space<vmem>>, vector<1x16xf32>,
    %swap3A_61 = arith.constant 10 : i32
    %swap3A_62 = arith.index_cast %swap3A_61 : i32 to index
    %swap3A_63 = arith.constant 0 : index
    %swap3A_64 = tpu.vector_load %arg10[%swap3A_62, %swap3A_63] {strides = array<i32>} : memref<80x16xf32, #tpu.memory_space<vmem>>, vector<1x16xf32>,
    %swap3A_65 = vector.shape_cast %swap3A_64 : vector<1x16xf32> to vector<16xf32>
    %swap3A_66 = vector.shape_cast %broadcast_in_dim3A_1 : vector<16xf32> to vector<1x16xf32>
    tpu.vector_store %arg10[%swap3A_62, %swap3A_63], %swap3A_66 {strides = array<i32>} : memref<80x16xf32, #tpu.memory_space<vmem>>, vector<1x16xf32>,
    %swap3A_67 = arith.constant 11 : i32
    %swap3A_68 = arith.index_cast %swap3A_67 : i32 to index
    %swap3A_69 = arith.constant 0 : index
    %swap3A_70 = tpu.vector_load %arg10[%swap3A_68, %swap3A_69] {strides = array<i32>} : memref<80x16xf32, #tpu.memory_space<vmem>>, vector<1x16xf32>,
    %swap3A_71 = vector.shape_cast %swap3A_70 : vector<1x16xf32> to vector<16xf32>
    %swap3A_72 = vector.shape_cast %broadcast_in_dim3A_1 : vector<16xf32> to vector<1x16xf32>
    tpu.vector_store %arg10[%swap3A_68, %swap3A_69], %swap3A_72 {strides = array<i32>} : memref<80x16xf32, #tpu.memory_space<vmem>>, vector<1x16xf32>,
    %swap3A_73 = arith.constant 12 : i32
    %swap3A_74 = arith.index_cast %swap3A_73 : i32 to index
    %swap3A_75 = arith.constant 0 : index
    %swap3A_76 = tpu.vector_load %arg10[%swap3A_74, %swap3A_75] {strides = array<i32>} : memref<80x16xf32, #tpu.memory_space<vmem>>, vector<1x16xf32>,
    %swap3A_77 = vector.shape_cast %swap3A_76 : vector<1x16xf32> to vector<16xf32>
    %swap3A_78 = vector.shape_cast %broadcast_in_dim3A_1 : vector<16xf32> to vector<1x16xf32>
    tpu.vector_store %arg10[%swap3A_74, %swap3A_75], %swap3A_78 {strides = array<i32>} : memref<80x16xf32, #tpu.memory_space<vmem>>, vector<1x16xf32>,
    %swap3A_79 = arith.constant 13 : i32
    %swap3A_80 = arith.index_cast %swap3A_79 : i32 to index
    %swap3A_81 = arith.constant 0 : index
    %swap3A_82 = tpu.vector_load %arg10[%swap3A_80, %swap3A_81] {strides = array<i32>} : memref<80x16xf32, #tpu.memory_space<vmem>>, vector<1x16xf32>,
    %swap3A_83 = vector.shape_cast %swap3A_82 : vector<1x16xf32> to vector<16xf32>
    %swap3A_84 = vector.shape_cast %broadcast_in_dim3A_1 : vector<16xf32> to vector<1x16xf32>
    tpu.vector_store %arg10[%swap3A_80, %swap3A_81], %swap3A_84 {strides = array<i32>} : memref<80x16xf32, #tpu.memory_space<vmem>>, vector<1x16xf32>,
    %swap3A_85 = arith.constant 14 : i32
    %swap3A_86 = arith.index_cast %swap3A_85 : i32 to index
    %swap3A_87 = arith.constant 0 : index
    %swap3A_88 = tpu.vector_load %arg10[%swap3A_86, %swap3A_87] {strides = array<i32>} : memref<80x16xf32, #tpu.memory_space<vmem>>, vector<1x16xf32>,
    %swap3A_89 = vector.shape_cast %swap3A_88 : vector<1x16xf32> to vector<16xf32>
    %swap3A_90 = vector.shape_cast %broadcast_in_dim3A_1 : vector<16xf32> to vector<1x16xf32>
    tpu.vector_store %arg10[%swap3A_86, %swap3A_87], %swap3A_90 {strides = array<i32>} : memref<80x16xf32, #tpu.memory_space<vmem>>, vector<1x16xf32>,
    %swap3A_91 = arith.constant 15 : i32
    %swap3A_92 = arith.index_cast %swap3A_91 : i32 to index
    %swap3A_93 = arith.constant 0 : index
    %swap3A_94 = tpu.vector_load %arg10[%swap3A_92, %swap3A_93] {strides = array<i32>} : memref<80x16xf32, #tpu.memory_space<vmem>>, vector<1x16xf32>,
    %swap3A_95 = vector.shape_cast %swap3A_94 : vector<1x16xf32> to vector<16xf32>
    %swap3A_96 = vector.shape_cast %broadcast_in_dim3A_1 : vector<16xf32> to vector<1x16xf32>
    tpu.vector_store %arg10[%swap3A_92, %swap3A_93], %swap3A_96 {strides = array<i32>} : memref<80x16xf32, #tpu.memory_space<vmem>>, vector<1x16xf32>,
    %swap3A_97 = arith.constant 16 : i32
    %swap3A_98 = arith.index_cast %swap3A_97 : i32 to index
    %swap3A_99 = arith.constant 0 : index
    %swap3A_100 = tpu.vector_load %arg10[%swap3A_98, %swap3A_99] {strides = array<i32>} : memref<80x16xf32, #tpu.memory_space<vmem>>, vector<1x16xf32>,
    %swap3A_101 = vector.shape_cast %swap3A_100 : vector<1x16xf32> to vector<16xf32>
    %swap3A_102 = vector.shape_cast %broadcast_in_dim3A_1 : vector<16xf32> to vector<1x16xf32>
    tpu.vector_store %arg10[%swap3A_98, %swap3A_99], %swap3A_102 {strides = array<i32>} : memref<80x16xf32, #tpu.memory_space<vmem>>, vector<1x16xf32>,
    %swap3A_103 = arith.constant 17 : i32
    %swap3A_104 = arith.index_cast %swap3A_103 : i32 to index
    %swap3A_105 = arith.constant 0 : index
    %swap3A_106 = tpu.vector_load %arg10[%swap3A_104, %swap3A_105] {strides = array<i32>} : memref<80x16xf32, #tpu.memory_space<vmem>>, vector<1x16xf32>,
    %swap3A_107 = vector.shape_cast %swap3A_106 : vector<1x16xf32> to vector<16xf32>
    %swap3A_108 = vector.shape_cast %broadcast_in_dim3A_1 : vector<16xf32> to vector<1x16xf32>
    tpu.vector_store %arg10[%swap3A_104, %swap3A_105], %swap3A_108 {strides = array<i32>} : memref<80x16xf32, #tpu.memory_space<vmem>>, vector<1x16xf32>,
    %swap3A_109 = arith.constant 18 : i32
    %swap3A_110 = arith.index_cast %swap3A_109 : i32 to index
    %swap3A_111 = arith.constant 0 : index
    %swap3A_112 = tpu.vector_load %arg10[%swap3A_110, %swap3A_111] {strides = array<i32>} : memref<80x16xf32, #tpu.memory_space<vmem>>, vector<1x16xf32>,
    %swap3A_113 = vector.shape_cast %swap3A_112 : vector<1x16xf32> to vector<16xf32>
    %swap3A_114 = vector.shape_cast %broadcast_in_dim3A_1 : vector<16xf32> to vector<1x16xf32>
    tpu.vector_store %arg10[%swap3A_110, %swap3A_111], %swap3A_114 {strides = array<i32>} : memref<80x16xf32, #tpu.memory_space<vmem>>, vector<1x16xf32>,
    %swap3A_115 = arith.constant 19 : i32
    %swap3A_116 = arith.index_cast %swap3A_115 : i32 to index
    %swap3A_117 = arith.constant 0 : index
    %swap3A_118 = tpu.vector_load %arg10[%swap3A_116, %swap3A_117] {strides = array<i32>} : memref<80x16xf32, #tpu.memory_space<vmem>>, vector<1x16xf32>,
    %swap3A_119 = vector.shape_cast %swap3A_118 : vector<1x16xf32> to vector<16xf32>
    %swap3A_120 = vector.shape_cast %broadcast_in_dim3A_1 : vector<16xf32> to vector<1x16xf32>
    tpu.vector_store %arg10[%swap3A_116, %swap3A_117], %swap3A_120 {strides = array<i32>} : memref<80x16xf32, #tpu.memory_space<vmem>>, vector<1x16xf32>,
    %swap3A_121 = arith.constant 20 : i32
    %swap3A_122 = arith.index_cast %swap3A_121 : i32 to index
    %swap3A_123 = arith.constant 0 : index
    %swap3A_124 = tpu.vector_load %arg10[%swap3A_122, %swap3A_123] {strides = array<i32>} : memref<80x16xf32, #tpu.memory_space<vmem>>, vector<1x16xf32>,
    %swap3A_125 = vector.shape_cast %swap3A_124 : vector<1x16xf32> to vector<16xf32>
    %swap3A_126 = vector.shape_cast %broadcast_in_dim3A_1 : vector<16xf32> to vector<1x16xf32>
    tpu.vector_store %arg10[%swap3A_122, %swap3A_123], %swap3A_126 {strides = array<i32>} : memref<80x16xf32, #tpu.memory_space<vmem>>, vector<1x16xf32>,
    %swap3A_127 = arith.constant 21 : i32
    %swap3A_128 = arith.index_cast %swap3A_127 : i32 to index
    %swap3A_129 = arith.constant 0 : index
    %swap3A_130 = tpu.vector_load %arg10[%swap3A_128, %swap3A_129] {strides = array<i32>} : memref<80x16xf32, #tpu.memory_space<vmem>>, vector<1x16xf32>,
    %swap3A_131 = vector.shape_cast %swap3A_130 : vector<1x16xf32> to vector<16xf32>
    %swap3A_132 = vector.shape_cast %broadcast_in_dim3A_1 : vector<16xf32> to vector<1x16xf32>
    tpu.vector_store %arg10[%swap3A_128, %swap3A_129], %swap3A_132 {strides = array<i32>} : memref<80x16xf32, #tpu.memory_space<vmem>>, vector<1x16xf32>,
    %swap3A_133 = arith.constant 22 : i32
    %swap3A_134 = arith.index_cast %swap3A_133 : i32 to index
    %swap3A_135 = arith.constant 0 : index
    %swap3A_136 = tpu.vector_load %arg10[%swap3A_134, %swap3A_135] {strides = array<i32>} : memref<80x16xf32, #tpu.memory_space<vmem>>, vector<1x16xf32>,
    %swap3A_137 = vector.shape_cast %swap3A_136 : vector<1x16xf32> to vector<16xf32>
    %swap3A_138 = vector.shape_cast %broadcast_in_dim3A_1 : vector<16xf32> to vector<1x16xf32>
    tpu.vector_store %arg10[%swap3A_134, %swap3A_135], %swap3A_138 {strides = array<i32>} : memref<80x16xf32, #tpu.memory_space<vmem>>, vector<1x16xf32>,
    %swap3A_139 = arith.constant 23 : i32
    %swap3A_140 = arith.index_cast %swap3A_139 : i32 to index
    %swap3A_141 = arith.constant 0 : index
    %swap3A_142 = tpu.vector_load %arg10[%swap3A_140, %swap3A_141] {strides = array<i32>} : memref<80x16xf32, #tpu.memory_space<vmem>>, vector<1x16xf32>,
    %swap3A_143 = vector.shape_cast %swap3A_142 : vector<1x16xf32> to vector<16xf32>
    %swap3A_144 = vector.shape_cast %broadcast_in_dim3A_1 : vector<16xf32> to vector<1x16xf32>
    tpu.vector_store %arg10[%swap3A_140, %swap3A_141], %swap3A_144 {strides = array<i32>} : memref<80x16xf32, #tpu.memory_space<vmem>>, vector<1x16xf32>,
    %swap3A_145 = arith.constant 24 : i32
    %swap3A_146 = arith.index_cast %swap3A_145 : i32 to index
    %swap3A_147 = arith.constant 0 : index
    %swap3A_148 = tpu.vector_load %arg10[%swap3A_146, %swap3A_147] {strides = array<i32>} : memref<80x16xf32, #tpu.memory_space<vmem>>, vector<1x16xf32>,
    %swap3A_149 = vector.shape_cast %swap3A_148 : vector<1x16xf32> to vector<16xf32>
    %swap3A_150 = vector.shape_cast %broadcast_in_dim3A_1 : vector<16xf32> to vector<1x16xf32>
    tpu.vector_store %arg10[%swap3A_146, %swap3A_147], %swap3A_150 {strides = array<i32>} : memref<80x16xf32, #tpu.memory_space<vmem>>, vector<1x16xf32>,
    %swap3A_151 = arith.constant 25 : i32
    %swap3A_152 = arith.index_cast %swap3A_151 : i32 to index
    %swap3A_153 = arith.constant 0 : index
    %swap3A_154 = tpu.vector_load %arg10[%swap3A_152, %swap3A_153] {strides = array<i32>} : memref<80x16xf32, #tpu.memory_space<vmem>>, vector<1x16xf32>,
    %swap3A_155 = vector.shape_cast %swap3A_154 : vector<1x16xf32> to vector<16xf32>
    %swap3A_156 = vector.shape_cast %broadcast_in_dim3A_1 : vector<16xf32> to vector<1x16xf32>
    tpu.vector_store %arg10[%swap3A_152, %swap3A_153], %swap3A_156 {strides = array<i32>} : memref<80x16xf32, #tpu.memory_space<vmem>>, vector<1x16xf32>,
    %swap3A_157 = arith.constant 26 : i32
    %swap3A_158 = arith.index_cast %swap3A_157 : i32 to index
    %swap3A_159 = arith.constant 0 : index
    %swap3A_160 = tpu.vector_load %arg10[%swap3A_158, %swap3A_159] {strides = array<i32>} : memref<80x16xf32, #tpu.memory_space<vmem>>, vector<1x16xf32>,
    %swap3A_161 = vector.shape_cast %swap3A_160 : vector<1x16xf32> to vector<16xf32>
    %swap3A_162 = vector.shape_cast %broadcast_in_dim3A_1 : vector<16xf32> to vector<1x16xf32>
    tpu.vector_store %arg10[%swap3A_158, %swap3A_159], %swap3A_162 {strides = array<i32>} : memref<80x16xf32, #tpu.memory_space<vmem>>, vector<1x16xf32>,
    %swap3A_163 = arith.constant 27 : i32
    %swap3A_164 = arith.index_cast %swap3A_163 : i32 to index
    %swap3A_165 = arith.constant 0 : index
    %swap3A_166 = tpu.vector_load %arg10[%swap3A_164, %swap3A_165] {strides = array<i32>} : memref<80x16xf32, #tpu.memory_space<vmem>>, vector<1x16xf32>,
    %swap3A_167 = vector.shape_cast %swap3A_166 : vector<1x16xf32> to vector<16xf32>
    %swap3A_168 = vector.shape_cast %broadcast_in_dim3A_1 : vector<16xf32> to vector<1x16xf32>
    tpu.vector_store %arg10[%swap3A_164, %swap3A_165], %swap3A_168 {strides = array<i32>} : memref<80x16xf32, #tpu.memory_space<vmem>>, vector<1x16xf32>,
    %swap3A_169 = arith.constant 28 : i32
    %swap3A_170 = arith.index_cast %swap3A_169 : i32 to index
    %swap3A_171 = arith.constant 0 : index
    %swap3A_172 = tpu.vector_load %arg10[%swap3A_170, %swap3A_171] {strides = array<i32>} : memref<80x16xf32, #tpu.memory_space<vmem>>, vector<1x16xf32>,
    %swap3A_173 = vector.shape_cast %swap3A_172 : vector<1x16xf32> to vector<16xf32>
    %swap3A_174 = vector.shape_cast %broadcast_in_dim3A_1 : vector<16xf32> to vector<1x16xf32>
    tpu.vector_store %arg10[%swap3A_170, %swap3A_171], %swap3A_174 {strides = array<i32>} : memref<80x16xf32, #tpu.memory_space<vmem>>, vector<1x16xf32>,
    %swap3A_175 = arith.constant 29 : i32
    %swap3A_176 = arith.index_cast %swap3A_175 : i32 to index
    %swap3A_177 = arith.constant 0 : index
    %swap3A_178 = tpu.vector_load %arg10[%swap3A_176, %swap3A_177] {strides = array<i32>} : memref<80x16xf32, #tpu.memory_space<vmem>>, vector<1x16xf32>,
    %swap3A_179 = vector.shape_cast %swap3A_178 : vector<1x16xf32> to vector<16xf32>
    %swap3A_180 = vector.shape_cast %broadcast_in_dim3A_1 : vector<16xf32> to vector<1x16xf32>
    tpu.vector_store %arg10[%swap3A_176, %swap3A_177], %swap3A_180 {strides = array<i32>} : memref<80x16xf32, #tpu.memory_space<vmem>>, vector<1x16xf32>,
    %swap3A_181 = arith.constant 30 : i32
    %swap3A_182 = arith.index_cast %swap3A_181 : i32 to index
    %swap3A_183 = arith.constant 0 : index
    %swap3A_184 = tpu.vector_load %arg10[%swap3A_182, %swap3A_183] {strides = array<i32>} : memref<80x16xf32, #tpu.memory_space<vmem>>, vector<1x16xf32>,
    %swap3A_185 = vector.shape_cast %swap3A_184 : vector<1x16xf32> to vector<16xf32>
    %swap3A_186 = vector.shape_cast %broadcast_in_dim3A_1 : vector<16xf32> to vector<1x16xf32>
    tpu.vector_store %arg10[%swap3A_182, %swap3A_183], %swap3A_186 {strides = array<i32>} : memref<80x16xf32, #tpu.memory_space<vmem>>, vector<1x16xf32>,
    %swap3A_187 = arith.constant 31 : i32
    %swap3A_188 = arith.index_cast %swap3A_187 : i32 to index
    %swap3A_189 = arith.constant 0 : index
    %swap3A_190 = tpu.vector_load %arg10[%swap3A_188, %swap3A_189] {strides = array<i32>} : memref<80x16xf32, #tpu.memory_space<vmem>>, vector<1x16xf32>,
    %swap3A_191 = vector.shape_cast %swap3A_190 : vector<1x16xf32> to vector<16xf32>
    %swap3A_192 = vector.shape_cast %broadcast_in_dim3A_1 : vector<16xf32> to vector<1x16xf32>
    tpu.vector_store %arg10[%swap3A_188, %swap3A_189], %swap3A_192 {strides = array<i32>} : memref<80x16xf32, #tpu.memory_space<vmem>>, vector<1x16xf32>,
    %swap3A_193 = arith.constant 32 : i32
    %swap3A_194 = arith.index_cast %swap3A_193 : i32 to index
    %swap3A_195 = arith.constant 0 : index
    %swap3A_196 = tpu.vector_load %arg10[%swap3A_194, %swap3A_195] {strides = array<i32>} : memref<80x16xf32, #tpu.memory_space<vmem>>, vector<1x16xf32>,
    %swap3A_197 = vector.shape_cast %swap3A_196 : vector<1x16xf32> to vector<16xf32>
    %swap3A_198 = vector.shape_cast %broadcast_in_dim3A_1 : vector<16xf32> to vector<1x16xf32>
    tpu.vector_store %arg10[%swap3A_194, %swap3A_195], %swap3A_198 {strides = array<i32>} : memref<80x16xf32, #tpu.memory_space<vmem>>, vector<1x16xf32>,
    %swap3A_199 = arith.constant 33 : i32
    %swap3A_200 = arith.index_cast %swap3A_199 : i32 to index
    %swap3A_201 = arith.constant 0 : index
    %swap3A_202 = tpu.vector_load %arg10[%swap3A_200, %swap3A_201] {strides = array<i32>} : memref<80x16xf32, #tpu.memory_space<vmem>>, vector<1x16xf32>,
    %swap3A_203 = vector.shape_cast %swap3A_202 : vector<1x16xf32> to vector<16xf32>
    %swap3A_204 = vector.shape_cast %broadcast_in_dim3A_1 : vector<16xf32> to vector<1x16xf32>
    tpu.vector_store %arg10[%swap3A_200, %swap3A_201], %swap3A_204 {strides = array<i32>} : memref<80x16xf32, #tpu.memory_space<vmem>>, vector<1x16xf32>,
    %swap3A_205 = arith.constant 34 : i32
    %swap3A_206 = arith.index_cast %swap3A_205 : i32 to index
    %swap3A_207 = arith.constant 0 : index
    %swap3A_208 = tpu.vector_load %arg10[%swap3A_206, %swap3A_207] {strides = array<i32>} : memref<80x16xf32, #tpu.memory_space<vmem>>, vector<1x16xf32>,
    %swap3A_209 = vector.shape_cast %swap3A_208 : vector<1x16xf32> to vector<16xf32>
    %swap3A_210 = vector.shape_cast %broadcast_in_dim3A_1 : vector<16xf32> to vector<1x16xf32>
    tpu.vector_store %arg10[%swap3A_206, %swap3A_207], %swap3A_210 {strides = array<i32>} : memref<80x16xf32, #tpu.memory_space<vmem>>, vector<1x16xf32>,
    %swap3A_211 = arith.constant 35 : i32
    %swap3A_212 = arith.index_cast %swap3A_211 : i32 to index
    %swap3A_213 = arith.constant 0 : index
    %swap3A_214 = tpu.vector_load %arg10[%swap3A_212, %swap3A_213] {strides = array<i32>} : memref<80x16xf32, #tpu.memory_space<vmem>>, vector<1x16xf32>,
    %swap3A_215 = vector.shape_cast %swap3A_214 : vector<1x16xf32> to vector<16xf32>
    %swap3A_216 = vector.shape_cast %broadcast_in_dim3A_1 : vector<16xf32> to vector<1x16xf32>
    tpu.vector_store %arg10[%swap3A_212, %swap3A_213], %swap3A_216 {strides = array<i32>} : memref<80x16xf32, #tpu.memory_space<vmem>>, vector<1x16xf32>,
    %swap3A_217 = arith.constant 36 : i32
    %swap3A_218 = arith.index_cast %swap3A_217 : i32 to index
    %swap3A_219 = arith.constant 0 : index
    %swap3A_220 = tpu.vector_load %arg10[%swap3A_218, %swap3A_219] {strides = array<i32>} : memref<80x16xf32, #tpu.memory_space<vmem>>, vector<1x16xf32>,
    %swap3A_221 = vector.shape_cast %swap3A_220 : vector<1x16xf32> to vector<16xf32>
    %swap3A_222 = vector.shape_cast %broadcast_in_dim3A_1 : vector<16xf32> to vector<1x16xf32>
    tpu.vector_store %arg10[%swap3A_218, %swap3A_219], %swap3A_222 {strides = array<i32>} : memref<80x16xf32, #tpu.memory_space<vmem>>, vector<1x16xf32>,
    %swap3A_223 = arith.constant 37 : i32
    %swap3A_224 = arith.index_cast %swap3A_223 : i32 to index
    %swap3A_225 = arith.constant 0 : index
    %swap3A_226 = tpu.vector_load %arg10[%swap3A_224, %swap3A_225] {strides = array<i32>} : memref<80x16xf32, #tpu.memory_space<vmem>>, vector<1x16xf32>,
    %swap3A_227 = vector.shape_cast %swap3A_226 : vector<1x16xf32> to vector<16xf32>
    %swap3A_228 = vector.shape_cast %broadcast_in_dim3A_1 : vector<16xf32> to vector<1x16xf32>
    tpu.vector_store %arg10[%swap3A_224, %swap3A_225], %swap3A_228 {strides = array<i32>} : memref<80x16xf32, #tpu.memory_space<vmem>>, vector<1x16xf32>,
    %swap3A_229 = arith.constant 38 : i32
    %swap3A_230 = arith.index_cast %swap3A_229 : i32 to index
    %swap3A_231 = arith.constant 0 : index
    %swap3A_232 = tpu.vector_load %arg10[%swap3A_230, %swap3A_231] {strides = array<i32>} : memref<80x16xf32, #tpu.memory_space<vmem>>, vector<1x16xf32>,
    %swap3A_233 = vector.shape_cast %swap3A_232 : vector<1x16xf32> to vector<16xf32>
    %swap3A_234 = vector.shape_cast %broadcast_in_dim3A_1 : vector<16xf32> to vector<1x16xf32>
    tpu.vector_store %arg10[%swap3A_230, %swap3A_231], %swap3A_234 {strides = array<i32>} : memref<80x16xf32, #tpu.memory_space<vmem>>, vector<1x16xf32>,
    %swap3A_235 = arith.constant 39 : i32
    %swap3A_236 = arith.index_cast %swap3A_235 : i32 to index
    %swap3A_237 = arith.constant 0 : index
    %swap3A_238 = tpu.vector_load %arg10[%swap3A_236, %swap3A_237] {strides = array<i32>} : memref<80x16xf32, #tpu.memory_space<vmem>>, vector<1x16xf32>,
    %swap3A_239 = vector.shape_cast %swap3A_238 : vector<1x16xf32> to vector<16xf32>
    %swap3A_240 = vector.shape_cast %broadcast_in_dim3A_1 : vector<16xf32> to vector<1x16xf32>
    tpu.vector_store %arg10[%swap3A_236, %swap3A_237], %swap3A_240 {strides = array<i32>} : memref<80x16xf32, #tpu.memory_space<vmem>>, vector<1x16xf32>,
    %swap3A_241 = arith.constant 40 : i32
    %swap3A_242 = arith.index_cast %swap3A_241 : i32 to index
    %swap3A_243 = arith.constant 0 : index
    %swap3A_244 = tpu.vector_load %arg10[%swap3A_242, %swap3A_243] {strides = array<i32>} : memref<80x16xf32, #tpu.memory_space<vmem>>, vector<1x16xf32>,
    %swap3A_245 = vector.shape_cast %swap3A_244 : vector<1x16xf32> to vector<16xf32>
    %swap3A_246 = vector.shape_cast %broadcast_in_dim3A_1 : vector<16xf32> to vector<1x16xf32>
    tpu.vector_store %arg10[%swap3A_242, %swap3A_243], %swap3A_246 {strides = array<i32>} : memref<80x16xf32, #tpu.memory_space<vmem>>, vector<1x16xf32>,
    %swap3A_247 = arith.constant 41 : i32
    %swap3A_248 = arith.index_cast %swap3A_247 : i32 to index
    %swap3A_249 = arith.constant 0 : index
    %swap3A_250 = tpu.vector_load %arg10[%swap3A_248, %swap3A_249] {strides = array<i32>} : memref<80x16xf32, #tpu.memory_space<vmem>>, vector<1x16xf32>,
    %swap3A_251 = vector.shape_cast %swap3A_250 : vector<1x16xf32> to vector<16xf32>
    %swap3A_252 = vector.shape_cast %broadcast_in_dim3A_1 : vector<16xf32> to vector<1x16xf32>
    tpu.vector_store %arg10[%swap3A_248, %swap3A_249], %swap3A_252 {strides = array<i32>} : memref<80x16xf32, #tpu.memory_space<vmem>>, vector<1x16xf32>,
    %swap3A_253 = arith.constant 42 : i32
    %swap3A_254 = arith.index_cast %swap3A_253 : i32 to index
    %swap3A_255 = arith.constant 0 : index
    %swap3A_256 = tpu.vector_load %arg10[%swap3A_254, %swap3A_255] {strides = array<i32>} : memref<80x16xf32, #tpu.memory_space<vmem>>, vector<1x16xf32>,
    %swap3A_257 = vector.shape_cast %swap3A_256 : vector<1x16xf32> to vector<16xf32>
    %swap3A_258 = vector.shape_cast %broadcast_in_dim3A_1 : vector<16xf32> to vector<1x16xf32>
    tpu.vector_store %arg10[%swap3A_254, %swap3A_255], %swap3A_258 {strides = array<i32>} : memref<80x16xf32, #tpu.memory_space<vmem>>, vector<1x16xf32>,
    %swap3A_259 = arith.constant 43 : i32
    %swap3A_260 = arith.index_cast %swap3A_259 : i32 to index
    %swap3A_261 = arith.constant 0 : index
    %swap3A_262 = tpu.vector_load %arg10[%swap3A_260, %swap3A_261] {strides = array<i32>} : memref<80x16xf32, #tpu.memory_space<vmem>>, vector<1x16xf32>,
    %swap3A_263 = vector.shape_cast %swap3A_262 : vector<1x16xf32> to vector<16xf32>
    %swap3A_264 = vector.shape_cast %broadcast_in_dim3A_1 : vector<16xf32> to vector<1x16xf32>
    tpu.vector_store %arg10[%swap3A_260, %swap3A_261], %swap3A_264 {strides = array<i32>} : memref<80x16xf32, #tpu.memory_space<vmem>>, vector<1x16xf32>,
    %swap3A_265 = arith.constant 44 : i32
    %swap3A_266 = arith.index_cast %swap3A_265 : i32 to index
    %swap3A_267 = arith.constant 0 : index
    %swap3A_268 = tpu.vector_load %arg10[%swap3A_266, %swap3A_267] {strides = array<i32>} : memref<80x16xf32, #tpu.memory_space<vmem>>, vector<1x16xf32>,
    %swap3A_269 = vector.shape_cast %swap3A_268 : vector<1x16xf32> to vector<16xf32>
    %swap3A_270 = vector.shape_cast %broadcast_in_dim3A_1 : vector<16xf32> to vector<1x16xf32>
    tpu.vector_store %arg10[%swap3A_266, %swap3A_267], %swap3A_270 {strides = array<i32>} : memref<80x16xf32, #tpu.memory_space<vmem>>, vector<1x16xf32>,
    %swap3A_271 = arith.constant 45 : i32
    %swap3A_272 = arith.index_cast %swap3A_271 : i32 to index
    %swap3A_273 = arith.constant 0 : index
    %swap3A_274 = tpu.vector_load %arg10[%swap3A_272, %swap3A_273] {strides = array<i32>} : memref<80x16xf32, #tpu.memory_space<vmem>>, vector<1x16xf32>,
    %swap3A_275 = vector.shape_cast %swap3A_274 : vector<1x16xf32> to vector<16xf32>
    %swap3A_276 = vector.shape_cast %broadcast_in_dim3A_1 : vector<16xf32> to vector<1x16xf32>
    tpu.vector_store %arg10[%swap3A_272, %swap3A_273], %swap3A_276 {strides = array<i32>} : memref<80x16xf32, #tpu.memory_space<vmem>>, vector<1x16xf32>,
    %swap3A_277 = arith.constant 46 : i32
    %swap3A_278 = arith.index_cast %swap3A_277 : i32 to index
    %swap3A_279 = arith.constant 0 : index
    %swap3A_280 = tpu.vector_load %arg10[%swap3A_278, %swap3A_279] {strides = array<i32>} : memref<80x16xf32, #tpu.memory_space<vmem>>, vector<1x16xf32>,
    %swap3A_281 = vector.shape_cast %swap3A_280 : vector<1x16xf32> to vector<16xf32>
    %swap3A_282 = vector.shape_cast %broadcast_in_dim3A_1 : vector<16xf32> to vector<1x16xf32>
    tpu.vector_store %arg10[%swap3A_278, %swap3A_279], %swap3A_282 {strides = array<i32>} : memref<80x16xf32, #tpu.memory_space<vmem>>, vector<1x16xf32>,
    %swap3A_283 = arith.constant 47 : i32
    %swap3A_284 = arith.index_cast %swap3A_283 : i32 to index
    %swap3A_285 = arith.constant 0 : index
    %swap3A_286 = tpu.vector_load %arg10[%swap3A_284, %swap3A_285] {strides = array<i32>} : memref<80x16xf32, #tpu.memory_space<vmem>>, vector<1x16xf32>,
    %swap3A_287 = vector.shape_cast %swap3A_286 : vector<1x16xf32> to vector<16xf32>
    %swap3A_288 = vector.shape_cast %broadcast_in_dim3A_1 : vector<16xf32> to vector<1x16xf32>
    tpu.vector_store %arg10[%swap3A_284, %swap3A_285], %swap3A_288 {strides = array<i32>} : memref<80x16xf32, #tpu.memory_space<vmem>>, vector<1x16xf32>,
    %swap3A_289 = arith.constant 48 : i32
    %swap3A_290 = arith.index_cast %swap3A_289 : i32 to index
    %swap3A_291 = arith.constant 0 : index
    %swap3A_292 = tpu.vector_load %arg10[%swap3A_290, %swap3A_291] {strides = array<i32>} : memref<80x16xf32, #tpu.memory_space<vmem>>, vector<1x16xf32>,
    %swap3A_293 = vector.shape_cast %swap3A_292 : vector<1x16xf32> to vector<16xf32>
    %swap3A_294 = vector.shape_cast %broadcast_in_dim3A_1 : vector<16xf32> to vector<1x16xf32>
    tpu.vector_store %arg10[%swap3A_290, %swap3A_291], %swap3A_294 {strides = array<i32>} : memref<80x16xf32, #tpu.memory_space<vmem>>, vector<1x16xf32>,
    %swap3A_295 = arith.constant 49 : i32
    %swap3A_296 = arith.index_cast %swap3A_295 : i32 to index
    %swap3A_297 = arith.constant 0 : index
    %swap3A_298 = tpu.vector_load %arg10[%swap3A_296, %swap3A_297] {strides = array<i32>} : memref<80x16xf32, #tpu.memory_space<vmem>>, vector<1x16xf32>,
    %swap3A_299 = vector.shape_cast %swap3A_298 : vector<1x16xf32> to vector<16xf32>
    %swap3A_300 = vector.shape_cast %broadcast_in_dim3A_1 : vector<16xf32> to vector<1x16xf32>
    tpu.vector_store %arg10[%swap3A_296, %swap3A_297], %swap3A_300 {strides = array<i32>} : memref<80x16xf32, #tpu.memory_space<vmem>>, vector<1x16xf32>,
    %swap3A_301 = arith.constant 50 : i32
    %swap3A_302 = arith.index_cast %swap3A_301 : i32 to index
    %swap3A_303 = arith.constant 0 : index
    %swap3A_304 = tpu.vector_load %arg10[%swap3A_302, %swap3A_303] {strides = array<i32>} : memref<80x16xf32, #tpu.memory_space<vmem>>, vector<1x16xf32>,
    %swap3A_305 = vector.shape_cast %swap3A_304 : vector<1x16xf32> to vector<16xf32>
    %swap3A_306 = vector.shape_cast %broadcast_in_dim3A_1 : vector<16xf32> to vector<1x16xf32>
    tpu.vector_store %arg10[%swap3A_302, %swap3A_303], %swap3A_306 {strides = array<i32>} : memref<80x16xf32, #tpu.memory_space<vmem>>, vector<1x16xf32>,
    %swap3A_307 = arith.constant 51 : i32
    %swap3A_308 = arith.index_cast %swap3A_307 : i32 to index
    %swap3A_309 = arith.constant 0 : index
    %swap3A_310 = tpu.vector_load %arg10[%swap3A_308, %swap3A_309] {strides = array<i32>} : memref<80x16xf32, #tpu.memory_space<vmem>>, vector<1x16xf32>,
    %swap3A_311 = vector.shape_cast %swap3A_310 : vector<1x16xf32> to vector<16xf32>
    %swap3A_312 = vector.shape_cast %broadcast_in_dim3A_1 : vector<16xf32> to vector<1x16xf32>
    tpu.vector_store %arg10[%swap3A_308, %swap3A_309], %swap3A_312 {strides = array<i32>} : memref<80x16xf32, #tpu.memory_space<vmem>>, vector<1x16xf32>,
    %swap3A_313 = arith.constant 52 : i32
    %swap3A_314 = arith.index_cast %swap3A_313 : i32 to index
    %swap3A_315 = arith.constant 0 : index
    %swap3A_316 = tpu.vector_load %arg10[%swap3A_314, %swap3A_315] {strides = array<i32>} : memref<80x16xf32, #tpu.memory_space<vmem>>, vector<1x16xf32>,
    %swap3A_317 = vector.shape_cast %swap3A_316 : vector<1x16xf32> to vector<16xf32>
    %swap3A_318 = vector.shape_cast %broadcast_in_dim3A_1 : vector<16xf32> to vector<1x16xf32>
    tpu.vector_store %arg10[%swap3A_314, %swap3A_315], %swap3A_318 {strides = array<i32>} : memref<80x16xf32, #tpu.memory_space<vmem>>, vector<1x16xf32>,
    %swap3A_319 = arith.constant 53 : i32
    %swap3A_320 = arith.index_cast %swap3A_319 : i32 to index
    %swap3A_321 = arith.constant 0 : index
    %swap3A_322 = tpu.vector_load %arg10[%swap3A_320, %swap3A_321] {strides = array<i32>} : memref<80x16xf32, #tpu.memory_space<vmem>>, vector<1x16xf32>,
    %swap3A_323 = vector.shape_cast %swap3A_322 : vector<1x16xf32> to vector<16xf32>
    %swap3A_324 = vector.shape_cast %broadcast_in_dim3A_1 : vector<16xf32> to vector<1x16xf32>
    tpu.vector_store %arg10[%swap3A_320, %swap3A_321], %swap3A_324 {strides = array<i32>} : memref<80x16xf32, #tpu.memory_space<vmem>>, vector<1x16xf32>,
    %swap3A_325 = arith.constant 54 : i32
    %swap3A_326 = arith.index_cast %swap3A_325 : i32 to index
    %swap3A_327 = arith.constant 0 : index
    %swap3A_328 = tpu.vector_load %arg10[%swap3A_326, %swap3A_327] {strides = array<i32>} : memref<80x16xf32, #tpu.memory_space<vmem>>, vector<1x16xf32>,
    %swap3A_329 = vector.shape_cast %swap3A_328 : vector<1x16xf32> to vector<16xf32>
    %swap3A_330 = vector.shape_cast %broadcast_in_dim3A_1 : vector<16xf32> to vector<1x16xf32>
    tpu.vector_store %arg10[%swap3A_326, %swap3A_327], %swap3A_330 {strides = array<i32>} : memref<80x16xf32, #tpu.memory_space<vmem>>, vector<1x16xf32>,
    %swap3A_331 = arith.constant 55 : i32
    %swap3A_332 = arith.index_cast %swap3A_331 : i32 to index
    %swap3A_333 = arith.constant 0 : index
    %swap3A_334 = tpu.vector_load %arg10[%swap3A_332, %swap3A_333] {strides = array<i32>} : memref<80x16xf32, #tpu.memory_space<vmem>>, vector<1x16xf32>,
    %swap3A_335 = vector.shape_cast %swap3A_334 : vector<1x16xf32> to vector<16xf32>
    %swap3A_336 = vector.shape_cast %broadcast_in_dim3A_1 : vector<16xf32> to vector<1x16xf32>
    tpu.vector_store %arg10[%swap3A_332, %swap3A_333], %swap3A_336 {strides = array<i32>} : memref<80x16xf32, #tpu.memory_space<vmem>>, vector<1x16xf32>,
    %swap3A_337 = arith.constant 56 : i32
    %swap3A_338 = arith.index_cast %swap3A_337 : i32 to index
    %swap3A_339 = arith.constant 0 : index
    %swap3A_340 = tpu.vector_load %arg10[%swap3A_338, %swap3A_339] {strides = array<i32>} : memref<80x16xf32, #tpu.memory_space<vmem>>, vector<1x16xf32>,
    %swap3A_341 = vector.shape_cast %swap3A_340 : vector<1x16xf32> to vector<16xf32>
    %swap3A_342 = vector.shape_cast %broadcast_in_dim3A_1 : vector<16xf32> to vector<1x16xf32>
    tpu.vector_store %arg10[%swap3A_338, %swap3A_339], %swap3A_342 {strides = array<i32>} : memref<80x16xf32, #tpu.memory_space<vmem>>, vector<1x16xf32>,
    %swap3A_343 = arith.constant 57 : i32
    %swap3A_344 = arith.index_cast %swap3A_343 : i32 to index
    %swap3A_345 = arith.constant 0 : index
    %swap3A_346 = tpu.vector_load %arg10[%swap3A_344, %swap3A_345] {strides = array<i32>} : memref<80x16xf32, #tpu.memory_space<vmem>>, vector<1x16xf32>,
    %swap3A_347 = vector.shape_cast %swap3A_346 : vector<1x16xf32> to vector<16xf32>
    %swap3A_348 = vector.shape_cast %broadcast_in_dim3A_1 : vector<16xf32> to vector<1x16xf32>
    tpu.vector_store %arg10[%swap3A_344, %swap3A_345], %swap3A_348 {strides = array<i32>} : memref<80x16xf32, #tpu.memory_space<vmem>>, vector<1x16xf32>,
    %swap3A_349 = arith.constant 58 : i32
    %swap3A_350 = arith.index_cast %swap3A_349 : i32 to index
    %swap3A_351 = arith.constant 0 : index
    %swap3A_352 = tpu.vector_load %arg10[%swap3A_350, %swap3A_351] {strides = array<i32>} : memref<80x16xf32, #tpu.memory_space<vmem>>, vector<1x16xf32>,
    %swap3A_353 = vector.shape_cast %swap3A_352 : vector<1x16xf32> to vector<16xf32>
    %swap3A_354 = vector.shape_cast %broadcast_in_dim3A_1 : vector<16xf32> to vector<1x16xf32>
    tpu.vector_store %arg10[%swap3A_350, %swap3A_351], %swap3A_354 {strides = array<i32>} : memref<80x16xf32, #tpu.memory_space<vmem>>, vector<1x16xf32>,
    %swap3A_355 = arith.constant 59 : i32
    %swap3A_356 = arith.index_cast %swap3A_355 : i32 to index
    %swap3A_357 = arith.constant 0 : index
    %swap3A_358 = tpu.vector_load %arg10[%swap3A_356, %swap3A_357] {strides = array<i32>} : memref<80x16xf32, #tpu.memory_space<vmem>>, vector<1x16xf32>,
    %swap3A_359 = vector.shape_cast %swap3A_358 : vector<1x16xf32> to vector<16xf32>
    %swap3A_360 = vector.shape_cast %broadcast_in_dim3A_1 : vector<16xf32> to vector<1x16xf32>
    tpu.vector_store %arg10[%swap3A_356, %swap3A_357], %swap3A_360 {strides = array<i32>} : memref<80x16xf32, #tpu.memory_space<vmem>>, vector<1x16xf32>,
    %swap3A_361 = arith.constant 60 : i32
    %swap3A_362 = arith.index_cast %swap3A_361 : i32 to index
    %swap3A_363 = arith.constant 0 : index
    %swap3A_364 = tpu.vector_load %arg10[%swap3A_362, %swap3A_363] {strides = array<i32>} : memref<80x16xf32, #tpu.memory_space<vmem>>, vector<1x16xf32>,
    %swap3A_365 = vector.shape_cast %swap3A_364 : vector<1x16xf32> to vector<16xf32>
    %swap3A_366 = vector.shape_cast %broadcast_in_dim3A_1 : vector<16xf32> to vector<1x16xf32>
    tpu.vector_store %arg10[%swap3A_362, %swap3A_363], %swap3A_366 {strides = array<i32>} : memref<80x16xf32, #tpu.memory_space<vmem>>, vector<1x16xf32>,
    %swap3A_367 = arith.constant 61 : i32
    %swap3A_368 = arith.index_cast %swap3A_367 : i32 to index
    %swap3A_369 = arith.constant 0 : index
    %swap3A_370 = tpu.vector_load %arg10[%swap3A_368, %swap3A_369] {strides = array<i32>} : memref<80x16xf32, #tpu.memory_space<vmem>>, vector<1x16xf32>,
    %swap3A_371 = vector.shape_cast %swap3A_370 : vector<1x16xf32> to vector<16xf32>
    %swap3A_372 = vector.shape_cast %broadcast_in_dim3A_1 : vector<16xf32> to vector<1x16xf32>
    tpu.vector_store %arg10[%swap3A_368, %swap3A_369], %swap3A_372 {strides = array<i32>} : memref<80x16xf32, #tpu.memory_space<vmem>>, vector<1x16xf32>,
    %swap3A_373 = arith.constant 62 : i32
    %swap3A_374 = arith.index_cast %swap3A_373 : i32 to index
    %swap3A_375 = arith.constant 0 : index
    %swap3A_376 = tpu.vector_load %arg10[%swap3A_374, %swap3A_375] {strides = array<i32>} : memref<80x16xf32, #tpu.memory_space<vmem>>, vector<1x16xf32>,
    %swap3A_377 = vector.shape_cast %swap3A_376 : vector<1x16xf32> to vector<16xf32>
    %swap3A_378 = vector.shape_cast %broadcast_in_dim3A_1 : vector<16xf32> to vector<1x16xf32>
    tpu.vector_store %arg10[%swap3A_374, %swap3A_375], %swap3A_378 {strides = array<i32>} : memref<80x16xf32, #tpu.memory_space<vmem>>, vector<1x16xf32>,
    %swap3A_379 = arith.constant 63 : i32
    %swap3A_380 = arith.index_cast %swap3A_379 : i32 to index
    %swap3A_381 = arith.constant 0 : index
    %swap3A_382 = tpu.vector_load %arg10[%swap3A_380, %swap3A_381] {strides = array<i32>} : memref<80x16xf32, #tpu.memory_space<vmem>>, vector<1x16xf32>,
    %swap3A_383 = vector.shape_cast %swap3A_382 : vector<1x16xf32> to vector<16xf32>
    %swap3A_384 = vector.shape_cast %broadcast_in_dim3A_1 : vector<16xf32> to vector<1x16xf32>
    tpu.vector_store %arg10[%swap3A_380, %swap3A_381], %swap3A_384 {strides = array<i32>} : memref<80x16xf32, #tpu.memory_space<vmem>>, vector<1x16xf32>,
    %swap3A_385 = arith.constant 64 : i32
    %swap3A_386 = arith.index_cast %swap3A_385 : i32 to index
    %swap3A_387 = arith.constant 0 : index
    %swap3A_388 = tpu.vector_load %arg10[%swap3A_386, %swap3A_387] {strides = array<i32>} : memref<80x16xf32, #tpu.memory_space<vmem>>, vector<1x16xf32>,
    %swap3A_389 = vector.shape_cast %swap3A_388 : vector<1x16xf32> to vector<16xf32>
    %swap3A_390 = vector.shape_cast %broadcast_in_dim3A_1 : vector<16xf32> to vector<1x16xf32>
    tpu.vector_store %arg10[%swap3A_386, %swap3A_387], %swap3A_390 {strides = array<i32>} : memref<80x16xf32, #tpu.memory_space<vmem>>, vector<1x16xf32>,
    %swap3A_391 = arith.constant 65 : i32
    %swap3A_392 = arith.index_cast %swap3A_391 : i32 to index
    %swap3A_393 = arith.constant 0 : index
    %swap3A_394 = tpu.vector_load %arg10[%swap3A_392, %swap3A_393] {strides = array<i32>} : memref<80x16xf32, #tpu.memory_space<vmem>>, vector<1x16xf32>,
    %swap3A_395 = vector.shape_cast %swap3A_394 : vector<1x16xf32> to vector<16xf32>
    %swap3A_396 = vector.shape_cast %broadcast_in_dim3A_1 : vector<16xf32> to vector<1x16xf32>
    tpu.vector_store %arg10[%swap3A_392, %swap3A_393], %swap3A_396 {strides = array<i32>} : memref<80x16xf32, #tpu.memory_space<vmem>>, vector<1x16xf32>,
    %swap3A_397 = arith.constant 66 : i32
    %swap3A_398 = arith.index_cast %swap3A_397 : i32 to index
    %swap3A_399 = arith.constant 0 : index
    %swap3A_400 = tpu.vector_load %arg10[%swap3A_398, %swap3A_399] {strides = array<i32>} : memref<80x16xf32, #tpu.memory_space<vmem>>, vector<1x16xf32>,
    %swap3A_401 = vector.shape_cast %swap3A_400 : vector<1x16xf32> to vector<16xf32>
    %swap3A_402 = vector.shape_cast %broadcast_in_dim3A_1 : vector<16xf32> to vector<1x16xf32>
    tpu.vector_store %arg10[%swap3A_398, %swap3A_399], %swap3A_402 {strides = array<i32>} : memref<80x16xf32, #tpu.memory_space<vmem>>, vector<1x16xf32>,
    %swap3A_403 = arith.constant 67 : i32
    %swap3A_404 = arith.index_cast %swap3A_403 : i32 to index
    %swap3A_405 = arith.constant 0 : index
    %swap3A_406 = tpu.vector_load %arg10[%swap3A_404, %swap3A_405] {strides = array<i32>} : memref<80x16xf32, #tpu.memory_space<vmem>>, vector<1x16xf32>,
    %swap3A_407 = vector.shape_cast %swap3A_406 : vector<1x16xf32> to vector<16xf32>
    %swap3A_408 = vector.shape_cast %broadcast_in_dim3A_1 : vector<16xf32> to vector<1x16xf32>
    tpu.vector_store %arg10[%swap3A_404, %swap3A_405], %swap3A_408 {strides = array<i32>} : memref<80x16xf32, #tpu.memory_space<vmem>>, vector<1x16xf32>,
    %swap3A_409 = arith.constant 68 : i32
    %swap3A_410 = arith.index_cast %swap3A_409 : i32 to index
    %swap3A_411 = arith.constant 0 : index
    %swap3A_412 = tpu.vector_load %arg10[%swap3A_410, %swap3A_411] {strides = array<i32>} : memref<80x16xf32, #tpu.memory_space<vmem>>, vector<1x16xf32>,
    %swap3A_413 = vector.shape_cast %swap3A_412 : vector<1x16xf32> to vector<16xf32>
    %swap3A_414 = vector.shape_cast %broadcast_in_dim3A_1 : vector<16xf32> to vector<1x16xf32>
    tpu.vector_store %arg10[%swap3A_410, %swap3A_411], %swap3A_414 {strides = array<i32>} : memref<80x16xf32, #tpu.memory_space<vmem>>, vector<1x16xf32>,
    %swap3A_415 = arith.constant 69 : i32
    %swap3A_416 = arith.index_cast %swap3A_415 : i32 to index
    %swap3A_417 = arith.constant 0 : index
    %swap3A_418 = tpu.vector_load %arg10[%swap3A_416, %swap3A_417] {strides = array<i32>} : memref<80x16xf32, #tpu.memory_space<vmem>>, vector<1x16xf32>,
    %swap3A_419 = vector.shape_cast %swap3A_418 : vector<1x16xf32> to vector<16xf32>
    %swap3A_420 = vector.shape_cast %broadcast_in_dim3A_1 : vector<16xf32> to vector<1x16xf32>
    tpu.vector_store %arg10[%swap3A_416, %swap3A_417], %swap3A_420 {strides = array<i32>} : memref<80x16xf32, #tpu.memory_space<vmem>>, vector<1x16xf32>,
    %swap3A_421 = arith.constant 70 : i32
    %swap3A_422 = arith.index_cast %swap3A_421 : i32 to index
    %swap3A_423 = arith.constant 0 : index
    %swap3A_424 = tpu.vector_load %arg10[%swap3A_422, %swap3A_423] {strides = array<i32>} : memref<80x16xf32, #tpu.memory_space<vmem>>, vector<1x16xf32>,
    %swap3A_425 = vector.shape_cast %swap3A_424 : vector<1x16xf32> to vector<16xf32>
    %swap3A_426 = vector.shape_cast %broadcast_in_dim3A_1 : vector<16xf32> to vector<1x16xf32>
    tpu.vector_store %arg10[%swap3A_422, %swap3A_423], %swap3A_426 {strides = array<i32>} : memref<80x16xf32, #tpu.memory_space<vmem>>, vector<1x16xf32>,
    %swap3A_427 = arith.constant 71 : i32
    %swap3A_428 = arith.index_cast %swap3A_427 : i32 to index
    %swap3A_429 = arith.constant 0 : index
    %swap3A_430 = tpu.vector_load %arg10[%swap3A_428, %swap3A_429] {strides = array<i32>} : memref<80x16xf32, #tpu.memory_space<vmem>>, vector<1x16xf32>,
    %swap3A_431 = vector.shape_cast %swap3A_430 : vector<1x16xf32> to vector<16xf32>
    %swap3A_432 = vector.shape_cast %broadcast_in_dim3A_1 : vector<16xf32> to vector<1x16xf32>
    tpu.vector_store %arg10[%swap3A_428, %swap3A_429], %swap3A_432 {strides = array<i32>} : memref<80x16xf32, #tpu.memory_space<vmem>>, vector<1x16xf32>,
    %swap3A_433 = arith.constant 72 : i32
    %swap3A_434 = arith.index_cast %swap3A_433 : i32 to index
    %swap3A_435 = arith.constant 0 : index
    %swap3A_436 = tpu.vector_load %arg10[%swap3A_434, %swap3A_435] {strides = array<i32>} : memref<80x16xf32, #tpu.memory_space<vmem>>, vector<1x16xf32>,
    %swap3A_437 = vector.shape_cast %swap3A_436 : vector<1x16xf32> to vector<16xf32>
    %swap3A_438 = vector.shape_cast %broadcast_in_dim3A_1 : vector<16xf32> to vector<1x16xf32>
    tpu.vector_store %arg10[%swap3A_434, %swap3A_435], %swap3A_438 {strides = array<i32>} : memref<80x16xf32, #tpu.memory_space<vmem>>, vector<1x16xf32>,
    %swap3A_439 = arith.constant 73 : i32
    %swap3A_440 = arith.index_cast %swap3A_439 : i32 to index
    %swap3A_441 = arith.constant 0 : index
    %swap3A_442 = tpu.vector_load %arg10[%swap3A_440, %swap3A_441] {strides = array<i32>} : memref<80x16xf32, #tpu.memory_space<vmem>>, vector<1x16xf32>,
    %swap3A_443 = vector.shape_cast %swap3A_442 : vector<1x16xf32> to vector<16xf32>
    %swap3A_444 = vector.shape_cast %broadcast_in_dim3A_1 : vector<16xf32> to vector<1x16xf32>
    tpu.vector_store %arg10[%swap3A_440, %swap3A_441], %swap3A_444 {strides = array<i32>} : memref<80x16xf32, #tpu.memory_space<vmem>>, vector<1x16xf32>,
    %swap3A_445 = arith.constant 74 : i32
    %swap3A_446 = arith.index_cast %swap3A_445 : i32 to index
    %swap3A_447 = arith.constant 0 : index
    %swap3A_448 = tpu.vector_load %arg10[%swap3A_446, %swap3A_447] {strides = array<i32>} : memref<80x16xf32, #tpu.memory_space<vmem>>, vector<1x16xf32>,
    %swap3A_449 = vector.shape_cast %swap3A_448 : vector<1x16xf32> to vector<16xf32>
    %swap3A_450 = vector.shape_cast %broadcast_in_dim3A_1 : vector<16xf32> to vector<1x16xf32>
    tpu.vector_store %arg10[%swap3A_446, %swap3A_447], %swap3A_450 {strides = array<i32>} : memref<80x16xf32, #tpu.memory_space<vmem>>, vector<1x16xf32>,
    %swap3A_451 = arith.constant 75 : i32
    %swap3A_452 = arith.index_cast %swap3A_451 : i32 to index
    %swap3A_453 = arith.constant 0 : index
    %swap3A_454 = tpu.vector_load %arg10[%swap3A_452, %swap3A_453] {strides = array<i32>} : memref<80x16xf32, #tpu.memory_space<vmem>>, vector<1x16xf32>,
    %swap3A_455 = vector.shape_cast %swap3A_454 : vector<1x16xf32> to vector<16xf32>
    %swap3A_456 = vector.shape_cast %broadcast_in_dim3A_1 : vector<16xf32> to vector<1x16xf32>
    tpu.vector_store %arg10[%swap3A_452, %swap3A_453], %swap3A_456 {strides = array<i32>} : memref<80x16xf32, #tpu.memory_space<vmem>>, vector<1x16xf32>,
    %swap3A_457 = arith.constant 76 : i32
    %swap3A_458 = arith.index_cast %swap3A_457 : i32 to index
    %swap3A_459 = arith.constant 0 : index
    %swap3A_460 = tpu.vector_load %arg10[%swap3A_458, %swap3A_459] {strides = array<i32>} : memref<80x16xf32, #tpu.memory_space<vmem>>, vector<1x16xf32>,
    %swap3A_461 = vector.shape_cast %swap3A_460 : vector<1x16xf32> to vector<16xf32>
    %swap3A_462 = vector.shape_cast %broadcast_in_dim3A_1 : vector<16xf32> to vector<1x16xf32>
    tpu.vector_store %arg10[%swap3A_458, %swap3A_459], %swap3A_462 {strides = array<i32>} : memref<80x16xf32, #tpu.memory_space<vmem>>, vector<1x16xf32>,
    %swap3A_463 = arith.constant 77 : i32
    %swap3A_464 = arith.index_cast %swap3A_463 : i32 to index
    %swap3A_465 = arith.constant 0 : index
    %swap3A_466 = tpu.vector_load %arg10[%swap3A_464, %swap3A_465] {strides = array<i32>} : memref<80x16xf32, #tpu.memory_space<vmem>>, vector<1x16xf32>,
    %swap3A_467 = vector.shape_cast %swap3A_466 : vector<1x16xf32> to vector<16xf32>
    %swap3A_468 = vector.shape_cast %broadcast_in_dim3A_1 : vector<16xf32> to vector<1x16xf32>
    tpu.vector_store %arg10[%swap3A_464, %swap3A_465], %swap3A_468 {strides = array<i32>} : memref<80x16xf32, #tpu.memory_space<vmem>>, vector<1x16xf32>,
    %swap3A_469 = arith.constant 78 : i32
    %swap3A_470 = arith.index_cast %swap3A_469 : i32 to index
    %swap3A_471 = arith.constant 0 : index
    %swap3A_472 = tpu.vector_load %arg10[%swap3A_470, %swap3A_471] {strides = array<i32>} : memref<80x16xf32, #tpu.memory_space<vmem>>, vector<1x16xf32>,
    %swap3A_473 = vector.shape_cast %swap3A_472 : vector<1x16xf32> to vector<16xf32>
    %swap3A_474 = vector.shape_cast %broadcast_in_dim3A_1 : vector<16xf32> to vector<1x16xf32>
    tpu.vector_store %arg10[%swap3A_470, %swap3A_471], %swap3A_474 {strides = array<i32>} : memref<80x16xf32, #tpu.memory_space<vmem>>, vector<1x16xf32>,
    %swap3A_475 = arith.constant 79 : i32
    %swap3A_476 = arith.index_cast %swap3A_475 : i32 to index
    %swap3A_477 = arith.constant 0 : index
    %swap3A_478 = tpu.vector_load %arg10[%swap3A_476, %swap3A_477] {strides = array<i32>} : memref<80x16xf32, #tpu.memory_space<vmem>>, vector<1x16xf32>,
    %swap3A_479 = vector.shape_cast %swap3A_478 : vector<1x16xf32> to vector<16xf32>
    %swap3A_480 = vector.shape_cast %broadcast_in_dim3A_1 : vector<16xf32> to vector<1x16xf32>
    tpu.vector_store %arg10[%swap3A_476, %swap3A_477], %swap3A_480 {strides = array<i32>} : memref<80x16xf32, #tpu.memory_space<vmem>>, vector<1x16xf32>,
    %mul3A_481 = arith.constant 1280 : i32
    %mul3A_482 = arith.muli %arg1, %mul3A_481 : i32
    %add3A = arith.constant 0 : i32
    %add3A_483 = arith.addi %mul3A_482, %add3A : i32
    "tpu.region"() ({
      %run_scoped3A = tpu.sem_alloc : memref<!tpu.dma_semaphore, #tpu.memory_space<semaphore_mem>>
      %dma_start3A = arith.constant 0 : i32
      %dma_start3A_530 = tpu.memref_slice %arg11[%add3A_483, %dma_start3A] : memref<20480x16xf32, #tpu.memory_space<vmem_shared>> -> memref<80x16xf32, #tpu.memory_space<vmem_shared>>
      %dma_start3A_531 = arith.constant 0 : i32
      %dma_start3A_532 = tpu.memref_slice %arg11[%add3A_483, %dma_start3A_531] : memref<20480x16xf32, #tpu.memory_space<vmem_shared>> -> memref<80x16xf32, #tpu.memory_space<vmem_shared>>
      tpu.enqueue_dma source(%arg10 : memref<80x16xf32, #tpu.memory_space<vmem>>) target(%dma_start3A_532 : memref<80x16xf32, #tpu.memory_space<vmem_shared>>) target_semaphore(%run_scoped3A : memref<!tpu.dma_semaphore, #tpu.memory_space<semaphore_mem>>)
      %dma_wait3A = arith.constant 0 : i32
      %dma_wait3A_533 = tpu.memref_slice %arg11[%add3A_483, %dma_wait3A] : memref<20480x16xf32, #tpu.memory_space<vmem_shared>> -> memref<80x16xf32, #tpu.memory_space<vmem_shared>>
      %dma_wait3A_534 = arith.constant 0 : i32
      %dma_wait3A_535 = tpu.memref_slice %arg11[%add3A_483, %dma_wait3A_534] : memref<20480x16xf32, #tpu.memory_space<vmem_shared>> -> memref<80x16xf32, #tpu.memory_space<vmem_shared>>
      tpu.wait_dma2 semaphore(%run_scoped3A : memref<!tpu.dma_semaphore, #tpu.memory_space<semaphore_mem>>) src(%arg10 : memref<80x16xf32, #tpu.memory_space<vmem>>) dst(%dma_wait3A_535 : memref<80x16xf32, #tpu.memory_space<vmem_shared>>)
      tpu.yield
    }) : () -> ()
    %add3A_484 = arith.constant 80 : i32
    %add3A_485 = arith.addi %mul3A_482, %add3A_484 : i32
    "tpu.region"() ({
      %run_scoped3A = tpu.sem_alloc : memref<!tpu.dma_semaphore, #tpu.memory_space<semaphore_mem>>
      %dma_start3A = arith.constant 0 : i32
      %dma_start3A_530 = tpu.memref_slice %arg11[%add3A_485, %dma_start3A] : memref<20480x16xf32, #tpu.memory_space<vmem_shared>> -> memref<80x16xf32, #tpu.memory_space<vmem_shared>>
      %dma_start3A_531 = arith.constant 0 : i32
      %dma_start3A_532 = tpu.memref_slice %arg11[%add3A_485, %dma_start3A_531] : memref<20480x16xf32, #tpu.memory_space<vmem_shared>> -> memref<80x16xf32, #tpu.memory_space<vmem_shared>>
      tpu.enqueue_dma source(%arg10 : memref<80x16xf32, #tpu.memory_space<vmem>>) target(%dma_start3A_532 : memref<80x16xf32, #tpu.memory_space<vmem_shared>>) target_semaphore(%run_scoped3A : memref<!tpu.dma_semaphore, #tpu.memory_space<semaphore_mem>>)
      %dma_wait3A = arith.constant 0 : i32
      %dma_wait3A_533 = tpu.memref_slice %arg11[%add3A_485, %dma_wait3A] : memref<20480x16xf32, #tpu.memory_space<vmem_shared>> -> memref<80x16xf32, #tpu.memory_space<vmem_shared>>
      %dma_wait3A_534 = arith.constant 0 : i32
      %dma_wait3A_535 = tpu.memref_slice %arg11[%add3A_485, %dma_wait3A_534] : memref<20480x16xf32, #tpu.memory_space<vmem_shared>> -> memref<80x16xf32, #tpu.memory_space<vmem_shared>>
      tpu.wait_dma2 semaphore(%run_scoped3A : memref<!tpu.dma_semaphore, #tpu.memory_space<semaphore_mem>>) src(%arg10 : memref<80x16xf32, #tpu.memory_space<vmem>>) dst(%dma_wait3A_535 : memref<80x16xf32, #tpu.memory_space<vmem_shared>>)
      tpu.yield
    }) : () -> ()
    %add3A_486 = arith.constant 160 : i32
    %add3A_487 = arith.addi %mul3A_482, %add3A_486 : i32
    "tpu.region"() ({
      %run_scoped3A = tpu.sem_alloc : memref<!tpu.dma_semaphore, #tpu.memory_space<semaphore_mem>>
      %dma_start3A = arith.constant 0 : i32
      %dma_start3A_530 = tpu.memref_slice %arg11[%add3A_487, %dma_start3A] : memref<20480x16xf32, #tpu.memory_space<vmem_shared>> -> memref<80x16xf32, #tpu.memory_space<vmem_shared>>
      %dma_start3A_531 = arith.constant 0 : i32
      %dma_start3A_532 = tpu.memref_slice %arg11[%add3A_487, %dma_start3A_531] : memref<20480x16xf32, #tpu.memory_space<vmem_shared>> -> memref<80x16xf32, #tpu.memory_space<vmem_shared>>
      tpu.enqueue_dma source(%arg10 : memref<80x16xf32, #tpu.memory_space<vmem>>) target(%dma_start3A_532 : memref<80x16xf32, #tpu.memory_space<vmem_shared>>) target_semaphore(%run_scoped3A : memref<!tpu.dma_semaphore, #tpu.memory_space<semaphore_mem>>)
      %dma_wait3A = arith.constant 0 : i32
      %dma_wait3A_533 = tpu.memref_slice %arg11[%add3A_487, %dma_wait3A] : memref<20480x16xf32, #tpu.memory_space<vmem_shared>> -> memref<80x16xf32, #tpu.memory_space<vmem_shared>>
      %dma_wait3A_534 = arith.constant 0 : i32
      %dma_wait3A_535 = tpu.memref_slice %arg11[%add3A_487, %dma_wait3A_534] : memref<20480x16xf32, #tpu.memory_space<vmem_shared>> -> memref<80x16xf32, #tpu.memory_space<vmem_shared>>
      tpu.wait_dma2 semaphore(%run_scoped3A : memref<!tpu.dma_semaphore, #tpu.memory_space<semaphore_mem>>) src(%arg10 : memref<80x16xf32, #tpu.memory_space<vmem>>) dst(%dma_wait3A_535 : memref<80x16xf32, #tpu.memory_space<vmem_shared>>)
      tpu.yield
    }) : () -> ()
    %add3A_488 = arith.constant 240 : i32
    %add3A_489 = arith.addi %mul3A_482, %add3A_488 : i32
    "tpu.region"() ({
      %run_scoped3A = tpu.sem_alloc : memref<!tpu.dma_semaphore, #tpu.memory_space<semaphore_mem>>
      %dma_start3A = arith.constant 0 : i32
      %dma_start3A_530 = tpu.memref_slice %arg11[%add3A_489, %dma_start3A] : memref<20480x16xf32, #tpu.memory_space<vmem_shared>> -> memref<80x16xf32, #tpu.memory_space<vmem_shared>>
      %dma_start3A_531 = arith.constant 0 : i32
      %dma_start3A_532 = tpu.memref_slice %arg11[%add3A_489, %dma_start3A_531] : memref<20480x16xf32, #tpu.memory_space<vmem_shared>> -> memref<80x16xf32, #tpu.memory_space<vmem_shared>>
      tpu.enqueue_dma source(%arg10 : memref<80x16xf32, #tpu.memory_space<vmem>>) target(%dma_start3A_532 : memref<80x16xf32, #tpu.memory_space<vmem_shared>>) target_semaphore(%run_scoped3A : memref<!tpu.dma_semaphore, #tpu.memory_space<semaphore_mem>>)
      %dma_wait3A = arith.constant 0 : i32
      %dma_wait3A_533 = tpu.memref_slice %arg11[%add3A_489, %dma_wait3A] : memref<20480x16xf32, #tpu.memory_space<vmem_shared>> -> memref<80x16xf32, #tpu.memory_space<vmem_shared>>
      %dma_wait3A_534 = arith.constant 0 : i32
      %dma_wait3A_535 = tpu.memref_slice %arg11[%add3A_489, %dma_wait3A_534] : memref<20480x16xf32, #tpu.memory_space<vmem_shared>> -> memref<80x16xf32, #tpu.memory_space<vmem_shared>>
      tpu.wait_dma2 semaphore(%run_scoped3A : memref<!tpu.dma_semaphore, #tpu.memory_space<semaphore_mem>>) src(%arg10 : memref<80x16xf32, #tpu.memory_space<vmem>>) dst(%dma_wait3A_535 : memref<80x16xf32, #tpu.memory_space<vmem_shared>>)
      tpu.yield
    }) : () -> ()
    %add3A_490 = arith.constant 320 : i32
    %add3A_491 = arith.addi %mul3A_482, %add3A_490 : i32
    "tpu.region"() ({
      %run_scoped3A = tpu.sem_alloc : memref<!tpu.dma_semaphore, #tpu.memory_space<semaphore_mem>>
      %dma_start3A = arith.constant 0 : i32
      %dma_start3A_530 = tpu.memref_slice %arg11[%add3A_491, %dma_start3A] : memref<20480x16xf32, #tpu.memory_space<vmem_shared>> -> memref<80x16xf32, #tpu.memory_space<vmem_shared>>
      %dma_start3A_531 = arith.constant 0 : i32
      %dma_start3A_532 = tpu.memref_slice %arg11[%add3A_491, %dma_start3A_531] : memref<20480x16xf32, #tpu.memory_space<vmem_shared>> -> memref<80x16xf32, #tpu.memory_space<vmem_shared>>
      tpu.enqueue_dma source(%arg10 : memref<80x16xf32, #tpu.memory_space<vmem>>) target(%dma_start3A_532 : memref<80x16xf32, #tpu.memory_space<vmem_shared>>) target_semaphore(%run_scoped3A : memref<!tpu.dma_semaphore, #tpu.memory_space<semaphore_mem>>)
      %dma_wait3A = arith.constant 0 : i32
      %dma_wait3A_533 = tpu.memref_slice %arg11[%add3A_491, %dma_wait3A] : memref<20480x16xf32, #tpu.memory_space<vmem_shared>> -> memref<80x16xf32, #tpu.memory_space<vmem_shared>>
      %dma_wait3A_534 = arith.constant 0 : i32
      %dma_wait3A_535 = tpu.memref_slice %arg11[%add3A_491, %dma_wait3A_534] : memref<20480x16xf32, #tpu.memory_space<vmem_shared>> -> memref<80x16xf32, #tpu.memory_space<vmem_shared>>
      tpu.wait_dma2 semaphore(%run_scoped3A : memref<!tpu.dma_semaphore, #tpu.memory_space<semaphore_mem>>) src(%arg10 : memref<80x16xf32, #tpu.memory_space<vmem>>) dst(%dma_wait3A_535 : memref<80x16xf32, #tpu.memory_space<vmem_shared>>)
      tpu.yield
    }) : () -> ()
    %add3A_492 = arith.constant 400 : i32
    %add3A_493 = arith.addi %mul3A_482, %add3A_492 : i32
    "tpu.region"() ({
      %run_scoped3A = tpu.sem_alloc : memref<!tpu.dma_semaphore, #tpu.memory_space<semaphore_mem>>
      %dma_start3A = arith.constant 0 : i32
      %dma_start3A_530 = tpu.memref_slice %arg11[%add3A_493, %dma_start3A] : memref<20480x16xf32, #tpu.memory_space<vmem_shared>> -> memref<80x16xf32, #tpu.memory_space<vmem_shared>>
      %dma_start3A_531 = arith.constant 0 : i32
      %dma_start3A_532 = tpu.memref_slice %arg11[%add3A_493, %dma_start3A_531] : memref<20480x16xf32, #tpu.memory_space<vmem_shared>> -> memref<80x16xf32, #tpu.memory_space<vmem_shared>>
      tpu.enqueue_dma source(%arg10 : memref<80x16xf32, #tpu.memory_space<vmem>>) target(%dma_start3A_532 : memref<80x16xf32, #tpu.memory_space<vmem_shared>>) target_semaphore(%run_scoped3A : memref<!tpu.dma_semaphore, #tpu.memory_space<semaphore_mem>>)
      %dma_wait3A = arith.constant 0 : i32
      %dma_wait3A_533 = tpu.memref_slice %arg11[%add3A_493, %dma_wait3A] : memref<20480x16xf32, #tpu.memory_space<vmem_shared>> -> memref<80x16xf32, #tpu.memory_space<vmem_shared>>
      %dma_wait3A_534 = arith.constant 0 : i32
      %dma_wait3A_535 = tpu.memref_slice %arg11[%add3A_493, %dma_wait3A_534] : memref<20480x16xf32, #tpu.memory_space<vmem_shared>> -> memref<80x16xf32, #tpu.memory_space<vmem_shared>>
      tpu.wait_dma2 semaphore(%run_scoped3A : memref<!tpu.dma_semaphore, #tpu.memory_space<semaphore_mem>>) src(%arg10 : memref<80x16xf32, #tpu.memory_space<vmem>>) dst(%dma_wait3A_535 : memref<80x16xf32, #tpu.memory_space<vmem_shared>>)
      tpu.yield
    }) : () -> ()
    %add3A_494 = arith.constant 480 : i32
    %add3A_495 = arith.addi %mul3A_482, %add3A_494 : i32
    "tpu.region"() ({
      %run_scoped3A = tpu.sem_alloc : memref<!tpu.dma_semaphore, #tpu.memory_space<semaphore_mem>>
      %dma_start3A = arith.constant 0 : i32
      %dma_start3A_530 = tpu.memref_slice %arg11[%add3A_495, %dma_start3A] : memref<20480x16xf32, #tpu.memory_space<vmem_shared>> -> memref<80x16xf32, #tpu.memory_space<vmem_shared>>
      %dma_start3A_531 = arith.constant 0 : i32
      %dma_start3A_532 = tpu.memref_slice %arg11[%add3A_495, %dma_start3A_531] : memref<20480x16xf32, #tpu.memory_space<vmem_shared>> -> memref<80x16xf32, #tpu.memory_space<vmem_shared>>
      tpu.enqueue_dma source(%arg10 : memref<80x16xf32, #tpu.memory_space<vmem>>) target(%dma_start3A_532 : memref<80x16xf32, #tpu.memory_space<vmem_shared>>) target_semaphore(%run_scoped3A : memref<!tpu.dma_semaphore, #tpu.memory_space<semaphore_mem>>)
      %dma_wait3A = arith.constant 0 : i32
      %dma_wait3A_533 = tpu.memref_slice %arg11[%add3A_495, %dma_wait3A] : memref<20480x16xf32, #tpu.memory_space<vmem_shared>> -> memref<80x16xf32, #tpu.memory_space<vmem_shared>>
      %dma_wait3A_534 = arith.constant 0 : i32
      %dma_wait3A_535 = tpu.memref_slice %arg11[%add3A_495, %dma_wait3A_534] : memref<20480x16xf32, #tpu.memory_space<vmem_shared>> -> memref<80x16xf32, #tpu.memory_space<vmem_shared>>
      tpu.wait_dma2 semaphore(%run_scoped3A : memref<!tpu.dma_semaphore, #tpu.memory_space<semaphore_mem>>) src(%arg10 : memref<80x16xf32, #tpu.memory_space<vmem>>) dst(%dma_wait3A_535 : memref<80x16xf32, #tpu.memory_space<vmem_shared>>)
      tpu.yield
    }) : () -> ()
    %add3A_496 = arith.constant 560 : i32
    %add3A_497 = arith.addi %mul3A_482, %add3A_496 : i32
    "tpu.region"() ({
      %run_scoped3A = tpu.sem_alloc : memref<!tpu.dma_semaphore, #tpu.memory_space<semaphore_mem>>
      %dma_start3A = arith.constant 0 : i32
      %dma_start3A_530 = tpu.memref_slice %arg11[%add3A_497, %dma_start3A] : memref<20480x16xf32, #tpu.memory_space<vmem_shared>> -> memref<80x16xf32, #tpu.memory_space<vmem_shared>>
      %dma_start3A_531 = arith.constant 0 : i32
      %dma_start3A_532 = tpu.memref_slice %arg11[%add3A_497, %dma_start3A_531] : memref<20480x16xf32, #tpu.memory_space<vmem_shared>> -> memref<80x16xf32, #tpu.memory_space<vmem_shared>>
      tpu.enqueue_dma source(%arg10 : memref<80x16xf32, #tpu.memory_space<vmem>>) target(%dma_start3A_532 : memref<80x16xf32, #tpu.memory_space<vmem_shared>>) target_semaphore(%run_scoped3A : memref<!tpu.dma_semaphore, #tpu.memory_space<semaphore_mem>>)
      %dma_wait3A = arith.constant 0 : i32
      %dma_wait3A_533 = tpu.memref_slice %arg11[%add3A_497, %dma_wait3A] : memref<20480x16xf32, #tpu.memory_space<vmem_shared>> -> memref<80x16xf32, #tpu.memory_space<vmem_shared>>
      %dma_wait3A_534 = arith.constant 0 : i32
      %dma_wait3A_535 = tpu.memref_slice %arg11[%add3A_497, %dma_wait3A_534] : memref<20480x16xf32, #tpu.memory_space<vmem_shared>> -> memref<80x16xf32, #tpu.memory_space<vmem_shared>>
      tpu.wait_dma2 semaphore(%run_scoped3A : memref<!tpu.dma_semaphore, #tpu.memory_space<semaphore_mem>>) src(%arg10 : memref<80x16xf32, #tpu.memory_space<vmem>>) dst(%dma_wait3A_535 : memref<80x16xf32, #tpu.memory_space<vmem_shared>>)
      tpu.yield
    }) : () -> ()
    %add3A_498 = arith.constant 640 : i32
    %add3A_499 = arith.addi %mul3A_482, %add3A_498 : i32
    "tpu.region"() ({
      %run_scoped3A = tpu.sem_alloc : memref<!tpu.dma_semaphore, #tpu.memory_space<semaphore_mem>>
      %dma_start3A = arith.constant 0 : i32
      %dma_start3A_530 = tpu.memref_slice %arg11[%add3A_499, %dma_start3A] : memref<20480x16xf32, #tpu.memory_space<vmem_shared>> -> memref<80x16xf32, #tpu.memory_space<vmem_shared>>
      %dma_start3A_531 = arith.constant 0 : i32
      %dma_start3A_532 = tpu.memref_slice %arg11[%add3A_499, %dma_start3A_531] : memref<20480x16xf32, #tpu.memory_space<vmem_shared>> -> memref<80x16xf32, #tpu.memory_space<vmem_shared>>
      tpu.enqueue_dma source(%arg10 : memref<80x16xf32, #tpu.memory_space<vmem>>) target(%dma_start3A_532 : memref<80x16xf32, #tpu.memory_space<vmem_shared>>) target_semaphore(%run_scoped3A : memref<!tpu.dma_semaphore, #tpu.memory_space<semaphore_mem>>)
      %dma_wait3A = arith.constant 0 : i32
      %dma_wait3A_533 = tpu.memref_slice %arg11[%add3A_499, %dma_wait3A] : memref<20480x16xf32, #tpu.memory_space<vmem_shared>> -> memref<80x16xf32, #tpu.memory_space<vmem_shared>>
      %dma_wait3A_534 = arith.constant 0 : i32
      %dma_wait3A_535 = tpu.memref_slice %arg11[%add3A_499, %dma_wait3A_534] : memref<20480x16xf32, #tpu.memory_space<vmem_shared>> -> memref<80x16xf32, #tpu.memory_space<vmem_shared>>
      tpu.wait_dma2 semaphore(%run_scoped3A : memref<!tpu.dma_semaphore, #tpu.memory_space<semaphore_mem>>) src(%arg10 : memref<80x16xf32, #tpu.memory_space<vmem>>) dst(%dma_wait3A_535 : memref<80x16xf32, #tpu.memory_space<vmem_shared>>)
      tpu.yield
    }) : () -> ()
    %add3A_500 = arith.constant 720 : i32
    %add3A_501 = arith.addi %mul3A_482, %add3A_500 : i32
    "tpu.region"() ({
      %run_scoped3A = tpu.sem_alloc : memref<!tpu.dma_semaphore, #tpu.memory_space<semaphore_mem>>
      %dma_start3A = arith.constant 0 : i32
      %dma_start3A_530 = tpu.memref_slice %arg11[%add3A_501, %dma_start3A] : memref<20480x16xf32, #tpu.memory_space<vmem_shared>> -> memref<80x16xf32, #tpu.memory_space<vmem_shared>>
      %dma_start3A_531 = arith.constant 0 : i32
      %dma_start3A_532 = tpu.memref_slice %arg11[%add3A_501, %dma_start3A_531] : memref<20480x16xf32, #tpu.memory_space<vmem_shared>> -> memref<80x16xf32, #tpu.memory_space<vmem_shared>>
      tpu.enqueue_dma source(%arg10 : memref<80x16xf32, #tpu.memory_space<vmem>>) target(%dma_start3A_532 : memref<80x16xf32, #tpu.memory_space<vmem_shared>>) target_semaphore(%run_scoped3A : memref<!tpu.dma_semaphore, #tpu.memory_space<semaphore_mem>>)
      %dma_wait3A = arith.constant 0 : i32
      %dma_wait3A_533 = tpu.memref_slice %arg11[%add3A_501, %dma_wait3A] : memref<20480x16xf32, #tpu.memory_space<vmem_shared>> -> memref<80x16xf32, #tpu.memory_space<vmem_shared>>
      %dma_wait3A_534 = arith.constant 0 : i32
      %dma_wait3A_535 = tpu.memref_slice %arg11[%add3A_501, %dma_wait3A_534] : memref<20480x16xf32, #tpu.memory_space<vmem_shared>> -> memref<80x16xf32, #tpu.memory_space<vmem_shared>>
      tpu.wait_dma2 semaphore(%run_scoped3A : memref<!tpu.dma_semaphore, #tpu.memory_space<semaphore_mem>>) src(%arg10 : memref<80x16xf32, #tpu.memory_space<vmem>>) dst(%dma_wait3A_535 : memref<80x16xf32, #tpu.memory_space<vmem_shared>>)
      tpu.yield
    }) : () -> ()
    %add3A_502 = arith.constant 800 : i32
    %add3A_503 = arith.addi %mul3A_482, %add3A_502 : i32
    "tpu.region"() ({
      %run_scoped3A = tpu.sem_alloc : memref<!tpu.dma_semaphore, #tpu.memory_space<semaphore_mem>>
      %dma_start3A = arith.constant 0 : i32
      %dma_start3A_530 = tpu.memref_slice %arg11[%add3A_503, %dma_start3A] : memref<20480x16xf32, #tpu.memory_space<vmem_shared>> -> memref<80x16xf32, #tpu.memory_space<vmem_shared>>
      %dma_start3A_531 = arith.constant 0 : i32
      %dma_start3A_532 = tpu.memref_slice %arg11[%add3A_503, %dma_start3A_531] : memref<20480x16xf32, #tpu.memory_space<vmem_shared>> -> memref<80x16xf32, #tpu.memory_space<vmem_shared>>
      tpu.enqueue_dma source(%arg10 : memref<80x16xf32, #tpu.memory_space<vmem>>) target(%dma_start3A_532 : memref<80x16xf32, #tpu.memory_space<vmem_shared>>) target_semaphore(%run_scoped3A : memref<!tpu.dma_semaphore, #tpu.memory_space<semaphore_mem>>)
      %dma_wait3A = arith.constant 0 : i32
      %dma_wait3A_533 = tpu.memref_slice %arg11[%add3A_503, %dma_wait3A] : memref<20480x16xf32, #tpu.memory_space<vmem_shared>> -> memref<80x16xf32, #tpu.memory_space<vmem_shared>>
      %dma_wait3A_534 = arith.constant 0 : i32
      %dma_wait3A_535 = tpu.memref_slice %arg11[%add3A_503, %dma_wait3A_534] : memref<20480x16xf32, #tpu.memory_space<vmem_shared>> -> memref<80x16xf32, #tpu.memory_space<vmem_shared>>
      tpu.wait_dma2 semaphore(%run_scoped3A : memref<!tpu.dma_semaphore, #tpu.memory_space<semaphore_mem>>) src(%arg10 : memref<80x16xf32, #tpu.memory_space<vmem>>) dst(%dma_wait3A_535 : memref<80x16xf32, #tpu.memory_space<vmem_shared>>)
      tpu.yield
    }) : () -> ()
    %add3A_504 = arith.constant 880 : i32
    %add3A_505 = arith.addi %mul3A_482, %add3A_504 : i32
    "tpu.region"() ({
      %run_scoped3A = tpu.sem_alloc : memref<!tpu.dma_semaphore, #tpu.memory_space<semaphore_mem>>
      %dma_start3A = arith.constant 0 : i32
      %dma_start3A_530 = tpu.memref_slice %arg11[%add3A_505, %dma_start3A] : memref<20480x16xf32, #tpu.memory_space<vmem_shared>> -> memref<80x16xf32, #tpu.memory_space<vmem_shared>>
      %dma_start3A_531 = arith.constant 0 : i32
      %dma_start3A_532 = tpu.memref_slice %arg11[%add3A_505, %dma_start3A_531] : memref<20480x16xf32, #tpu.memory_space<vmem_shared>> -> memref<80x16xf32, #tpu.memory_space<vmem_shared>>
      tpu.enqueue_dma source(%arg10 : memref<80x16xf32, #tpu.memory_space<vmem>>) target(%dma_start3A_532 : memref<80x16xf32, #tpu.memory_space<vmem_shared>>) target_semaphore(%run_scoped3A : memref<!tpu.dma_semaphore, #tpu.memory_space<semaphore_mem>>)
      %dma_wait3A = arith.constant 0 : i32
      %dma_wait3A_533 = tpu.memref_slice %arg11[%add3A_505, %dma_wait3A] : memref<20480x16xf32, #tpu.memory_space<vmem_shared>> -> memref<80x16xf32, #tpu.memory_space<vmem_shared>>
      %dma_wait3A_534 = arith.constant 0 : i32
      %dma_wait3A_535 = tpu.memref_slice %arg11[%add3A_505, %dma_wait3A_534] : memref<20480x16xf32, #tpu.memory_space<vmem_shared>> -> memref<80x16xf32, #tpu.memory_space<vmem_shared>>
      tpu.wait_dma2 semaphore(%run_scoped3A : memref<!tpu.dma_semaphore, #tpu.memory_space<semaphore_mem>>) src(%arg10 : memref<80x16xf32, #tpu.memory_space<vmem>>) dst(%dma_wait3A_535 : memref<80x16xf32, #tpu.memory_space<vmem_shared>>)
      tpu.yield
    }) : () -> ()
    %add3A_506 = arith.constant 960 : i32
    %add3A_507 = arith.addi %mul3A_482, %add3A_506 : i32
    "tpu.region"() ({
      %run_scoped3A = tpu.sem_alloc : memref<!tpu.dma_semaphore, #tpu.memory_space<semaphore_mem>>
      %dma_start3A = arith.constant 0 : i32
      %dma_start3A_530 = tpu.memref_slice %arg11[%add3A_507, %dma_start3A] : memref<20480x16xf32, #tpu.memory_space<vmem_shared>> -> memref<80x16xf32, #tpu.memory_space<vmem_shared>>
      %dma_start3A_531 = arith.constant 0 : i32
      %dma_start3A_532 = tpu.memref_slice %arg11[%add3A_507, %dma_start3A_531] : memref<20480x16xf32, #tpu.memory_space<vmem_shared>> -> memref<80x16xf32, #tpu.memory_space<vmem_shared>>
      tpu.enqueue_dma source(%arg10 : memref<80x16xf32, #tpu.memory_space<vmem>>) target(%dma_start3A_532 : memref<80x16xf32, #tpu.memory_space<vmem_shared>>) target_semaphore(%run_scoped3A : memref<!tpu.dma_semaphore, #tpu.memory_space<semaphore_mem>>)
      %dma_wait3A = arith.constant 0 : i32
      %dma_wait3A_533 = tpu.memref_slice %arg11[%add3A_507, %dma_wait3A] : memref<20480x16xf32, #tpu.memory_space<vmem_shared>> -> memref<80x16xf32, #tpu.memory_space<vmem_shared>>
      %dma_wait3A_534 = arith.constant 0 : i32
      %dma_wait3A_535 = tpu.memref_slice %arg11[%add3A_507, %dma_wait3A_534] : memref<20480x16xf32, #tpu.memory_space<vmem_shared>> -> memref<80x16xf32, #tpu.memory_space<vmem_shared>>
      tpu.wait_dma2 semaphore(%run_scoped3A : memref<!tpu.dma_semaphore, #tpu.memory_space<semaphore_mem>>) src(%arg10 : memref<80x16xf32, #tpu.memory_space<vmem>>) dst(%dma_wait3A_535 : memref<80x16xf32, #tpu.memory_space<vmem_shared>>)
      tpu.yield
    }) : () -> ()
    %add3A_508 = arith.constant 1040 : i32
    %add3A_509 = arith.addi %mul3A_482, %add3A_508 : i32
    "tpu.region"() ({
      %run_scoped3A = tpu.sem_alloc : memref<!tpu.dma_semaphore, #tpu.memory_space<semaphore_mem>>
      %dma_start3A = arith.constant 0 : i32
      %dma_start3A_530 = tpu.memref_slice %arg11[%add3A_509, %dma_start3A] : memref<20480x16xf32, #tpu.memory_space<vmem_shared>> -> memref<80x16xf32, #tpu.memory_space<vmem_shared>>
      %dma_start3A_531 = arith.constant 0 : i32
      %dma_start3A_532 = tpu.memref_slice %arg11[%add3A_509, %dma_start3A_531] : memref<20480x16xf32, #tpu.memory_space<vmem_shared>> -> memref<80x16xf32, #tpu.memory_space<vmem_shared>>
      tpu.enqueue_dma source(%arg10 : memref<80x16xf32, #tpu.memory_space<vmem>>) target(%dma_start3A_532 : memref<80x16xf32, #tpu.memory_space<vmem_shared>>) target_semaphore(%run_scoped3A : memref<!tpu.dma_semaphore, #tpu.memory_space<semaphore_mem>>)
      %dma_wait3A = arith.constant 0 : i32
      %dma_wait3A_533 = tpu.memref_slice %arg11[%add3A_509, %dma_wait3A] : memref<20480x16xf32, #tpu.memory_space<vmem_shared>> -> memref<80x16xf32, #tpu.memory_space<vmem_shared>>
      %dma_wait3A_534 = arith.constant 0 : i32
      %dma_wait3A_535 = tpu.memref_slice %arg11[%add3A_509, %dma_wait3A_534] : memref<20480x16xf32, #tpu.memory_space<vmem_shared>> -> memref<80x16xf32, #tpu.memory_space<vmem_shared>>
      tpu.wait_dma2 semaphore(%run_scoped3A : memref<!tpu.dma_semaphore, #tpu.memory_space<semaphore_mem>>) src(%arg10 : memref<80x16xf32, #tpu.memory_space<vmem>>) dst(%dma_wait3A_535 : memref<80x16xf32, #tpu.memory_space<vmem_shared>>)
      tpu.yield
    }) : () -> ()
    %add3A_510 = arith.constant 1120 : i32
    %add3A_511 = arith.addi %mul3A_482, %add3A_510 : i32
    "tpu.region"() ({
      %run_scoped3A = tpu.sem_alloc : memref<!tpu.dma_semaphore, #tpu.memory_space<semaphore_mem>>
      %dma_start3A = arith.constant 0 : i32
      %dma_start3A_530 = tpu.memref_slice %arg11[%add3A_511, %dma_start3A] : memref<20480x16xf32, #tpu.memory_space<vmem_shared>> -> memref<80x16xf32, #tpu.memory_space<vmem_shared>>
      %dma_start3A_531 = arith.constant 0 : i32
      %dma_start3A_532 = tpu.memref_slice %arg11[%add3A_511, %dma_start3A_531] : memref<20480x16xf32, #tpu.memory_space<vmem_shared>> -> memref<80x16xf32, #tpu.memory_space<vmem_shared>>
      tpu.enqueue_dma source(%arg10 : memref<80x16xf32, #tpu.memory_space<vmem>>) target(%dma_start3A_532 : memref<80x16xf32, #tpu.memory_space<vmem_shared>>) target_semaphore(%run_scoped3A : memref<!tpu.dma_semaphore, #tpu.memory_space<semaphore_mem>>)
      %dma_wait3A = arith.constant 0 : i32
      %dma_wait3A_533 = tpu.memref_slice %arg11[%add3A_511, %dma_wait3A] : memref<20480x16xf32, #tpu.memory_space<vmem_shared>> -> memref<80x16xf32, #tpu.memory_space<vmem_shared>>
      %dma_wait3A_534 = arith.constant 0 : i32
      %dma_wait3A_535 = tpu.memref_slice %arg11[%add3A_511, %dma_wait3A_534] : memref<20480x16xf32, #tpu.memory_space<vmem_shared>> -> memref<80x16xf32, #tpu.memory_space<vmem_shared>>
      tpu.wait_dma2 semaphore(%run_scoped3A : memref<!tpu.dma_semaphore, #tpu.memory_space<semaphore_mem>>) src(%arg10 : memref<80x16xf32, #tpu.memory_space<vmem>>) dst(%dma_wait3A_535 : memref<80x16xf32, #tpu.memory_space<vmem_shared>>)
      tpu.yield
    }) : () -> ()
    %add3A_512 = arith.constant 1200 : i32
    %add3A_513 = arith.addi %mul3A_482, %add3A_512 : i32
    "tpu.region"() ({
      %run_scoped3A = tpu.sem_alloc : memref<!tpu.dma_semaphore, #tpu.memory_space<semaphore_mem>>
      %dma_start3A = arith.constant 0 : i32
      %dma_start3A_530 = tpu.memref_slice %arg11[%add3A_513, %dma_start3A] : memref<20480x16xf32, #tpu.memory_space<vmem_shared>> -> memref<80x16xf32, #tpu.memory_space<vmem_shared>>
      %dma_start3A_531 = arith.constant 0 : i32
      %dma_start3A_532 = tpu.memref_slice %arg11[%add3A_513, %dma_start3A_531] : memref<20480x16xf32, #tpu.memory_space<vmem_shared>> -> memref<80x16xf32, #tpu.memory_space<vmem_shared>>
      tpu.enqueue_dma source(%arg10 : memref<80x16xf32, #tpu.memory_space<vmem>>) target(%dma_start3A_532 : memref<80x16xf32, #tpu.memory_space<vmem_shared>>) target_semaphore(%run_scoped3A : memref<!tpu.dma_semaphore, #tpu.memory_space<semaphore_mem>>)
      %dma_wait3A = arith.constant 0 : i32
      %dma_wait3A_533 = tpu.memref_slice %arg11[%add3A_513, %dma_wait3A] : memref<20480x16xf32, #tpu.memory_space<vmem_shared>> -> memref<80x16xf32, #tpu.memory_space<vmem_shared>>
      %dma_wait3A_534 = arith.constant 0 : i32
      %dma_wait3A_535 = tpu.memref_slice %arg11[%add3A_513, %dma_wait3A_534] : memref<20480x16xf32, #tpu.memory_space<vmem_shared>> -> memref<80x16xf32, #tpu.memory_space<vmem_shared>>
      tpu.wait_dma2 semaphore(%run_scoped3A : memref<!tpu.dma_semaphore, #tpu.memory_space<semaphore_mem>>) src(%arg10 : memref<80x16xf32, #tpu.memory_space<vmem>>) dst(%dma_wait3A_535 : memref<80x16xf32, #tpu.memory_space<vmem_shared>>)
      tpu.yield
    }) : () -> ()
    %barrier3A = arith.constant 0 : index
    tpu.barrier barrier_id(%barrier3A)
    %iota3A = tpu.iota {dimensions = array<i32: 0>} : vector<16xi32>
    %scan3A = arith.constant 0 : i32
    %scan3A_514 = arith.constant 0 : i32
    %scan3A_515 = arith.constant 10 : i32
    %scan3A_516 = arith.addi %scan3A_514, %scan3A_515 : i32
    %scan3A_517 = arith.constant 1 : i32
    %scan3A_518 = scf.for %scan3A_530 = %scan3A_514 to %scan3A_516 step %scan3A_517 iter_args(%scan3A_531 = %scan3A) -> (i32)  : i32 {
      "tpu.region"() ({
        %run_scoped3A = tpu.sem_alloc : memref<!tpu.dma_semaphore, #tpu.memory_space<semaphore_mem>>
        %dma_start3A = arith.constant 0 : i32
        %dma_start3A_540 = tpu.memref_slice %arg3[%arg1, %scan3A_530, %dma_start3A] : memref<16x10x2000xi32, #tpu.memory_space<hbm>> -> memref<1x1x2000xi32, #tpu.memory_space<hbm>>
        %dma_start3A_541 = tpu.memref_squeeze %dma_start3A_540 : memref<1x1x2000xi32, #tpu.memory_space<hbm>> -> memref<2000xi32, #tpu.memory_space<hbm>>
        %dma_start3A_542 = arith.constant 0 : i32
        %dma_start3A_543 = tpu.memref_slice %arg3[%arg1, %scan3A_530, %dma_start3A_542] : memref<16x10x2000xi32, #tpu.memory_space<hbm>> -> memref<1x1x2000xi32, #tpu.memory_space<hbm>>
        %dma_start3A_544 = tpu.memref_squeeze %dma_start3A_543 : memref<1x1x2000xi32, #tpu.memory_space<hbm>> -> memref<2000xi32, #tpu.memory_space<hbm>>
        tpu.enqueue_dma source(%dma_start3A_544 : memref<2000xi32, #tpu.memory_space<hbm>>) target(%arg6 : memref<2000xi32, #tpu.memory_space<vmem>>) target_semaphore(%run_scoped3A : memref<!tpu.dma_semaphore, #tpu.memory_space<semaphore_mem>>)
        %dma_wait3A = arith.constant 0 : i32
        %dma_wait3A_545 = tpu.memref_slice %arg3[%arg1, %scan3A_530, %dma_wait3A] : memref<16x10x2000xi32, #tpu.memory_space<hbm>> -> memref<1x1x2000xi32, #tpu.memory_space<hbm>>
        %dma_wait3A_546 = tpu.memref_squeeze %dma_wait3A_545 : memref<1x1x2000xi32, #tpu.memory_space<hbm>> -> memref<2000xi32, #tpu.memory_space<hbm>>
        %dma_wait3A_547 = arith.constant 0 : i32
        %dma_wait3A_548 = tpu.memref_slice %arg3[%arg1, %scan3A_530, %dma_wait3A_547] : memref<16x10x2000xi32, #tpu.memory_space<hbm>> -> memref<1x1x2000xi32, #tpu.memory_space<hbm>>
        %dma_wait3A_549 = tpu.memref_squeeze %dma_wait3A_548 : memref<1x1x2000xi32, #tpu.memory_space<hbm>> -> memref<2000xi32, #tpu.memory_space<hbm>>
        tpu.wait_dma2 semaphore(%run_scoped3A : memref<!tpu.dma_semaphore, #tpu.memory_space<semaphore_mem>>) src(%dma_wait3A_549 : memref<2000xi32, #tpu.memory_space<hbm>>) dst(%arg6 : memref<2000xi32, #tpu.memory_space<vmem>>)
        tpu.yield
      }) : () -> ()
      "tpu.region"() ({
        %run_scoped3A = tpu.sem_alloc : memref<!tpu.dma_semaphore, #tpu.memory_space<semaphore_mem>>
        %dma_start3A = arith.constant 0 : i32
        %dma_start3A_540 = tpu.memref_slice %arg4[%arg1, %scan3A_530, %dma_start3A] : memref<16x10x2000xi32, #tpu.memory_space<hbm>> -> memref<1x1x2000xi32, #tpu.memory_space<hbm>>
        %dma_start3A_541 = tpu.memref_squeeze %dma_start3A_540 : memref<1x1x2000xi32, #tpu.memory_space<hbm>> -> memref<2000xi32, #tpu.memory_space<hbm>>
        %dma_start3A_542 = arith.constant 0 : i32
        %dma_start3A_543 = tpu.memref_slice %arg4[%arg1, %scan3A_530, %dma_start3A_542] : memref<16x10x2000xi32, #tpu.memory_space<hbm>> -> memref<1x1x2000xi32, #tpu.memory_space<hbm>>
        %dma_start3A_544 = tpu.memref_squeeze %dma_start3A_543 : memref<1x1x2000xi32, #tpu.memory_space<hbm>> -> memref<2000xi32, #tpu.memory_space<hbm>>
        tpu.enqueue_dma source(%dma_start3A_544 : memref<2000xi32, #tpu.memory_space<hbm>>) target(%arg7 : memref<2000xi32, #tpu.memory_space<vmem>>) target_semaphore(%run_scoped3A : memref<!tpu.dma_semaphore, #tpu.memory_space<semaphore_mem>>)
        %dma_wait3A = arith.constant 0 : i32
        %dma_wait3A_545 = tpu.memref_slice %arg4[%arg1, %scan3A_530, %dma_wait3A] : memref<16x10x2000xi32, #tpu.memory_space<hbm>> -> memref<1x1x2000xi32, #tpu.memory_space<hbm>>
        %dma_wait3A_546 = tpu.memref_squeeze %dma_wait3A_545 : memref<1x1x2000xi32, #tpu.memory_space<hbm>> -> memref<2000xi32, #tpu.memory_space<hbm>>
        %dma_wait3A_547 = arith.constant 0 : i32
        %dma_wait3A_548 = tpu.memref_slice %arg4[%arg1, %scan3A_530, %dma_wait3A_547] : memref<16x10x2000xi32, #tpu.memory_space<hbm>> -> memref<1x1x2000xi32, #tpu.memory_space<hbm>>
        %dma_wait3A_549 = tpu.memref_squeeze %dma_wait3A_548 : memref<1x1x2000xi32, #tpu.memory_space<hbm>> -> memref<2000xi32, #tpu.memory_space<hbm>>
        tpu.wait_dma2 semaphore(%run_scoped3A : memref<!tpu.dma_semaphore, #tpu.memory_space<semaphore_mem>>) src(%dma_wait3A_549 : memref<2000xi32, #tpu.memory_space<hbm>>) dst(%arg7 : memref<2000xi32, #tpu.memory_space<vmem>>)
        tpu.yield
      }) : () -> ()
      %scan3A_532 = arith.constant 0 : i32
      %scan3A_533 = arith.constant 0 : i32
      %scan3A_534 = arith.constant 25 : i32
      %scan3A_535 = arith.addi %scan3A_533, %scan3A_534 : i32
      %scan3A_536 = arith.constant 1 : i32
      %scan3A_537 = scf.for %scan3A_540 = %scan3A_533 to %scan3A_535 step %scan3A_536 iter_args(%scan3A_541 = %scan3A_532) -> (i32)  : i32 {
        %mul3A_542 = arith.constant 80 : i32
        %mul3A_543 = arith.muli %scan3A_540, %mul3A_542 : i32
        %dma_start3A = tpu.memref_slice %arg6[%mul3A_543] : memref<2000xi32, #tpu.memory_space<vmem>> -> memref<80xi32, #tpu.memory_space<vmem>>
        %dma_start3A_544 = arith.constant 0 : i32
        %dma_start3A_545 = arith.constant 0 : i32
        %dma_start3A_546 = tpu.memref_slice %arg2[%dma_start3A_544, %dma_start3A_545] : memref<10000x16xf32, #tpu.memory_space<hbm>> -> memref<10000x16xf32, #tpu.memory_space<hbm>>
        tpu.enqueue_indirect_dma source(%dma_start3A_546 : memref<10000x16xf32, #tpu.memory_space<hbm>>) target(%arg9 : memref<80x16xf32, #tpu.memory_space<vmem>>) offsets(%dma_start3A : memref<80xi32, #tpu.memory_space<vmem>>) semaphore(%arg12 : memref<!tpu.dma_semaphore, #tpu.memory_space<semaphore_mem>>)
        %add3A_547 = arith.constant 0 : i32
        %add3A_548 = arith.addi %mul3A_543, %add3A_547 : i32
        %get3A = arith.index_cast %add3A_548 : i32 to index
        %get3A_549 = tpu.vector_load %arg7[%get3A] {strides = array<i32>} : memref<2000xi32, #tpu.memory_space<vmem>>, vector<16xi32>,
        %get3A_550 = vector.shape_cast %get3A_549 : vector<16xi32> to vector<16xi32>
        %ge3A = vector.broadcast %mul3A_0 : i32 to vector<16xi32>
        %ge3A_551 = arith.cmpi sge, %get3A_550, %ge3A : vector<16xi32>
        %add3A_552 = arith.constant 20000 : i32
        %add3A_553 = arith.addi %mul3A_0, %add3A_552 : i32
        %lt3A = vector.broadcast %add3A_553 : i32 to vector<16xi32>
        %lt3A_554 = arith.cmpi slt, %get3A_550, %lt3A : vector<16xi32>
        %and3A = arith.andi %ge3A_551, %lt3A_554 : vector<16xi1>
        %mul3A_555 = arith.constant 5 : i32
        %mul3A_556 = arith.muli %scan3A_540, %mul3A_555 : i32
        %add3A_557 = arith.constant 0 : i32
        %add3A_558 = arith.addi %mul3A_556, %add3A_557 : i32
        %rem3A = arith.constant 30 : i32
        %rem3A_559 = arith.remsi %add3A_558, %rem3A : i32
        %mul3A_560 = arith.constant 16 : i32
        %mul3A_561 = arith.muli %rem3A_559, %mul3A_560 : i32
        %add3A_562 = arith.constant 20000 : i32
        %add3A_563 = arith.addi %add3A_562, %mul3A_561 : i32
        %add3A_564 = vector.broadcast %add3A_563 : i32 to vector<16xi32>
        %add3A_565 = arith.addi %add3A_564, %iota3A : vector<16xi32>
        %sub3A = vector.broadcast %mul3A_0 : i32 to vector<16xi32>
        %sub3A_566 = arith.subi %get3A_550, %sub3A : vector<16xi32>
        %select_n3A = arith.select %and3A, %sub3A_566, %add3A_565 : vector<16xi1>, vector<16xi32>
        %swap3A_567 = arith.constant 0 : i32
        %swap3A_568 = arith.index_cast %swap3A_567 : i32 to index
        %swap3A_569 = arith.constant 0 : index
        %swap3A_570 = tpu.vector_load %arg8[%swap3A_568, %swap3A_569] {strides = array<i32>} : memref<1x80xi32, #tpu.memory_space<vmem>>, vector<1x16xi32>,
        %swap3A_571 = vector.shape_cast %swap3A_570 : vector<1x16xi32> to vector<16xi32>
        %swap3A_572 = vector.shape_cast %select_n3A : vector<16xi32> to vector<1x16xi32>
        tpu.vector_store %arg8[%swap3A_568, %swap3A_569], %swap3A_572 {strides = array<i32>} : memref<1x80xi32, #tpu.memory_space<vmem>>, vector<1x16xi32>,
        %add3A_573 = arith.constant 16 : i32
        %add3A_574 = arith.addi %mul3A_543, %add3A_573 : i32
        %get3A_575 = arith.index_cast %add3A_574 : i32 to index
        %get3A_576 = tpu.vector_load %arg7[%get3A_575] {strides = array<i32>} : memref<2000xi32, #tpu.memory_space<vmem>>, vector<16xi32>,
        %get3A_577 = vector.shape_cast %get3A_576 : vector<16xi32> to vector<16xi32>
        %ge3A_578 = vector.broadcast %mul3A_0 : i32 to vector<16xi32>
        %ge3A_579 = arith.cmpi sge, %get3A_577, %ge3A_578 : vector<16xi32>
        %add3A_580 = arith.constant 20000 : i32
        %add3A_581 = arith.addi %mul3A_0, %add3A_580 : i32
        %lt3A_582 = vector.broadcast %add3A_581 : i32 to vector<16xi32>
        %lt3A_583 = arith.cmpi slt, %get3A_577, %lt3A_582 : vector<16xi32>
        %and3A_584 = arith.andi %ge3A_579, %lt3A_583 : vector<16xi1>
        %mul3A_585 = arith.constant 5 : i32
        %mul3A_586 = arith.muli %scan3A_540, %mul3A_585 : i32
        %add3A_587 = arith.constant 1 : i32
        %add3A_588 = arith.addi %mul3A_586, %add3A_587 : i32
        %rem3A_589 = arith.constant 30 : i32
        %rem3A_590 = arith.remsi %add3A_588, %rem3A_589 : i32
        %mul3A_591 = arith.constant 16 : i32
        %mul3A_592 = arith.muli %rem3A_590, %mul3A_591 : i32
        %add3A_593 = arith.constant 20000 : i32
        %add3A_594 = arith.addi %add3A_593, %mul3A_592 : i32
        %add3A_595 = vector.broadcast %add3A_594 : i32 to vector<16xi32>
        %add3A_596 = arith.addi %add3A_595, %iota3A : vector<16xi32>
        %sub3A_597 = vector.broadcast %mul3A_0 : i32 to vector<16xi32>
        %sub3A_598 = arith.subi %get3A_577, %sub3A_597 : vector<16xi32>
        %select_n3A_599 = arith.select %and3A_584, %sub3A_598, %add3A_596 : vector<16xi1>, vector<16xi32>
        %swap3A_600 = arith.constant 0 : i32
        %swap3A_601 = arith.index_cast %swap3A_600 : i32 to index
        %swap3A_602 = arith.constant 16 : index
        %swap3A_603 = tpu.vector_load %arg8[%swap3A_601, %swap3A_602] {strides = array<i32>} : memref<1x80xi32, #tpu.memory_space<vmem>>, vector<1x16xi32>,
        %swap3A_604 = vector.shape_cast %swap3A_603 : vector<1x16xi32> to vector<16xi32>
        %swap3A_605 = vector.shape_cast %select_n3A_599 : vector<16xi32> to vector<1x16xi32>
        tpu.vector_store %arg8[%swap3A_601, %swap3A_602], %swap3A_605 {strides = array<i32>} : memref<1x80xi32, #tpu.memory_space<vmem>>, vector<1x16xi32>,
        %add3A_606 = arith.constant 32 : i32
        %add3A_607 = arith.addi %mul3A_543, %add3A_606 : i32
        %get3A_608 = arith.index_cast %add3A_607 : i32 to index
        %get3A_609 = tpu.vector_load %arg7[%get3A_608] {strides = array<i32>} : memref<2000xi32, #tpu.memory_space<vmem>>, vector<16xi32>,
        %get3A_610 = vector.shape_cast %get3A_609 : vector<16xi32> to vector<16xi32>
        %ge3A_611 = vector.broadcast %mul3A_0 : i32 to vector<16xi32>
        %ge3A_612 = arith.cmpi sge, %get3A_610, %ge3A_611 : vector<16xi32>
        %add3A_613 = arith.constant 20000 : i32
        %add3A_614 = arith.addi %mul3A_0, %add3A_613 : i32
        %lt3A_615 = vector.broadcast %add3A_614 : i32 to vector<16xi32>
        %lt3A_616 = arith.cmpi slt, %get3A_610, %lt3A_615 : vector<16xi32>
        %and3A_617 = arith.andi %ge3A_612, %lt3A_616 : vector<16xi1>
        %mul3A_618 = arith.constant 5 : i32
        %mul3A_619 = arith.muli %scan3A_540, %mul3A_618 : i32
        %add3A_620 = arith.constant 2 : i32
        %add3A_621 = arith.addi %mul3A_619, %add3A_620 : i32
        %rem3A_622 = arith.constant 30 : i32
        %rem3A_623 = arith.remsi %add3A_621, %rem3A_622 : i32
        %mul3A_624 = arith.constant 16 : i32
        %mul3A_625 = arith.muli %rem3A_623, %mul3A_624 : i32
        %add3A_626 = arith.constant 20000 : i32
        %add3A_627 = arith.addi %add3A_626, %mul3A_625 : i32
        %add3A_628 = vector.broadcast %add3A_627 : i32 to vector<16xi32>
        %add3A_629 = arith.addi %add3A_628, %iota3A : vector<16xi32>
        %sub3A_630 = vector.broadcast %mul3A_0 : i32 to vector<16xi32>
        %sub3A_631 = arith.subi %get3A_610, %sub3A_630 : vector<16xi32>
        %select_n3A_632 = arith.select %and3A_617, %sub3A_631, %add3A_629 : vector<16xi1>, vector<16xi32>
        %swap3A_633 = arith.constant 0 : i32
        %swap3A_634 = arith.index_cast %swap3A_633 : i32 to index
        %swap3A_635 = arith.constant 32 : index
        %swap3A_636 = tpu.vector_load %arg8[%swap3A_634, %swap3A_635] {strides = array<i32>} : memref<1x80xi32, #tpu.memory_space<vmem>>, vector<1x16xi32>,
        %swap3A_637 = vector.shape_cast %swap3A_636 : vector<1x16xi32> to vector<16xi32>
        %swap3A_638 = vector.shape_cast %select_n3A_632 : vector<16xi32> to vector<1x16xi32>
        tpu.vector_store %arg8[%swap3A_634, %swap3A_635], %swap3A_638 {strides = array<i32>} : memref<1x80xi32, #tpu.memory_space<vmem>>, vector<1x16xi32>,
        %add3A_639 = arith.constant 48 : i32
        %add3A_640 = arith.addi %mul3A_543, %add3A_639 : i32
        %get3A_641 = arith.index_cast %add3A_640 : i32 to index
        %get3A_642 = tpu.vector_load %arg7[%get3A_641] {strides = array<i32>} : memref<2000xi32, #tpu.memory_space<vmem>>, vector<16xi32>,
        %get3A_643 = vector.shape_cast %get3A_642 : vector<16xi32> to vector<16xi32>
        %ge3A_644 = vector.broadcast %mul3A_0 : i32 to vector<16xi32>
        %ge3A_645 = arith.cmpi sge, %get3A_643, %ge3A_644 : vector<16xi32>
        %add3A_646 = arith.constant 20000 : i32
        %add3A_647 = arith.addi %mul3A_0, %add3A_646 : i32
        %lt3A_648 = vector.broadcast %add3A_647 : i32 to vector<16xi32>
        %lt3A_649 = arith.cmpi slt, %get3A_643, %lt3A_648 : vector<16xi32>
        %and3A_650 = arith.andi %ge3A_645, %lt3A_649 : vector<16xi1>
        %mul3A_651 = arith.constant 5 : i32
        %mul3A_652 = arith.muli %scan3A_540, %mul3A_651 : i32
        %add3A_653 = arith.constant 3 : i32
        %add3A_654 = arith.addi %mul3A_652, %add3A_653 : i32
        %rem3A_655 = arith.constant 30 : i32
        %rem3A_656 = arith.remsi %add3A_654, %rem3A_655 : i32
        %mul3A_657 = arith.constant 16 : i32
        %mul3A_658 = arith.muli %rem3A_656, %mul3A_657 : i32
        %add3A_659 = arith.constant 20000 : i32
        %add3A_660 = arith.addi %add3A_659, %mul3A_658 : i32
        %add3A_661 = vector.broadcast %add3A_660 : i32 to vector<16xi32>
        %add3A_662 = arith.addi %add3A_661, %iota3A : vector<16xi32>
        %sub3A_663 = vector.broadcast %mul3A_0 : i32 to vector<16xi32>
        %sub3A_664 = arith.subi %get3A_643, %sub3A_663 : vector<16xi32>
        %select_n3A_665 = arith.select %and3A_650, %sub3A_664, %add3A_662 : vector<16xi1>, vector<16xi32>
        %swap3A_666 = arith.constant 0 : i32
        %swap3A_667 = arith.index_cast %swap3A_666 : i32 to index
        %swap3A_668 = arith.constant 48 : index
        %swap3A_669 = tpu.vector_load %arg8[%swap3A_667, %swap3A_668] {strides = array<i32>} : memref<1x80xi32, #tpu.memory_space<vmem>>, vector<1x16xi32>,
        %swap3A_670 = vector.shape_cast %swap3A_669 : vector<1x16xi32> to vector<16xi32>
        %swap3A_671 = vector.shape_cast %select_n3A_665 : vector<16xi32> to vector<1x16xi32>
        tpu.vector_store %arg8[%swap3A_667, %swap3A_668], %swap3A_671 {strides = array<i32>} : memref<1x80xi32, #tpu.memory_space<vmem>>, vector<1x16xi32>,
        %add3A_672 = arith.constant 64 : i32
        %add3A_673 = arith.addi %mul3A_543, %add3A_672 : i32
        %get3A_674 = arith.index_cast %add3A_673 : i32 to index
        %get3A_675 = tpu.vector_load %arg7[%get3A_674] {strides = array<i32>} : memref<2000xi32, #tpu.memory_space<vmem>>, vector<16xi32>,
        %get3A_676 = vector.shape_cast %get3A_675 : vector<16xi32> to vector<16xi32>
        %ge3A_677 = vector.broadcast %mul3A_0 : i32 to vector<16xi32>
        %ge3A_678 = arith.cmpi sge, %get3A_676, %ge3A_677 : vector<16xi32>
        %add3A_679 = arith.constant 20000 : i32
        %add3A_680 = arith.addi %mul3A_0, %add3A_679 : i32
        %lt3A_681 = vector.broadcast %add3A_680 : i32 to vector<16xi32>
        %lt3A_682 = arith.cmpi slt, %get3A_676, %lt3A_681 : vector<16xi32>
        %and3A_683 = arith.andi %ge3A_678, %lt3A_682 : vector<16xi1>
        %mul3A_684 = arith.constant 5 : i32
        %mul3A_685 = arith.muli %scan3A_540, %mul3A_684 : i32
        %add3A_686 = arith.constant 4 : i32
        %add3A_687 = arith.addi %mul3A_685, %add3A_686 : i32
        %rem3A_688 = arith.constant 30 : i32
        %rem3A_689 = arith.remsi %add3A_687, %rem3A_688 : i32
        %mul3A_690 = arith.constant 16 : i32
        %mul3A_691 = arith.muli %rem3A_689, %mul3A_690 : i32
        %add3A_692 = arith.constant 20000 : i32
        %add3A_693 = arith.addi %add3A_692, %mul3A_691 : i32
        %add3A_694 = vector.broadcast %add3A_693 : i32 to vector<16xi32>
        %add3A_695 = arith.addi %add3A_694, %iota3A : vector<16xi32>
        %sub3A_696 = vector.broadcast %mul3A_0 : i32 to vector<16xi32>
        %sub3A_697 = arith.subi %get3A_676, %sub3A_696 : vector<16xi32>
        %select_n3A_698 = arith.select %and3A_683, %sub3A_697, %add3A_695 : vector<16xi1>, vector<16xi32>
        %swap3A_699 = arith.constant 0 : i32
        %swap3A_700 = arith.index_cast %swap3A_699 : i32 to index
        %swap3A_701 = arith.constant 64 : index
        %swap3A_702 = tpu.vector_load %arg8[%swap3A_700, %swap3A_701] {strides = array<i32>} : memref<1x80xi32, #tpu.memory_space<vmem>>, vector<1x16xi32>,
        %swap3A_703 = vector.shape_cast %swap3A_702 : vector<1x16xi32> to vector<16xi32>
        %swap3A_704 = vector.shape_cast %select_n3A_698 : vector<16xi32> to vector<1x16xi32>
        tpu.vector_store %arg8[%swap3A_700, %swap3A_701], %swap3A_704 {strides = array<i32>} : memref<1x80xi32, #tpu.memory_space<vmem>>, vector<1x16xi32>,
        %dma_wait3A = tpu.memref_slice %arg6[%mul3A_543] : memref<2000xi32, #tpu.memory_space<vmem>> -> memref<80xi32, #tpu.memory_space<vmem>>
        %dma_wait3A_705 = arith.constant 0 : i32
        %dma_wait3A_706 = arith.constant 0 : i32
        %dma_wait3A_707 = tpu.memref_slice %arg2[%dma_wait3A_705, %dma_wait3A_706] : memref<10000x16xf32, #tpu.memory_space<hbm>> -> memref<10000x16xf32, #tpu.memory_space<hbm>>
        tpu.wait_indirect_dma semaphore(%arg12 : memref<!tpu.dma_semaphore, #tpu.memory_space<semaphore_mem>>) src(%dma_wait3A_707 : memref<10000x16xf32, #tpu.memory_space<hbm>>) dst(%arg9 : memref<80x16xf32, #tpu.memory_space<vmem>>)
        %run_scoped3A = arith.constant 0 : i32
        "tpu.region"() ({
          %run_scoped3A_709 = tpu.sem_alloc : memref<!tpu.dma_semaphore, #tpu.memory_space<semaphore_mem>>
          %dma_start3A_710 = arith.constant 0 : i32
          %dma_start3A_711 = tpu.memref_slice %arg8[%run_scoped3A, %dma_start3A_710] : memref<1x80xi32, #tpu.memory_space<vmem>> -> memref<1x80xi32, #tpu.memory_space<vmem>>
          %dma_start3A_712 = tpu.memref_squeeze %dma_start3A_711 : memref<1x80xi32, #tpu.memory_space<vmem>> -> memref<80xi32, #tpu.memory_space<vmem>>
          %dma_start3A_713 = arith.constant 0 : i32
          %dma_start3A_714 = arith.constant 0 : i32
          %dma_start3A_715 = tpu.memref_slice %arg11[%dma_start3A_713, %dma_start3A_714] : memref<20480x16xf32, #tpu.memory_space<vmem_shared>> -> memref<20480x16xf32, #tpu.memory_space<vmem_shared>>
          tpu.enqueue_indirect_dma source(%arg9 : memref<80x16xf32, #tpu.memory_space<vmem>>) target(%dma_start3A_715 : memref<20480x16xf32, #tpu.memory_space<vmem_shared>>) offsets(%dma_start3A_712 : memref<80xi32, #tpu.memory_space<vmem>>) semaphore(%run_scoped3A_709 : memref<!tpu.dma_semaphore, #tpu.memory_space<semaphore_mem>>) {add = true}
          %dma_wait3A_716 = arith.constant 0 : i32
          %dma_wait3A_717 = tpu.memref_slice %arg8[%run_scoped3A, %dma_wait3A_716] : memref<1x80xi32, #tpu.memory_space<vmem>> -> memref<1x80xi32, #tpu.memory_space<vmem>>
          %dma_wait3A_718 = tpu.memref_squeeze %dma_wait3A_717 : memref<1x80xi32, #tpu.memory_space<vmem>> -> memref<80xi32, #tpu.memory_space<vmem>>
          %dma_wait3A_719 = arith.constant 0 : i32
          %dma_wait3A_720 = arith.constant 0 : i32
          %dma_wait3A_721 = tpu.memref_slice %arg11[%dma_wait3A_719, %dma_wait3A_720] : memref<20480x16xf32, #tpu.memory_space<vmem_shared>> -> memref<20480x16xf32, #tpu.memory_space<vmem_shared>>
          tpu.wait_indirect_dma semaphore(%run_scoped3A_709 : memref<!tpu.dma_semaphore, #tpu.memory_space<semaphore_mem>>) src(%arg9 : memref<80x16xf32, #tpu.memory_space<vmem>>) dst(%dma_wait3A_721 : memref<20480x16xf32, #tpu.memory_space<vmem_shared>>)
          tpu.yield
        }) : () -> ()
        %scan3A_708 = arith.constant 0 : i32
        scf.yield %scan3A_708 : i32
      }
      %scan3A_538 = arith.constant 25 : i32
      %scan3A_539 = arith.constant 0 : i32
      scf.yield %scan3A_539 : i32
    }
    %scan3A_519 = arith.constant 10 : i32
    %barrier3A_520 = arith.constant 0 : index
    tpu.barrier barrier_id(%barrier3A_520)
    %mul3A_521 = arith.constant 1248 : i32
    %mul3A_522 = arith.muli %arg1, %mul3A_521 : i32
    %mul3A_523 = arith.constant 20000 : i32
    %mul3A_524 = arith.muli %arg0, %mul3A_523 : i32
    %mul3A_525 = arith.constant 1248 : i32
    %mul3A_526 = arith.muli %arg1, %mul3A_525 : i32
    %add3A_527 = arith.addi %mul3A_524, %mul3A_526 : i32
    "tpu.region"() ({
      %run_scoped3A = tpu.sem_alloc : memref<!tpu.dma_semaphore, #tpu.memory_space<semaphore_mem>>
      %dma_start3A = arith.constant 0 : i32
      %dma_start3A_530 = tpu.memref_slice %arg5[%add3A_527, %dma_start3A] : memref<40000x16xf32, #tpu.memory_space<hbm>> -> memref<1248x16xf32, #tpu.memory_space<hbm>>
      %dma_start3A_531 = arith.constant 0 : i32
      %dma_start3A_532 = tpu.memref_slice %arg11[%mul3A_522, %dma_start3A_531] : memref<20480x16xf32, #tpu.memory_space<vmem_shared>> -> memref<1248x16xf32, #tpu.memory_space<vmem_shared>>
      tpu.enqueue_dma source(%dma_start3A_532 : memref<1248x16xf32, #tpu.memory_space<vmem_shared>>) target(%dma_start3A_530 : memref<1248x16xf32, #tpu.memory_space<hbm>>) target_semaphore(%run_scoped3A : memref<!tpu.dma_semaphore, #tpu.memory_space<semaphore_mem>>)
      %dma_wait3A = arith.constant 0 : i32
      %dma_wait3A_533 = tpu.memref_slice %arg5[%add3A_527, %dma_wait3A] : memref<40000x16xf32, #tpu.memory_space<hbm>> -> memref<1248x16xf32, #tpu.memory_space<hbm>>
      %dma_wait3A_534 = arith.constant 0 : i32
      %dma_wait3A_535 = tpu.memref_slice %arg11[%mul3A_522, %dma_wait3A_534] : memref<20480x16xf32, #tpu.memory_space<vmem_shared>> -> memref<1248x16xf32, #tpu.memory_space<vmem_shared>>
      tpu.wait_dma2 semaphore(%run_scoped3A : memref<!tpu.dma_semaphore, #tpu.memory_space<semaphore_mem>>) src(%dma_wait3A_535 : memref<1248x16xf32, #tpu.memory_space<vmem_shared>>) dst(%dma_wait3A_533 : memref<1248x16xf32, #tpu.memory_space<hbm>>)
      tpu.yield
    }) : () -> ()
    %eq3A = arith.constant 15 : i32
    %eq3A_528 = arith.cmpi eq, %arg1, %eq3A : i32
    %convert_element_type3A = arith.extui %eq3A_528 : i1 to i32
    %cond3A = arith.constant 0 : i32
    %cond3A_529 = arith.cmpi ne, %convert_element_type3A, %cond3A : i32
    scf.if %cond3A_529 {
      %mul3A_530 = arith.constant 20000 : i32
      %mul3A_531 = arith.muli %arg0, %mul3A_530 : i32
      %add3A_532 = arith.constant 19968 : i32
      %add3A_533 = arith.addi %mul3A_531, %add3A_532 : i32
      "tpu.region"() ({
        %run_scoped3A = tpu.sem_alloc : memref<!tpu.dma_semaphore, #tpu.memory_space<semaphore_mem>>
        %dma_start3A = arith.constant 0 : i32
        %dma_start3A_534 = tpu.memref_slice %arg5[%add3A_533, %dma_start3A] : memref<40000x16xf32, #tpu.memory_space<hbm>> -> memref<32x16xf32, #tpu.memory_space<hbm>>
        %dma_start3A_535 = arith.constant 19968 : i32
        %dma_start3A_536 = arith.constant 0 : i32
        %dma_start3A_537 = tpu.memref_slice %arg11[%dma_start3A_535, %dma_start3A_536] : memref<20480x16xf32, #tpu.memory_space<vmem_shared>> -> memref<32x16xf32, #tpu.memory_space<vmem_shared>>
        tpu.enqueue_dma source(%dma_start3A_537 : memref<32x16xf32, #tpu.memory_space<vmem_shared>>) target(%dma_start3A_534 : memref<32x16xf32, #tpu.memory_space<hbm>>) target_semaphore(%run_scoped3A : memref<!tpu.dma_semaphore, #tpu.memory_space<semaphore_mem>>)
        %dma_wait3A = arith.constant 0 : i32
        %dma_wait3A_538 = tpu.memref_slice %arg5[%add3A_533, %dma_wait3A] : memref<40000x16xf32, #tpu.memory_space<hbm>> -> memref<32x16xf32, #tpu.memory_space<hbm>>
        %dma_wait3A_539 = arith.constant 19968 : i32
        %dma_wait3A_540 = arith.constant 0 : i32
        %dma_wait3A_541 = tpu.memref_slice %arg11[%dma_wait3A_539, %dma_wait3A_540] : memref<20480x16xf32, #tpu.memory_space<vmem_shared>> -> memref<32x16xf32, #tpu.memory_space<vmem_shared>>
        tpu.wait_dma2 semaphore(%run_scoped3A : memref<!tpu.dma_semaphore, #tpu.memory_space<semaphore_mem>>) src(%dma_wait3A_541 : memref<32x16xf32, #tpu.memory_space<vmem_shared>>) dst(%dma_wait3A_538 : memref<32x16xf32, #tpu.memory_space<hbm>>)
        tpu.yield
      }) : () -> ()
    } else {
    }
    return
  }
}

#map = affine_map<(d0, d1) -> (0, 0)>
#map1 = affine_map<(d0, d1) -> (0, 0, 0)>
module attributes {stable_mosaic.version = 14 : i64} {
  func.func @body(%arg0: i32, %arg1: i32, %arg2: memref<10000x64xf32, #tpu.memory_space<hbm>>, %arg3: memref<16x10x2000xi32, #tpu.memory_space<hbm>>, %arg4: memref<16x10x2000xi32, #tpu.memory_space<hbm>>, %arg5: memref<40000x64xf32, #tpu.memory_space<hbm>>, %arg6: memref<2000xi32, #tpu.memory_space<vmem>>, %arg7: memref<2000xi32, #tpu.memory_space<vmem>>, %arg8: memref<1x80xi32, #tpu.memory_space<vmem>>, %arg9: memref<80x64xf32, #tpu.memory_space<vmem>>, %arg10: memref<80x64xf32, #tpu.memory_space<vmem>>, %arg11: memref<20480x64xf32, #tpu.memory_space<vmem_shared>>, %arg12: memref<!tpu.dma_semaphore, #tpu.memory_space<semaphore_mem>>) attributes {dimension_semantics = [#tpu.dimension_semantics<core_parallel>, #tpu.dimension_semantics<subcore_parallel>], iteration_bounds = array<i64: 2, 16>, scalar_prefetch = 0 : i64, scratch_operands = 7 : i64, tpu.core_type = #tpu.core_type<sc_vector_subcore>, window_params = [{transform_indices = #map}, {transform_indices = #map1}, {transform_indices = #map1}, {transform_indices = #map}]} {
    %mul3A = arith.constant 20000 : i32
    %mul3A_0 = arith.muli %arg0, %mul3A : i32
    %broadcast_in_dim3A = arith.constant 0.000000e+00 : f32
    %broadcast_in_dim3A_1 = vector.broadcast %broadcast_in_dim3A : f32 to vector<16xf32>
    %swap3A = arith.constant 0 : i32
    %swap3A_2 = arith.index_cast %swap3A : i32 to index
    %swap3A_3 = arith.constant 0 : index
    %swap3A_4 = tpu.vector_load %arg10[%swap3A_2, %swap3A_3] {strides = array<i32>} : memref<80x64xf32, #tpu.memory_space<vmem>>, vector<1x16xf32>,
    %swap3A_5 = vector.shape_cast %swap3A_4 : vector<1x16xf32> to vector<16xf32>
    %swap3A_6 = vector.shape_cast %broadcast_in_dim3A_1 : vector<16xf32> to vector<1x16xf32>
    tpu.vector_store %arg10[%swap3A_2, %swap3A_3], %swap3A_6 {strides = array<i32>} : memref<80x64xf32, #tpu.memory_space<vmem>>, vector<1x16xf32>,
    %swap3A_7 = arith.constant 0 : i32
    %swap3A_8 = arith.index_cast %swap3A_7 : i32 to index
    %swap3A_9 = arith.constant 16 : index
    %swap3A_10 = tpu.vector_load %arg10[%swap3A_8, %swap3A_9] {strides = array<i32>} : memref<80x64xf32, #tpu.memory_space<vmem>>, vector<1x16xf32>,
    %swap3A_11 = vector.shape_cast %swap3A_10 : vector<1x16xf32> to vector<16xf32>
    %swap3A_12 = vector.shape_cast %broadcast_in_dim3A_1 : vector<16xf32> to vector<1x16xf32>
    tpu.vector_store %arg10[%swap3A_8, %swap3A_9], %swap3A_12 {strides = array<i32>} : memref<80x64xf32, #tpu.memory_space<vmem>>, vector<1x16xf32>,
    %swap3A_13 = arith.constant 0 : i32
    %swap3A_14 = arith.index_cast %swap3A_13 : i32 to index
    %swap3A_15 = arith.constant 32 : index
    %swap3A_16 = tpu.vector_load %arg10[%swap3A_14, %swap3A_15] {strides = array<i32>} : memref<80x64xf32, #tpu.memory_space<vmem>>, vector<1x16xf32>,
    %swap3A_17 = vector.shape_cast %swap3A_16 : vector<1x16xf32> to vector<16xf32>
    %swap3A_18 = vector.shape_cast %broadcast_in_dim3A_1 : vector<16xf32> to vector<1x16xf32>
    tpu.vector_store %arg10[%swap3A_14, %swap3A_15], %swap3A_18 {strides = array<i32>} : memref<80x64xf32, #tpu.memory_space<vmem>>, vector<1x16xf32>,
    %swap3A_19 = arith.constant 0 : i32
    %swap3A_20 = arith.index_cast %swap3A_19 : i32 to index
    %swap3A_21 = arith.constant 48 : index
    %swap3A_22 = tpu.vector_load %arg10[%swap3A_20, %swap3A_21] {strides = array<i32>} : memref<80x64xf32, #tpu.memory_space<vmem>>, vector<1x16xf32>,
    %swap3A_23 = vector.shape_cast %swap3A_22 : vector<1x16xf32> to vector<16xf32>
    %swap3A_24 = vector.shape_cast %broadcast_in_dim3A_1 : vector<16xf32> to vector<1x16xf32>
    tpu.vector_store %arg10[%swap3A_20, %swap3A_21], %swap3A_24 {strides = array<i32>} : memref<80x64xf32, #tpu.memory_space<vmem>>, vector<1x16xf32>,
    %swap3A_25 = arith.constant 1 : i32
    %swap3A_26 = arith.index_cast %swap3A_25 : i32 to index
    %swap3A_27 = arith.constant 0 : index
    %swap3A_28 = tpu.vector_load %arg10[%swap3A_26, %swap3A_27] {strides = array<i32>} : memref<80x64xf32, #tpu.memory_space<vmem>>, vector<1x16xf32>,
    %swap3A_29 = vector.shape_cast %swap3A_28 : vector<1x16xf32> to vector<16xf32>
    %swap3A_30 = vector.shape_cast %broadcast_in_dim3A_1 : vector<16xf32> to vector<1x16xf32>
    tpu.vector_store %arg10[%swap3A_26, %swap3A_27], %swap3A_30 {strides = array<i32>} : memref<80x64xf32, #tpu.memory_space<vmem>>, vector<1x16xf32>,
    %swap3A_31 = arith.constant 1 : i32
    %swap3A_32 = arith.index_cast %swap3A_31 : i32 to index
    %swap3A_33 = arith.constant 16 : index
    %swap3A_34 = tpu.vector_load %arg10[%swap3A_32, %swap3A_33] {strides = array<i32>} : memref<80x64xf32, #tpu.memory_space<vmem>>, vector<1x16xf32>,
    %swap3A_35 = vector.shape_cast %swap3A_34 : vector<1x16xf32> to vector<16xf32>
    %swap3A_36 = vector.shape_cast %broadcast_in_dim3A_1 : vector<16xf32> to vector<1x16xf32>
    tpu.vector_store %arg10[%swap3A_32, %swap3A_33], %swap3A_36 {strides = array<i32>} : memref<80x64xf32, #tpu.memory_space<vmem>>, vector<1x16xf32>,
    %swap3A_37 = arith.constant 1 : i32
    %swap3A_38 = arith.index_cast %swap3A_37 : i32 to index
    %swap3A_39 = arith.constant 32 : index
    %swap3A_40 = tpu.vector_load %arg10[%swap3A_38, %swap3A_39] {strides = array<i32>} : memref<80x64xf32, #tpu.memory_space<vmem>>, vector<1x16xf32>,
    %swap3A_41 = vector.shape_cast %swap3A_40 : vector<1x16xf32> to vector<16xf32>
    %swap3A_42 = vector.shape_cast %broadcast_in_dim3A_1 : vector<16xf32> to vector<1x16xf32>
    tpu.vector_store %arg10[%swap3A_38, %swap3A_39], %swap3A_42 {strides = array<i32>} : memref<80x64xf32, #tpu.memory_space<vmem>>, vector<1x16xf32>,
    %swap3A_43 = arith.constant 1 : i32
    %swap3A_44 = arith.index_cast %swap3A_43 : i32 to index
    %swap3A_45 = arith.constant 48 : index
    %swap3A_46 = tpu.vector_load %arg10[%swap3A_44, %swap3A_45] {strides = array<i32>} : memref<80x64xf32, #tpu.memory_space<vmem>>, vector<1x16xf32>,
    %swap3A_47 = vector.shape_cast %swap3A_46 : vector<1x16xf32> to vector<16xf32>
    %swap3A_48 = vector.shape_cast %broadcast_in_dim3A_1 : vector<16xf32> to vector<1x16xf32>
    tpu.vector_store %arg10[%swap3A_44, %swap3A_45], %swap3A_48 {strides = array<i32>} : memref<80x64xf32, #tpu.memory_space<vmem>>, vector<1x16xf32>,
    %swap3A_49 = arith.constant 2 : i32
    %swap3A_50 = arith.index_cast %swap3A_49 : i32 to index
    %swap3A_51 = arith.constant 0 : index
    %swap3A_52 = tpu.vector_load %arg10[%swap3A_50, %swap3A_51] {strides = array<i32>} : memref<80x64xf32, #tpu.memory_space<vmem>>, vector<1x16xf32>,
    %swap3A_53 = vector.shape_cast %swap3A_52 : vector<1x16xf32> to vector<16xf32>
    %swap3A_54 = vector.shape_cast %broadcast_in_dim3A_1 : vector<16xf32> to vector<1x16xf32>
    tpu.vector_store %arg10[%swap3A_50, %swap3A_51], %swap3A_54 {strides = array<i32>} : memref<80x64xf32, #tpu.memory_space<vmem>>, vector<1x16xf32>,
    %swap3A_55 = arith.constant 2 : i32
    %swap3A_56 = arith.index_cast %swap3A_55 : i32 to index
    %swap3A_57 = arith.constant 16 : index
    %swap3A_58 = tpu.vector_load %arg10[%swap3A_56, %swap3A_57] {strides = array<i32>} : memref<80x64xf32, #tpu.memory_space<vmem>>, vector<1x16xf32>,
    %swap3A_59 = vector.shape_cast %swap3A_58 : vector<1x16xf32> to vector<16xf32>
    %swap3A_60 = vector.shape_cast %broadcast_in_dim3A_1 : vector<16xf32> to vector<1x16xf32>
    tpu.vector_store %arg10[%swap3A_56, %swap3A_57], %swap3A_60 {strides = array<i32>} : memref<80x64xf32, #tpu.memory_space<vmem>>, vector<1x16xf32>,
    %swap3A_61 = arith.constant 2 : i32
    %swap3A_62 = arith.index_cast %swap3A_61 : i32 to index
    %swap3A_63 = arith.constant 32 : index
    %swap3A_64 = tpu.vector_load %arg10[%swap3A_62, %swap3A_63] {strides = array<i32>} : memref<80x64xf32, #tpu.memory_space<vmem>>, vector<1x16xf32>,
    %swap3A_65 = vector.shape_cast %swap3A_64 : vector<1x16xf32> to vector<16xf32>
    %swap3A_66 = vector.shape_cast %broadcast_in_dim3A_1 : vector<16xf32> to vector<1x16xf32>
    tpu.vector_store %arg10[%swap3A_62, %swap3A_63], %swap3A_66 {strides = array<i32>} : memref<80x64xf32, #tpu.memory_space<vmem>>, vector<1x16xf32>,
    %swap3A_67 = arith.constant 2 : i32
    %swap3A_68 = arith.index_cast %swap3A_67 : i32 to index
    %swap3A_69 = arith.constant 48 : index
    %swap3A_70 = tpu.vector_load %arg10[%swap3A_68, %swap3A_69] {strides = array<i32>} : memref<80x64xf32, #tpu.memory_space<vmem>>, vector<1x16xf32>,
    %swap3A_71 = vector.shape_cast %swap3A_70 : vector<1x16xf32> to vector<16xf32>
    %swap3A_72 = vector.shape_cast %broadcast_in_dim3A_1 : vector<16xf32> to vector<1x16xf32>
    tpu.vector_store %arg10[%swap3A_68, %swap3A_69], %swap3A_72 {strides = array<i32>} : memref<80x64xf32, #tpu.memory_space<vmem>>, vector<1x16xf32>,
    %swap3A_73 = arith.constant 3 : i32
    %swap3A_74 = arith.index_cast %swap3A_73 : i32 to index
    %swap3A_75 = arith.constant 0 : index
    %swap3A_76 = tpu.vector_load %arg10[%swap3A_74, %swap3A_75] {strides = array<i32>} : memref<80x64xf32, #tpu.memory_space<vmem>>, vector<1x16xf32>,
    %swap3A_77 = vector.shape_cast %swap3A_76 : vector<1x16xf32> to vector<16xf32>
    %swap3A_78 = vector.shape_cast %broadcast_in_dim3A_1 : vector<16xf32> to vector<1x16xf32>
    tpu.vector_store %arg10[%swap3A_74, %swap3A_75], %swap3A_78 {strides = array<i32>} : memref<80x64xf32, #tpu.memory_space<vmem>>, vector<1x16xf32>,
    %swap3A_79 = arith.constant 3 : i32
    %swap3A_80 = arith.index_cast %swap3A_79 : i32 to index
    %swap3A_81 = arith.constant 16 : index
    %swap3A_82 = tpu.vector_load %arg10[%swap3A_80, %swap3A_81] {strides = array<i32>} : memref<80x64xf32, #tpu.memory_space<vmem>>, vector<1x16xf32>,
    %swap3A_83 = vector.shape_cast %swap3A_82 : vector<1x16xf32> to vector<16xf32>
    %swap3A_84 = vector.shape_cast %broadcast_in_dim3A_1 : vector<16xf32> to vector<1x16xf32>
    tpu.vector_store %arg10[%swap3A_80, %swap3A_81], %swap3A_84 {strides = array<i32>} : memref<80x64xf32, #tpu.memory_space<vmem>>, vector<1x16xf32>,
    %swap3A_85 = arith.constant 3 : i32
    %swap3A_86 = arith.index_cast %swap3A_85 : i32 to index
    %swap3A_87 = arith.constant 32 : index
    %swap3A_88 = tpu.vector_load %arg10[%swap3A_86, %swap3A_87] {strides = array<i32>} : memref<80x64xf32, #tpu.memory_space<vmem>>, vector<1x16xf32>,
    %swap3A_89 = vector.shape_cast %swap3A_88 : vector<1x16xf32> to vector<16xf32>
    %swap3A_90 = vector.shape_cast %broadcast_in_dim3A_1 : vector<16xf32> to vector<1x16xf32>
    tpu.vector_store %arg10[%swap3A_86, %swap3A_87], %swap3A_90 {strides = array<i32>} : memref<80x64xf32, #tpu.memory_space<vmem>>, vector<1x16xf32>,
    %swap3A_91 = arith.constant 3 : i32
    %swap3A_92 = arith.index_cast %swap3A_91 : i32 to index
    %swap3A_93 = arith.constant 48 : index
    %swap3A_94 = tpu.vector_load %arg10[%swap3A_92, %swap3A_93] {strides = array<i32>} : memref<80x64xf32, #tpu.memory_space<vmem>>, vector<1x16xf32>,
    %swap3A_95 = vector.shape_cast %swap3A_94 : vector<1x16xf32> to vector<16xf32>
    %swap3A_96 = vector.shape_cast %broadcast_in_dim3A_1 : vector<16xf32> to vector<1x16xf32>
    tpu.vector_store %arg10[%swap3A_92, %swap3A_93], %swap3A_96 {strides = array<i32>} : memref<80x64xf32, #tpu.memory_space<vmem>>, vector<1x16xf32>,
    %swap3A_97 = arith.constant 4 : i32
    %swap3A_98 = arith.index_cast %swap3A_97 : i32 to index
    %swap3A_99 = arith.constant 0 : index
    %swap3A_100 = tpu.vector_load %arg10[%swap3A_98, %swap3A_99] {strides = array<i32>} : memref<80x64xf32, #tpu.memory_space<vmem>>, vector<1x16xf32>,
    %swap3A_101 = vector.shape_cast %swap3A_100 : vector<1x16xf32> to vector<16xf32>
    %swap3A_102 = vector.shape_cast %broadcast_in_dim3A_1 : vector<16xf32> to vector<1x16xf32>
    tpu.vector_store %arg10[%swap3A_98, %swap3A_99], %swap3A_102 {strides = array<i32>} : memref<80x64xf32, #tpu.memory_space<vmem>>, vector<1x16xf32>,
    %swap3A_103 = arith.constant 4 : i32
    %swap3A_104 = arith.index_cast %swap3A_103 : i32 to index
    %swap3A_105 = arith.constant 16 : index
    %swap3A_106 = tpu.vector_load %arg10[%swap3A_104, %swap3A_105] {strides = array<i32>} : memref<80x64xf32, #tpu.memory_space<vmem>>, vector<1x16xf32>,
    %swap3A_107 = vector.shape_cast %swap3A_106 : vector<1x16xf32> to vector<16xf32>
    %swap3A_108 = vector.shape_cast %broadcast_in_dim3A_1 : vector<16xf32> to vector<1x16xf32>
    tpu.vector_store %arg10[%swap3A_104, %swap3A_105], %swap3A_108 {strides = array<i32>} : memref<80x64xf32, #tpu.memory_space<vmem>>, vector<1x16xf32>,
    %swap3A_109 = arith.constant 4 : i32
    %swap3A_110 = arith.index_cast %swap3A_109 : i32 to index
    %swap3A_111 = arith.constant 32 : index
    %swap3A_112 = tpu.vector_load %arg10[%swap3A_110, %swap3A_111] {strides = array<i32>} : memref<80x64xf32, #tpu.memory_space<vmem>>, vector<1x16xf32>,
    %swap3A_113 = vector.shape_cast %swap3A_112 : vector<1x16xf32> to vector<16xf32>
    %swap3A_114 = vector.shape_cast %broadcast_in_dim3A_1 : vector<16xf32> to vector<1x16xf32>
    tpu.vector_store %arg10[%swap3A_110, %swap3A_111], %swap3A_114 {strides = array<i32>} : memref<80x64xf32, #tpu.memory_space<vmem>>, vector<1x16xf32>,
    %swap3A_115 = arith.constant 4 : i32
    %swap3A_116 = arith.index_cast %swap3A_115 : i32 to index
    %swap3A_117 = arith.constant 48 : index
    %swap3A_118 = tpu.vector_load %arg10[%swap3A_116, %swap3A_117] {strides = array<i32>} : memref<80x64xf32, #tpu.memory_space<vmem>>, vector<1x16xf32>,
    %swap3A_119 = vector.shape_cast %swap3A_118 : vector<1x16xf32> to vector<16xf32>
    %swap3A_120 = vector.shape_cast %broadcast_in_dim3A_1 : vector<16xf32> to vector<1x16xf32>
    tpu.vector_store %arg10[%swap3A_116, %swap3A_117], %swap3A_120 {strides = array<i32>} : memref<80x64xf32, #tpu.memory_space<vmem>>, vector<1x16xf32>,
    %swap3A_121 = arith.constant 5 : i32
    %swap3A_122 = arith.index_cast %swap3A_121 : i32 to index
    %swap3A_123 = arith.constant 0 : index
    %swap3A_124 = tpu.vector_load %arg10[%swap3A_122, %swap3A_123] {strides = array<i32>} : memref<80x64xf32, #tpu.memory_space<vmem>>, vector<1x16xf32>,
    %swap3A_125 = vector.shape_cast %swap3A_124 : vector<1x16xf32> to vector<16xf32>
    %swap3A_126 = vector.shape_cast %broadcast_in_dim3A_1 : vector<16xf32> to vector<1x16xf32>
    tpu.vector_store %arg10[%swap3A_122, %swap3A_123], %swap3A_126 {strides = array<i32>} : memref<80x64xf32, #tpu.memory_space<vmem>>, vector<1x16xf32>,
    %swap3A_127 = arith.constant 5 : i32
    %swap3A_128 = arith.index_cast %swap3A_127 : i32 to index
    %swap3A_129 = arith.constant 16 : index
    %swap3A_130 = tpu.vector_load %arg10[%swap3A_128, %swap3A_129] {strides = array<i32>} : memref<80x64xf32, #tpu.memory_space<vmem>>, vector<1x16xf32>,
    %swap3A_131 = vector.shape_cast %swap3A_130 : vector<1x16xf32> to vector<16xf32>
    %swap3A_132 = vector.shape_cast %broadcast_in_dim3A_1 : vector<16xf32> to vector<1x16xf32>
    tpu.vector_store %arg10[%swap3A_128, %swap3A_129], %swap3A_132 {strides = array<i32>} : memref<80x64xf32, #tpu.memory_space<vmem>>, vector<1x16xf32>,
    %swap3A_133 = arith.constant 5 : i32
    %swap3A_134 = arith.index_cast %swap3A_133 : i32 to index
    %swap3A_135 = arith.constant 32 : index
    %swap3A_136 = tpu.vector_load %arg10[%swap3A_134, %swap3A_135] {strides = array<i32>} : memref<80x64xf32, #tpu.memory_space<vmem>>, vector<1x16xf32>,
    %swap3A_137 = vector.shape_cast %swap3A_136 : vector<1x16xf32> to vector<16xf32>
    %swap3A_138 = vector.shape_cast %broadcast_in_dim3A_1 : vector<16xf32> to vector<1x16xf32>
    tpu.vector_store %arg10[%swap3A_134, %swap3A_135], %swap3A_138 {strides = array<i32>} : memref<80x64xf32, #tpu.memory_space<vmem>>, vector<1x16xf32>,
    %swap3A_139 = arith.constant 5 : i32
    %swap3A_140 = arith.index_cast %swap3A_139 : i32 to index
    %swap3A_141 = arith.constant 48 : index
    %swap3A_142 = tpu.vector_load %arg10[%swap3A_140, %swap3A_141] {strides = array<i32>} : memref<80x64xf32, #tpu.memory_space<vmem>>, vector<1x16xf32>,
    %swap3A_143 = vector.shape_cast %swap3A_142 : vector<1x16xf32> to vector<16xf32>
    %swap3A_144 = vector.shape_cast %broadcast_in_dim3A_1 : vector<16xf32> to vector<1x16xf32>
    tpu.vector_store %arg10[%swap3A_140, %swap3A_141], %swap3A_144 {strides = array<i32>} : memref<80x64xf32, #tpu.memory_space<vmem>>, vector<1x16xf32>,
    %swap3A_145 = arith.constant 6 : i32
    %swap3A_146 = arith.index_cast %swap3A_145 : i32 to index
    %swap3A_147 = arith.constant 0 : index
    %swap3A_148 = tpu.vector_load %arg10[%swap3A_146, %swap3A_147] {strides = array<i32>} : memref<80x64xf32, #tpu.memory_space<vmem>>, vector<1x16xf32>,
    %swap3A_149 = vector.shape_cast %swap3A_148 : vector<1x16xf32> to vector<16xf32>
    %swap3A_150 = vector.shape_cast %broadcast_in_dim3A_1 : vector<16xf32> to vector<1x16xf32>
    tpu.vector_store %arg10[%swap3A_146, %swap3A_147], %swap3A_150 {strides = array<i32>} : memref<80x64xf32, #tpu.memory_space<vmem>>, vector<1x16xf32>,
    %swap3A_151 = arith.constant 6 : i32
    %swap3A_152 = arith.index_cast %swap3A_151 : i32 to index
    %swap3A_153 = arith.constant 16 : index
    %swap3A_154 = tpu.vector_load %arg10[%swap3A_152, %swap3A_153] {strides = array<i32>} : memref<80x64xf32, #tpu.memory_space<vmem>>, vector<1x16xf32>,
    %swap3A_155 = vector.shape_cast %swap3A_154 : vector<1x16xf32> to vector<16xf32>
    %swap3A_156 = vector.shape_cast %broadcast_in_dim3A_1 : vector<16xf32> to vector<1x16xf32>
    tpu.vector_store %arg10[%swap3A_152, %swap3A_153], %swap3A_156 {strides = array<i32>} : memref<80x64xf32, #tpu.memory_space<vmem>>, vector<1x16xf32>,
    %swap3A_157 = arith.constant 6 : i32
    %swap3A_158 = arith.index_cast %swap3A_157 : i32 to index
    %swap3A_159 = arith.constant 32 : index
    %swap3A_160 = tpu.vector_load %arg10[%swap3A_158, %swap3A_159] {strides = array<i32>} : memref<80x64xf32, #tpu.memory_space<vmem>>, vector<1x16xf32>,
    %swap3A_161 = vector.shape_cast %swap3A_160 : vector<1x16xf32> to vector<16xf32>
    %swap3A_162 = vector.shape_cast %broadcast_in_dim3A_1 : vector<16xf32> to vector<1x16xf32>
    tpu.vector_store %arg10[%swap3A_158, %swap3A_159], %swap3A_162 {strides = array<i32>} : memref<80x64xf32, #tpu.memory_space<vmem>>, vector<1x16xf32>,
    %swap3A_163 = arith.constant 6 : i32
    %swap3A_164 = arith.index_cast %swap3A_163 : i32 to index
    %swap3A_165 = arith.constant 48 : index
    %swap3A_166 = tpu.vector_load %arg10[%swap3A_164, %swap3A_165] {strides = array<i32>} : memref<80x64xf32, #tpu.memory_space<vmem>>, vector<1x16xf32>,
    %swap3A_167 = vector.shape_cast %swap3A_166 : vector<1x16xf32> to vector<16xf32>
    %swap3A_168 = vector.shape_cast %broadcast_in_dim3A_1 : vector<16xf32> to vector<1x16xf32>
    tpu.vector_store %arg10[%swap3A_164, %swap3A_165], %swap3A_168 {strides = array<i32>} : memref<80x64xf32, #tpu.memory_space<vmem>>, vector<1x16xf32>,
    %swap3A_169 = arith.constant 7 : i32
    %swap3A_170 = arith.index_cast %swap3A_169 : i32 to index
    %swap3A_171 = arith.constant 0 : index
    %swap3A_172 = tpu.vector_load %arg10[%swap3A_170, %swap3A_171] {strides = array<i32>} : memref<80x64xf32, #tpu.memory_space<vmem>>, vector<1x16xf32>,
    %swap3A_173 = vector.shape_cast %swap3A_172 : vector<1x16xf32> to vector<16xf32>
    %swap3A_174 = vector.shape_cast %broadcast_in_dim3A_1 : vector<16xf32> to vector<1x16xf32>
    tpu.vector_store %arg10[%swap3A_170, %swap3A_171], %swap3A_174 {strides = array<i32>} : memref<80x64xf32, #tpu.memory_space<vmem>>, vector<1x16xf32>,
    %swap3A_175 = arith.constant 7 : i32
    %swap3A_176 = arith.index_cast %swap3A_175 : i32 to index
    %swap3A_177 = arith.constant 16 : index
    %swap3A_178 = tpu.vector_load %arg10[%swap3A_176, %swap3A_177] {strides = array<i32>} : memref<80x64xf32, #tpu.memory_space<vmem>>, vector<1x16xf32>,
    %swap3A_179 = vector.shape_cast %swap3A_178 : vector<1x16xf32> to vector<16xf32>
    %swap3A_180 = vector.shape_cast %broadcast_in_dim3A_1 : vector<16xf32> to vector<1x16xf32>
    tpu.vector_store %arg10[%swap3A_176, %swap3A_177], %swap3A_180 {strides = array<i32>} : memref<80x64xf32, #tpu.memory_space<vmem>>, vector<1x16xf32>,
    %swap3A_181 = arith.constant 7 : i32
    %swap3A_182 = arith.index_cast %swap3A_181 : i32 to index
    %swap3A_183 = arith.constant 32 : index
    %swap3A_184 = tpu.vector_load %arg10[%swap3A_182, %swap3A_183] {strides = array<i32>} : memref<80x64xf32, #tpu.memory_space<vmem>>, vector<1x16xf32>,
    %swap3A_185 = vector.shape_cast %swap3A_184 : vector<1x16xf32> to vector<16xf32>
    %swap3A_186 = vector.shape_cast %broadcast_in_dim3A_1 : vector<16xf32> to vector<1x16xf32>
    tpu.vector_store %arg10[%swap3A_182, %swap3A_183], %swap3A_186 {strides = array<i32>} : memref<80x64xf32, #tpu.memory_space<vmem>>, vector<1x16xf32>,
    %swap3A_187 = arith.constant 7 : i32
    %swap3A_188 = arith.index_cast %swap3A_187 : i32 to index
    %swap3A_189 = arith.constant 48 : index
    %swap3A_190 = tpu.vector_load %arg10[%swap3A_188, %swap3A_189] {strides = array<i32>} : memref<80x64xf32, #tpu.memory_space<vmem>>, vector<1x16xf32>,
    %swap3A_191 = vector.shape_cast %swap3A_190 : vector<1x16xf32> to vector<16xf32>
    %swap3A_192 = vector.shape_cast %broadcast_in_dim3A_1 : vector<16xf32> to vector<1x16xf32>
    tpu.vector_store %arg10[%swap3A_188, %swap3A_189], %swap3A_192 {strides = array<i32>} : memref<80x64xf32, #tpu.memory_space<vmem>>, vector<1x16xf32>,
    %swap3A_193 = arith.constant 8 : i32
    %swap3A_194 = arith.index_cast %swap3A_193 : i32 to index
    %swap3A_195 = arith.constant 0 : index
    %swap3A_196 = tpu.vector_load %arg10[%swap3A_194, %swap3A_195] {strides = array<i32>} : memref<80x64xf32, #tpu.memory_space<vmem>>, vector<1x16xf32>,
    %swap3A_197 = vector.shape_cast %swap3A_196 : vector<1x16xf32> to vector<16xf32>
    %swap3A_198 = vector.shape_cast %broadcast_in_dim3A_1 : vector<16xf32> to vector<1x16xf32>
    tpu.vector_store %arg10[%swap3A_194, %swap3A_195], %swap3A_198 {strides = array<i32>} : memref<80x64xf32, #tpu.memory_space<vmem>>, vector<1x16xf32>,
    %swap3A_199 = arith.constant 8 : i32
    %swap3A_200 = arith.index_cast %swap3A_199 : i32 to index
    %swap3A_201 = arith.constant 16 : index
    %swap3A_202 = tpu.vector_load %arg10[%swap3A_200, %swap3A_201] {strides = array<i32>} : memref<80x64xf32, #tpu.memory_space<vmem>>, vector<1x16xf32>,
    %swap3A_203 = vector.shape_cast %swap3A_202 : vector<1x16xf32> to vector<16xf32>
    %swap3A_204 = vector.shape_cast %broadcast_in_dim3A_1 : vector<16xf32> to vector<1x16xf32>
    tpu.vector_store %arg10[%swap3A_200, %swap3A_201], %swap3A_204 {strides = array<i32>} : memref<80x64xf32, #tpu.memory_space<vmem>>, vector<1x16xf32>,
    %swap3A_205 = arith.constant 8 : i32
    %swap3A_206 = arith.index_cast %swap3A_205 : i32 to index
    %swap3A_207 = arith.constant 32 : index
    %swap3A_208 = tpu.vector_load %arg10[%swap3A_206, %swap3A_207] {strides = array<i32>} : memref<80x64xf32, #tpu.memory_space<vmem>>, vector<1x16xf32>,
    %swap3A_209 = vector.shape_cast %swap3A_208 : vector<1x16xf32> to vector<16xf32>
    %swap3A_210 = vector.shape_cast %broadcast_in_dim3A_1 : vector<16xf32> to vector<1x16xf32>
    tpu.vector_store %arg10[%swap3A_206, %swap3A_207], %swap3A_210 {strides = array<i32>} : memref<80x64xf32, #tpu.memory_space<vmem>>, vector<1x16xf32>,
    %swap3A_211 = arith.constant 8 : i32
    %swap3A_212 = arith.index_cast %swap3A_211 : i32 to index
    %swap3A_213 = arith.constant 48 : index
    %swap3A_214 = tpu.vector_load %arg10[%swap3A_212, %swap3A_213] {strides = array<i32>} : memref<80x64xf32, #tpu.memory_space<vmem>>, vector<1x16xf32>,
    %swap3A_215 = vector.shape_cast %swap3A_214 : vector<1x16xf32> to vector<16xf32>
    %swap3A_216 = vector.shape_cast %broadcast_in_dim3A_1 : vector<16xf32> to vector<1x16xf32>
    tpu.vector_store %arg10[%swap3A_212, %swap3A_213], %swap3A_216 {strides = array<i32>} : memref<80x64xf32, #tpu.memory_space<vmem>>, vector<1x16xf32>,
    %swap3A_217 = arith.constant 9 : i32
    %swap3A_218 = arith.index_cast %swap3A_217 : i32 to index
    %swap3A_219 = arith.constant 0 : index
    %swap3A_220 = tpu.vector_load %arg10[%swap3A_218, %swap3A_219] {strides = array<i32>} : memref<80x64xf32, #tpu.memory_space<vmem>>, vector<1x16xf32>,
    %swap3A_221 = vector.shape_cast %swap3A_220 : vector<1x16xf32> to vector<16xf32>
    %swap3A_222 = vector.shape_cast %broadcast_in_dim3A_1 : vector<16xf32> to vector<1x16xf32>
    tpu.vector_store %arg10[%swap3A_218, %swap3A_219], %swap3A_222 {strides = array<i32>} : memref<80x64xf32, #tpu.memory_space<vmem>>, vector<1x16xf32>,
    %swap3A_223 = arith.constant 9 : i32
    %swap3A_224 = arith.index_cast %swap3A_223 : i32 to index
    %swap3A_225 = arith.constant 16 : index
    %swap3A_226 = tpu.vector_load %arg10[%swap3A_224, %swap3A_225] {strides = array<i32>} : memref<80x64xf32, #tpu.memory_space<vmem>>, vector<1x16xf32>,
    %swap3A_227 = vector.shape_cast %swap3A_226 : vector<1x16xf32> to vector<16xf32>
    %swap3A_228 = vector.shape_cast %broadcast_in_dim3A_1 : vector<16xf32> to vector<1x16xf32>
    tpu.vector_store %arg10[%swap3A_224, %swap3A_225], %swap3A_228 {strides = array<i32>} : memref<80x64xf32, #tpu.memory_space<vmem>>, vector<1x16xf32>,
    %swap3A_229 = arith.constant 9 : i32
    %swap3A_230 = arith.index_cast %swap3A_229 : i32 to index
    %swap3A_231 = arith.constant 32 : index
    %swap3A_232 = tpu.vector_load %arg10[%swap3A_230, %swap3A_231] {strides = array<i32>} : memref<80x64xf32, #tpu.memory_space<vmem>>, vector<1x16xf32>,
    %swap3A_233 = vector.shape_cast %swap3A_232 : vector<1x16xf32> to vector<16xf32>
    %swap3A_234 = vector.shape_cast %broadcast_in_dim3A_1 : vector<16xf32> to vector<1x16xf32>
    tpu.vector_store %arg10[%swap3A_230, %swap3A_231], %swap3A_234 {strides = array<i32>} : memref<80x64xf32, #tpu.memory_space<vmem>>, vector<1x16xf32>,
    %swap3A_235 = arith.constant 9 : i32
    %swap3A_236 = arith.index_cast %swap3A_235 : i32 to index
    %swap3A_237 = arith.constant 48 : index
    %swap3A_238 = tpu.vector_load %arg10[%swap3A_236, %swap3A_237] {strides = array<i32>} : memref<80x64xf32, #tpu.memory_space<vmem>>, vector<1x16xf32>,
    %swap3A_239 = vector.shape_cast %swap3A_238 : vector<1x16xf32> to vector<16xf32>
    %swap3A_240 = vector.shape_cast %broadcast_in_dim3A_1 : vector<16xf32> to vector<1x16xf32>
    tpu.vector_store %arg10[%swap3A_236, %swap3A_237], %swap3A_240 {strides = array<i32>} : memref<80x64xf32, #tpu.memory_space<vmem>>, vector<1x16xf32>,
    %swap3A_241 = arith.constant 10 : i32
    %swap3A_242 = arith.index_cast %swap3A_241 : i32 to index
    %swap3A_243 = arith.constant 0 : index
    %swap3A_244 = tpu.vector_load %arg10[%swap3A_242, %swap3A_243] {strides = array<i32>} : memref<80x64xf32, #tpu.memory_space<vmem>>, vector<1x16xf32>,
    %swap3A_245 = vector.shape_cast %swap3A_244 : vector<1x16xf32> to vector<16xf32>
    %swap3A_246 = vector.shape_cast %broadcast_in_dim3A_1 : vector<16xf32> to vector<1x16xf32>
    tpu.vector_store %arg10[%swap3A_242, %swap3A_243], %swap3A_246 {strides = array<i32>} : memref<80x64xf32, #tpu.memory_space<vmem>>, vector<1x16xf32>,
    %swap3A_247 = arith.constant 10 : i32
    %swap3A_248 = arith.index_cast %swap3A_247 : i32 to index
    %swap3A_249 = arith.constant 16 : index
    %swap3A_250 = tpu.vector_load %arg10[%swap3A_248, %swap3A_249] {strides = array<i32>} : memref<80x64xf32, #tpu.memory_space<vmem>>, vector<1x16xf32>,
    %swap3A_251 = vector.shape_cast %swap3A_250 : vector<1x16xf32> to vector<16xf32>
    %swap3A_252 = vector.shape_cast %broadcast_in_dim3A_1 : vector<16xf32> to vector<1x16xf32>
    tpu.vector_store %arg10[%swap3A_248, %swap3A_249], %swap3A_252 {strides = array<i32>} : memref<80x64xf32, #tpu.memory_space<vmem>>, vector<1x16xf32>,
    %swap3A_253 = arith.constant 10 : i32
    %swap3A_254 = arith.index_cast %swap3A_253 : i32 to index
    %swap3A_255 = arith.constant 32 : index
    %swap3A_256 = tpu.vector_load %arg10[%swap3A_254, %swap3A_255] {strides = array<i32>} : memref<80x64xf32, #tpu.memory_space<vmem>>, vector<1x16xf32>,
    %swap3A_257 = vector.shape_cast %swap3A_256 : vector<1x16xf32> to vector<16xf32>
    %swap3A_258 = vector.shape_cast %broadcast_in_dim3A_1 : vector<16xf32> to vector<1x16xf32>
    tpu.vector_store %arg10[%swap3A_254, %swap3A_255], %swap3A_258 {strides = array<i32>} : memref<80x64xf32, #tpu.memory_space<vmem>>, vector<1x16xf32>,
    %swap3A_259 = arith.constant 10 : i32
    %swap3A_260 = arith.index_cast %swap3A_259 : i32 to index
    %swap3A_261 = arith.constant 48 : index
    %swap3A_262 = tpu.vector_load %arg10[%swap3A_260, %swap3A_261] {strides = array<i32>} : memref<80x64xf32, #tpu.memory_space<vmem>>, vector<1x16xf32>,
    %swap3A_263 = vector.shape_cast %swap3A_262 : vector<1x16xf32> to vector<16xf32>
    %swap3A_264 = vector.shape_cast %broadcast_in_dim3A_1 : vector<16xf32> to vector<1x16xf32>
    tpu.vector_store %arg10[%swap3A_260, %swap3A_261], %swap3A_264 {strides = array<i32>} : memref<80x64xf32, #tpu.memory_space<vmem>>, vector<1x16xf32>,
    %swap3A_265 = arith.constant 11 : i32
    %swap3A_266 = arith.index_cast %swap3A_265 : i32 to index
    %swap3A_267 = arith.constant 0 : index
    %swap3A_268 = tpu.vector_load %arg10[%swap3A_266, %swap3A_267] {strides = array<i32>} : memref<80x64xf32, #tpu.memory_space<vmem>>, vector<1x16xf32>,
    %swap3A_269 = vector.shape_cast %swap3A_268 : vector<1x16xf32> to vector<16xf32>
    %swap3A_270 = vector.shape_cast %broadcast_in_dim3A_1 : vector<16xf32> to vector<1x16xf32>
    tpu.vector_store %arg10[%swap3A_266, %swap3A_267], %swap3A_270 {strides = array<i32>} : memref<80x64xf32, #tpu.memory_space<vmem>>, vector<1x16xf32>,
    %swap3A_271 = arith.constant 11 : i32
    %swap3A_272 = arith.index_cast %swap3A_271 : i32 to index
    %swap3A_273 = arith.constant 16 : index
    %swap3A_274 = tpu.vector_load %arg10[%swap3A_272, %swap3A_273] {strides = array<i32>} : memref<80x64xf32, #tpu.memory_space<vmem>>, vector<1x16xf32>,
    %swap3A_275 = vector.shape_cast %swap3A_274 : vector<1x16xf32> to vector<16xf32>
    %swap3A_276 = vector.shape_cast %broadcast_in_dim3A_1 : vector<16xf32> to vector<1x16xf32>
    tpu.vector_store %arg10[%swap3A_272, %swap3A_273], %swap3A_276 {strides = array<i32>} : memref<80x64xf32, #tpu.memory_space<vmem>>, vector<1x16xf32>,
    %swap3A_277 = arith.constant 11 : i32
    %swap3A_278 = arith.index_cast %swap3A_277 : i32 to index
    %swap3A_279 = arith.constant 32 : index
    %swap3A_280 = tpu.vector_load %arg10[%swap3A_278, %swap3A_279] {strides = array<i32>} : memref<80x64xf32, #tpu.memory_space<vmem>>, vector<1x16xf32>,
    %swap3A_281 = vector.shape_cast %swap3A_280 : vector<1x16xf32> to vector<16xf32>
    %swap3A_282 = vector.shape_cast %broadcast_in_dim3A_1 : vector<16xf32> to vector<1x16xf32>
    tpu.vector_store %arg10[%swap3A_278, %swap3A_279], %swap3A_282 {strides = array<i32>} : memref<80x64xf32, #tpu.memory_space<vmem>>, vector<1x16xf32>,
    %swap3A_283 = arith.constant 11 : i32
    %swap3A_284 = arith.index_cast %swap3A_283 : i32 to index
    %swap3A_285 = arith.constant 48 : index
    %swap3A_286 = tpu.vector_load %arg10[%swap3A_284, %swap3A_285] {strides = array<i32>} : memref<80x64xf32, #tpu.memory_space<vmem>>, vector<1x16xf32>,
    %swap3A_287 = vector.shape_cast %swap3A_286 : vector<1x16xf32> to vector<16xf32>
    %swap3A_288 = vector.shape_cast %broadcast_in_dim3A_1 : vector<16xf32> to vector<1x16xf32>
    tpu.vector_store %arg10[%swap3A_284, %swap3A_285], %swap3A_288 {strides = array<i32>} : memref<80x64xf32, #tpu.memory_space<vmem>>, vector<1x16xf32>,
    %swap3A_289 = arith.constant 12 : i32
    %swap3A_290 = arith.index_cast %swap3A_289 : i32 to index
    %swap3A_291 = arith.constant 0 : index
    %swap3A_292 = tpu.vector_load %arg10[%swap3A_290, %swap3A_291] {strides = array<i32>} : memref<80x64xf32, #tpu.memory_space<vmem>>, vector<1x16xf32>,
    %swap3A_293 = vector.shape_cast %swap3A_292 : vector<1x16xf32> to vector<16xf32>
    %swap3A_294 = vector.shape_cast %broadcast_in_dim3A_1 : vector<16xf32> to vector<1x16xf32>
    tpu.vector_store %arg10[%swap3A_290, %swap3A_291], %swap3A_294 {strides = array<i32>} : memref<80x64xf32, #tpu.memory_space<vmem>>, vector<1x16xf32>,
    %swap3A_295 = arith.constant 12 : i32
    %swap3A_296 = arith.index_cast %swap3A_295 : i32 to index
    %swap3A_297 = arith.constant 16 : index
    %swap3A_298 = tpu.vector_load %arg10[%swap3A_296, %swap3A_297] {strides = array<i32>} : memref<80x64xf32, #tpu.memory_space<vmem>>, vector<1x16xf32>,
    %swap3A_299 = vector.shape_cast %swap3A_298 : vector<1x16xf32> to vector<16xf32>
    %swap3A_300 = vector.shape_cast %broadcast_in_dim3A_1 : vector<16xf32> to vector<1x16xf32>
    tpu.vector_store %arg10[%swap3A_296, %swap3A_297], %swap3A_300 {strides = array<i32>} : memref<80x64xf32, #tpu.memory_space<vmem>>, vector<1x16xf32>,
    %swap3A_301 = arith.constant 12 : i32
    %swap3A_302 = arith.index_cast %swap3A_301 : i32 to index
    %swap3A_303 = arith.constant 32 : index
    %swap3A_304 = tpu.vector_load %arg10[%swap3A_302, %swap3A_303] {strides = array<i32>} : memref<80x64xf32, #tpu.memory_space<vmem>>, vector<1x16xf32>,
    %swap3A_305 = vector.shape_cast %swap3A_304 : vector<1x16xf32> to vector<16xf32>
    %swap3A_306 = vector.shape_cast %broadcast_in_dim3A_1 : vector<16xf32> to vector<1x16xf32>
    tpu.vector_store %arg10[%swap3A_302, %swap3A_303], %swap3A_306 {strides = array<i32>} : memref<80x64xf32, #tpu.memory_space<vmem>>, vector<1x16xf32>,
    %swap3A_307 = arith.constant 12 : i32
    %swap3A_308 = arith.index_cast %swap3A_307 : i32 to index
    %swap3A_309 = arith.constant 48 : index
    %swap3A_310 = tpu.vector_load %arg10[%swap3A_308, %swap3A_309] {strides = array<i32>} : memref<80x64xf32, #tpu.memory_space<vmem>>, vector<1x16xf32>,
    %swap3A_311 = vector.shape_cast %swap3A_310 : vector<1x16xf32> to vector<16xf32>
    %swap3A_312 = vector.shape_cast %broadcast_in_dim3A_1 : vector<16xf32> to vector<1x16xf32>
    tpu.vector_store %arg10[%swap3A_308, %swap3A_309], %swap3A_312 {strides = array<i32>} : memref<80x64xf32, #tpu.memory_space<vmem>>, vector<1x16xf32>,
    %swap3A_313 = arith.constant 13 : i32
    %swap3A_314 = arith.index_cast %swap3A_313 : i32 to index
    %swap3A_315 = arith.constant 0 : index
    %swap3A_316 = tpu.vector_load %arg10[%swap3A_314, %swap3A_315] {strides = array<i32>} : memref<80x64xf32, #tpu.memory_space<vmem>>, vector<1x16xf32>,
    %swap3A_317 = vector.shape_cast %swap3A_316 : vector<1x16xf32> to vector<16xf32>
    %swap3A_318 = vector.shape_cast %broadcast_in_dim3A_1 : vector<16xf32> to vector<1x16xf32>
    tpu.vector_store %arg10[%swap3A_314, %swap3A_315], %swap3A_318 {strides = array<i32>} : memref<80x64xf32, #tpu.memory_space<vmem>>, vector<1x16xf32>,
    %swap3A_319 = arith.constant 13 : i32
    %swap3A_320 = arith.index_cast %swap3A_319 : i32 to index
    %swap3A_321 = arith.constant 16 : index
    %swap3A_322 = tpu.vector_load %arg10[%swap3A_320, %swap3A_321] {strides = array<i32>} : memref<80x64xf32, #tpu.memory_space<vmem>>, vector<1x16xf32>,
    %swap3A_323 = vector.shape_cast %swap3A_322 : vector<1x16xf32> to vector<16xf32>
    %swap3A_324 = vector.shape_cast %broadcast_in_dim3A_1 : vector<16xf32> to vector<1x16xf32>
    tpu.vector_store %arg10[%swap3A_320, %swap3A_321], %swap3A_324 {strides = array<i32>} : memref<80x64xf32, #tpu.memory_space<vmem>>, vector<1x16xf32>,
    %swap3A_325 = arith.constant 13 : i32
    %swap3A_326 = arith.index_cast %swap3A_325 : i32 to index
    %swap3A_327 = arith.constant 32 : index
    %swap3A_328 = tpu.vector_load %arg10[%swap3A_326, %swap3A_327] {strides = array<i32>} : memref<80x64xf32, #tpu.memory_space<vmem>>, vector<1x16xf32>,
    %swap3A_329 = vector.shape_cast %swap3A_328 : vector<1x16xf32> to vector<16xf32>
    %swap3A_330 = vector.shape_cast %broadcast_in_dim3A_1 : vector<16xf32> to vector<1x16xf32>
    tpu.vector_store %arg10[%swap3A_326, %swap3A_327], %swap3A_330 {strides = array<i32>} : memref<80x64xf32, #tpu.memory_space<vmem>>, vector<1x16xf32>,
    %swap3A_331 = arith.constant 13 : i32
    %swap3A_332 = arith.index_cast %swap3A_331 : i32 to index
    %swap3A_333 = arith.constant 48 : index
    %swap3A_334 = tpu.vector_load %arg10[%swap3A_332, %swap3A_333] {strides = array<i32>} : memref<80x64xf32, #tpu.memory_space<vmem>>, vector<1x16xf32>,
    %swap3A_335 = vector.shape_cast %swap3A_334 : vector<1x16xf32> to vector<16xf32>
    %swap3A_336 = vector.shape_cast %broadcast_in_dim3A_1 : vector<16xf32> to vector<1x16xf32>
    tpu.vector_store %arg10[%swap3A_332, %swap3A_333], %swap3A_336 {strides = array<i32>} : memref<80x64xf32, #tpu.memory_space<vmem>>, vector<1x16xf32>,
    %swap3A_337 = arith.constant 14 : i32
    %swap3A_338 = arith.index_cast %swap3A_337 : i32 to index
    %swap3A_339 = arith.constant 0 : index
    %swap3A_340 = tpu.vector_load %arg10[%swap3A_338, %swap3A_339] {strides = array<i32>} : memref<80x64xf32, #tpu.memory_space<vmem>>, vector<1x16xf32>,
    %swap3A_341 = vector.shape_cast %swap3A_340 : vector<1x16xf32> to vector<16xf32>
    %swap3A_342 = vector.shape_cast %broadcast_in_dim3A_1 : vector<16xf32> to vector<1x16xf32>
    tpu.vector_store %arg10[%swap3A_338, %swap3A_339], %swap3A_342 {strides = array<i32>} : memref<80x64xf32, #tpu.memory_space<vmem>>, vector<1x16xf32>,
    %swap3A_343 = arith.constant 14 : i32
    %swap3A_344 = arith.index_cast %swap3A_343 : i32 to index
    %swap3A_345 = arith.constant 16 : index
    %swap3A_346 = tpu.vector_load %arg10[%swap3A_344, %swap3A_345] {strides = array<i32>} : memref<80x64xf32, #tpu.memory_space<vmem>>, vector<1x16xf32>,
    %swap3A_347 = vector.shape_cast %swap3A_346 : vector<1x16xf32> to vector<16xf32>
    %swap3A_348 = vector.shape_cast %broadcast_in_dim3A_1 : vector<16xf32> to vector<1x16xf32>
    tpu.vector_store %arg10[%swap3A_344, %swap3A_345], %swap3A_348 {strides = array<i32>} : memref<80x64xf32, #tpu.memory_space<vmem>>, vector<1x16xf32>,
    %swap3A_349 = arith.constant 14 : i32
    %swap3A_350 = arith.index_cast %swap3A_349 : i32 to index
    %swap3A_351 = arith.constant 32 : index
    %swap3A_352 = tpu.vector_load %arg10[%swap3A_350, %swap3A_351] {strides = array<i32>} : memref<80x64xf32, #tpu.memory_space<vmem>>, vector<1x16xf32>,
    %swap3A_353 = vector.shape_cast %swap3A_352 : vector<1x16xf32> to vector<16xf32>
    %swap3A_354 = vector.shape_cast %broadcast_in_dim3A_1 : vector<16xf32> to vector<1x16xf32>
    tpu.vector_store %arg10[%swap3A_350, %swap3A_351], %swap3A_354 {strides = array<i32>} : memref<80x64xf32, #tpu.memory_space<vmem>>, vector<1x16xf32>,
    %swap3A_355 = arith.constant 14 : i32
    %swap3A_356 = arith.index_cast %swap3A_355 : i32 to index
    %swap3A_357 = arith.constant 48 : index
    %swap3A_358 = tpu.vector_load %arg10[%swap3A_356, %swap3A_357] {strides = array<i32>} : memref<80x64xf32, #tpu.memory_space<vmem>>, vector<1x16xf32>,
    %swap3A_359 = vector.shape_cast %swap3A_358 : vector<1x16xf32> to vector<16xf32>
    %swap3A_360 = vector.shape_cast %broadcast_in_dim3A_1 : vector<16xf32> to vector<1x16xf32>
    tpu.vector_store %arg10[%swap3A_356, %swap3A_357], %swap3A_360 {strides = array<i32>} : memref<80x64xf32, #tpu.memory_space<vmem>>, vector<1x16xf32>,
    %swap3A_361 = arith.constant 15 : i32
    %swap3A_362 = arith.index_cast %swap3A_361 : i32 to index
    %swap3A_363 = arith.constant 0 : index
    %swap3A_364 = tpu.vector_load %arg10[%swap3A_362, %swap3A_363] {strides = array<i32>} : memref<80x64xf32, #tpu.memory_space<vmem>>, vector<1x16xf32>,
    %swap3A_365 = vector.shape_cast %swap3A_364 : vector<1x16xf32> to vector<16xf32>
    %swap3A_366 = vector.shape_cast %broadcast_in_dim3A_1 : vector<16xf32> to vector<1x16xf32>
    tpu.vector_store %arg10[%swap3A_362, %swap3A_363], %swap3A_366 {strides = array<i32>} : memref<80x64xf32, #tpu.memory_space<vmem>>, vector<1x16xf32>,
    %swap3A_367 = arith.constant 15 : i32
    %swap3A_368 = arith.index_cast %swap3A_367 : i32 to index
    %swap3A_369 = arith.constant 16 : index
    %swap3A_370 = tpu.vector_load %arg10[%swap3A_368, %swap3A_369] {strides = array<i32>} : memref<80x64xf32, #tpu.memory_space<vmem>>, vector<1x16xf32>,
    %swap3A_371 = vector.shape_cast %swap3A_370 : vector<1x16xf32> to vector<16xf32>
    %swap3A_372 = vector.shape_cast %broadcast_in_dim3A_1 : vector<16xf32> to vector<1x16xf32>
    tpu.vector_store %arg10[%swap3A_368, %swap3A_369], %swap3A_372 {strides = array<i32>} : memref<80x64xf32, #tpu.memory_space<vmem>>, vector<1x16xf32>,
    %swap3A_373 = arith.constant 15 : i32
    %swap3A_374 = arith.index_cast %swap3A_373 : i32 to index
    %swap3A_375 = arith.constant 32 : index
    %swap3A_376 = tpu.vector_load %arg10[%swap3A_374, %swap3A_375] {strides = array<i32>} : memref<80x64xf32, #tpu.memory_space<vmem>>, vector<1x16xf32>,
    %swap3A_377 = vector.shape_cast %swap3A_376 : vector<1x16xf32> to vector<16xf32>
    %swap3A_378 = vector.shape_cast %broadcast_in_dim3A_1 : vector<16xf32> to vector<1x16xf32>
    tpu.vector_store %arg10[%swap3A_374, %swap3A_375], %swap3A_378 {strides = array<i32>} : memref<80x64xf32, #tpu.memory_space<vmem>>, vector<1x16xf32>,
    %swap3A_379 = arith.constant 15 : i32
    %swap3A_380 = arith.index_cast %swap3A_379 : i32 to index
    %swap3A_381 = arith.constant 48 : index
    %swap3A_382 = tpu.vector_load %arg10[%swap3A_380, %swap3A_381] {strides = array<i32>} : memref<80x64xf32, #tpu.memory_space<vmem>>, vector<1x16xf32>,
    %swap3A_383 = vector.shape_cast %swap3A_382 : vector<1x16xf32> to vector<16xf32>
    %swap3A_384 = vector.shape_cast %broadcast_in_dim3A_1 : vector<16xf32> to vector<1x16xf32>
    tpu.vector_store %arg10[%swap3A_380, %swap3A_381], %swap3A_384 {strides = array<i32>} : memref<80x64xf32, #tpu.memory_space<vmem>>, vector<1x16xf32>,
    %swap3A_385 = arith.constant 16 : i32
    %swap3A_386 = arith.index_cast %swap3A_385 : i32 to index
    %swap3A_387 = arith.constant 0 : index
    %swap3A_388 = tpu.vector_load %arg10[%swap3A_386, %swap3A_387] {strides = array<i32>} : memref<80x64xf32, #tpu.memory_space<vmem>>, vector<1x16xf32>,
    %swap3A_389 = vector.shape_cast %swap3A_388 : vector<1x16xf32> to vector<16xf32>
    %swap3A_390 = vector.shape_cast %broadcast_in_dim3A_1 : vector<16xf32> to vector<1x16xf32>
    tpu.vector_store %arg10[%swap3A_386, %swap3A_387], %swap3A_390 {strides = array<i32>} : memref<80x64xf32, #tpu.memory_space<vmem>>, vector<1x16xf32>,
    %swap3A_391 = arith.constant 16 : i32
    %swap3A_392 = arith.index_cast %swap3A_391 : i32 to index
    %swap3A_393 = arith.constant 16 : index
    %swap3A_394 = tpu.vector_load %arg10[%swap3A_392, %swap3A_393] {strides = array<i32>} : memref<80x64xf32, #tpu.memory_space<vmem>>, vector<1x16xf32>,
    %swap3A_395 = vector.shape_cast %swap3A_394 : vector<1x16xf32> to vector<16xf32>
    %swap3A_396 = vector.shape_cast %broadcast_in_dim3A_1 : vector<16xf32> to vector<1x16xf32>
    tpu.vector_store %arg10[%swap3A_392, %swap3A_393], %swap3A_396 {strides = array<i32>} : memref<80x64xf32, #tpu.memory_space<vmem>>, vector<1x16xf32>,
    %swap3A_397 = arith.constant 16 : i32
    %swap3A_398 = arith.index_cast %swap3A_397 : i32 to index
    %swap3A_399 = arith.constant 32 : index
    %swap3A_400 = tpu.vector_load %arg10[%swap3A_398, %swap3A_399] {strides = array<i32>} : memref<80x64xf32, #tpu.memory_space<vmem>>, vector<1x16xf32>,
    %swap3A_401 = vector.shape_cast %swap3A_400 : vector<1x16xf32> to vector<16xf32>
    %swap3A_402 = vector.shape_cast %broadcast_in_dim3A_1 : vector<16xf32> to vector<1x16xf32>
    tpu.vector_store %arg10[%swap3A_398, %swap3A_399], %swap3A_402 {strides = array<i32>} : memref<80x64xf32, #tpu.memory_space<vmem>>, vector<1x16xf32>,
    %swap3A_403 = arith.constant 16 : i32
    %swap3A_404 = arith.index_cast %swap3A_403 : i32 to index
    %swap3A_405 = arith.constant 48 : index
    %swap3A_406 = tpu.vector_load %arg10[%swap3A_404, %swap3A_405] {strides = array<i32>} : memref<80x64xf32, #tpu.memory_space<vmem>>, vector<1x16xf32>,
    %swap3A_407 = vector.shape_cast %swap3A_406 : vector<1x16xf32> to vector<16xf32>
    %swap3A_408 = vector.shape_cast %broadcast_in_dim3A_1 : vector<16xf32> to vector<1x16xf32>
    tpu.vector_store %arg10[%swap3A_404, %swap3A_405], %swap3A_408 {strides = array<i32>} : memref<80x64xf32, #tpu.memory_space<vmem>>, vector<1x16xf32>,
    %swap3A_409 = arith.constant 17 : i32
    %swap3A_410 = arith.index_cast %swap3A_409 : i32 to index
    %swap3A_411 = arith.constant 0 : index
    %swap3A_412 = tpu.vector_load %arg10[%swap3A_410, %swap3A_411] {strides = array<i32>} : memref<80x64xf32, #tpu.memory_space<vmem>>, vector<1x16xf32>,
    %swap3A_413 = vector.shape_cast %swap3A_412 : vector<1x16xf32> to vector<16xf32>
    %swap3A_414 = vector.shape_cast %broadcast_in_dim3A_1 : vector<16xf32> to vector<1x16xf32>
    tpu.vector_store %arg10[%swap3A_410, %swap3A_411], %swap3A_414 {strides = array<i32>} : memref<80x64xf32, #tpu.memory_space<vmem>>, vector<1x16xf32>,
    %swap3A_415 = arith.constant 17 : i32
    %swap3A_416 = arith.index_cast %swap3A_415 : i32 to index
    %swap3A_417 = arith.constant 16 : index
    %swap3A_418 = tpu.vector_load %arg10[%swap3A_416, %swap3A_417] {strides = array<i32>} : memref<80x64xf32, #tpu.memory_space<vmem>>, vector<1x16xf32>,
    %swap3A_419 = vector.shape_cast %swap3A_418 : vector<1x16xf32> to vector<16xf32>
    %swap3A_420 = vector.shape_cast %broadcast_in_dim3A_1 : vector<16xf32> to vector<1x16xf32>
    tpu.vector_store %arg10[%swap3A_416, %swap3A_417], %swap3A_420 {strides = array<i32>} : memref<80x64xf32, #tpu.memory_space<vmem>>, vector<1x16xf32>,
    %swap3A_421 = arith.constant 17 : i32
    %swap3A_422 = arith.index_cast %swap3A_421 : i32 to index
    %swap3A_423 = arith.constant 32 : index
    %swap3A_424 = tpu.vector_load %arg10[%swap3A_422, %swap3A_423] {strides = array<i32>} : memref<80x64xf32, #tpu.memory_space<vmem>>, vector<1x16xf32>,
    %swap3A_425 = vector.shape_cast %swap3A_424 : vector<1x16xf32> to vector<16xf32>
    %swap3A_426 = vector.shape_cast %broadcast_in_dim3A_1 : vector<16xf32> to vector<1x16xf32>
    tpu.vector_store %arg10[%swap3A_422, %swap3A_423], %swap3A_426 {strides = array<i32>} : memref<80x64xf32, #tpu.memory_space<vmem>>, vector<1x16xf32>,
    %swap3A_427 = arith.constant 17 : i32
    %swap3A_428 = arith.index_cast %swap3A_427 : i32 to index
    %swap3A_429 = arith.constant 48 : index
    %swap3A_430 = tpu.vector_load %arg10[%swap3A_428, %swap3A_429] {strides = array<i32>} : memref<80x64xf32, #tpu.memory_space<vmem>>, vector<1x16xf32>,
    %swap3A_431 = vector.shape_cast %swap3A_430 : vector<1x16xf32> to vector<16xf32>
    %swap3A_432 = vector.shape_cast %broadcast_in_dim3A_1 : vector<16xf32> to vector<1x16xf32>
    tpu.vector_store %arg10[%swap3A_428, %swap3A_429], %swap3A_432 {strides = array<i32>} : memref<80x64xf32, #tpu.memory_space<vmem>>, vector<1x16xf32>,
    %swap3A_433 = arith.constant 18 : i32
    %swap3A_434 = arith.index_cast %swap3A_433 : i32 to index
    %swap3A_435 = arith.constant 0 : index
    %swap3A_436 = tpu.vector_load %arg10[%swap3A_434, %swap3A_435] {strides = array<i32>} : memref<80x64xf32, #tpu.memory_space<vmem>>, vector<1x16xf32>,
    %swap3A_437 = vector.shape_cast %swap3A_436 : vector<1x16xf32> to vector<16xf32>
    %swap3A_438 = vector.shape_cast %broadcast_in_dim3A_1 : vector<16xf32> to vector<1x16xf32>
    tpu.vector_store %arg10[%swap3A_434, %swap3A_435], %swap3A_438 {strides = array<i32>} : memref<80x64xf32, #tpu.memory_space<vmem>>, vector<1x16xf32>,
    %swap3A_439 = arith.constant 18 : i32
    %swap3A_440 = arith.index_cast %swap3A_439 : i32 to index
    %swap3A_441 = arith.constant 16 : index
    %swap3A_442 = tpu.vector_load %arg10[%swap3A_440, %swap3A_441] {strides = array<i32>} : memref<80x64xf32, #tpu.memory_space<vmem>>, vector<1x16xf32>,
    %swap3A_443 = vector.shape_cast %swap3A_442 : vector<1x16xf32> to vector<16xf32>
    %swap3A_444 = vector.shape_cast %broadcast_in_dim3A_1 : vector<16xf32> to vector<1x16xf32>
    tpu.vector_store %arg10[%swap3A_440, %swap3A_441], %swap3A_444 {strides = array<i32>} : memref<80x64xf32, #tpu.memory_space<vmem>>, vector<1x16xf32>,
    %swap3A_445 = arith.constant 18 : i32
    %swap3A_446 = arith.index_cast %swap3A_445 : i32 to index
    %swap3A_447 = arith.constant 32 : index
    %swap3A_448 = tpu.vector_load %arg10[%swap3A_446, %swap3A_447] {strides = array<i32>} : memref<80x64xf32, #tpu.memory_space<vmem>>, vector<1x16xf32>,
    %swap3A_449 = vector.shape_cast %swap3A_448 : vector<1x16xf32> to vector<16xf32>
    %swap3A_450 = vector.shape_cast %broadcast_in_dim3A_1 : vector<16xf32> to vector<1x16xf32>
    tpu.vector_store %arg10[%swap3A_446, %swap3A_447], %swap3A_450 {strides = array<i32>} : memref<80x64xf32, #tpu.memory_space<vmem>>, vector<1x16xf32>,
    %swap3A_451 = arith.constant 18 : i32
    %swap3A_452 = arith.index_cast %swap3A_451 : i32 to index
    %swap3A_453 = arith.constant 48 : index
    %swap3A_454 = tpu.vector_load %arg10[%swap3A_452, %swap3A_453] {strides = array<i32>} : memref<80x64xf32, #tpu.memory_space<vmem>>, vector<1x16xf32>,
    %swap3A_455 = vector.shape_cast %swap3A_454 : vector<1x16xf32> to vector<16xf32>
    %swap3A_456 = vector.shape_cast %broadcast_in_dim3A_1 : vector<16xf32> to vector<1x16xf32>
    tpu.vector_store %arg10[%swap3A_452, %swap3A_453], %swap3A_456 {strides = array<i32>} : memref<80x64xf32, #tpu.memory_space<vmem>>, vector<1x16xf32>,
    %swap3A_457 = arith.constant 19 : i32
    %swap3A_458 = arith.index_cast %swap3A_457 : i32 to index
    %swap3A_459 = arith.constant 0 : index
    %swap3A_460 = tpu.vector_load %arg10[%swap3A_458, %swap3A_459] {strides = array<i32>} : memref<80x64xf32, #tpu.memory_space<vmem>>, vector<1x16xf32>,
    %swap3A_461 = vector.shape_cast %swap3A_460 : vector<1x16xf32> to vector<16xf32>
    %swap3A_462 = vector.shape_cast %broadcast_in_dim3A_1 : vector<16xf32> to vector<1x16xf32>
    tpu.vector_store %arg10[%swap3A_458, %swap3A_459], %swap3A_462 {strides = array<i32>} : memref<80x64xf32, #tpu.memory_space<vmem>>, vector<1x16xf32>,
    %swap3A_463 = arith.constant 19 : i32
    %swap3A_464 = arith.index_cast %swap3A_463 : i32 to index
    %swap3A_465 = arith.constant 16 : index
    %swap3A_466 = tpu.vector_load %arg10[%swap3A_464, %swap3A_465] {strides = array<i32>} : memref<80x64xf32, #tpu.memory_space<vmem>>, vector<1x16xf32>,
    %swap3A_467 = vector.shape_cast %swap3A_466 : vector<1x16xf32> to vector<16xf32>
    %swap3A_468 = vector.shape_cast %broadcast_in_dim3A_1 : vector<16xf32> to vector<1x16xf32>
    tpu.vector_store %arg10[%swap3A_464, %swap3A_465], %swap3A_468 {strides = array<i32>} : memref<80x64xf32, #tpu.memory_space<vmem>>, vector<1x16xf32>,
    %swap3A_469 = arith.constant 19 : i32
    %swap3A_470 = arith.index_cast %swap3A_469 : i32 to index
    %swap3A_471 = arith.constant 32 : index
    %swap3A_472 = tpu.vector_load %arg10[%swap3A_470, %swap3A_471] {strides = array<i32>} : memref<80x64xf32, #tpu.memory_space<vmem>>, vector<1x16xf32>,
    %swap3A_473 = vector.shape_cast %swap3A_472 : vector<1x16xf32> to vector<16xf32>
    %swap3A_474 = vector.shape_cast %broadcast_in_dim3A_1 : vector<16xf32> to vector<1x16xf32>
    tpu.vector_store %arg10[%swap3A_470, %swap3A_471], %swap3A_474 {strides = array<i32>} : memref<80x64xf32, #tpu.memory_space<vmem>>, vector<1x16xf32>,
    %swap3A_475 = arith.constant 19 : i32
    %swap3A_476 = arith.index_cast %swap3A_475 : i32 to index
    %swap3A_477 = arith.constant 48 : index
    %swap3A_478 = tpu.vector_load %arg10[%swap3A_476, %swap3A_477] {strides = array<i32>} : memref<80x64xf32, #tpu.memory_space<vmem>>, vector<1x16xf32>,
    %swap3A_479 = vector.shape_cast %swap3A_478 : vector<1x16xf32> to vector<16xf32>
    %swap3A_480 = vector.shape_cast %broadcast_in_dim3A_1 : vector<16xf32> to vector<1x16xf32>
    tpu.vector_store %arg10[%swap3A_476, %swap3A_477], %swap3A_480 {strides = array<i32>} : memref<80x64xf32, #tpu.memory_space<vmem>>, vector<1x16xf32>,
    %swap3A_481 = arith.constant 20 : i32
    %swap3A_482 = arith.index_cast %swap3A_481 : i32 to index
    %swap3A_483 = arith.constant 0 : index
    %swap3A_484 = tpu.vector_load %arg10[%swap3A_482, %swap3A_483] {strides = array<i32>} : memref<80x64xf32, #tpu.memory_space<vmem>>, vector<1x16xf32>,
    %swap3A_485 = vector.shape_cast %swap3A_484 : vector<1x16xf32> to vector<16xf32>
    %swap3A_486 = vector.shape_cast %broadcast_in_dim3A_1 : vector<16xf32> to vector<1x16xf32>
    tpu.vector_store %arg10[%swap3A_482, %swap3A_483], %swap3A_486 {strides = array<i32>} : memref<80x64xf32, #tpu.memory_space<vmem>>, vector<1x16xf32>,
    %swap3A_487 = arith.constant 20 : i32
    %swap3A_488 = arith.index_cast %swap3A_487 : i32 to index
    %swap3A_489 = arith.constant 16 : index
    %swap3A_490 = tpu.vector_load %arg10[%swap3A_488, %swap3A_489] {strides = array<i32>} : memref<80x64xf32, #tpu.memory_space<vmem>>, vector<1x16xf32>,
    %swap3A_491 = vector.shape_cast %swap3A_490 : vector<1x16xf32> to vector<16xf32>
    %swap3A_492 = vector.shape_cast %broadcast_in_dim3A_1 : vector<16xf32> to vector<1x16xf32>
    tpu.vector_store %arg10[%swap3A_488, %swap3A_489], %swap3A_492 {strides = array<i32>} : memref<80x64xf32, #tpu.memory_space<vmem>>, vector<1x16xf32>,
    %swap3A_493 = arith.constant 20 : i32
    %swap3A_494 = arith.index_cast %swap3A_493 : i32 to index
    %swap3A_495 = arith.constant 32 : index
    %swap3A_496 = tpu.vector_load %arg10[%swap3A_494, %swap3A_495] {strides = array<i32>} : memref<80x64xf32, #tpu.memory_space<vmem>>, vector<1x16xf32>,
    %swap3A_497 = vector.shape_cast %swap3A_496 : vector<1x16xf32> to vector<16xf32>
    %swap3A_498 = vector.shape_cast %broadcast_in_dim3A_1 : vector<16xf32> to vector<1x16xf32>
    tpu.vector_store %arg10[%swap3A_494, %swap3A_495], %swap3A_498 {strides = array<i32>} : memref<80x64xf32, #tpu.memory_space<vmem>>, vector<1x16xf32>,
    %swap3A_499 = arith.constant 20 : i32
    %swap3A_500 = arith.index_cast %swap3A_499 : i32 to index
    %swap3A_501 = arith.constant 48 : index
    %swap3A_502 = tpu.vector_load %arg10[%swap3A_500, %swap3A_501] {strides = array<i32>} : memref<80x64xf32, #tpu.memory_space<vmem>>, vector<1x16xf32>,
    %swap3A_503 = vector.shape_cast %swap3A_502 : vector<1x16xf32> to vector<16xf32>
    %swap3A_504 = vector.shape_cast %broadcast_in_dim3A_1 : vector<16xf32> to vector<1x16xf32>
    tpu.vector_store %arg10[%swap3A_500, %swap3A_501], %swap3A_504 {strides = array<i32>} : memref<80x64xf32, #tpu.memory_space<vmem>>, vector<1x16xf32>,
    %swap3A_505 = arith.constant 21 : i32
    %swap3A_506 = arith.index_cast %swap3A_505 : i32 to index
    %swap3A_507 = arith.constant 0 : index
    %swap3A_508 = tpu.vector_load %arg10[%swap3A_506, %swap3A_507] {strides = array<i32>} : memref<80x64xf32, #tpu.memory_space<vmem>>, vector<1x16xf32>,
    %swap3A_509 = vector.shape_cast %swap3A_508 : vector<1x16xf32> to vector<16xf32>
    %swap3A_510 = vector.shape_cast %broadcast_in_dim3A_1 : vector<16xf32> to vector<1x16xf32>
    tpu.vector_store %arg10[%swap3A_506, %swap3A_507], %swap3A_510 {strides = array<i32>} : memref<80x64xf32, #tpu.memory_space<vmem>>, vector<1x16xf32>,
    %swap3A_511 = arith.constant 21 : i32
    %swap3A_512 = arith.index_cast %swap3A_511 : i32 to index
    %swap3A_513 = arith.constant 16 : index
    %swap3A_514 = tpu.vector_load %arg10[%swap3A_512, %swap3A_513] {strides = array<i32>} : memref<80x64xf32, #tpu.memory_space<vmem>>, vector<1x16xf32>,
    %swap3A_515 = vector.shape_cast %swap3A_514 : vector<1x16xf32> to vector<16xf32>
    %swap3A_516 = vector.shape_cast %broadcast_in_dim3A_1 : vector<16xf32> to vector<1x16xf32>
    tpu.vector_store %arg10[%swap3A_512, %swap3A_513], %swap3A_516 {strides = array<i32>} : memref<80x64xf32, #tpu.memory_space<vmem>>, vector<1x16xf32>,
    %swap3A_517 = arith.constant 21 : i32
    %swap3A_518 = arith.index_cast %swap3A_517 : i32 to index
    %swap3A_519 = arith.constant 32 : index
    %swap3A_520 = tpu.vector_load %arg10[%swap3A_518, %swap3A_519] {strides = array<i32>} : memref<80x64xf32, #tpu.memory_space<vmem>>, vector<1x16xf32>,
    %swap3A_521 = vector.shape_cast %swap3A_520 : vector<1x16xf32> to vector<16xf32>
    %swap3A_522 = vector.shape_cast %broadcast_in_dim3A_1 : vector<16xf32> to vector<1x16xf32>
    tpu.vector_store %arg10[%swap3A_518, %swap3A_519], %swap3A_522 {strides = array<i32>} : memref<80x64xf32, #tpu.memory_space<vmem>>, vector<1x16xf32>,
    %swap3A_523 = arith.constant 21 : i32
    %swap3A_524 = arith.index_cast %swap3A_523 : i32 to index
    %swap3A_525 = arith.constant 48 : index
    %swap3A_526 = tpu.vector_load %arg10[%swap3A_524, %swap3A_525] {strides = array<i32>} : memref<80x64xf32, #tpu.memory_space<vmem>>, vector<1x16xf32>,
    %swap3A_527 = vector.shape_cast %swap3A_526 : vector<1x16xf32> to vector<16xf32>
    %swap3A_528 = vector.shape_cast %broadcast_in_dim3A_1 : vector<16xf32> to vector<1x16xf32>
    tpu.vector_store %arg10[%swap3A_524, %swap3A_525], %swap3A_528 {strides = array<i32>} : memref<80x64xf32, #tpu.memory_space<vmem>>, vector<1x16xf32>,
    %swap3A_529 = arith.constant 22 : i32
    %swap3A_530 = arith.index_cast %swap3A_529 : i32 to index
    %swap3A_531 = arith.constant 0 : index
    %swap3A_532 = tpu.vector_load %arg10[%swap3A_530, %swap3A_531] {strides = array<i32>} : memref<80x64xf32, #tpu.memory_space<vmem>>, vector<1x16xf32>,
    %swap3A_533 = vector.shape_cast %swap3A_532 : vector<1x16xf32> to vector<16xf32>
    %swap3A_534 = vector.shape_cast %broadcast_in_dim3A_1 : vector<16xf32> to vector<1x16xf32>
    tpu.vector_store %arg10[%swap3A_530, %swap3A_531], %swap3A_534 {strides = array<i32>} : memref<80x64xf32, #tpu.memory_space<vmem>>, vector<1x16xf32>,
    %swap3A_535 = arith.constant 22 : i32
    %swap3A_536 = arith.index_cast %swap3A_535 : i32 to index
    %swap3A_537 = arith.constant 16 : index
    %swap3A_538 = tpu.vector_load %arg10[%swap3A_536, %swap3A_537] {strides = array<i32>} : memref<80x64xf32, #tpu.memory_space<vmem>>, vector<1x16xf32>,
    %swap3A_539 = vector.shape_cast %swap3A_538 : vector<1x16xf32> to vector<16xf32>
    %swap3A_540 = vector.shape_cast %broadcast_in_dim3A_1 : vector<16xf32> to vector<1x16xf32>
    tpu.vector_store %arg10[%swap3A_536, %swap3A_537], %swap3A_540 {strides = array<i32>} : memref<80x64xf32, #tpu.memory_space<vmem>>, vector<1x16xf32>,
    %swap3A_541 = arith.constant 22 : i32
    %swap3A_542 = arith.index_cast %swap3A_541 : i32 to index
    %swap3A_543 = arith.constant 32 : index
    %swap3A_544 = tpu.vector_load %arg10[%swap3A_542, %swap3A_543] {strides = array<i32>} : memref<80x64xf32, #tpu.memory_space<vmem>>, vector<1x16xf32>,
    %swap3A_545 = vector.shape_cast %swap3A_544 : vector<1x16xf32> to vector<16xf32>
    %swap3A_546 = vector.shape_cast %broadcast_in_dim3A_1 : vector<16xf32> to vector<1x16xf32>
    tpu.vector_store %arg10[%swap3A_542, %swap3A_543], %swap3A_546 {strides = array<i32>} : memref<80x64xf32, #tpu.memory_space<vmem>>, vector<1x16xf32>,
    %swap3A_547 = arith.constant 22 : i32
    %swap3A_548 = arith.index_cast %swap3A_547 : i32 to index
    %swap3A_549 = arith.constant 48 : index
    %swap3A_550 = tpu.vector_load %arg10[%swap3A_548, %swap3A_549] {strides = array<i32>} : memref<80x64xf32, #tpu.memory_space<vmem>>, vector<1x16xf32>,
    %swap3A_551 = vector.shape_cast %swap3A_550 : vector<1x16xf32> to vector<16xf32>
    %swap3A_552 = vector.shape_cast %broadcast_in_dim3A_1 : vector<16xf32> to vector<1x16xf32>
    tpu.vector_store %arg10[%swap3A_548, %swap3A_549], %swap3A_552 {strides = array<i32>} : memref<80x64xf32, #tpu.memory_space<vmem>>, vector<1x16xf32>,
    %swap3A_553 = arith.constant 23 : i32
    %swap3A_554 = arith.index_cast %swap3A_553 : i32 to index
    %swap3A_555 = arith.constant 0 : index
    %swap3A_556 = tpu.vector_load %arg10[%swap3A_554, %swap3A_555] {strides = array<i32>} : memref<80x64xf32, #tpu.memory_space<vmem>>, vector<1x16xf32>,
    %swap3A_557 = vector.shape_cast %swap3A_556 : vector<1x16xf32> to vector<16xf32>
    %swap3A_558 = vector.shape_cast %broadcast_in_dim3A_1 : vector<16xf32> to vector<1x16xf32>
    tpu.vector_store %arg10[%swap3A_554, %swap3A_555], %swap3A_558 {strides = array<i32>} : memref<80x64xf32, #tpu.memory_space<vmem>>, vector<1x16xf32>,
    %swap3A_559 = arith.constant 23 : i32
    %swap3A_560 = arith.index_cast %swap3A_559 : i32 to index
    %swap3A_561 = arith.constant 16 : index
    %swap3A_562 = tpu.vector_load %arg10[%swap3A_560, %swap3A_561] {strides = array<i32>} : memref<80x64xf32, #tpu.memory_space<vmem>>, vector<1x16xf32>,
    %swap3A_563 = vector.shape_cast %swap3A_562 : vector<1x16xf32> to vector<16xf32>
    %swap3A_564 = vector.shape_cast %broadcast_in_dim3A_1 : vector<16xf32> to vector<1x16xf32>
    tpu.vector_store %arg10[%swap3A_560, %swap3A_561], %swap3A_564 {strides = array<i32>} : memref<80x64xf32, #tpu.memory_space<vmem>>, vector<1x16xf32>,
    %swap3A_565 = arith.constant 23 : i32
    %swap3A_566 = arith.index_cast %swap3A_565 : i32 to index
    %swap3A_567 = arith.constant 32 : index
    %swap3A_568 = tpu.vector_load %arg10[%swap3A_566, %swap3A_567] {strides = array<i32>} : memref<80x64xf32, #tpu.memory_space<vmem>>, vector<1x16xf32>,
    %swap3A_569 = vector.shape_cast %swap3A_568 : vector<1x16xf32> to vector<16xf32>
    %swap3A_570 = vector.shape_cast %broadcast_in_dim3A_1 : vector<16xf32> to vector<1x16xf32>
    tpu.vector_store %arg10[%swap3A_566, %swap3A_567], %swap3A_570 {strides = array<i32>} : memref<80x64xf32, #tpu.memory_space<vmem>>, vector<1x16xf32>,
    %swap3A_571 = arith.constant 23 : i32
    %swap3A_572 = arith.index_cast %swap3A_571 : i32 to index
    %swap3A_573 = arith.constant 48 : index
    %swap3A_574 = tpu.vector_load %arg10[%swap3A_572, %swap3A_573] {strides = array<i32>} : memref<80x64xf32, #tpu.memory_space<vmem>>, vector<1x16xf32>,
    %swap3A_575 = vector.shape_cast %swap3A_574 : vector<1x16xf32> to vector<16xf32>
    %swap3A_576 = vector.shape_cast %broadcast_in_dim3A_1 : vector<16xf32> to vector<1x16xf32>
    tpu.vector_store %arg10[%swap3A_572, %swap3A_573], %swap3A_576 {strides = array<i32>} : memref<80x64xf32, #tpu.memory_space<vmem>>, vector<1x16xf32>,
    %swap3A_577 = arith.constant 24 : i32
    %swap3A_578 = arith.index_cast %swap3A_577 : i32 to index
    %swap3A_579 = arith.constant 0 : index
    %swap3A_580 = tpu.vector_load %arg10[%swap3A_578, %swap3A_579] {strides = array<i32>} : memref<80x64xf32, #tpu.memory_space<vmem>>, vector<1x16xf32>,
    %swap3A_581 = vector.shape_cast %swap3A_580 : vector<1x16xf32> to vector<16xf32>
    %swap3A_582 = vector.shape_cast %broadcast_in_dim3A_1 : vector<16xf32> to vector<1x16xf32>
    tpu.vector_store %arg10[%swap3A_578, %swap3A_579], %swap3A_582 {strides = array<i32>} : memref<80x64xf32, #tpu.memory_space<vmem>>, vector<1x16xf32>,
    %swap3A_583 = arith.constant 24 : i32
    %swap3A_584 = arith.index_cast %swap3A_583 : i32 to index
    %swap3A_585 = arith.constant 16 : index
    %swap3A_586 = tpu.vector_load %arg10[%swap3A_584, %swap3A_585] {strides = array<i32>} : memref<80x64xf32, #tpu.memory_space<vmem>>, vector<1x16xf32>,
    %swap3A_587 = vector.shape_cast %swap3A_586 : vector<1x16xf32> to vector<16xf32>
    %swap3A_588 = vector.shape_cast %broadcast_in_dim3A_1 : vector<16xf32> to vector<1x16xf32>
    tpu.vector_store %arg10[%swap3A_584, %swap3A_585], %swap3A_588 {strides = array<i32>} : memref<80x64xf32, #tpu.memory_space<vmem>>, vector<1x16xf32>,
    %swap3A_589 = arith.constant 24 : i32
    %swap3A_590 = arith.index_cast %swap3A_589 : i32 to index
    %swap3A_591 = arith.constant 32 : index
    %swap3A_592 = tpu.vector_load %arg10[%swap3A_590, %swap3A_591] {strides = array<i32>} : memref<80x64xf32, #tpu.memory_space<vmem>>, vector<1x16xf32>,
    %swap3A_593 = vector.shape_cast %swap3A_592 : vector<1x16xf32> to vector<16xf32>
    %swap3A_594 = vector.shape_cast %broadcast_in_dim3A_1 : vector<16xf32> to vector<1x16xf32>
    tpu.vector_store %arg10[%swap3A_590, %swap3A_591], %swap3A_594 {strides = array<i32>} : memref<80x64xf32, #tpu.memory_space<vmem>>, vector<1x16xf32>,
    %swap3A_595 = arith.constant 24 : i32
    %swap3A_596 = arith.index_cast %swap3A_595 : i32 to index
    %swap3A_597 = arith.constant 48 : index
    %swap3A_598 = tpu.vector_load %arg10[%swap3A_596, %swap3A_597] {strides = array<i32>} : memref<80x64xf32, #tpu.memory_space<vmem>>, vector<1x16xf32>,
    %swap3A_599 = vector.shape_cast %swap3A_598 : vector<1x16xf32> to vector<16xf32>
    %swap3A_600 = vector.shape_cast %broadcast_in_dim3A_1 : vector<16xf32> to vector<1x16xf32>
    tpu.vector_store %arg10[%swap3A_596, %swap3A_597], %swap3A_600 {strides = array<i32>} : memref<80x64xf32, #tpu.memory_space<vmem>>, vector<1x16xf32>,
    %swap3A_601 = arith.constant 25 : i32
    %swap3A_602 = arith.index_cast %swap3A_601 : i32 to index
    %swap3A_603 = arith.constant 0 : index
    %swap3A_604 = tpu.vector_load %arg10[%swap3A_602, %swap3A_603] {strides = array<i32>} : memref<80x64xf32, #tpu.memory_space<vmem>>, vector<1x16xf32>,
    %swap3A_605 = vector.shape_cast %swap3A_604 : vector<1x16xf32> to vector<16xf32>
    %swap3A_606 = vector.shape_cast %broadcast_in_dim3A_1 : vector<16xf32> to vector<1x16xf32>
    tpu.vector_store %arg10[%swap3A_602, %swap3A_603], %swap3A_606 {strides = array<i32>} : memref<80x64xf32, #tpu.memory_space<vmem>>, vector<1x16xf32>,
    %swap3A_607 = arith.constant 25 : i32
    %swap3A_608 = arith.index_cast %swap3A_607 : i32 to index
    %swap3A_609 = arith.constant 16 : index
    %swap3A_610 = tpu.vector_load %arg10[%swap3A_608, %swap3A_609] {strides = array<i32>} : memref<80x64xf32, #tpu.memory_space<vmem>>, vector<1x16xf32>,
    %swap3A_611 = vector.shape_cast %swap3A_610 : vector<1x16xf32> to vector<16xf32>
    %swap3A_612 = vector.shape_cast %broadcast_in_dim3A_1 : vector<16xf32> to vector<1x16xf32>
    tpu.vector_store %arg10[%swap3A_608, %swap3A_609], %swap3A_612 {strides = array<i32>} : memref<80x64xf32, #tpu.memory_space<vmem>>, vector<1x16xf32>,
    %swap3A_613 = arith.constant 25 : i32
    %swap3A_614 = arith.index_cast %swap3A_613 : i32 to index
    %swap3A_615 = arith.constant 32 : index
    %swap3A_616 = tpu.vector_load %arg10[%swap3A_614, %swap3A_615] {strides = array<i32>} : memref<80x64xf32, #tpu.memory_space<vmem>>, vector<1x16xf32>,
    %swap3A_617 = vector.shape_cast %swap3A_616 : vector<1x16xf32> to vector<16xf32>
    %swap3A_618 = vector.shape_cast %broadcast_in_dim3A_1 : vector<16xf32> to vector<1x16xf32>
    tpu.vector_store %arg10[%swap3A_614, %swap3A_615], %swap3A_618 {strides = array<i32>} : memref<80x64xf32, #tpu.memory_space<vmem>>, vector<1x16xf32>,
    %swap3A_619 = arith.constant 25 : i32
    %swap3A_620 = arith.index_cast %swap3A_619 : i32 to index
    %swap3A_621 = arith.constant 48 : index
    %swap3A_622 = tpu.vector_load %arg10[%swap3A_620, %swap3A_621] {strides = array<i32>} : memref<80x64xf32, #tpu.memory_space<vmem>>, vector<1x16xf32>,
    %swap3A_623 = vector.shape_cast %swap3A_622 : vector<1x16xf32> to vector<16xf32>
    %swap3A_624 = vector.shape_cast %broadcast_in_dim3A_1 : vector<16xf32> to vector<1x16xf32>
    tpu.vector_store %arg10[%swap3A_620, %swap3A_621], %swap3A_624 {strides = array<i32>} : memref<80x64xf32, #tpu.memory_space<vmem>>, vector<1x16xf32>,
    %swap3A_625 = arith.constant 26 : i32
    %swap3A_626 = arith.index_cast %swap3A_625 : i32 to index
    %swap3A_627 = arith.constant 0 : index
    %swap3A_628 = tpu.vector_load %arg10[%swap3A_626, %swap3A_627] {strides = array<i32>} : memref<80x64xf32, #tpu.memory_space<vmem>>, vector<1x16xf32>,
    %swap3A_629 = vector.shape_cast %swap3A_628 : vector<1x16xf32> to vector<16xf32>
    %swap3A_630 = vector.shape_cast %broadcast_in_dim3A_1 : vector<16xf32> to vector<1x16xf32>
    tpu.vector_store %arg10[%swap3A_626, %swap3A_627], %swap3A_630 {strides = array<i32>} : memref<80x64xf32, #tpu.memory_space<vmem>>, vector<1x16xf32>,
    %swap3A_631 = arith.constant 26 : i32
    %swap3A_632 = arith.index_cast %swap3A_631 : i32 to index
    %swap3A_633 = arith.constant 16 : index
    %swap3A_634 = tpu.vector_load %arg10[%swap3A_632, %swap3A_633] {strides = array<i32>} : memref<80x64xf32, #tpu.memory_space<vmem>>, vector<1x16xf32>,
    %swap3A_635 = vector.shape_cast %swap3A_634 : vector<1x16xf32> to vector<16xf32>
    %swap3A_636 = vector.shape_cast %broadcast_in_dim3A_1 : vector<16xf32> to vector<1x16xf32>
    tpu.vector_store %arg10[%swap3A_632, %swap3A_633], %swap3A_636 {strides = array<i32>} : memref<80x64xf32, #tpu.memory_space<vmem>>, vector<1x16xf32>,
    %swap3A_637 = arith.constant 26 : i32
    %swap3A_638 = arith.index_cast %swap3A_637 : i32 to index
    %swap3A_639 = arith.constant 32 : index
    %swap3A_640 = tpu.vector_load %arg10[%swap3A_638, %swap3A_639] {strides = array<i32>} : memref<80x64xf32, #tpu.memory_space<vmem>>, vector<1x16xf32>,
    %swap3A_641 = vector.shape_cast %swap3A_640 : vector<1x16xf32> to vector<16xf32>
    %swap3A_642 = vector.shape_cast %broadcast_in_dim3A_1 : vector<16xf32> to vector<1x16xf32>
    tpu.vector_store %arg10[%swap3A_638, %swap3A_639], %swap3A_642 {strides = array<i32>} : memref<80x64xf32, #tpu.memory_space<vmem>>, vector<1x16xf32>,
    %swap3A_643 = arith.constant 26 : i32
    %swap3A_644 = arith.index_cast %swap3A_643 : i32 to index
    %swap3A_645 = arith.constant 48 : index
    %swap3A_646 = tpu.vector_load %arg10[%swap3A_644, %swap3A_645] {strides = array<i32>} : memref<80x64xf32, #tpu.memory_space<vmem>>, vector<1x16xf32>,
    %swap3A_647 = vector.shape_cast %swap3A_646 : vector<1x16xf32> to vector<16xf32>
    %swap3A_648 = vector.shape_cast %broadcast_in_dim3A_1 : vector<16xf32> to vector<1x16xf32>
    tpu.vector_store %arg10[%swap3A_644, %swap3A_645], %swap3A_648 {strides = array<i32>} : memref<80x64xf32, #tpu.memory_space<vmem>>, vector<1x16xf32>,
    %swap3A_649 = arith.constant 27 : i32
    %swap3A_650 = arith.index_cast %swap3A_649 : i32 to index
    %swap3A_651 = arith.constant 0 : index
    %swap3A_652 = tpu.vector_load %arg10[%swap3A_650, %swap3A_651] {strides = array<i32>} : memref<80x64xf32, #tpu.memory_space<vmem>>, vector<1x16xf32>,
    %swap3A_653 = vector.shape_cast %swap3A_652 : vector<1x16xf32> to vector<16xf32>
    %swap3A_654 = vector.shape_cast %broadcast_in_dim3A_1 : vector<16xf32> to vector<1x16xf32>
    tpu.vector_store %arg10[%swap3A_650, %swap3A_651], %swap3A_654 {strides = array<i32>} : memref<80x64xf32, #tpu.memory_space<vmem>>, vector<1x16xf32>,
    %swap3A_655 = arith.constant 27 : i32
    %swap3A_656 = arith.index_cast %swap3A_655 : i32 to index
    %swap3A_657 = arith.constant 16 : index
    %swap3A_658 = tpu.vector_load %arg10[%swap3A_656, %swap3A_657] {strides = array<i32>} : memref<80x64xf32, #tpu.memory_space<vmem>>, vector<1x16xf32>,
    %swap3A_659 = vector.shape_cast %swap3A_658 : vector<1x16xf32> to vector<16xf32>
    %swap3A_660 = vector.shape_cast %broadcast_in_dim3A_1 : vector<16xf32> to vector<1x16xf32>
    tpu.vector_store %arg10[%swap3A_656, %swap3A_657], %swap3A_660 {strides = array<i32>} : memref<80x64xf32, #tpu.memory_space<vmem>>, vector<1x16xf32>,
    %swap3A_661 = arith.constant 27 : i32
    %swap3A_662 = arith.index_cast %swap3A_661 : i32 to index
    %swap3A_663 = arith.constant 32 : index
    %swap3A_664 = tpu.vector_load %arg10[%swap3A_662, %swap3A_663] {strides = array<i32>} : memref<80x64xf32, #tpu.memory_space<vmem>>, vector<1x16xf32>,
    %swap3A_665 = vector.shape_cast %swap3A_664 : vector<1x16xf32> to vector<16xf32>
    %swap3A_666 = vector.shape_cast %broadcast_in_dim3A_1 : vector<16xf32> to vector<1x16xf32>
    tpu.vector_store %arg10[%swap3A_662, %swap3A_663], %swap3A_666 {strides = array<i32>} : memref<80x64xf32, #tpu.memory_space<vmem>>, vector<1x16xf32>,
    %swap3A_667 = arith.constant 27 : i32
    %swap3A_668 = arith.index_cast %swap3A_667 : i32 to index
    %swap3A_669 = arith.constant 48 : index
    %swap3A_670 = tpu.vector_load %arg10[%swap3A_668, %swap3A_669] {strides = array<i32>} : memref<80x64xf32, #tpu.memory_space<vmem>>, vector<1x16xf32>,
    %swap3A_671 = vector.shape_cast %swap3A_670 : vector<1x16xf32> to vector<16xf32>
    %swap3A_672 = vector.shape_cast %broadcast_in_dim3A_1 : vector<16xf32> to vector<1x16xf32>
    tpu.vector_store %arg10[%swap3A_668, %swap3A_669], %swap3A_672 {strides = array<i32>} : memref<80x64xf32, #tpu.memory_space<vmem>>, vector<1x16xf32>,
    %swap3A_673 = arith.constant 28 : i32
    %swap3A_674 = arith.index_cast %swap3A_673 : i32 to index
    %swap3A_675 = arith.constant 0 : index
    %swap3A_676 = tpu.vector_load %arg10[%swap3A_674, %swap3A_675] {strides = array<i32>} : memref<80x64xf32, #tpu.memory_space<vmem>>, vector<1x16xf32>,
    %swap3A_677 = vector.shape_cast %swap3A_676 : vector<1x16xf32> to vector<16xf32>
    %swap3A_678 = vector.shape_cast %broadcast_in_dim3A_1 : vector<16xf32> to vector<1x16xf32>
    tpu.vector_store %arg10[%swap3A_674, %swap3A_675], %swap3A_678 {strides = array<i32>} : memref<80x64xf32, #tpu.memory_space<vmem>>, vector<1x16xf32>,
    %swap3A_679 = arith.constant 28 : i32
    %swap3A_680 = arith.index_cast %swap3A_679 : i32 to index
    %swap3A_681 = arith.constant 16 : index
    %swap3A_682 = tpu.vector_load %arg10[%swap3A_680, %swap3A_681] {strides = array<i32>} : memref<80x64xf32, #tpu.memory_space<vmem>>, vector<1x16xf32>,
    %swap3A_683 = vector.shape_cast %swap3A_682 : vector<1x16xf32> to vector<16xf32>
    %swap3A_684 = vector.shape_cast %broadcast_in_dim3A_1 : vector<16xf32> to vector<1x16xf32>
    tpu.vector_store %arg10[%swap3A_680, %swap3A_681], %swap3A_684 {strides = array<i32>} : memref<80x64xf32, #tpu.memory_space<vmem>>, vector<1x16xf32>,
    %swap3A_685 = arith.constant 28 : i32
    %swap3A_686 = arith.index_cast %swap3A_685 : i32 to index
    %swap3A_687 = arith.constant 32 : index
    %swap3A_688 = tpu.vector_load %arg10[%swap3A_686, %swap3A_687] {strides = array<i32>} : memref<80x64xf32, #tpu.memory_space<vmem>>, vector<1x16xf32>,
    %swap3A_689 = vector.shape_cast %swap3A_688 : vector<1x16xf32> to vector<16xf32>
    %swap3A_690 = vector.shape_cast %broadcast_in_dim3A_1 : vector<16xf32> to vector<1x16xf32>
    tpu.vector_store %arg10[%swap3A_686, %swap3A_687], %swap3A_690 {strides = array<i32>} : memref<80x64xf32, #tpu.memory_space<vmem>>, vector<1x16xf32>,
    %swap3A_691 = arith.constant 28 : i32
    %swap3A_692 = arith.index_cast %swap3A_691 : i32 to index
    %swap3A_693 = arith.constant 48 : index
    %swap3A_694 = tpu.vector_load %arg10[%swap3A_692, %swap3A_693] {strides = array<i32>} : memref<80x64xf32, #tpu.memory_space<vmem>>, vector<1x16xf32>,
    %swap3A_695 = vector.shape_cast %swap3A_694 : vector<1x16xf32> to vector<16xf32>
    %swap3A_696 = vector.shape_cast %broadcast_in_dim3A_1 : vector<16xf32> to vector<1x16xf32>
    tpu.vector_store %arg10[%swap3A_692, %swap3A_693], %swap3A_696 {strides = array<i32>} : memref<80x64xf32, #tpu.memory_space<vmem>>, vector<1x16xf32>,
    %swap3A_697 = arith.constant 29 : i32
    %swap3A_698 = arith.index_cast %swap3A_697 : i32 to index
    %swap3A_699 = arith.constant 0 : index
    %swap3A_700 = tpu.vector_load %arg10[%swap3A_698, %swap3A_699] {strides = array<i32>} : memref<80x64xf32, #tpu.memory_space<vmem>>, vector<1x16xf32>,
    %swap3A_701 = vector.shape_cast %swap3A_700 : vector<1x16xf32> to vector<16xf32>
    %swap3A_702 = vector.shape_cast %broadcast_in_dim3A_1 : vector<16xf32> to vector<1x16xf32>
    tpu.vector_store %arg10[%swap3A_698, %swap3A_699], %swap3A_702 {strides = array<i32>} : memref<80x64xf32, #tpu.memory_space<vmem>>, vector<1x16xf32>,
    %swap3A_703 = arith.constant 29 : i32
    %swap3A_704 = arith.index_cast %swap3A_703 : i32 to index
    %swap3A_705 = arith.constant 16 : index
    %swap3A_706 = tpu.vector_load %arg10[%swap3A_704, %swap3A_705] {strides = array<i32>} : memref<80x64xf32, #tpu.memory_space<vmem>>, vector<1x16xf32>,
    %swap3A_707 = vector.shape_cast %swap3A_706 : vector<1x16xf32> to vector<16xf32>
    %swap3A_708 = vector.shape_cast %broadcast_in_dim3A_1 : vector<16xf32> to vector<1x16xf32>
    tpu.vector_store %arg10[%swap3A_704, %swap3A_705], %swap3A_708 {strides = array<i32>} : memref<80x64xf32, #tpu.memory_space<vmem>>, vector<1x16xf32>,
    %swap3A_709 = arith.constant 29 : i32
    %swap3A_710 = arith.index_cast %swap3A_709 : i32 to index
    %swap3A_711 = arith.constant 32 : index
    %swap3A_712 = tpu.vector_load %arg10[%swap3A_710, %swap3A_711] {strides = array<i32>} : memref<80x64xf32, #tpu.memory_space<vmem>>, vector<1x16xf32>,
    %swap3A_713 = vector.shape_cast %swap3A_712 : vector<1x16xf32> to vector<16xf32>
    %swap3A_714 = vector.shape_cast %broadcast_in_dim3A_1 : vector<16xf32> to vector<1x16xf32>
    tpu.vector_store %arg10[%swap3A_710, %swap3A_711], %swap3A_714 {strides = array<i32>} : memref<80x64xf32, #tpu.memory_space<vmem>>, vector<1x16xf32>,
    %swap3A_715 = arith.constant 29 : i32
    %swap3A_716 = arith.index_cast %swap3A_715 : i32 to index
    %swap3A_717 = arith.constant 48 : index
    %swap3A_718 = tpu.vector_load %arg10[%swap3A_716, %swap3A_717] {strides = array<i32>} : memref<80x64xf32, #tpu.memory_space<vmem>>, vector<1x16xf32>,
    %swap3A_719 = vector.shape_cast %swap3A_718 : vector<1x16xf32> to vector<16xf32>
    %swap3A_720 = vector.shape_cast %broadcast_in_dim3A_1 : vector<16xf32> to vector<1x16xf32>
    tpu.vector_store %arg10[%swap3A_716, %swap3A_717], %swap3A_720 {strides = array<i32>} : memref<80x64xf32, #tpu.memory_space<vmem>>, vector<1x16xf32>,
    %swap3A_721 = arith.constant 30 : i32
    %swap3A_722 = arith.index_cast %swap3A_721 : i32 to index
    %swap3A_723 = arith.constant 0 : index
    %swap3A_724 = tpu.vector_load %arg10[%swap3A_722, %swap3A_723] {strides = array<i32>} : memref<80x64xf32, #tpu.memory_space<vmem>>, vector<1x16xf32>,
    %swap3A_725 = vector.shape_cast %swap3A_724 : vector<1x16xf32> to vector<16xf32>
    %swap3A_726 = vector.shape_cast %broadcast_in_dim3A_1 : vector<16xf32> to vector<1x16xf32>
    tpu.vector_store %arg10[%swap3A_722, %swap3A_723], %swap3A_726 {strides = array<i32>} : memref<80x64xf32, #tpu.memory_space<vmem>>, vector<1x16xf32>,
    %swap3A_727 = arith.constant 30 : i32
    %swap3A_728 = arith.index_cast %swap3A_727 : i32 to index
    %swap3A_729 = arith.constant 16 : index
    %swap3A_730 = tpu.vector_load %arg10[%swap3A_728, %swap3A_729] {strides = array<i32>} : memref<80x64xf32, #tpu.memory_space<vmem>>, vector<1x16xf32>,
    %swap3A_731 = vector.shape_cast %swap3A_730 : vector<1x16xf32> to vector<16xf32>
    %swap3A_732 = vector.shape_cast %broadcast_in_dim3A_1 : vector<16xf32> to vector<1x16xf32>
    tpu.vector_store %arg10[%swap3A_728, %swap3A_729], %swap3A_732 {strides = array<i32>} : memref<80x64xf32, #tpu.memory_space<vmem>>, vector<1x16xf32>,
    %swap3A_733 = arith.constant 30 : i32
    %swap3A_734 = arith.index_cast %swap3A_733 : i32 to index
    %swap3A_735 = arith.constant 32 : index
    %swap3A_736 = tpu.vector_load %arg10[%swap3A_734, %swap3A_735] {strides = array<i32>} : memref<80x64xf32, #tpu.memory_space<vmem>>, vector<1x16xf32>,
    %swap3A_737 = vector.shape_cast %swap3A_736 : vector<1x16xf32> to vector<16xf32>
    %swap3A_738 = vector.shape_cast %broadcast_in_dim3A_1 : vector<16xf32> to vector<1x16xf32>
    tpu.vector_store %arg10[%swap3A_734, %swap3A_735], %swap3A_738 {strides = array<i32>} : memref<80x64xf32, #tpu.memory_space<vmem>>, vector<1x16xf32>,
    %swap3A_739 = arith.constant 30 : i32
    %swap3A_740 = arith.index_cast %swap3A_739 : i32 to index
    %swap3A_741 = arith.constant 48 : index
    %swap3A_742 = tpu.vector_load %arg10[%swap3A_740, %swap3A_741] {strides = array<i32>} : memref<80x64xf32, #tpu.memory_space<vmem>>, vector<1x16xf32>,
    %swap3A_743 = vector.shape_cast %swap3A_742 : vector<1x16xf32> to vector<16xf32>
    %swap3A_744 = vector.shape_cast %broadcast_in_dim3A_1 : vector<16xf32> to vector<1x16xf32>
    tpu.vector_store %arg10[%swap3A_740, %swap3A_741], %swap3A_744 {strides = array<i32>} : memref<80x64xf32, #tpu.memory_space<vmem>>, vector<1x16xf32>,
    %swap3A_745 = arith.constant 31 : i32
    %swap3A_746 = arith.index_cast %swap3A_745 : i32 to index
    %swap3A_747 = arith.constant 0 : index
    %swap3A_748 = tpu.vector_load %arg10[%swap3A_746, %swap3A_747] {strides = array<i32>} : memref<80x64xf32, #tpu.memory_space<vmem>>, vector<1x16xf32>,
    %swap3A_749 = vector.shape_cast %swap3A_748 : vector<1x16xf32> to vector<16xf32>
    %swap3A_750 = vector.shape_cast %broadcast_in_dim3A_1 : vector<16xf32> to vector<1x16xf32>
    tpu.vector_store %arg10[%swap3A_746, %swap3A_747], %swap3A_750 {strides = array<i32>} : memref<80x64xf32, #tpu.memory_space<vmem>>, vector<1x16xf32>,
    %swap3A_751 = arith.constant 31 : i32
    %swap3A_752 = arith.index_cast %swap3A_751 : i32 to index
    %swap3A_753 = arith.constant 16 : index
    %swap3A_754 = tpu.vector_load %arg10[%swap3A_752, %swap3A_753] {strides = array<i32>} : memref<80x64xf32, #tpu.memory_space<vmem>>, vector<1x16xf32>,
    %swap3A_755 = vector.shape_cast %swap3A_754 : vector<1x16xf32> to vector<16xf32>
    %swap3A_756 = vector.shape_cast %broadcast_in_dim3A_1 : vector<16xf32> to vector<1x16xf32>
    tpu.vector_store %arg10[%swap3A_752, %swap3A_753], %swap3A_756 {strides = array<i32>} : memref<80x64xf32, #tpu.memory_space<vmem>>, vector<1x16xf32>,
    %swap3A_757 = arith.constant 31 : i32
    %swap3A_758 = arith.index_cast %swap3A_757 : i32 to index
    %swap3A_759 = arith.constant 32 : index
    %swap3A_760 = tpu.vector_load %arg10[%swap3A_758, %swap3A_759] {strides = array<i32>} : memref<80x64xf32, #tpu.memory_space<vmem>>, vector<1x16xf32>,
    %swap3A_761 = vector.shape_cast %swap3A_760 : vector<1x16xf32> to vector<16xf32>
    %swap3A_762 = vector.shape_cast %broadcast_in_dim3A_1 : vector<16xf32> to vector<1x16xf32>
    tpu.vector_store %arg10[%swap3A_758, %swap3A_759], %swap3A_762 {strides = array<i32>} : memref<80x64xf32, #tpu.memory_space<vmem>>, vector<1x16xf32>,
    %swap3A_763 = arith.constant 31 : i32
    %swap3A_764 = arith.index_cast %swap3A_763 : i32 to index
    %swap3A_765 = arith.constant 48 : index
    %swap3A_766 = tpu.vector_load %arg10[%swap3A_764, %swap3A_765] {strides = array<i32>} : memref<80x64xf32, #tpu.memory_space<vmem>>, vector<1x16xf32>,
    %swap3A_767 = vector.shape_cast %swap3A_766 : vector<1x16xf32> to vector<16xf32>
    %swap3A_768 = vector.shape_cast %broadcast_in_dim3A_1 : vector<16xf32> to vector<1x16xf32>
    tpu.vector_store %arg10[%swap3A_764, %swap3A_765], %swap3A_768 {strides = array<i32>} : memref<80x64xf32, #tpu.memory_space<vmem>>, vector<1x16xf32>,
    %swap3A_769 = arith.constant 32 : i32
    %swap3A_770 = arith.index_cast %swap3A_769 : i32 to index
    %swap3A_771 = arith.constant 0 : index
    %swap3A_772 = tpu.vector_load %arg10[%swap3A_770, %swap3A_771] {strides = array<i32>} : memref<80x64xf32, #tpu.memory_space<vmem>>, vector<1x16xf32>,
    %swap3A_773 = vector.shape_cast %swap3A_772 : vector<1x16xf32> to vector<16xf32>
    %swap3A_774 = vector.shape_cast %broadcast_in_dim3A_1 : vector<16xf32> to vector<1x16xf32>
    tpu.vector_store %arg10[%swap3A_770, %swap3A_771], %swap3A_774 {strides = array<i32>} : memref<80x64xf32, #tpu.memory_space<vmem>>, vector<1x16xf32>,
    %swap3A_775 = arith.constant 32 : i32
    %swap3A_776 = arith.index_cast %swap3A_775 : i32 to index
    %swap3A_777 = arith.constant 16 : index
    %swap3A_778 = tpu.vector_load %arg10[%swap3A_776, %swap3A_777] {strides = array<i32>} : memref<80x64xf32, #tpu.memory_space<vmem>>, vector<1x16xf32>,
    %swap3A_779 = vector.shape_cast %swap3A_778 : vector<1x16xf32> to vector<16xf32>
    %swap3A_780 = vector.shape_cast %broadcast_in_dim3A_1 : vector<16xf32> to vector<1x16xf32>
    tpu.vector_store %arg10[%swap3A_776, %swap3A_777], %swap3A_780 {strides = array<i32>} : memref<80x64xf32, #tpu.memory_space<vmem>>, vector<1x16xf32>,
    %swap3A_781 = arith.constant 32 : i32
    %swap3A_782 = arith.index_cast %swap3A_781 : i32 to index
    %swap3A_783 = arith.constant 32 : index
    %swap3A_784 = tpu.vector_load %arg10[%swap3A_782, %swap3A_783] {strides = array<i32>} : memref<80x64xf32, #tpu.memory_space<vmem>>, vector<1x16xf32>,
    %swap3A_785 = vector.shape_cast %swap3A_784 : vector<1x16xf32> to vector<16xf32>
    %swap3A_786 = vector.shape_cast %broadcast_in_dim3A_1 : vector<16xf32> to vector<1x16xf32>
    tpu.vector_store %arg10[%swap3A_782, %swap3A_783], %swap3A_786 {strides = array<i32>} : memref<80x64xf32, #tpu.memory_space<vmem>>, vector<1x16xf32>,
    %swap3A_787 = arith.constant 32 : i32
    %swap3A_788 = arith.index_cast %swap3A_787 : i32 to index
    %swap3A_789 = arith.constant 48 : index
    %swap3A_790 = tpu.vector_load %arg10[%swap3A_788, %swap3A_789] {strides = array<i32>} : memref<80x64xf32, #tpu.memory_space<vmem>>, vector<1x16xf32>,
    %swap3A_791 = vector.shape_cast %swap3A_790 : vector<1x16xf32> to vector<16xf32>
    %swap3A_792 = vector.shape_cast %broadcast_in_dim3A_1 : vector<16xf32> to vector<1x16xf32>
    tpu.vector_store %arg10[%swap3A_788, %swap3A_789], %swap3A_792 {strides = array<i32>} : memref<80x64xf32, #tpu.memory_space<vmem>>, vector<1x16xf32>,
    %swap3A_793 = arith.constant 33 : i32
    %swap3A_794 = arith.index_cast %swap3A_793 : i32 to index
    %swap3A_795 = arith.constant 0 : index
    %swap3A_796 = tpu.vector_load %arg10[%swap3A_794, %swap3A_795] {strides = array<i32>} : memref<80x64xf32, #tpu.memory_space<vmem>>, vector<1x16xf32>,
    %swap3A_797 = vector.shape_cast %swap3A_796 : vector<1x16xf32> to vector<16xf32>
    %swap3A_798 = vector.shape_cast %broadcast_in_dim3A_1 : vector<16xf32> to vector<1x16xf32>
    tpu.vector_store %arg10[%swap3A_794, %swap3A_795], %swap3A_798 {strides = array<i32>} : memref<80x64xf32, #tpu.memory_space<vmem>>, vector<1x16xf32>,
    %swap3A_799 = arith.constant 33 : i32
    %swap3A_800 = arith.index_cast %swap3A_799 : i32 to index
    %swap3A_801 = arith.constant 16 : index
    %swap3A_802 = tpu.vector_load %arg10[%swap3A_800, %swap3A_801] {strides = array<i32>} : memref<80x64xf32, #tpu.memory_space<vmem>>, vector<1x16xf32>,
    %swap3A_803 = vector.shape_cast %swap3A_802 : vector<1x16xf32> to vector<16xf32>
    %swap3A_804 = vector.shape_cast %broadcast_in_dim3A_1 : vector<16xf32> to vector<1x16xf32>
    tpu.vector_store %arg10[%swap3A_800, %swap3A_801], %swap3A_804 {strides = array<i32>} : memref<80x64xf32, #tpu.memory_space<vmem>>, vector<1x16xf32>,
    %swap3A_805 = arith.constant 33 : i32
    %swap3A_806 = arith.index_cast %swap3A_805 : i32 to index
    %swap3A_807 = arith.constant 32 : index
    %swap3A_808 = tpu.vector_load %arg10[%swap3A_806, %swap3A_807] {strides = array<i32>} : memref<80x64xf32, #tpu.memory_space<vmem>>, vector<1x16xf32>,
    %swap3A_809 = vector.shape_cast %swap3A_808 : vector<1x16xf32> to vector<16xf32>
    %swap3A_810 = vector.shape_cast %broadcast_in_dim3A_1 : vector<16xf32> to vector<1x16xf32>
    tpu.vector_store %arg10[%swap3A_806, %swap3A_807], %swap3A_810 {strides = array<i32>} : memref<80x64xf32, #tpu.memory_space<vmem>>, vector<1x16xf32>,
    %swap3A_811 = arith.constant 33 : i32
    %swap3A_812 = arith.index_cast %swap3A_811 : i32 to index
    %swap3A_813 = arith.constant 48 : index
    %swap3A_814 = tpu.vector_load %arg10[%swap3A_812, %swap3A_813] {strides = array<i32>} : memref<80x64xf32, #tpu.memory_space<vmem>>, vector<1x16xf32>,
    %swap3A_815 = vector.shape_cast %swap3A_814 : vector<1x16xf32> to vector<16xf32>
    %swap3A_816 = vector.shape_cast %broadcast_in_dim3A_1 : vector<16xf32> to vector<1x16xf32>
    tpu.vector_store %arg10[%swap3A_812, %swap3A_813], %swap3A_816 {strides = array<i32>} : memref<80x64xf32, #tpu.memory_space<vmem>>, vector<1x16xf32>,
    %swap3A_817 = arith.constant 34 : i32
    %swap3A_818 = arith.index_cast %swap3A_817 : i32 to index
    %swap3A_819 = arith.constant 0 : index
    %swap3A_820 = tpu.vector_load %arg10[%swap3A_818, %swap3A_819] {strides = array<i32>} : memref<80x64xf32, #tpu.memory_space<vmem>>, vector<1x16xf32>,
    %swap3A_821 = vector.shape_cast %swap3A_820 : vector<1x16xf32> to vector<16xf32>
    %swap3A_822 = vector.shape_cast %broadcast_in_dim3A_1 : vector<16xf32> to vector<1x16xf32>
    tpu.vector_store %arg10[%swap3A_818, %swap3A_819], %swap3A_822 {strides = array<i32>} : memref<80x64xf32, #tpu.memory_space<vmem>>, vector<1x16xf32>,
    %swap3A_823 = arith.constant 34 : i32
    %swap3A_824 = arith.index_cast %swap3A_823 : i32 to index
    %swap3A_825 = arith.constant 16 : index
    %swap3A_826 = tpu.vector_load %arg10[%swap3A_824, %swap3A_825] {strides = array<i32>} : memref<80x64xf32, #tpu.memory_space<vmem>>, vector<1x16xf32>,
    %swap3A_827 = vector.shape_cast %swap3A_826 : vector<1x16xf32> to vector<16xf32>
    %swap3A_828 = vector.shape_cast %broadcast_in_dim3A_1 : vector<16xf32> to vector<1x16xf32>
    tpu.vector_store %arg10[%swap3A_824, %swap3A_825], %swap3A_828 {strides = array<i32>} : memref<80x64xf32, #tpu.memory_space<vmem>>, vector<1x16xf32>,
    %swap3A_829 = arith.constant 34 : i32
    %swap3A_830 = arith.index_cast %swap3A_829 : i32 to index
    %swap3A_831 = arith.constant 32 : index
    %swap3A_832 = tpu.vector_load %arg10[%swap3A_830, %swap3A_831] {strides = array<i32>} : memref<80x64xf32, #tpu.memory_space<vmem>>, vector<1x16xf32>,
    %swap3A_833 = vector.shape_cast %swap3A_832 : vector<1x16xf32> to vector<16xf32>
    %swap3A_834 = vector.shape_cast %broadcast_in_dim3A_1 : vector<16xf32> to vector<1x16xf32>
    tpu.vector_store %arg10[%swap3A_830, %swap3A_831], %swap3A_834 {strides = array<i32>} : memref<80x64xf32, #tpu.memory_space<vmem>>, vector<1x16xf32>,
    %swap3A_835 = arith.constant 34 : i32
    %swap3A_836 = arith.index_cast %swap3A_835 : i32 to index
    %swap3A_837 = arith.constant 48 : index
    %swap3A_838 = tpu.vector_load %arg10[%swap3A_836, %swap3A_837] {strides = array<i32>} : memref<80x64xf32, #tpu.memory_space<vmem>>, vector<1x16xf32>,
    %swap3A_839 = vector.shape_cast %swap3A_838 : vector<1x16xf32> to vector<16xf32>
    %swap3A_840 = vector.shape_cast %broadcast_in_dim3A_1 : vector<16xf32> to vector<1x16xf32>
    tpu.vector_store %arg10[%swap3A_836, %swap3A_837], %swap3A_840 {strides = array<i32>} : memref<80x64xf32, #tpu.memory_space<vmem>>, vector<1x16xf32>,
    %swap3A_841 = arith.constant 35 : i32
    %swap3A_842 = arith.index_cast %swap3A_841 : i32 to index
    %swap3A_843 = arith.constant 0 : index
    %swap3A_844 = tpu.vector_load %arg10[%swap3A_842, %swap3A_843] {strides = array<i32>} : memref<80x64xf32, #tpu.memory_space<vmem>>, vector<1x16xf32>,
    %swap3A_845 = vector.shape_cast %swap3A_844 : vector<1x16xf32> to vector<16xf32>
    %swap3A_846 = vector.shape_cast %broadcast_in_dim3A_1 : vector<16xf32> to vector<1x16xf32>
    tpu.vector_store %arg10[%swap3A_842, %swap3A_843], %swap3A_846 {strides = array<i32>} : memref<80x64xf32, #tpu.memory_space<vmem>>, vector<1x16xf32>,
    %swap3A_847 = arith.constant 35 : i32
    %swap3A_848 = arith.index_cast %swap3A_847 : i32 to index
    %swap3A_849 = arith.constant 16 : index
    %swap3A_850 = tpu.vector_load %arg10[%swap3A_848, %swap3A_849] {strides = array<i32>} : memref<80x64xf32, #tpu.memory_space<vmem>>, vector<1x16xf32>,
    %swap3A_851 = vector.shape_cast %swap3A_850 : vector<1x16xf32> to vector<16xf32>
    %swap3A_852 = vector.shape_cast %broadcast_in_dim3A_1 : vector<16xf32> to vector<1x16xf32>
    tpu.vector_store %arg10[%swap3A_848, %swap3A_849], %swap3A_852 {strides = array<i32>} : memref<80x64xf32, #tpu.memory_space<vmem>>, vector<1x16xf32>,
    %swap3A_853 = arith.constant 35 : i32
    %swap3A_854 = arith.index_cast %swap3A_853 : i32 to index
    %swap3A_855 = arith.constant 32 : index
    %swap3A_856 = tpu.vector_load %arg10[%swap3A_854, %swap3A_855] {strides = array<i32>} : memref<80x64xf32, #tpu.memory_space<vmem>>, vector<1x16xf32>,
    %swap3A_857 = vector.shape_cast %swap3A_856 : vector<1x16xf32> to vector<16xf32>
    %swap3A_858 = vector.shape_cast %broadcast_in_dim3A_1 : vector<16xf32> to vector<1x16xf32>
    tpu.vector_store %arg10[%swap3A_854, %swap3A_855], %swap3A_858 {strides = array<i32>} : memref<80x64xf32, #tpu.memory_space<vmem>>, vector<1x16xf32>,
    %swap3A_859 = arith.constant 35 : i32
    %swap3A_860 = arith.index_cast %swap3A_859 : i32 to index
    %swap3A_861 = arith.constant 48 : index
    %swap3A_862 = tpu.vector_load %arg10[%swap3A_860, %swap3A_861] {strides = array<i32>} : memref<80x64xf32, #tpu.memory_space<vmem>>, vector<1x16xf32>,
    %swap3A_863 = vector.shape_cast %swap3A_862 : vector<1x16xf32> to vector<16xf32>
    %swap3A_864 = vector.shape_cast %broadcast_in_dim3A_1 : vector<16xf32> to vector<1x16xf32>
    tpu.vector_store %arg10[%swap3A_860, %swap3A_861], %swap3A_864 {strides = array<i32>} : memref<80x64xf32, #tpu.memory_space<vmem>>, vector<1x16xf32>,
    %swap3A_865 = arith.constant 36 : i32
    %swap3A_866 = arith.index_cast %swap3A_865 : i32 to index
    %swap3A_867 = arith.constant 0 : index
    %swap3A_868 = tpu.vector_load %arg10[%swap3A_866, %swap3A_867] {strides = array<i32>} : memref<80x64xf32, #tpu.memory_space<vmem>>, vector<1x16xf32>,
    %swap3A_869 = vector.shape_cast %swap3A_868 : vector<1x16xf32> to vector<16xf32>
    %swap3A_870 = vector.shape_cast %broadcast_in_dim3A_1 : vector<16xf32> to vector<1x16xf32>
    tpu.vector_store %arg10[%swap3A_866, %swap3A_867], %swap3A_870 {strides = array<i32>} : memref<80x64xf32, #tpu.memory_space<vmem>>, vector<1x16xf32>,
    %swap3A_871 = arith.constant 36 : i32
    %swap3A_872 = arith.index_cast %swap3A_871 : i32 to index
    %swap3A_873 = arith.constant 16 : index
    %swap3A_874 = tpu.vector_load %arg10[%swap3A_872, %swap3A_873] {strides = array<i32>} : memref<80x64xf32, #tpu.memory_space<vmem>>, vector<1x16xf32>,
    %swap3A_875 = vector.shape_cast %swap3A_874 : vector<1x16xf32> to vector<16xf32>
    %swap3A_876 = vector.shape_cast %broadcast_in_dim3A_1 : vector<16xf32> to vector<1x16xf32>
    tpu.vector_store %arg10[%swap3A_872, %swap3A_873], %swap3A_876 {strides = array<i32>} : memref<80x64xf32, #tpu.memory_space<vmem>>, vector<1x16xf32>,
    %swap3A_877 = arith.constant 36 : i32
    %swap3A_878 = arith.index_cast %swap3A_877 : i32 to index
    %swap3A_879 = arith.constant 32 : index
    %swap3A_880 = tpu.vector_load %arg10[%swap3A_878, %swap3A_879] {strides = array<i32>} : memref<80x64xf32, #tpu.memory_space<vmem>>, vector<1x16xf32>,
    %swap3A_881 = vector.shape_cast %swap3A_880 : vector<1x16xf32> to vector<16xf32>
    %swap3A_882 = vector.shape_cast %broadcast_in_dim3A_1 : vector<16xf32> to vector<1x16xf32>
    tpu.vector_store %arg10[%swap3A_878, %swap3A_879], %swap3A_882 {strides = array<i32>} : memref<80x64xf32, #tpu.memory_space<vmem>>, vector<1x16xf32>,
    %swap3A_883 = arith.constant 36 : i32
    %swap3A_884 = arith.index_cast %swap3A_883 : i32 to index
    %swap3A_885 = arith.constant 48 : index
    %swap3A_886 = tpu.vector_load %arg10[%swap3A_884, %swap3A_885] {strides = array<i32>} : memref<80x64xf32, #tpu.memory_space<vmem>>, vector<1x16xf32>,
    %swap3A_887 = vector.shape_cast %swap3A_886 : vector<1x16xf32> to vector<16xf32>
    %swap3A_888 = vector.shape_cast %broadcast_in_dim3A_1 : vector<16xf32> to vector<1x16xf32>
    tpu.vector_store %arg10[%swap3A_884, %swap3A_885], %swap3A_888 {strides = array<i32>} : memref<80x64xf32, #tpu.memory_space<vmem>>, vector<1x16xf32>,
    %swap3A_889 = arith.constant 37 : i32
    %swap3A_890 = arith.index_cast %swap3A_889 : i32 to index
    %swap3A_891 = arith.constant 0 : index
    %swap3A_892 = tpu.vector_load %arg10[%swap3A_890, %swap3A_891] {strides = array<i32>} : memref<80x64xf32, #tpu.memory_space<vmem>>, vector<1x16xf32>,
    %swap3A_893 = vector.shape_cast %swap3A_892 : vector<1x16xf32> to vector<16xf32>
    %swap3A_894 = vector.shape_cast %broadcast_in_dim3A_1 : vector<16xf32> to vector<1x16xf32>
    tpu.vector_store %arg10[%swap3A_890, %swap3A_891], %swap3A_894 {strides = array<i32>} : memref<80x64xf32, #tpu.memory_space<vmem>>, vector<1x16xf32>,
    %swap3A_895 = arith.constant 37 : i32
    %swap3A_896 = arith.index_cast %swap3A_895 : i32 to index
    %swap3A_897 = arith.constant 16 : index
    %swap3A_898 = tpu.vector_load %arg10[%swap3A_896, %swap3A_897] {strides = array<i32>} : memref<80x64xf32, #tpu.memory_space<vmem>>, vector<1x16xf32>,
    %swap3A_899 = vector.shape_cast %swap3A_898 : vector<1x16xf32> to vector<16xf32>
    %swap3A_900 = vector.shape_cast %broadcast_in_dim3A_1 : vector<16xf32> to vector<1x16xf32>
    tpu.vector_store %arg10[%swap3A_896, %swap3A_897], %swap3A_900 {strides = array<i32>} : memref<80x64xf32, #tpu.memory_space<vmem>>, vector<1x16xf32>,
    %swap3A_901 = arith.constant 37 : i32
    %swap3A_902 = arith.index_cast %swap3A_901 : i32 to index
    %swap3A_903 = arith.constant 32 : index
    %swap3A_904 = tpu.vector_load %arg10[%swap3A_902, %swap3A_903] {strides = array<i32>} : memref<80x64xf32, #tpu.memory_space<vmem>>, vector<1x16xf32>,
    %swap3A_905 = vector.shape_cast %swap3A_904 : vector<1x16xf32> to vector<16xf32>
    %swap3A_906 = vector.shape_cast %broadcast_in_dim3A_1 : vector<16xf32> to vector<1x16xf32>
    tpu.vector_store %arg10[%swap3A_902, %swap3A_903], %swap3A_906 {strides = array<i32>} : memref<80x64xf32, #tpu.memory_space<vmem>>, vector<1x16xf32>,
    %swap3A_907 = arith.constant 37 : i32
    %swap3A_908 = arith.index_cast %swap3A_907 : i32 to index
    %swap3A_909 = arith.constant 48 : index
    %swap3A_910 = tpu.vector_load %arg10[%swap3A_908, %swap3A_909] {strides = array<i32>} : memref<80x64xf32, #tpu.memory_space<vmem>>, vector<1x16xf32>,
    %swap3A_911 = vector.shape_cast %swap3A_910 : vector<1x16xf32> to vector<16xf32>
    %swap3A_912 = vector.shape_cast %broadcast_in_dim3A_1 : vector<16xf32> to vector<1x16xf32>
    tpu.vector_store %arg10[%swap3A_908, %swap3A_909], %swap3A_912 {strides = array<i32>} : memref<80x64xf32, #tpu.memory_space<vmem>>, vector<1x16xf32>,
    %swap3A_913 = arith.constant 38 : i32
    %swap3A_914 = arith.index_cast %swap3A_913 : i32 to index
    %swap3A_915 = arith.constant 0 : index
    %swap3A_916 = tpu.vector_load %arg10[%swap3A_914, %swap3A_915] {strides = array<i32>} : memref<80x64xf32, #tpu.memory_space<vmem>>, vector<1x16xf32>,
    %swap3A_917 = vector.shape_cast %swap3A_916 : vector<1x16xf32> to vector<16xf32>
    %swap3A_918 = vector.shape_cast %broadcast_in_dim3A_1 : vector<16xf32> to vector<1x16xf32>
    tpu.vector_store %arg10[%swap3A_914, %swap3A_915], %swap3A_918 {strides = array<i32>} : memref<80x64xf32, #tpu.memory_space<vmem>>, vector<1x16xf32>,
    %swap3A_919 = arith.constant 38 : i32
    %swap3A_920 = arith.index_cast %swap3A_919 : i32 to index
    %swap3A_921 = arith.constant 16 : index
    %swap3A_922 = tpu.vector_load %arg10[%swap3A_920, %swap3A_921] {strides = array<i32>} : memref<80x64xf32, #tpu.memory_space<vmem>>, vector<1x16xf32>,
    %swap3A_923 = vector.shape_cast %swap3A_922 : vector<1x16xf32> to vector<16xf32>
    %swap3A_924 = vector.shape_cast %broadcast_in_dim3A_1 : vector<16xf32> to vector<1x16xf32>
    tpu.vector_store %arg10[%swap3A_920, %swap3A_921], %swap3A_924 {strides = array<i32>} : memref<80x64xf32, #tpu.memory_space<vmem>>, vector<1x16xf32>,
    %swap3A_925 = arith.constant 38 : i32
    %swap3A_926 = arith.index_cast %swap3A_925 : i32 to index
    %swap3A_927 = arith.constant 32 : index
    %swap3A_928 = tpu.vector_load %arg10[%swap3A_926, %swap3A_927] {strides = array<i32>} : memref<80x64xf32, #tpu.memory_space<vmem>>, vector<1x16xf32>,
    %swap3A_929 = vector.shape_cast %swap3A_928 : vector<1x16xf32> to vector<16xf32>
    %swap3A_930 = vector.shape_cast %broadcast_in_dim3A_1 : vector<16xf32> to vector<1x16xf32>
    tpu.vector_store %arg10[%swap3A_926, %swap3A_927], %swap3A_930 {strides = array<i32>} : memref<80x64xf32, #tpu.memory_space<vmem>>, vector<1x16xf32>,
    %swap3A_931 = arith.constant 38 : i32
    %swap3A_932 = arith.index_cast %swap3A_931 : i32 to index
    %swap3A_933 = arith.constant 48 : index
    %swap3A_934 = tpu.vector_load %arg10[%swap3A_932, %swap3A_933] {strides = array<i32>} : memref<80x64xf32, #tpu.memory_space<vmem>>, vector<1x16xf32>,
    %swap3A_935 = vector.shape_cast %swap3A_934 : vector<1x16xf32> to vector<16xf32>
    %swap3A_936 = vector.shape_cast %broadcast_in_dim3A_1 : vector<16xf32> to vector<1x16xf32>
    tpu.vector_store %arg10[%swap3A_932, %swap3A_933], %swap3A_936 {strides = array<i32>} : memref<80x64xf32, #tpu.memory_space<vmem>>, vector<1x16xf32>,
    %swap3A_937 = arith.constant 39 : i32
    %swap3A_938 = arith.index_cast %swap3A_937 : i32 to index
    %swap3A_939 = arith.constant 0 : index
    %swap3A_940 = tpu.vector_load %arg10[%swap3A_938, %swap3A_939] {strides = array<i32>} : memref<80x64xf32, #tpu.memory_space<vmem>>, vector<1x16xf32>,
    %swap3A_941 = vector.shape_cast %swap3A_940 : vector<1x16xf32> to vector<16xf32>
    %swap3A_942 = vector.shape_cast %broadcast_in_dim3A_1 : vector<16xf32> to vector<1x16xf32>
    tpu.vector_store %arg10[%swap3A_938, %swap3A_939], %swap3A_942 {strides = array<i32>} : memref<80x64xf32, #tpu.memory_space<vmem>>, vector<1x16xf32>,
    %swap3A_943 = arith.constant 39 : i32
    %swap3A_944 = arith.index_cast %swap3A_943 : i32 to index
    %swap3A_945 = arith.constant 16 : index
    %swap3A_946 = tpu.vector_load %arg10[%swap3A_944, %swap3A_945] {strides = array<i32>} : memref<80x64xf32, #tpu.memory_space<vmem>>, vector<1x16xf32>,
    %swap3A_947 = vector.shape_cast %swap3A_946 : vector<1x16xf32> to vector<16xf32>
    %swap3A_948 = vector.shape_cast %broadcast_in_dim3A_1 : vector<16xf32> to vector<1x16xf32>
    tpu.vector_store %arg10[%swap3A_944, %swap3A_945], %swap3A_948 {strides = array<i32>} : memref<80x64xf32, #tpu.memory_space<vmem>>, vector<1x16xf32>,
    %swap3A_949 = arith.constant 39 : i32
    %swap3A_950 = arith.index_cast %swap3A_949 : i32 to index
    %swap3A_951 = arith.constant 32 : index
    %swap3A_952 = tpu.vector_load %arg10[%swap3A_950, %swap3A_951] {strides = array<i32>} : memref<80x64xf32, #tpu.memory_space<vmem>>, vector<1x16xf32>,
    %swap3A_953 = vector.shape_cast %swap3A_952 : vector<1x16xf32> to vector<16xf32>
    %swap3A_954 = vector.shape_cast %broadcast_in_dim3A_1 : vector<16xf32> to vector<1x16xf32>
    tpu.vector_store %arg10[%swap3A_950, %swap3A_951], %swap3A_954 {strides = array<i32>} : memref<80x64xf32, #tpu.memory_space<vmem>>, vector<1x16xf32>,
    %swap3A_955 = arith.constant 39 : i32
    %swap3A_956 = arith.index_cast %swap3A_955 : i32 to index
    %swap3A_957 = arith.constant 48 : index
    %swap3A_958 = tpu.vector_load %arg10[%swap3A_956, %swap3A_957] {strides = array<i32>} : memref<80x64xf32, #tpu.memory_space<vmem>>, vector<1x16xf32>,
    %swap3A_959 = vector.shape_cast %swap3A_958 : vector<1x16xf32> to vector<16xf32>
    %swap3A_960 = vector.shape_cast %broadcast_in_dim3A_1 : vector<16xf32> to vector<1x16xf32>
    tpu.vector_store %arg10[%swap3A_956, %swap3A_957], %swap3A_960 {strides = array<i32>} : memref<80x64xf32, #tpu.memory_space<vmem>>, vector<1x16xf32>,
    %swap3A_961 = arith.constant 40 : i32
    %swap3A_962 = arith.index_cast %swap3A_961 : i32 to index
    %swap3A_963 = arith.constant 0 : index
    %swap3A_964 = tpu.vector_load %arg10[%swap3A_962, %swap3A_963] {strides = array<i32>} : memref<80x64xf32, #tpu.memory_space<vmem>>, vector<1x16xf32>,
    %swap3A_965 = vector.shape_cast %swap3A_964 : vector<1x16xf32> to vector<16xf32>
    %swap3A_966 = vector.shape_cast %broadcast_in_dim3A_1 : vector<16xf32> to vector<1x16xf32>
    tpu.vector_store %arg10[%swap3A_962, %swap3A_963], %swap3A_966 {strides = array<i32>} : memref<80x64xf32, #tpu.memory_space<vmem>>, vector<1x16xf32>,
    %swap3A_967 = arith.constant 40 : i32
    %swap3A_968 = arith.index_cast %swap3A_967 : i32 to index
    %swap3A_969 = arith.constant 16 : index
    %swap3A_970 = tpu.vector_load %arg10[%swap3A_968, %swap3A_969] {strides = array<i32>} : memref<80x64xf32, #tpu.memory_space<vmem>>, vector<1x16xf32>,
    %swap3A_971 = vector.shape_cast %swap3A_970 : vector<1x16xf32> to vector<16xf32>
    %swap3A_972 = vector.shape_cast %broadcast_in_dim3A_1 : vector<16xf32> to vector<1x16xf32>
    tpu.vector_store %arg10[%swap3A_968, %swap3A_969], %swap3A_972 {strides = array<i32>} : memref<80x64xf32, #tpu.memory_space<vmem>>, vector<1x16xf32>,
    %swap3A_973 = arith.constant 40 : i32
    %swap3A_974 = arith.index_cast %swap3A_973 : i32 to index
    %swap3A_975 = arith.constant 32 : index
    %swap3A_976 = tpu.vector_load %arg10[%swap3A_974, %swap3A_975] {strides = array<i32>} : memref<80x64xf32, #tpu.memory_space<vmem>>, vector<1x16xf32>,
    %swap3A_977 = vector.shape_cast %swap3A_976 : vector<1x16xf32> to vector<16xf32>
    %swap3A_978 = vector.shape_cast %broadcast_in_dim3A_1 : vector<16xf32> to vector<1x16xf32>
    tpu.vector_store %arg10[%swap3A_974, %swap3A_975], %swap3A_978 {strides = array<i32>} : memref<80x64xf32, #tpu.memory_space<vmem>>, vector<1x16xf32>,
    %swap3A_979 = arith.constant 40 : i32
    %swap3A_980 = arith.index_cast %swap3A_979 : i32 to index
    %swap3A_981 = arith.constant 48 : index
    %swap3A_982 = tpu.vector_load %arg10[%swap3A_980, %swap3A_981] {strides = array<i32>} : memref<80x64xf32, #tpu.memory_space<vmem>>, vector<1x16xf32>,
    %swap3A_983 = vector.shape_cast %swap3A_982 : vector<1x16xf32> to vector<16xf32>
    %swap3A_984 = vector.shape_cast %broadcast_in_dim3A_1 : vector<16xf32> to vector<1x16xf32>
    tpu.vector_store %arg10[%swap3A_980, %swap3A_981], %swap3A_984 {strides = array<i32>} : memref<80x64xf32, #tpu.memory_space<vmem>>, vector<1x16xf32>,
    %swap3A_985 = arith.constant 41 : i32
    %swap3A_986 = arith.index_cast %swap3A_985 : i32 to index
    %swap3A_987 = arith.constant 0 : index
    %swap3A_988 = tpu.vector_load %arg10[%swap3A_986, %swap3A_987] {strides = array<i32>} : memref<80x64xf32, #tpu.memory_space<vmem>>, vector<1x16xf32>,
    %swap3A_989 = vector.shape_cast %swap3A_988 : vector<1x16xf32> to vector<16xf32>
    %swap3A_990 = vector.shape_cast %broadcast_in_dim3A_1 : vector<16xf32> to vector<1x16xf32>
    tpu.vector_store %arg10[%swap3A_986, %swap3A_987], %swap3A_990 {strides = array<i32>} : memref<80x64xf32, #tpu.memory_space<vmem>>, vector<1x16xf32>,
    %swap3A_991 = arith.constant 41 : i32
    %swap3A_992 = arith.index_cast %swap3A_991 : i32 to index
    %swap3A_993 = arith.constant 16 : index
    %swap3A_994 = tpu.vector_load %arg10[%swap3A_992, %swap3A_993] {strides = array<i32>} : memref<80x64xf32, #tpu.memory_space<vmem>>, vector<1x16xf32>,
    %swap3A_995 = vector.shape_cast %swap3A_994 : vector<1x16xf32> to vector<16xf32>
    %swap3A_996 = vector.shape_cast %broadcast_in_dim3A_1 : vector<16xf32> to vector<1x16xf32>
    tpu.vector_store %arg10[%swap3A_992, %swap3A_993], %swap3A_996 {strides = array<i32>} : memref<80x64xf32, #tpu.memory_space<vmem>>, vector<1x16xf32>,
    %swap3A_997 = arith.constant 41 : i32
    %swap3A_998 = arith.index_cast %swap3A_997 : i32 to index
    %swap3A_999 = arith.constant 32 : index
    %swap3A_1000 = tpu.vector_load %arg10[%swap3A_998, %swap3A_999] {strides = array<i32>} : memref<80x64xf32, #tpu.memory_space<vmem>>, vector<1x16xf32>,
    %swap3A_1001 = vector.shape_cast %swap3A_1000 : vector<1x16xf32> to vector<16xf32>
    %swap3A_1002 = vector.shape_cast %broadcast_in_dim3A_1 : vector<16xf32> to vector<1x16xf32>
    tpu.vector_store %arg10[%swap3A_998, %swap3A_999], %swap3A_1002 {strides = array<i32>} : memref<80x64xf32, #tpu.memory_space<vmem>>, vector<1x16xf32>,
    %swap3A_1003 = arith.constant 41 : i32
    %swap3A_1004 = arith.index_cast %swap3A_1003 : i32 to index
    %swap3A_1005 = arith.constant 48 : index
    %swap3A_1006 = tpu.vector_load %arg10[%swap3A_1004, %swap3A_1005] {strides = array<i32>} : memref<80x64xf32, #tpu.memory_space<vmem>>, vector<1x16xf32>,
    %swap3A_1007 = vector.shape_cast %swap3A_1006 : vector<1x16xf32> to vector<16xf32>
    %swap3A_1008 = vector.shape_cast %broadcast_in_dim3A_1 : vector<16xf32> to vector<1x16xf32>
    tpu.vector_store %arg10[%swap3A_1004, %swap3A_1005], %swap3A_1008 {strides = array<i32>} : memref<80x64xf32, #tpu.memory_space<vmem>>, vector<1x16xf32>,
    %swap3A_1009 = arith.constant 42 : i32
    %swap3A_1010 = arith.index_cast %swap3A_1009 : i32 to index
    %swap3A_1011 = arith.constant 0 : index
    %swap3A_1012 = tpu.vector_load %arg10[%swap3A_1010, %swap3A_1011] {strides = array<i32>} : memref<80x64xf32, #tpu.memory_space<vmem>>, vector<1x16xf32>,
    %swap3A_1013 = vector.shape_cast %swap3A_1012 : vector<1x16xf32> to vector<16xf32>
    %swap3A_1014 = vector.shape_cast %broadcast_in_dim3A_1 : vector<16xf32> to vector<1x16xf32>
    tpu.vector_store %arg10[%swap3A_1010, %swap3A_1011], %swap3A_1014 {strides = array<i32>} : memref<80x64xf32, #tpu.memory_space<vmem>>, vector<1x16xf32>,
    %swap3A_1015 = arith.constant 42 : i32
    %swap3A_1016 = arith.index_cast %swap3A_1015 : i32 to index
    %swap3A_1017 = arith.constant 16 : index
    %swap3A_1018 = tpu.vector_load %arg10[%swap3A_1016, %swap3A_1017] {strides = array<i32>} : memref<80x64xf32, #tpu.memory_space<vmem>>, vector<1x16xf32>,
    %swap3A_1019 = vector.shape_cast %swap3A_1018 : vector<1x16xf32> to vector<16xf32>
    %swap3A_1020 = vector.shape_cast %broadcast_in_dim3A_1 : vector<16xf32> to vector<1x16xf32>
    tpu.vector_store %arg10[%swap3A_1016, %swap3A_1017], %swap3A_1020 {strides = array<i32>} : memref<80x64xf32, #tpu.memory_space<vmem>>, vector<1x16xf32>,
    %swap3A_1021 = arith.constant 42 : i32
    %swap3A_1022 = arith.index_cast %swap3A_1021 : i32 to index
    %swap3A_1023 = arith.constant 32 : index
    %swap3A_1024 = tpu.vector_load %arg10[%swap3A_1022, %swap3A_1023] {strides = array<i32>} : memref<80x64xf32, #tpu.memory_space<vmem>>, vector<1x16xf32>,
    %swap3A_1025 = vector.shape_cast %swap3A_1024 : vector<1x16xf32> to vector<16xf32>
    %swap3A_1026 = vector.shape_cast %broadcast_in_dim3A_1 : vector<16xf32> to vector<1x16xf32>
    tpu.vector_store %arg10[%swap3A_1022, %swap3A_1023], %swap3A_1026 {strides = array<i32>} : memref<80x64xf32, #tpu.memory_space<vmem>>, vector<1x16xf32>,
    %swap3A_1027 = arith.constant 42 : i32
    %swap3A_1028 = arith.index_cast %swap3A_1027 : i32 to index
    %swap3A_1029 = arith.constant 48 : index
    %swap3A_1030 = tpu.vector_load %arg10[%swap3A_1028, %swap3A_1029] {strides = array<i32>} : memref<80x64xf32, #tpu.memory_space<vmem>>, vector<1x16xf32>,
    %swap3A_1031 = vector.shape_cast %swap3A_1030 : vector<1x16xf32> to vector<16xf32>
    %swap3A_1032 = vector.shape_cast %broadcast_in_dim3A_1 : vector<16xf32> to vector<1x16xf32>
    tpu.vector_store %arg10[%swap3A_1028, %swap3A_1029], %swap3A_1032 {strides = array<i32>} : memref<80x64xf32, #tpu.memory_space<vmem>>, vector<1x16xf32>,
    %swap3A_1033 = arith.constant 43 : i32
    %swap3A_1034 = arith.index_cast %swap3A_1033 : i32 to index
    %swap3A_1035 = arith.constant 0 : index
    %swap3A_1036 = tpu.vector_load %arg10[%swap3A_1034, %swap3A_1035] {strides = array<i32>} : memref<80x64xf32, #tpu.memory_space<vmem>>, vector<1x16xf32>,
    %swap3A_1037 = vector.shape_cast %swap3A_1036 : vector<1x16xf32> to vector<16xf32>
    %swap3A_1038 = vector.shape_cast %broadcast_in_dim3A_1 : vector<16xf32> to vector<1x16xf32>
    tpu.vector_store %arg10[%swap3A_1034, %swap3A_1035], %swap3A_1038 {strides = array<i32>} : memref<80x64xf32, #tpu.memory_space<vmem>>, vector<1x16xf32>,
    %swap3A_1039 = arith.constant 43 : i32
    %swap3A_1040 = arith.index_cast %swap3A_1039 : i32 to index
    %swap3A_1041 = arith.constant 16 : index
    %swap3A_1042 = tpu.vector_load %arg10[%swap3A_1040, %swap3A_1041] {strides = array<i32>} : memref<80x64xf32, #tpu.memory_space<vmem>>, vector<1x16xf32>,
    %swap3A_1043 = vector.shape_cast %swap3A_1042 : vector<1x16xf32> to vector<16xf32>
    %swap3A_1044 = vector.shape_cast %broadcast_in_dim3A_1 : vector<16xf32> to vector<1x16xf32>
    tpu.vector_store %arg10[%swap3A_1040, %swap3A_1041], %swap3A_1044 {strides = array<i32>} : memref<80x64xf32, #tpu.memory_space<vmem>>, vector<1x16xf32>,
    %swap3A_1045 = arith.constant 43 : i32
    %swap3A_1046 = arith.index_cast %swap3A_1045 : i32 to index
    %swap3A_1047 = arith.constant 32 : index
    %swap3A_1048 = tpu.vector_load %arg10[%swap3A_1046, %swap3A_1047] {strides = array<i32>} : memref<80x64xf32, #tpu.memory_space<vmem>>, vector<1x16xf32>,
    %swap3A_1049 = vector.shape_cast %swap3A_1048 : vector<1x16xf32> to vector<16xf32>
    %swap3A_1050 = vector.shape_cast %broadcast_in_dim3A_1 : vector<16xf32> to vector<1x16xf32>
    tpu.vector_store %arg10[%swap3A_1046, %swap3A_1047], %swap3A_1050 {strides = array<i32>} : memref<80x64xf32, #tpu.memory_space<vmem>>, vector<1x16xf32>,
    %swap3A_1051 = arith.constant 43 : i32
    %swap3A_1052 = arith.index_cast %swap3A_1051 : i32 to index
    %swap3A_1053 = arith.constant 48 : index
    %swap3A_1054 = tpu.vector_load %arg10[%swap3A_1052, %swap3A_1053] {strides = array<i32>} : memref<80x64xf32, #tpu.memory_space<vmem>>, vector<1x16xf32>,
    %swap3A_1055 = vector.shape_cast %swap3A_1054 : vector<1x16xf32> to vector<16xf32>
    %swap3A_1056 = vector.shape_cast %broadcast_in_dim3A_1 : vector<16xf32> to vector<1x16xf32>
    tpu.vector_store %arg10[%swap3A_1052, %swap3A_1053], %swap3A_1056 {strides = array<i32>} : memref<80x64xf32, #tpu.memory_space<vmem>>, vector<1x16xf32>,
    %swap3A_1057 = arith.constant 44 : i32
    %swap3A_1058 = arith.index_cast %swap3A_1057 : i32 to index
    %swap3A_1059 = arith.constant 0 : index
    %swap3A_1060 = tpu.vector_load %arg10[%swap3A_1058, %swap3A_1059] {strides = array<i32>} : memref<80x64xf32, #tpu.memory_space<vmem>>, vector<1x16xf32>,
    %swap3A_1061 = vector.shape_cast %swap3A_1060 : vector<1x16xf32> to vector<16xf32>
    %swap3A_1062 = vector.shape_cast %broadcast_in_dim3A_1 : vector<16xf32> to vector<1x16xf32>
    tpu.vector_store %arg10[%swap3A_1058, %swap3A_1059], %swap3A_1062 {strides = array<i32>} : memref<80x64xf32, #tpu.memory_space<vmem>>, vector<1x16xf32>,
    %swap3A_1063 = arith.constant 44 : i32
    %swap3A_1064 = arith.index_cast %swap3A_1063 : i32 to index
    %swap3A_1065 = arith.constant 16 : index
    %swap3A_1066 = tpu.vector_load %arg10[%swap3A_1064, %swap3A_1065] {strides = array<i32>} : memref<80x64xf32, #tpu.memory_space<vmem>>, vector<1x16xf32>,
    %swap3A_1067 = vector.shape_cast %swap3A_1066 : vector<1x16xf32> to vector<16xf32>
    %swap3A_1068 = vector.shape_cast %broadcast_in_dim3A_1 : vector<16xf32> to vector<1x16xf32>
    tpu.vector_store %arg10[%swap3A_1064, %swap3A_1065], %swap3A_1068 {strides = array<i32>} : memref<80x64xf32, #tpu.memory_space<vmem>>, vector<1x16xf32>,
    %swap3A_1069 = arith.constant 44 : i32
    %swap3A_1070 = arith.index_cast %swap3A_1069 : i32 to index
    %swap3A_1071 = arith.constant 32 : index
    %swap3A_1072 = tpu.vector_load %arg10[%swap3A_1070, %swap3A_1071] {strides = array<i32>} : memref<80x64xf32, #tpu.memory_space<vmem>>, vector<1x16xf32>,
    %swap3A_1073 = vector.shape_cast %swap3A_1072 : vector<1x16xf32> to vector<16xf32>
    %swap3A_1074 = vector.shape_cast %broadcast_in_dim3A_1 : vector<16xf32> to vector<1x16xf32>
    tpu.vector_store %arg10[%swap3A_1070, %swap3A_1071], %swap3A_1074 {strides = array<i32>} : memref<80x64xf32, #tpu.memory_space<vmem>>, vector<1x16xf32>,
    %swap3A_1075 = arith.constant 44 : i32
    %swap3A_1076 = arith.index_cast %swap3A_1075 : i32 to index
    %swap3A_1077 = arith.constant 48 : index
    %swap3A_1078 = tpu.vector_load %arg10[%swap3A_1076, %swap3A_1077] {strides = array<i32>} : memref<80x64xf32, #tpu.memory_space<vmem>>, vector<1x16xf32>,
    %swap3A_1079 = vector.shape_cast %swap3A_1078 : vector<1x16xf32> to vector<16xf32>
    %swap3A_1080 = vector.shape_cast %broadcast_in_dim3A_1 : vector<16xf32> to vector<1x16xf32>
    tpu.vector_store %arg10[%swap3A_1076, %swap3A_1077], %swap3A_1080 {strides = array<i32>} : memref<80x64xf32, #tpu.memory_space<vmem>>, vector<1x16xf32>,
    %swap3A_1081 = arith.constant 45 : i32
    %swap3A_1082 = arith.index_cast %swap3A_1081 : i32 to index
    %swap3A_1083 = arith.constant 0 : index
    %swap3A_1084 = tpu.vector_load %arg10[%swap3A_1082, %swap3A_1083] {strides = array<i32>} : memref<80x64xf32, #tpu.memory_space<vmem>>, vector<1x16xf32>,
    %swap3A_1085 = vector.shape_cast %swap3A_1084 : vector<1x16xf32> to vector<16xf32>
    %swap3A_1086 = vector.shape_cast %broadcast_in_dim3A_1 : vector<16xf32> to vector<1x16xf32>
    tpu.vector_store %arg10[%swap3A_1082, %swap3A_1083], %swap3A_1086 {strides = array<i32>} : memref<80x64xf32, #tpu.memory_space<vmem>>, vector<1x16xf32>,
    %swap3A_1087 = arith.constant 45 : i32
    %swap3A_1088 = arith.index_cast %swap3A_1087 : i32 to index
    %swap3A_1089 = arith.constant 16 : index
    %swap3A_1090 = tpu.vector_load %arg10[%swap3A_1088, %swap3A_1089] {strides = array<i32>} : memref<80x64xf32, #tpu.memory_space<vmem>>, vector<1x16xf32>,
    %swap3A_1091 = vector.shape_cast %swap3A_1090 : vector<1x16xf32> to vector<16xf32>
    %swap3A_1092 = vector.shape_cast %broadcast_in_dim3A_1 : vector<16xf32> to vector<1x16xf32>
    tpu.vector_store %arg10[%swap3A_1088, %swap3A_1089], %swap3A_1092 {strides = array<i32>} : memref<80x64xf32, #tpu.memory_space<vmem>>, vector<1x16xf32>,
    %swap3A_1093 = arith.constant 45 : i32
    %swap3A_1094 = arith.index_cast %swap3A_1093 : i32 to index
    %swap3A_1095 = arith.constant 32 : index
    %swap3A_1096 = tpu.vector_load %arg10[%swap3A_1094, %swap3A_1095] {strides = array<i32>} : memref<80x64xf32, #tpu.memory_space<vmem>>, vector<1x16xf32>,
    %swap3A_1097 = vector.shape_cast %swap3A_1096 : vector<1x16xf32> to vector<16xf32>
    %swap3A_1098 = vector.shape_cast %broadcast_in_dim3A_1 : vector<16xf32> to vector<1x16xf32>
    tpu.vector_store %arg10[%swap3A_1094, %swap3A_1095], %swap3A_1098 {strides = array<i32>} : memref<80x64xf32, #tpu.memory_space<vmem>>, vector<1x16xf32>,
    %swap3A_1099 = arith.constant 45 : i32
    %swap3A_1100 = arith.index_cast %swap3A_1099 : i32 to index
    %swap3A_1101 = arith.constant 48 : index
    %swap3A_1102 = tpu.vector_load %arg10[%swap3A_1100, %swap3A_1101] {strides = array<i32>} : memref<80x64xf32, #tpu.memory_space<vmem>>, vector<1x16xf32>,
    %swap3A_1103 = vector.shape_cast %swap3A_1102 : vector<1x16xf32> to vector<16xf32>
    %swap3A_1104 = vector.shape_cast %broadcast_in_dim3A_1 : vector<16xf32> to vector<1x16xf32>
    tpu.vector_store %arg10[%swap3A_1100, %swap3A_1101], %swap3A_1104 {strides = array<i32>} : memref<80x64xf32, #tpu.memory_space<vmem>>, vector<1x16xf32>,
    %swap3A_1105 = arith.constant 46 : i32
    %swap3A_1106 = arith.index_cast %swap3A_1105 : i32 to index
    %swap3A_1107 = arith.constant 0 : index
    %swap3A_1108 = tpu.vector_load %arg10[%swap3A_1106, %swap3A_1107] {strides = array<i32>} : memref<80x64xf32, #tpu.memory_space<vmem>>, vector<1x16xf32>,
    %swap3A_1109 = vector.shape_cast %swap3A_1108 : vector<1x16xf32> to vector<16xf32>
    %swap3A_1110 = vector.shape_cast %broadcast_in_dim3A_1 : vector<16xf32> to vector<1x16xf32>
    tpu.vector_store %arg10[%swap3A_1106, %swap3A_1107], %swap3A_1110 {strides = array<i32>} : memref<80x64xf32, #tpu.memory_space<vmem>>, vector<1x16xf32>,
    %swap3A_1111 = arith.constant 46 : i32
    %swap3A_1112 = arith.index_cast %swap3A_1111 : i32 to index
    %swap3A_1113 = arith.constant 16 : index
    %swap3A_1114 = tpu.vector_load %arg10[%swap3A_1112, %swap3A_1113] {strides = array<i32>} : memref<80x64xf32, #tpu.memory_space<vmem>>, vector<1x16xf32>,
    %swap3A_1115 = vector.shape_cast %swap3A_1114 : vector<1x16xf32> to vector<16xf32>
    %swap3A_1116 = vector.shape_cast %broadcast_in_dim3A_1 : vector<16xf32> to vector<1x16xf32>
    tpu.vector_store %arg10[%swap3A_1112, %swap3A_1113], %swap3A_1116 {strides = array<i32>} : memref<80x64xf32, #tpu.memory_space<vmem>>, vector<1x16xf32>,
    %swap3A_1117 = arith.constant 46 : i32
    %swap3A_1118 = arith.index_cast %swap3A_1117 : i32 to index
    %swap3A_1119 = arith.constant 32 : index
    %swap3A_1120 = tpu.vector_load %arg10[%swap3A_1118, %swap3A_1119] {strides = array<i32>} : memref<80x64xf32, #tpu.memory_space<vmem>>, vector<1x16xf32>,
    %swap3A_1121 = vector.shape_cast %swap3A_1120 : vector<1x16xf32> to vector<16xf32>
    %swap3A_1122 = vector.shape_cast %broadcast_in_dim3A_1 : vector<16xf32> to vector<1x16xf32>
    tpu.vector_store %arg10[%swap3A_1118, %swap3A_1119], %swap3A_1122 {strides = array<i32>} : memref<80x64xf32, #tpu.memory_space<vmem>>, vector<1x16xf32>,
    %swap3A_1123 = arith.constant 46 : i32
    %swap3A_1124 = arith.index_cast %swap3A_1123 : i32 to index
    %swap3A_1125 = arith.constant 48 : index
    %swap3A_1126 = tpu.vector_load %arg10[%swap3A_1124, %swap3A_1125] {strides = array<i32>} : memref<80x64xf32, #tpu.memory_space<vmem>>, vector<1x16xf32>,
    %swap3A_1127 = vector.shape_cast %swap3A_1126 : vector<1x16xf32> to vector<16xf32>
    %swap3A_1128 = vector.shape_cast %broadcast_in_dim3A_1 : vector<16xf32> to vector<1x16xf32>
    tpu.vector_store %arg10[%swap3A_1124, %swap3A_1125], %swap3A_1128 {strides = array<i32>} : memref<80x64xf32, #tpu.memory_space<vmem>>, vector<1x16xf32>,
    %swap3A_1129 = arith.constant 47 : i32
    %swap3A_1130 = arith.index_cast %swap3A_1129 : i32 to index
    %swap3A_1131 = arith.constant 0 : index
    %swap3A_1132 = tpu.vector_load %arg10[%swap3A_1130, %swap3A_1131] {strides = array<i32>} : memref<80x64xf32, #tpu.memory_space<vmem>>, vector<1x16xf32>,
    %swap3A_1133 = vector.shape_cast %swap3A_1132 : vector<1x16xf32> to vector<16xf32>
    %swap3A_1134 = vector.shape_cast %broadcast_in_dim3A_1 : vector<16xf32> to vector<1x16xf32>
    tpu.vector_store %arg10[%swap3A_1130, %swap3A_1131], %swap3A_1134 {strides = array<i32>} : memref<80x64xf32, #tpu.memory_space<vmem>>, vector<1x16xf32>,
    %swap3A_1135 = arith.constant 47 : i32
    %swap3A_1136 = arith.index_cast %swap3A_1135 : i32 to index
    %swap3A_1137 = arith.constant 16 : index
    %swap3A_1138 = tpu.vector_load %arg10[%swap3A_1136, %swap3A_1137] {strides = array<i32>} : memref<80x64xf32, #tpu.memory_space<vmem>>, vector<1x16xf32>,
    %swap3A_1139 = vector.shape_cast %swap3A_1138 : vector<1x16xf32> to vector<16xf32>
    %swap3A_1140 = vector.shape_cast %broadcast_in_dim3A_1 : vector<16xf32> to vector<1x16xf32>
    tpu.vector_store %arg10[%swap3A_1136, %swap3A_1137], %swap3A_1140 {strides = array<i32>} : memref<80x64xf32, #tpu.memory_space<vmem>>, vector<1x16xf32>,
    %swap3A_1141 = arith.constant 47 : i32
    %swap3A_1142 = arith.index_cast %swap3A_1141 : i32 to index
    %swap3A_1143 = arith.constant 32 : index
    %swap3A_1144 = tpu.vector_load %arg10[%swap3A_1142, %swap3A_1143] {strides = array<i32>} : memref<80x64xf32, #tpu.memory_space<vmem>>, vector<1x16xf32>,
    %swap3A_1145 = vector.shape_cast %swap3A_1144 : vector<1x16xf32> to vector<16xf32>
    %swap3A_1146 = vector.shape_cast %broadcast_in_dim3A_1 : vector<16xf32> to vector<1x16xf32>
    tpu.vector_store %arg10[%swap3A_1142, %swap3A_1143], %swap3A_1146 {strides = array<i32>} : memref<80x64xf32, #tpu.memory_space<vmem>>, vector<1x16xf32>,
    %swap3A_1147 = arith.constant 47 : i32
    %swap3A_1148 = arith.index_cast %swap3A_1147 : i32 to index
    %swap3A_1149 = arith.constant 48 : index
    %swap3A_1150 = tpu.vector_load %arg10[%swap3A_1148, %swap3A_1149] {strides = array<i32>} : memref<80x64xf32, #tpu.memory_space<vmem>>, vector<1x16xf32>,
    %swap3A_1151 = vector.shape_cast %swap3A_1150 : vector<1x16xf32> to vector<16xf32>
    %swap3A_1152 = vector.shape_cast %broadcast_in_dim3A_1 : vector<16xf32> to vector<1x16xf32>
    tpu.vector_store %arg10[%swap3A_1148, %swap3A_1149], %swap3A_1152 {strides = array<i32>} : memref<80x64xf32, #tpu.memory_space<vmem>>, vector<1x16xf32>,
    %swap3A_1153 = arith.constant 48 : i32
    %swap3A_1154 = arith.index_cast %swap3A_1153 : i32 to index
    %swap3A_1155 = arith.constant 0 : index
    %swap3A_1156 = tpu.vector_load %arg10[%swap3A_1154, %swap3A_1155] {strides = array<i32>} : memref<80x64xf32, #tpu.memory_space<vmem>>, vector<1x16xf32>,
    %swap3A_1157 = vector.shape_cast %swap3A_1156 : vector<1x16xf32> to vector<16xf32>
    %swap3A_1158 = vector.shape_cast %broadcast_in_dim3A_1 : vector<16xf32> to vector<1x16xf32>
    tpu.vector_store %arg10[%swap3A_1154, %swap3A_1155], %swap3A_1158 {strides = array<i32>} : memref<80x64xf32, #tpu.memory_space<vmem>>, vector<1x16xf32>,
    %swap3A_1159 = arith.constant 48 : i32
    %swap3A_1160 = arith.index_cast %swap3A_1159 : i32 to index
    %swap3A_1161 = arith.constant 16 : index
    %swap3A_1162 = tpu.vector_load %arg10[%swap3A_1160, %swap3A_1161] {strides = array<i32>} : memref<80x64xf32, #tpu.memory_space<vmem>>, vector<1x16xf32>,
    %swap3A_1163 = vector.shape_cast %swap3A_1162 : vector<1x16xf32> to vector<16xf32>
    %swap3A_1164 = vector.shape_cast %broadcast_in_dim3A_1 : vector<16xf32> to vector<1x16xf32>
    tpu.vector_store %arg10[%swap3A_1160, %swap3A_1161], %swap3A_1164 {strides = array<i32>} : memref<80x64xf32, #tpu.memory_space<vmem>>, vector<1x16xf32>,
    %swap3A_1165 = arith.constant 48 : i32
    %swap3A_1166 = arith.index_cast %swap3A_1165 : i32 to index
    %swap3A_1167 = arith.constant 32 : index
    %swap3A_1168 = tpu.vector_load %arg10[%swap3A_1166, %swap3A_1167] {strides = array<i32>} : memref<80x64xf32, #tpu.memory_space<vmem>>, vector<1x16xf32>,
    %swap3A_1169 = vector.shape_cast %swap3A_1168 : vector<1x16xf32> to vector<16xf32>
    %swap3A_1170 = vector.shape_cast %broadcast_in_dim3A_1 : vector<16xf32> to vector<1x16xf32>
    tpu.vector_store %arg10[%swap3A_1166, %swap3A_1167], %swap3A_1170 {strides = array<i32>} : memref<80x64xf32, #tpu.memory_space<vmem>>, vector<1x16xf32>,
    %swap3A_1171 = arith.constant 48 : i32
    %swap3A_1172 = arith.index_cast %swap3A_1171 : i32 to index
    %swap3A_1173 = arith.constant 48 : index
    %swap3A_1174 = tpu.vector_load %arg10[%swap3A_1172, %swap3A_1173] {strides = array<i32>} : memref<80x64xf32, #tpu.memory_space<vmem>>, vector<1x16xf32>,
    %swap3A_1175 = vector.shape_cast %swap3A_1174 : vector<1x16xf32> to vector<16xf32>
    %swap3A_1176 = vector.shape_cast %broadcast_in_dim3A_1 : vector<16xf32> to vector<1x16xf32>
    tpu.vector_store %arg10[%swap3A_1172, %swap3A_1173], %swap3A_1176 {strides = array<i32>} : memref<80x64xf32, #tpu.memory_space<vmem>>, vector<1x16xf32>,
    %swap3A_1177 = arith.constant 49 : i32
    %swap3A_1178 = arith.index_cast %swap3A_1177 : i32 to index
    %swap3A_1179 = arith.constant 0 : index
    %swap3A_1180 = tpu.vector_load %arg10[%swap3A_1178, %swap3A_1179] {strides = array<i32>} : memref<80x64xf32, #tpu.memory_space<vmem>>, vector<1x16xf32>,
    %swap3A_1181 = vector.shape_cast %swap3A_1180 : vector<1x16xf32> to vector<16xf32>
    %swap3A_1182 = vector.shape_cast %broadcast_in_dim3A_1 : vector<16xf32> to vector<1x16xf32>
    tpu.vector_store %arg10[%swap3A_1178, %swap3A_1179], %swap3A_1182 {strides = array<i32>} : memref<80x64xf32, #tpu.memory_space<vmem>>, vector<1x16xf32>,
    %swap3A_1183 = arith.constant 49 : i32
    %swap3A_1184 = arith.index_cast %swap3A_1183 : i32 to index
    %swap3A_1185 = arith.constant 16 : index
    %swap3A_1186 = tpu.vector_load %arg10[%swap3A_1184, %swap3A_1185] {strides = array<i32>} : memref<80x64xf32, #tpu.memory_space<vmem>>, vector<1x16xf32>,
    %swap3A_1187 = vector.shape_cast %swap3A_1186 : vector<1x16xf32> to vector<16xf32>
    %swap3A_1188 = vector.shape_cast %broadcast_in_dim3A_1 : vector<16xf32> to vector<1x16xf32>
    tpu.vector_store %arg10[%swap3A_1184, %swap3A_1185], %swap3A_1188 {strides = array<i32>} : memref<80x64xf32, #tpu.memory_space<vmem>>, vector<1x16xf32>,
    %swap3A_1189 = arith.constant 49 : i32
    %swap3A_1190 = arith.index_cast %swap3A_1189 : i32 to index
    %swap3A_1191 = arith.constant 32 : index
    %swap3A_1192 = tpu.vector_load %arg10[%swap3A_1190, %swap3A_1191] {strides = array<i32>} : memref<80x64xf32, #tpu.memory_space<vmem>>, vector<1x16xf32>,
    %swap3A_1193 = vector.shape_cast %swap3A_1192 : vector<1x16xf32> to vector<16xf32>
    %swap3A_1194 = vector.shape_cast %broadcast_in_dim3A_1 : vector<16xf32> to vector<1x16xf32>
    tpu.vector_store %arg10[%swap3A_1190, %swap3A_1191], %swap3A_1194 {strides = array<i32>} : memref<80x64xf32, #tpu.memory_space<vmem>>, vector<1x16xf32>,
    %swap3A_1195 = arith.constant 49 : i32
    %swap3A_1196 = arith.index_cast %swap3A_1195 : i32 to index
    %swap3A_1197 = arith.constant 48 : index
    %swap3A_1198 = tpu.vector_load %arg10[%swap3A_1196, %swap3A_1197] {strides = array<i32>} : memref<80x64xf32, #tpu.memory_space<vmem>>, vector<1x16xf32>,
    %swap3A_1199 = vector.shape_cast %swap3A_1198 : vector<1x16xf32> to vector<16xf32>
    %swap3A_1200 = vector.shape_cast %broadcast_in_dim3A_1 : vector<16xf32> to vector<1x16xf32>
    tpu.vector_store %arg10[%swap3A_1196, %swap3A_1197], %swap3A_1200 {strides = array<i32>} : memref<80x64xf32, #tpu.memory_space<vmem>>, vector<1x16xf32>,
    %swap3A_1201 = arith.constant 50 : i32
    %swap3A_1202 = arith.index_cast %swap3A_1201 : i32 to index
    %swap3A_1203 = arith.constant 0 : index
    %swap3A_1204 = tpu.vector_load %arg10[%swap3A_1202, %swap3A_1203] {strides = array<i32>} : memref<80x64xf32, #tpu.memory_space<vmem>>, vector<1x16xf32>,
    %swap3A_1205 = vector.shape_cast %swap3A_1204 : vector<1x16xf32> to vector<16xf32>
    %swap3A_1206 = vector.shape_cast %broadcast_in_dim3A_1 : vector<16xf32> to vector<1x16xf32>
    tpu.vector_store %arg10[%swap3A_1202, %swap3A_1203], %swap3A_1206 {strides = array<i32>} : memref<80x64xf32, #tpu.memory_space<vmem>>, vector<1x16xf32>,
    %swap3A_1207 = arith.constant 50 : i32
    %swap3A_1208 = arith.index_cast %swap3A_1207 : i32 to index
    %swap3A_1209 = arith.constant 16 : index
    %swap3A_1210 = tpu.vector_load %arg10[%swap3A_1208, %swap3A_1209] {strides = array<i32>} : memref<80x64xf32, #tpu.memory_space<vmem>>, vector<1x16xf32>,
    %swap3A_1211 = vector.shape_cast %swap3A_1210 : vector<1x16xf32> to vector<16xf32>
    %swap3A_1212 = vector.shape_cast %broadcast_in_dim3A_1 : vector<16xf32> to vector<1x16xf32>
    tpu.vector_store %arg10[%swap3A_1208, %swap3A_1209], %swap3A_1212 {strides = array<i32>} : memref<80x64xf32, #tpu.memory_space<vmem>>, vector<1x16xf32>,
    %swap3A_1213 = arith.constant 50 : i32
    %swap3A_1214 = arith.index_cast %swap3A_1213 : i32 to index
    %swap3A_1215 = arith.constant 32 : index
    %swap3A_1216 = tpu.vector_load %arg10[%swap3A_1214, %swap3A_1215] {strides = array<i32>} : memref<80x64xf32, #tpu.memory_space<vmem>>, vector<1x16xf32>,
    %swap3A_1217 = vector.shape_cast %swap3A_1216 : vector<1x16xf32> to vector<16xf32>
    %swap3A_1218 = vector.shape_cast %broadcast_in_dim3A_1 : vector<16xf32> to vector<1x16xf32>
    tpu.vector_store %arg10[%swap3A_1214, %swap3A_1215], %swap3A_1218 {strides = array<i32>} : memref<80x64xf32, #tpu.memory_space<vmem>>, vector<1x16xf32>,
    %swap3A_1219 = arith.constant 50 : i32
    %swap3A_1220 = arith.index_cast %swap3A_1219 : i32 to index
    %swap3A_1221 = arith.constant 48 : index
    %swap3A_1222 = tpu.vector_load %arg10[%swap3A_1220, %swap3A_1221] {strides = array<i32>} : memref<80x64xf32, #tpu.memory_space<vmem>>, vector<1x16xf32>,
    %swap3A_1223 = vector.shape_cast %swap3A_1222 : vector<1x16xf32> to vector<16xf32>
    %swap3A_1224 = vector.shape_cast %broadcast_in_dim3A_1 : vector<16xf32> to vector<1x16xf32>
    tpu.vector_store %arg10[%swap3A_1220, %swap3A_1221], %swap3A_1224 {strides = array<i32>} : memref<80x64xf32, #tpu.memory_space<vmem>>, vector<1x16xf32>,
    %swap3A_1225 = arith.constant 51 : i32
    %swap3A_1226 = arith.index_cast %swap3A_1225 : i32 to index
    %swap3A_1227 = arith.constant 0 : index
    %swap3A_1228 = tpu.vector_load %arg10[%swap3A_1226, %swap3A_1227] {strides = array<i32>} : memref<80x64xf32, #tpu.memory_space<vmem>>, vector<1x16xf32>,
    %swap3A_1229 = vector.shape_cast %swap3A_1228 : vector<1x16xf32> to vector<16xf32>
    %swap3A_1230 = vector.shape_cast %broadcast_in_dim3A_1 : vector<16xf32> to vector<1x16xf32>
    tpu.vector_store %arg10[%swap3A_1226, %swap3A_1227], %swap3A_1230 {strides = array<i32>} : memref<80x64xf32, #tpu.memory_space<vmem>>, vector<1x16xf32>,
    %swap3A_1231 = arith.constant 51 : i32
    %swap3A_1232 = arith.index_cast %swap3A_1231 : i32 to index
    %swap3A_1233 = arith.constant 16 : index
    %swap3A_1234 = tpu.vector_load %arg10[%swap3A_1232, %swap3A_1233] {strides = array<i32>} : memref<80x64xf32, #tpu.memory_space<vmem>>, vector<1x16xf32>,
    %swap3A_1235 = vector.shape_cast %swap3A_1234 : vector<1x16xf32> to vector<16xf32>
    %swap3A_1236 = vector.shape_cast %broadcast_in_dim3A_1 : vector<16xf32> to vector<1x16xf32>
    tpu.vector_store %arg10[%swap3A_1232, %swap3A_1233], %swap3A_1236 {strides = array<i32>} : memref<80x64xf32, #tpu.memory_space<vmem>>, vector<1x16xf32>,
    %swap3A_1237 = arith.constant 51 : i32
    %swap3A_1238 = arith.index_cast %swap3A_1237 : i32 to index
    %swap3A_1239 = arith.constant 32 : index
    %swap3A_1240 = tpu.vector_load %arg10[%swap3A_1238, %swap3A_1239] {strides = array<i32>} : memref<80x64xf32, #tpu.memory_space<vmem>>, vector<1x16xf32>,
    %swap3A_1241 = vector.shape_cast %swap3A_1240 : vector<1x16xf32> to vector<16xf32>
    %swap3A_1242 = vector.shape_cast %broadcast_in_dim3A_1 : vector<16xf32> to vector<1x16xf32>
    tpu.vector_store %arg10[%swap3A_1238, %swap3A_1239], %swap3A_1242 {strides = array<i32>} : memref<80x64xf32, #tpu.memory_space<vmem>>, vector<1x16xf32>,
    %swap3A_1243 = arith.constant 51 : i32
    %swap3A_1244 = arith.index_cast %swap3A_1243 : i32 to index
    %swap3A_1245 = arith.constant 48 : index
    %swap3A_1246 = tpu.vector_load %arg10[%swap3A_1244, %swap3A_1245] {strides = array<i32>} : memref<80x64xf32, #tpu.memory_space<vmem>>, vector<1x16xf32>,
    %swap3A_1247 = vector.shape_cast %swap3A_1246 : vector<1x16xf32> to vector<16xf32>
    %swap3A_1248 = vector.shape_cast %broadcast_in_dim3A_1 : vector<16xf32> to vector<1x16xf32>
    tpu.vector_store %arg10[%swap3A_1244, %swap3A_1245], %swap3A_1248 {strides = array<i32>} : memref<80x64xf32, #tpu.memory_space<vmem>>, vector<1x16xf32>,
    %swap3A_1249 = arith.constant 52 : i32
    %swap3A_1250 = arith.index_cast %swap3A_1249 : i32 to index
    %swap3A_1251 = arith.constant 0 : index
    %swap3A_1252 = tpu.vector_load %arg10[%swap3A_1250, %swap3A_1251] {strides = array<i32>} : memref<80x64xf32, #tpu.memory_space<vmem>>, vector<1x16xf32>,
    %swap3A_1253 = vector.shape_cast %swap3A_1252 : vector<1x16xf32> to vector<16xf32>
    %swap3A_1254 = vector.shape_cast %broadcast_in_dim3A_1 : vector<16xf32> to vector<1x16xf32>
    tpu.vector_store %arg10[%swap3A_1250, %swap3A_1251], %swap3A_1254 {strides = array<i32>} : memref<80x64xf32, #tpu.memory_space<vmem>>, vector<1x16xf32>,
    %swap3A_1255 = arith.constant 52 : i32
    %swap3A_1256 = arith.index_cast %swap3A_1255 : i32 to index
    %swap3A_1257 = arith.constant 16 : index
    %swap3A_1258 = tpu.vector_load %arg10[%swap3A_1256, %swap3A_1257] {strides = array<i32>} : memref<80x64xf32, #tpu.memory_space<vmem>>, vector<1x16xf32>,
    %swap3A_1259 = vector.shape_cast %swap3A_1258 : vector<1x16xf32> to vector<16xf32>
    %swap3A_1260 = vector.shape_cast %broadcast_in_dim3A_1 : vector<16xf32> to vector<1x16xf32>
    tpu.vector_store %arg10[%swap3A_1256, %swap3A_1257], %swap3A_1260 {strides = array<i32>} : memref<80x64xf32, #tpu.memory_space<vmem>>, vector<1x16xf32>,
    %swap3A_1261 = arith.constant 52 : i32
    %swap3A_1262 = arith.index_cast %swap3A_1261 : i32 to index
    %swap3A_1263 = arith.constant 32 : index
    %swap3A_1264 = tpu.vector_load %arg10[%swap3A_1262, %swap3A_1263] {strides = array<i32>} : memref<80x64xf32, #tpu.memory_space<vmem>>, vector<1x16xf32>,
    %swap3A_1265 = vector.shape_cast %swap3A_1264 : vector<1x16xf32> to vector<16xf32>
    %swap3A_1266 = vector.shape_cast %broadcast_in_dim3A_1 : vector<16xf32> to vector<1x16xf32>
    tpu.vector_store %arg10[%swap3A_1262, %swap3A_1263], %swap3A_1266 {strides = array<i32>} : memref<80x64xf32, #tpu.memory_space<vmem>>, vector<1x16xf32>,
    %swap3A_1267 = arith.constant 52 : i32
    %swap3A_1268 = arith.index_cast %swap3A_1267 : i32 to index
    %swap3A_1269 = arith.constant 48 : index
    %swap3A_1270 = tpu.vector_load %arg10[%swap3A_1268, %swap3A_1269] {strides = array<i32>} : memref<80x64xf32, #tpu.memory_space<vmem>>, vector<1x16xf32>,
    %swap3A_1271 = vector.shape_cast %swap3A_1270 : vector<1x16xf32> to vector<16xf32>
    %swap3A_1272 = vector.shape_cast %broadcast_in_dim3A_1 : vector<16xf32> to vector<1x16xf32>
    tpu.vector_store %arg10[%swap3A_1268, %swap3A_1269], %swap3A_1272 {strides = array<i32>} : memref<80x64xf32, #tpu.memory_space<vmem>>, vector<1x16xf32>,
    %swap3A_1273 = arith.constant 53 : i32
    %swap3A_1274 = arith.index_cast %swap3A_1273 : i32 to index
    %swap3A_1275 = arith.constant 0 : index
    %swap3A_1276 = tpu.vector_load %arg10[%swap3A_1274, %swap3A_1275] {strides = array<i32>} : memref<80x64xf32, #tpu.memory_space<vmem>>, vector<1x16xf32>,
    %swap3A_1277 = vector.shape_cast %swap3A_1276 : vector<1x16xf32> to vector<16xf32>
    %swap3A_1278 = vector.shape_cast %broadcast_in_dim3A_1 : vector<16xf32> to vector<1x16xf32>
    tpu.vector_store %arg10[%swap3A_1274, %swap3A_1275], %swap3A_1278 {strides = array<i32>} : memref<80x64xf32, #tpu.memory_space<vmem>>, vector<1x16xf32>,
    %swap3A_1279 = arith.constant 53 : i32
    %swap3A_1280 = arith.index_cast %swap3A_1279 : i32 to index
    %swap3A_1281 = arith.constant 16 : index
    %swap3A_1282 = tpu.vector_load %arg10[%swap3A_1280, %swap3A_1281] {strides = array<i32>} : memref<80x64xf32, #tpu.memory_space<vmem>>, vector<1x16xf32>,
    %swap3A_1283 = vector.shape_cast %swap3A_1282 : vector<1x16xf32> to vector<16xf32>
    %swap3A_1284 = vector.shape_cast %broadcast_in_dim3A_1 : vector<16xf32> to vector<1x16xf32>
    tpu.vector_store %arg10[%swap3A_1280, %swap3A_1281], %swap3A_1284 {strides = array<i32>} : memref<80x64xf32, #tpu.memory_space<vmem>>, vector<1x16xf32>,
    %swap3A_1285 = arith.constant 53 : i32
    %swap3A_1286 = arith.index_cast %swap3A_1285 : i32 to index
    %swap3A_1287 = arith.constant 32 : index
    %swap3A_1288 = tpu.vector_load %arg10[%swap3A_1286, %swap3A_1287] {strides = array<i32>} : memref<80x64xf32, #tpu.memory_space<vmem>>, vector<1x16xf32>,
    %swap3A_1289 = vector.shape_cast %swap3A_1288 : vector<1x16xf32> to vector<16xf32>
    %swap3A_1290 = vector.shape_cast %broadcast_in_dim3A_1 : vector<16xf32> to vector<1x16xf32>
    tpu.vector_store %arg10[%swap3A_1286, %swap3A_1287], %swap3A_1290 {strides = array<i32>} : memref<80x64xf32, #tpu.memory_space<vmem>>, vector<1x16xf32>,
    %swap3A_1291 = arith.constant 53 : i32
    %swap3A_1292 = arith.index_cast %swap3A_1291 : i32 to index
    %swap3A_1293 = arith.constant 48 : index
    %swap3A_1294 = tpu.vector_load %arg10[%swap3A_1292, %swap3A_1293] {strides = array<i32>} : memref<80x64xf32, #tpu.memory_space<vmem>>, vector<1x16xf32>,
    %swap3A_1295 = vector.shape_cast %swap3A_1294 : vector<1x16xf32> to vector<16xf32>
    %swap3A_1296 = vector.shape_cast %broadcast_in_dim3A_1 : vector<16xf32> to vector<1x16xf32>
    tpu.vector_store %arg10[%swap3A_1292, %swap3A_1293], %swap3A_1296 {strides = array<i32>} : memref<80x64xf32, #tpu.memory_space<vmem>>, vector<1x16xf32>,
    %swap3A_1297 = arith.constant 54 : i32
    %swap3A_1298 = arith.index_cast %swap3A_1297 : i32 to index
    %swap3A_1299 = arith.constant 0 : index
    %swap3A_1300 = tpu.vector_load %arg10[%swap3A_1298, %swap3A_1299] {strides = array<i32>} : memref<80x64xf32, #tpu.memory_space<vmem>>, vector<1x16xf32>,
    %swap3A_1301 = vector.shape_cast %swap3A_1300 : vector<1x16xf32> to vector<16xf32>
    %swap3A_1302 = vector.shape_cast %broadcast_in_dim3A_1 : vector<16xf32> to vector<1x16xf32>
    tpu.vector_store %arg10[%swap3A_1298, %swap3A_1299], %swap3A_1302 {strides = array<i32>} : memref<80x64xf32, #tpu.memory_space<vmem>>, vector<1x16xf32>,
    %swap3A_1303 = arith.constant 54 : i32
    %swap3A_1304 = arith.index_cast %swap3A_1303 : i32 to index
    %swap3A_1305 = arith.constant 16 : index
    %swap3A_1306 = tpu.vector_load %arg10[%swap3A_1304, %swap3A_1305] {strides = array<i32>} : memref<80x64xf32, #tpu.memory_space<vmem>>, vector<1x16xf32>,
    %swap3A_1307 = vector.shape_cast %swap3A_1306 : vector<1x16xf32> to vector<16xf32>
    %swap3A_1308 = vector.shape_cast %broadcast_in_dim3A_1 : vector<16xf32> to vector<1x16xf32>
    tpu.vector_store %arg10[%swap3A_1304, %swap3A_1305], %swap3A_1308 {strides = array<i32>} : memref<80x64xf32, #tpu.memory_space<vmem>>, vector<1x16xf32>,
    %swap3A_1309 = arith.constant 54 : i32
    %swap3A_1310 = arith.index_cast %swap3A_1309 : i32 to index
    %swap3A_1311 = arith.constant 32 : index
    %swap3A_1312 = tpu.vector_load %arg10[%swap3A_1310, %swap3A_1311] {strides = array<i32>} : memref<80x64xf32, #tpu.memory_space<vmem>>, vector<1x16xf32>,
    %swap3A_1313 = vector.shape_cast %swap3A_1312 : vector<1x16xf32> to vector<16xf32>
    %swap3A_1314 = vector.shape_cast %broadcast_in_dim3A_1 : vector<16xf32> to vector<1x16xf32>
    tpu.vector_store %arg10[%swap3A_1310, %swap3A_1311], %swap3A_1314 {strides = array<i32>} : memref<80x64xf32, #tpu.memory_space<vmem>>, vector<1x16xf32>,
    %swap3A_1315 = arith.constant 54 : i32
    %swap3A_1316 = arith.index_cast %swap3A_1315 : i32 to index
    %swap3A_1317 = arith.constant 48 : index
    %swap3A_1318 = tpu.vector_load %arg10[%swap3A_1316, %swap3A_1317] {strides = array<i32>} : memref<80x64xf32, #tpu.memory_space<vmem>>, vector<1x16xf32>,
    %swap3A_1319 = vector.shape_cast %swap3A_1318 : vector<1x16xf32> to vector<16xf32>
    %swap3A_1320 = vector.shape_cast %broadcast_in_dim3A_1 : vector<16xf32> to vector<1x16xf32>
    tpu.vector_store %arg10[%swap3A_1316, %swap3A_1317], %swap3A_1320 {strides = array<i32>} : memref<80x64xf32, #tpu.memory_space<vmem>>, vector<1x16xf32>,
    %swap3A_1321 = arith.constant 55 : i32
    %swap3A_1322 = arith.index_cast %swap3A_1321 : i32 to index
    %swap3A_1323 = arith.constant 0 : index
    %swap3A_1324 = tpu.vector_load %arg10[%swap3A_1322, %swap3A_1323] {strides = array<i32>} : memref<80x64xf32, #tpu.memory_space<vmem>>, vector<1x16xf32>,
    %swap3A_1325 = vector.shape_cast %swap3A_1324 : vector<1x16xf32> to vector<16xf32>
    %swap3A_1326 = vector.shape_cast %broadcast_in_dim3A_1 : vector<16xf32> to vector<1x16xf32>
    tpu.vector_store %arg10[%swap3A_1322, %swap3A_1323], %swap3A_1326 {strides = array<i32>} : memref<80x64xf32, #tpu.memory_space<vmem>>, vector<1x16xf32>,
    %swap3A_1327 = arith.constant 55 : i32
    %swap3A_1328 = arith.index_cast %swap3A_1327 : i32 to index
    %swap3A_1329 = arith.constant 16 : index
    %swap3A_1330 = tpu.vector_load %arg10[%swap3A_1328, %swap3A_1329] {strides = array<i32>} : memref<80x64xf32, #tpu.memory_space<vmem>>, vector<1x16xf32>,
    %swap3A_1331 = vector.shape_cast %swap3A_1330 : vector<1x16xf32> to vector<16xf32>
    %swap3A_1332 = vector.shape_cast %broadcast_in_dim3A_1 : vector<16xf32> to vector<1x16xf32>
    tpu.vector_store %arg10[%swap3A_1328, %swap3A_1329], %swap3A_1332 {strides = array<i32>} : memref<80x64xf32, #tpu.memory_space<vmem>>, vector<1x16xf32>,
    %swap3A_1333 = arith.constant 55 : i32
    %swap3A_1334 = arith.index_cast %swap3A_1333 : i32 to index
    %swap3A_1335 = arith.constant 32 : index
    %swap3A_1336 = tpu.vector_load %arg10[%swap3A_1334, %swap3A_1335] {strides = array<i32>} : memref<80x64xf32, #tpu.memory_space<vmem>>, vector<1x16xf32>,
    %swap3A_1337 = vector.shape_cast %swap3A_1336 : vector<1x16xf32> to vector<16xf32>
    %swap3A_1338 = vector.shape_cast %broadcast_in_dim3A_1 : vector<16xf32> to vector<1x16xf32>
    tpu.vector_store %arg10[%swap3A_1334, %swap3A_1335], %swap3A_1338 {strides = array<i32>} : memref<80x64xf32, #tpu.memory_space<vmem>>, vector<1x16xf32>,
    %swap3A_1339 = arith.constant 55 : i32
    %swap3A_1340 = arith.index_cast %swap3A_1339 : i32 to index
    %swap3A_1341 = arith.constant 48 : index
    %swap3A_1342 = tpu.vector_load %arg10[%swap3A_1340, %swap3A_1341] {strides = array<i32>} : memref<80x64xf32, #tpu.memory_space<vmem>>, vector<1x16xf32>,
    %swap3A_1343 = vector.shape_cast %swap3A_1342 : vector<1x16xf32> to vector<16xf32>
    %swap3A_1344 = vector.shape_cast %broadcast_in_dim3A_1 : vector<16xf32> to vector<1x16xf32>
    tpu.vector_store %arg10[%swap3A_1340, %swap3A_1341], %swap3A_1344 {strides = array<i32>} : memref<80x64xf32, #tpu.memory_space<vmem>>, vector<1x16xf32>,
    %swap3A_1345 = arith.constant 56 : i32
    %swap3A_1346 = arith.index_cast %swap3A_1345 : i32 to index
    %swap3A_1347 = arith.constant 0 : index
    %swap3A_1348 = tpu.vector_load %arg10[%swap3A_1346, %swap3A_1347] {strides = array<i32>} : memref<80x64xf32, #tpu.memory_space<vmem>>, vector<1x16xf32>,
    %swap3A_1349 = vector.shape_cast %swap3A_1348 : vector<1x16xf32> to vector<16xf32>
    %swap3A_1350 = vector.shape_cast %broadcast_in_dim3A_1 : vector<16xf32> to vector<1x16xf32>
    tpu.vector_store %arg10[%swap3A_1346, %swap3A_1347], %swap3A_1350 {strides = array<i32>} : memref<80x64xf32, #tpu.memory_space<vmem>>, vector<1x16xf32>,
    %swap3A_1351 = arith.constant 56 : i32
    %swap3A_1352 = arith.index_cast %swap3A_1351 : i32 to index
    %swap3A_1353 = arith.constant 16 : index
    %swap3A_1354 = tpu.vector_load %arg10[%swap3A_1352, %swap3A_1353] {strides = array<i32>} : memref<80x64xf32, #tpu.memory_space<vmem>>, vector<1x16xf32>,
    %swap3A_1355 = vector.shape_cast %swap3A_1354 : vector<1x16xf32> to vector<16xf32>
    %swap3A_1356 = vector.shape_cast %broadcast_in_dim3A_1 : vector<16xf32> to vector<1x16xf32>
    tpu.vector_store %arg10[%swap3A_1352, %swap3A_1353], %swap3A_1356 {strides = array<i32>} : memref<80x64xf32, #tpu.memory_space<vmem>>, vector<1x16xf32>,
    %swap3A_1357 = arith.constant 56 : i32
    %swap3A_1358 = arith.index_cast %swap3A_1357 : i32 to index
    %swap3A_1359 = arith.constant 32 : index
    %swap3A_1360 = tpu.vector_load %arg10[%swap3A_1358, %swap3A_1359] {strides = array<i32>} : memref<80x64xf32, #tpu.memory_space<vmem>>, vector<1x16xf32>,
    %swap3A_1361 = vector.shape_cast %swap3A_1360 : vector<1x16xf32> to vector<16xf32>
    %swap3A_1362 = vector.shape_cast %broadcast_in_dim3A_1 : vector<16xf32> to vector<1x16xf32>
    tpu.vector_store %arg10[%swap3A_1358, %swap3A_1359], %swap3A_1362 {strides = array<i32>} : memref<80x64xf32, #tpu.memory_space<vmem>>, vector<1x16xf32>,
    %swap3A_1363 = arith.constant 56 : i32
    %swap3A_1364 = arith.index_cast %swap3A_1363 : i32 to index
    %swap3A_1365 = arith.constant 48 : index
    %swap3A_1366 = tpu.vector_load %arg10[%swap3A_1364, %swap3A_1365] {strides = array<i32>} : memref<80x64xf32, #tpu.memory_space<vmem>>, vector<1x16xf32>,
    %swap3A_1367 = vector.shape_cast %swap3A_1366 : vector<1x16xf32> to vector<16xf32>
    %swap3A_1368 = vector.shape_cast %broadcast_in_dim3A_1 : vector<16xf32> to vector<1x16xf32>
    tpu.vector_store %arg10[%swap3A_1364, %swap3A_1365], %swap3A_1368 {strides = array<i32>} : memref<80x64xf32, #tpu.memory_space<vmem>>, vector<1x16xf32>,
    %swap3A_1369 = arith.constant 57 : i32
    %swap3A_1370 = arith.index_cast %swap3A_1369 : i32 to index
    %swap3A_1371 = arith.constant 0 : index
    %swap3A_1372 = tpu.vector_load %arg10[%swap3A_1370, %swap3A_1371] {strides = array<i32>} : memref<80x64xf32, #tpu.memory_space<vmem>>, vector<1x16xf32>,
    %swap3A_1373 = vector.shape_cast %swap3A_1372 : vector<1x16xf32> to vector<16xf32>
    %swap3A_1374 = vector.shape_cast %broadcast_in_dim3A_1 : vector<16xf32> to vector<1x16xf32>
    tpu.vector_store %arg10[%swap3A_1370, %swap3A_1371], %swap3A_1374 {strides = array<i32>} : memref<80x64xf32, #tpu.memory_space<vmem>>, vector<1x16xf32>,
    %swap3A_1375 = arith.constant 57 : i32
    %swap3A_1376 = arith.index_cast %swap3A_1375 : i32 to index
    %swap3A_1377 = arith.constant 16 : index
    %swap3A_1378 = tpu.vector_load %arg10[%swap3A_1376, %swap3A_1377] {strides = array<i32>} : memref<80x64xf32, #tpu.memory_space<vmem>>, vector<1x16xf32>,
    %swap3A_1379 = vector.shape_cast %swap3A_1378 : vector<1x16xf32> to vector<16xf32>
    %swap3A_1380 = vector.shape_cast %broadcast_in_dim3A_1 : vector<16xf32> to vector<1x16xf32>
    tpu.vector_store %arg10[%swap3A_1376, %swap3A_1377], %swap3A_1380 {strides = array<i32>} : memref<80x64xf32, #tpu.memory_space<vmem>>, vector<1x16xf32>,
    %swap3A_1381 = arith.constant 57 : i32
    %swap3A_1382 = arith.index_cast %swap3A_1381 : i32 to index
    %swap3A_1383 = arith.constant 32 : index
    %swap3A_1384 = tpu.vector_load %arg10[%swap3A_1382, %swap3A_1383] {strides = array<i32>} : memref<80x64xf32, #tpu.memory_space<vmem>>, vector<1x16xf32>,
    %swap3A_1385 = vector.shape_cast %swap3A_1384 : vector<1x16xf32> to vector<16xf32>
    %swap3A_1386 = vector.shape_cast %broadcast_in_dim3A_1 : vector<16xf32> to vector<1x16xf32>
    tpu.vector_store %arg10[%swap3A_1382, %swap3A_1383], %swap3A_1386 {strides = array<i32>} : memref<80x64xf32, #tpu.memory_space<vmem>>, vector<1x16xf32>,
    %swap3A_1387 = arith.constant 57 : i32
    %swap3A_1388 = arith.index_cast %swap3A_1387 : i32 to index
    %swap3A_1389 = arith.constant 48 : index
    %swap3A_1390 = tpu.vector_load %arg10[%swap3A_1388, %swap3A_1389] {strides = array<i32>} : memref<80x64xf32, #tpu.memory_space<vmem>>, vector<1x16xf32>,
    %swap3A_1391 = vector.shape_cast %swap3A_1390 : vector<1x16xf32> to vector<16xf32>
    %swap3A_1392 = vector.shape_cast %broadcast_in_dim3A_1 : vector<16xf32> to vector<1x16xf32>
    tpu.vector_store %arg10[%swap3A_1388, %swap3A_1389], %swap3A_1392 {strides = array<i32>} : memref<80x64xf32, #tpu.memory_space<vmem>>, vector<1x16xf32>,
    %swap3A_1393 = arith.constant 58 : i32
    %swap3A_1394 = arith.index_cast %swap3A_1393 : i32 to index
    %swap3A_1395 = arith.constant 0 : index
    %swap3A_1396 = tpu.vector_load %arg10[%swap3A_1394, %swap3A_1395] {strides = array<i32>} : memref<80x64xf32, #tpu.memory_space<vmem>>, vector<1x16xf32>,
    %swap3A_1397 = vector.shape_cast %swap3A_1396 : vector<1x16xf32> to vector<16xf32>
    %swap3A_1398 = vector.shape_cast %broadcast_in_dim3A_1 : vector<16xf32> to vector<1x16xf32>
    tpu.vector_store %arg10[%swap3A_1394, %swap3A_1395], %swap3A_1398 {strides = array<i32>} : memref<80x64xf32, #tpu.memory_space<vmem>>, vector<1x16xf32>,
    %swap3A_1399 = arith.constant 58 : i32
    %swap3A_1400 = arith.index_cast %swap3A_1399 : i32 to index
    %swap3A_1401 = arith.constant 16 : index
    %swap3A_1402 = tpu.vector_load %arg10[%swap3A_1400, %swap3A_1401] {strides = array<i32>} : memref<80x64xf32, #tpu.memory_space<vmem>>, vector<1x16xf32>,
    %swap3A_1403 = vector.shape_cast %swap3A_1402 : vector<1x16xf32> to vector<16xf32>
    %swap3A_1404 = vector.shape_cast %broadcast_in_dim3A_1 : vector<16xf32> to vector<1x16xf32>
    tpu.vector_store %arg10[%swap3A_1400, %swap3A_1401], %swap3A_1404 {strides = array<i32>} : memref<80x64xf32, #tpu.memory_space<vmem>>, vector<1x16xf32>,
    %swap3A_1405 = arith.constant 58 : i32
    %swap3A_1406 = arith.index_cast %swap3A_1405 : i32 to index
    %swap3A_1407 = arith.constant 32 : index
    %swap3A_1408 = tpu.vector_load %arg10[%swap3A_1406, %swap3A_1407] {strides = array<i32>} : memref<80x64xf32, #tpu.memory_space<vmem>>, vector<1x16xf32>,
    %swap3A_1409 = vector.shape_cast %swap3A_1408 : vector<1x16xf32> to vector<16xf32>
    %swap3A_1410 = vector.shape_cast %broadcast_in_dim3A_1 : vector<16xf32> to vector<1x16xf32>
    tpu.vector_store %arg10[%swap3A_1406, %swap3A_1407], %swap3A_1410 {strides = array<i32>} : memref<80x64xf32, #tpu.memory_space<vmem>>, vector<1x16xf32>,
    %swap3A_1411 = arith.constant 58 : i32
    %swap3A_1412 = arith.index_cast %swap3A_1411 : i32 to index
    %swap3A_1413 = arith.constant 48 : index
    %swap3A_1414 = tpu.vector_load %arg10[%swap3A_1412, %swap3A_1413] {strides = array<i32>} : memref<80x64xf32, #tpu.memory_space<vmem>>, vector<1x16xf32>,
    %swap3A_1415 = vector.shape_cast %swap3A_1414 : vector<1x16xf32> to vector<16xf32>
    %swap3A_1416 = vector.shape_cast %broadcast_in_dim3A_1 : vector<16xf32> to vector<1x16xf32>
    tpu.vector_store %arg10[%swap3A_1412, %swap3A_1413], %swap3A_1416 {strides = array<i32>} : memref<80x64xf32, #tpu.memory_space<vmem>>, vector<1x16xf32>,
    %swap3A_1417 = arith.constant 59 : i32
    %swap3A_1418 = arith.index_cast %swap3A_1417 : i32 to index
    %swap3A_1419 = arith.constant 0 : index
    %swap3A_1420 = tpu.vector_load %arg10[%swap3A_1418, %swap3A_1419] {strides = array<i32>} : memref<80x64xf32, #tpu.memory_space<vmem>>, vector<1x16xf32>,
    %swap3A_1421 = vector.shape_cast %swap3A_1420 : vector<1x16xf32> to vector<16xf32>
    %swap3A_1422 = vector.shape_cast %broadcast_in_dim3A_1 : vector<16xf32> to vector<1x16xf32>
    tpu.vector_store %arg10[%swap3A_1418, %swap3A_1419], %swap3A_1422 {strides = array<i32>} : memref<80x64xf32, #tpu.memory_space<vmem>>, vector<1x16xf32>,
    %swap3A_1423 = arith.constant 59 : i32
    %swap3A_1424 = arith.index_cast %swap3A_1423 : i32 to index
    %swap3A_1425 = arith.constant 16 : index
    %swap3A_1426 = tpu.vector_load %arg10[%swap3A_1424, %swap3A_1425] {strides = array<i32>} : memref<80x64xf32, #tpu.memory_space<vmem>>, vector<1x16xf32>,
    %swap3A_1427 = vector.shape_cast %swap3A_1426 : vector<1x16xf32> to vector<16xf32>
    %swap3A_1428 = vector.shape_cast %broadcast_in_dim3A_1 : vector<16xf32> to vector<1x16xf32>
    tpu.vector_store %arg10[%swap3A_1424, %swap3A_1425], %swap3A_1428 {strides = array<i32>} : memref<80x64xf32, #tpu.memory_space<vmem>>, vector<1x16xf32>,
    %swap3A_1429 = arith.constant 59 : i32
    %swap3A_1430 = arith.index_cast %swap3A_1429 : i32 to index
    %swap3A_1431 = arith.constant 32 : index
    %swap3A_1432 = tpu.vector_load %arg10[%swap3A_1430, %swap3A_1431] {strides = array<i32>} : memref<80x64xf32, #tpu.memory_space<vmem>>, vector<1x16xf32>,
    %swap3A_1433 = vector.shape_cast %swap3A_1432 : vector<1x16xf32> to vector<16xf32>
    %swap3A_1434 = vector.shape_cast %broadcast_in_dim3A_1 : vector<16xf32> to vector<1x16xf32>
    tpu.vector_store %arg10[%swap3A_1430, %swap3A_1431], %swap3A_1434 {strides = array<i32>} : memref<80x64xf32, #tpu.memory_space<vmem>>, vector<1x16xf32>,
    %swap3A_1435 = arith.constant 59 : i32
    %swap3A_1436 = arith.index_cast %swap3A_1435 : i32 to index
    %swap3A_1437 = arith.constant 48 : index
    %swap3A_1438 = tpu.vector_load %arg10[%swap3A_1436, %swap3A_1437] {strides = array<i32>} : memref<80x64xf32, #tpu.memory_space<vmem>>, vector<1x16xf32>,
    %swap3A_1439 = vector.shape_cast %swap3A_1438 : vector<1x16xf32> to vector<16xf32>
    %swap3A_1440 = vector.shape_cast %broadcast_in_dim3A_1 : vector<16xf32> to vector<1x16xf32>
    tpu.vector_store %arg10[%swap3A_1436, %swap3A_1437], %swap3A_1440 {strides = array<i32>} : memref<80x64xf32, #tpu.memory_space<vmem>>, vector<1x16xf32>,
    %swap3A_1441 = arith.constant 60 : i32
    %swap3A_1442 = arith.index_cast %swap3A_1441 : i32 to index
    %swap3A_1443 = arith.constant 0 : index
    %swap3A_1444 = tpu.vector_load %arg10[%swap3A_1442, %swap3A_1443] {strides = array<i32>} : memref<80x64xf32, #tpu.memory_space<vmem>>, vector<1x16xf32>,
    %swap3A_1445 = vector.shape_cast %swap3A_1444 : vector<1x16xf32> to vector<16xf32>
    %swap3A_1446 = vector.shape_cast %broadcast_in_dim3A_1 : vector<16xf32> to vector<1x16xf32>
    tpu.vector_store %arg10[%swap3A_1442, %swap3A_1443], %swap3A_1446 {strides = array<i32>} : memref<80x64xf32, #tpu.memory_space<vmem>>, vector<1x16xf32>,
    %swap3A_1447 = arith.constant 60 : i32
    %swap3A_1448 = arith.index_cast %swap3A_1447 : i32 to index
    %swap3A_1449 = arith.constant 16 : index
    %swap3A_1450 = tpu.vector_load %arg10[%swap3A_1448, %swap3A_1449] {strides = array<i32>} : memref<80x64xf32, #tpu.memory_space<vmem>>, vector<1x16xf32>,
    %swap3A_1451 = vector.shape_cast %swap3A_1450 : vector<1x16xf32> to vector<16xf32>
    %swap3A_1452 = vector.shape_cast %broadcast_in_dim3A_1 : vector<16xf32> to vector<1x16xf32>
    tpu.vector_store %arg10[%swap3A_1448, %swap3A_1449], %swap3A_1452 {strides = array<i32>} : memref<80x64xf32, #tpu.memory_space<vmem>>, vector<1x16xf32>,
    %swap3A_1453 = arith.constant 60 : i32
    %swap3A_1454 = arith.index_cast %swap3A_1453 : i32 to index
    %swap3A_1455 = arith.constant 32 : index
    %swap3A_1456 = tpu.vector_load %arg10[%swap3A_1454, %swap3A_1455] {strides = array<i32>} : memref<80x64xf32, #tpu.memory_space<vmem>>, vector<1x16xf32>,
    %swap3A_1457 = vector.shape_cast %swap3A_1456 : vector<1x16xf32> to vector<16xf32>
    %swap3A_1458 = vector.shape_cast %broadcast_in_dim3A_1 : vector<16xf32> to vector<1x16xf32>
    tpu.vector_store %arg10[%swap3A_1454, %swap3A_1455], %swap3A_1458 {strides = array<i32>} : memref<80x64xf32, #tpu.memory_space<vmem>>, vector<1x16xf32>,
    %swap3A_1459 = arith.constant 60 : i32
    %swap3A_1460 = arith.index_cast %swap3A_1459 : i32 to index
    %swap3A_1461 = arith.constant 48 : index
    %swap3A_1462 = tpu.vector_load %arg10[%swap3A_1460, %swap3A_1461] {strides = array<i32>} : memref<80x64xf32, #tpu.memory_space<vmem>>, vector<1x16xf32>,
    %swap3A_1463 = vector.shape_cast %swap3A_1462 : vector<1x16xf32> to vector<16xf32>
    %swap3A_1464 = vector.shape_cast %broadcast_in_dim3A_1 : vector<16xf32> to vector<1x16xf32>
    tpu.vector_store %arg10[%swap3A_1460, %swap3A_1461], %swap3A_1464 {strides = array<i32>} : memref<80x64xf32, #tpu.memory_space<vmem>>, vector<1x16xf32>,
    %swap3A_1465 = arith.constant 61 : i32
    %swap3A_1466 = arith.index_cast %swap3A_1465 : i32 to index
    %swap3A_1467 = arith.constant 0 : index
    %swap3A_1468 = tpu.vector_load %arg10[%swap3A_1466, %swap3A_1467] {strides = array<i32>} : memref<80x64xf32, #tpu.memory_space<vmem>>, vector<1x16xf32>,
    %swap3A_1469 = vector.shape_cast %swap3A_1468 : vector<1x16xf32> to vector<16xf32>
    %swap3A_1470 = vector.shape_cast %broadcast_in_dim3A_1 : vector<16xf32> to vector<1x16xf32>
    tpu.vector_store %arg10[%swap3A_1466, %swap3A_1467], %swap3A_1470 {strides = array<i32>} : memref<80x64xf32, #tpu.memory_space<vmem>>, vector<1x16xf32>,
    %swap3A_1471 = arith.constant 61 : i32
    %swap3A_1472 = arith.index_cast %swap3A_1471 : i32 to index
    %swap3A_1473 = arith.constant 16 : index
    %swap3A_1474 = tpu.vector_load %arg10[%swap3A_1472, %swap3A_1473] {strides = array<i32>} : memref<80x64xf32, #tpu.memory_space<vmem>>, vector<1x16xf32>,
    %swap3A_1475 = vector.shape_cast %swap3A_1474 : vector<1x16xf32> to vector<16xf32>
    %swap3A_1476 = vector.shape_cast %broadcast_in_dim3A_1 : vector<16xf32> to vector<1x16xf32>
    tpu.vector_store %arg10[%swap3A_1472, %swap3A_1473], %swap3A_1476 {strides = array<i32>} : memref<80x64xf32, #tpu.memory_space<vmem>>, vector<1x16xf32>,
    %swap3A_1477 = arith.constant 61 : i32
    %swap3A_1478 = arith.index_cast %swap3A_1477 : i32 to index
    %swap3A_1479 = arith.constant 32 : index
    %swap3A_1480 = tpu.vector_load %arg10[%swap3A_1478, %swap3A_1479] {strides = array<i32>} : memref<80x64xf32, #tpu.memory_space<vmem>>, vector<1x16xf32>,
    %swap3A_1481 = vector.shape_cast %swap3A_1480 : vector<1x16xf32> to vector<16xf32>
    %swap3A_1482 = vector.shape_cast %broadcast_in_dim3A_1 : vector<16xf32> to vector<1x16xf32>
    tpu.vector_store %arg10[%swap3A_1478, %swap3A_1479], %swap3A_1482 {strides = array<i32>} : memref<80x64xf32, #tpu.memory_space<vmem>>, vector<1x16xf32>,
    %swap3A_1483 = arith.constant 61 : i32
    %swap3A_1484 = arith.index_cast %swap3A_1483 : i32 to index
    %swap3A_1485 = arith.constant 48 : index
    %swap3A_1486 = tpu.vector_load %arg10[%swap3A_1484, %swap3A_1485] {strides = array<i32>} : memref<80x64xf32, #tpu.memory_space<vmem>>, vector<1x16xf32>,
    %swap3A_1487 = vector.shape_cast %swap3A_1486 : vector<1x16xf32> to vector<16xf32>
    %swap3A_1488 = vector.shape_cast %broadcast_in_dim3A_1 : vector<16xf32> to vector<1x16xf32>
    tpu.vector_store %arg10[%swap3A_1484, %swap3A_1485], %swap3A_1488 {strides = array<i32>} : memref<80x64xf32, #tpu.memory_space<vmem>>, vector<1x16xf32>,
    %swap3A_1489 = arith.constant 62 : i32
    %swap3A_1490 = arith.index_cast %swap3A_1489 : i32 to index
    %swap3A_1491 = arith.constant 0 : index
    %swap3A_1492 = tpu.vector_load %arg10[%swap3A_1490, %swap3A_1491] {strides = array<i32>} : memref<80x64xf32, #tpu.memory_space<vmem>>, vector<1x16xf32>,
    %swap3A_1493 = vector.shape_cast %swap3A_1492 : vector<1x16xf32> to vector<16xf32>
    %swap3A_1494 = vector.shape_cast %broadcast_in_dim3A_1 : vector<16xf32> to vector<1x16xf32>
    tpu.vector_store %arg10[%swap3A_1490, %swap3A_1491], %swap3A_1494 {strides = array<i32>} : memref<80x64xf32, #tpu.memory_space<vmem>>, vector<1x16xf32>,
    %swap3A_1495 = arith.constant 62 : i32
    %swap3A_1496 = arith.index_cast %swap3A_1495 : i32 to index
    %swap3A_1497 = arith.constant 16 : index
    %swap3A_1498 = tpu.vector_load %arg10[%swap3A_1496, %swap3A_1497] {strides = array<i32>} : memref<80x64xf32, #tpu.memory_space<vmem>>, vector<1x16xf32>,
    %swap3A_1499 = vector.shape_cast %swap3A_1498 : vector<1x16xf32> to vector<16xf32>
    %swap3A_1500 = vector.shape_cast %broadcast_in_dim3A_1 : vector<16xf32> to vector<1x16xf32>
    tpu.vector_store %arg10[%swap3A_1496, %swap3A_1497], %swap3A_1500 {strides = array<i32>} : memref<80x64xf32, #tpu.memory_space<vmem>>, vector<1x16xf32>,
    %swap3A_1501 = arith.constant 62 : i32
    %swap3A_1502 = arith.index_cast %swap3A_1501 : i32 to index
    %swap3A_1503 = arith.constant 32 : index
    %swap3A_1504 = tpu.vector_load %arg10[%swap3A_1502, %swap3A_1503] {strides = array<i32>} : memref<80x64xf32, #tpu.memory_space<vmem>>, vector<1x16xf32>,
    %swap3A_1505 = vector.shape_cast %swap3A_1504 : vector<1x16xf32> to vector<16xf32>
    %swap3A_1506 = vector.shape_cast %broadcast_in_dim3A_1 : vector<16xf32> to vector<1x16xf32>
    tpu.vector_store %arg10[%swap3A_1502, %swap3A_1503], %swap3A_1506 {strides = array<i32>} : memref<80x64xf32, #tpu.memory_space<vmem>>, vector<1x16xf32>,
    %swap3A_1507 = arith.constant 62 : i32
    %swap3A_1508 = arith.index_cast %swap3A_1507 : i32 to index
    %swap3A_1509 = arith.constant 48 : index
    %swap3A_1510 = tpu.vector_load %arg10[%swap3A_1508, %swap3A_1509] {strides = array<i32>} : memref<80x64xf32, #tpu.memory_space<vmem>>, vector<1x16xf32>,
    %swap3A_1511 = vector.shape_cast %swap3A_1510 : vector<1x16xf32> to vector<16xf32>
    %swap3A_1512 = vector.shape_cast %broadcast_in_dim3A_1 : vector<16xf32> to vector<1x16xf32>
    tpu.vector_store %arg10[%swap3A_1508, %swap3A_1509], %swap3A_1512 {strides = array<i32>} : memref<80x64xf32, #tpu.memory_space<vmem>>, vector<1x16xf32>,
    %swap3A_1513 = arith.constant 63 : i32
    %swap3A_1514 = arith.index_cast %swap3A_1513 : i32 to index
    %swap3A_1515 = arith.constant 0 : index
    %swap3A_1516 = tpu.vector_load %arg10[%swap3A_1514, %swap3A_1515] {strides = array<i32>} : memref<80x64xf32, #tpu.memory_space<vmem>>, vector<1x16xf32>,
    %swap3A_1517 = vector.shape_cast %swap3A_1516 : vector<1x16xf32> to vector<16xf32>
    %swap3A_1518 = vector.shape_cast %broadcast_in_dim3A_1 : vector<16xf32> to vector<1x16xf32>
    tpu.vector_store %arg10[%swap3A_1514, %swap3A_1515], %swap3A_1518 {strides = array<i32>} : memref<80x64xf32, #tpu.memory_space<vmem>>, vector<1x16xf32>,
    %swap3A_1519 = arith.constant 63 : i32
    %swap3A_1520 = arith.index_cast %swap3A_1519 : i32 to index
    %swap3A_1521 = arith.constant 16 : index
    %swap3A_1522 = tpu.vector_load %arg10[%swap3A_1520, %swap3A_1521] {strides = array<i32>} : memref<80x64xf32, #tpu.memory_space<vmem>>, vector<1x16xf32>,
    %swap3A_1523 = vector.shape_cast %swap3A_1522 : vector<1x16xf32> to vector<16xf32>
    %swap3A_1524 = vector.shape_cast %broadcast_in_dim3A_1 : vector<16xf32> to vector<1x16xf32>
    tpu.vector_store %arg10[%swap3A_1520, %swap3A_1521], %swap3A_1524 {strides = array<i32>} : memref<80x64xf32, #tpu.memory_space<vmem>>, vector<1x16xf32>,
    %swap3A_1525 = arith.constant 63 : i32
    %swap3A_1526 = arith.index_cast %swap3A_1525 : i32 to index
    %swap3A_1527 = arith.constant 32 : index
    %swap3A_1528 = tpu.vector_load %arg10[%swap3A_1526, %swap3A_1527] {strides = array<i32>} : memref<80x64xf32, #tpu.memory_space<vmem>>, vector<1x16xf32>,
    %swap3A_1529 = vector.shape_cast %swap3A_1528 : vector<1x16xf32> to vector<16xf32>
    %swap3A_1530 = vector.shape_cast %broadcast_in_dim3A_1 : vector<16xf32> to vector<1x16xf32>
    tpu.vector_store %arg10[%swap3A_1526, %swap3A_1527], %swap3A_1530 {strides = array<i32>} : memref<80x64xf32, #tpu.memory_space<vmem>>, vector<1x16xf32>,
    %swap3A_1531 = arith.constant 63 : i32
    %swap3A_1532 = arith.index_cast %swap3A_1531 : i32 to index
    %swap3A_1533 = arith.constant 48 : index
    %swap3A_1534 = tpu.vector_load %arg10[%swap3A_1532, %swap3A_1533] {strides = array<i32>} : memref<80x64xf32, #tpu.memory_space<vmem>>, vector<1x16xf32>,
    %swap3A_1535 = vector.shape_cast %swap3A_1534 : vector<1x16xf32> to vector<16xf32>
    %swap3A_1536 = vector.shape_cast %broadcast_in_dim3A_1 : vector<16xf32> to vector<1x16xf32>
    tpu.vector_store %arg10[%swap3A_1532, %swap3A_1533], %swap3A_1536 {strides = array<i32>} : memref<80x64xf32, #tpu.memory_space<vmem>>, vector<1x16xf32>,
    %swap3A_1537 = arith.constant 64 : i32
    %swap3A_1538 = arith.index_cast %swap3A_1537 : i32 to index
    %swap3A_1539 = arith.constant 0 : index
    %swap3A_1540 = tpu.vector_load %arg10[%swap3A_1538, %swap3A_1539] {strides = array<i32>} : memref<80x64xf32, #tpu.memory_space<vmem>>, vector<1x16xf32>,
    %swap3A_1541 = vector.shape_cast %swap3A_1540 : vector<1x16xf32> to vector<16xf32>
    %swap3A_1542 = vector.shape_cast %broadcast_in_dim3A_1 : vector<16xf32> to vector<1x16xf32>
    tpu.vector_store %arg10[%swap3A_1538, %swap3A_1539], %swap3A_1542 {strides = array<i32>} : memref<80x64xf32, #tpu.memory_space<vmem>>, vector<1x16xf32>,
    %swap3A_1543 = arith.constant 64 : i32
    %swap3A_1544 = arith.index_cast %swap3A_1543 : i32 to index
    %swap3A_1545 = arith.constant 16 : index
    %swap3A_1546 = tpu.vector_load %arg10[%swap3A_1544, %swap3A_1545] {strides = array<i32>} : memref<80x64xf32, #tpu.memory_space<vmem>>, vector<1x16xf32>,
    %swap3A_1547 = vector.shape_cast %swap3A_1546 : vector<1x16xf32> to vector<16xf32>
    %swap3A_1548 = vector.shape_cast %broadcast_in_dim3A_1 : vector<16xf32> to vector<1x16xf32>
    tpu.vector_store %arg10[%swap3A_1544, %swap3A_1545], %swap3A_1548 {strides = array<i32>} : memref<80x64xf32, #tpu.memory_space<vmem>>, vector<1x16xf32>,
    %swap3A_1549 = arith.constant 64 : i32
    %swap3A_1550 = arith.index_cast %swap3A_1549 : i32 to index
    %swap3A_1551 = arith.constant 32 : index
    %swap3A_1552 = tpu.vector_load %arg10[%swap3A_1550, %swap3A_1551] {strides = array<i32>} : memref<80x64xf32, #tpu.memory_space<vmem>>, vector<1x16xf32>,
    %swap3A_1553 = vector.shape_cast %swap3A_1552 : vector<1x16xf32> to vector<16xf32>
    %swap3A_1554 = vector.shape_cast %broadcast_in_dim3A_1 : vector<16xf32> to vector<1x16xf32>
    tpu.vector_store %arg10[%swap3A_1550, %swap3A_1551], %swap3A_1554 {strides = array<i32>} : memref<80x64xf32, #tpu.memory_space<vmem>>, vector<1x16xf32>,
    %swap3A_1555 = arith.constant 64 : i32
    %swap3A_1556 = arith.index_cast %swap3A_1555 : i32 to index
    %swap3A_1557 = arith.constant 48 : index
    %swap3A_1558 = tpu.vector_load %arg10[%swap3A_1556, %swap3A_1557] {strides = array<i32>} : memref<80x64xf32, #tpu.memory_space<vmem>>, vector<1x16xf32>,
    %swap3A_1559 = vector.shape_cast %swap3A_1558 : vector<1x16xf32> to vector<16xf32>
    %swap3A_1560 = vector.shape_cast %broadcast_in_dim3A_1 : vector<16xf32> to vector<1x16xf32>
    tpu.vector_store %arg10[%swap3A_1556, %swap3A_1557], %swap3A_1560 {strides = array<i32>} : memref<80x64xf32, #tpu.memory_space<vmem>>, vector<1x16xf32>,
    %swap3A_1561 = arith.constant 65 : i32
    %swap3A_1562 = arith.index_cast %swap3A_1561 : i32 to index
    %swap3A_1563 = arith.constant 0 : index
    %swap3A_1564 = tpu.vector_load %arg10[%swap3A_1562, %swap3A_1563] {strides = array<i32>} : memref<80x64xf32, #tpu.memory_space<vmem>>, vector<1x16xf32>,
    %swap3A_1565 = vector.shape_cast %swap3A_1564 : vector<1x16xf32> to vector<16xf32>
    %swap3A_1566 = vector.shape_cast %broadcast_in_dim3A_1 : vector<16xf32> to vector<1x16xf32>
    tpu.vector_store %arg10[%swap3A_1562, %swap3A_1563], %swap3A_1566 {strides = array<i32>} : memref<80x64xf32, #tpu.memory_space<vmem>>, vector<1x16xf32>,
    %swap3A_1567 = arith.constant 65 : i32
    %swap3A_1568 = arith.index_cast %swap3A_1567 : i32 to index
    %swap3A_1569 = arith.constant 16 : index
    %swap3A_1570 = tpu.vector_load %arg10[%swap3A_1568, %swap3A_1569] {strides = array<i32>} : memref<80x64xf32, #tpu.memory_space<vmem>>, vector<1x16xf32>,
    %swap3A_1571 = vector.shape_cast %swap3A_1570 : vector<1x16xf32> to vector<16xf32>
    %swap3A_1572 = vector.shape_cast %broadcast_in_dim3A_1 : vector<16xf32> to vector<1x16xf32>
    tpu.vector_store %arg10[%swap3A_1568, %swap3A_1569], %swap3A_1572 {strides = array<i32>} : memref<80x64xf32, #tpu.memory_space<vmem>>, vector<1x16xf32>,
    %swap3A_1573 = arith.constant 65 : i32
    %swap3A_1574 = arith.index_cast %swap3A_1573 : i32 to index
    %swap3A_1575 = arith.constant 32 : index
    %swap3A_1576 = tpu.vector_load %arg10[%swap3A_1574, %swap3A_1575] {strides = array<i32>} : memref<80x64xf32, #tpu.memory_space<vmem>>, vector<1x16xf32>,
    %swap3A_1577 = vector.shape_cast %swap3A_1576 : vector<1x16xf32> to vector<16xf32>
    %swap3A_1578 = vector.shape_cast %broadcast_in_dim3A_1 : vector<16xf32> to vector<1x16xf32>
    tpu.vector_store %arg10[%swap3A_1574, %swap3A_1575], %swap3A_1578 {strides = array<i32>} : memref<80x64xf32, #tpu.memory_space<vmem>>, vector<1x16xf32>,
    %swap3A_1579 = arith.constant 65 : i32
    %swap3A_1580 = arith.index_cast %swap3A_1579 : i32 to index
    %swap3A_1581 = arith.constant 48 : index
    %swap3A_1582 = tpu.vector_load %arg10[%swap3A_1580, %swap3A_1581] {strides = array<i32>} : memref<80x64xf32, #tpu.memory_space<vmem>>, vector<1x16xf32>,
    %swap3A_1583 = vector.shape_cast %swap3A_1582 : vector<1x16xf32> to vector<16xf32>
    %swap3A_1584 = vector.shape_cast %broadcast_in_dim3A_1 : vector<16xf32> to vector<1x16xf32>
    tpu.vector_store %arg10[%swap3A_1580, %swap3A_1581], %swap3A_1584 {strides = array<i32>} : memref<80x64xf32, #tpu.memory_space<vmem>>, vector<1x16xf32>,
    %swap3A_1585 = arith.constant 66 : i32
    %swap3A_1586 = arith.index_cast %swap3A_1585 : i32 to index
    %swap3A_1587 = arith.constant 0 : index
    %swap3A_1588 = tpu.vector_load %arg10[%swap3A_1586, %swap3A_1587] {strides = array<i32>} : memref<80x64xf32, #tpu.memory_space<vmem>>, vector<1x16xf32>,
    %swap3A_1589 = vector.shape_cast %swap3A_1588 : vector<1x16xf32> to vector<16xf32>
    %swap3A_1590 = vector.shape_cast %broadcast_in_dim3A_1 : vector<16xf32> to vector<1x16xf32>
    tpu.vector_store %arg10[%swap3A_1586, %swap3A_1587], %swap3A_1590 {strides = array<i32>} : memref<80x64xf32, #tpu.memory_space<vmem>>, vector<1x16xf32>,
    %swap3A_1591 = arith.constant 66 : i32
    %swap3A_1592 = arith.index_cast %swap3A_1591 : i32 to index
    %swap3A_1593 = arith.constant 16 : index
    %swap3A_1594 = tpu.vector_load %arg10[%swap3A_1592, %swap3A_1593] {strides = array<i32>} : memref<80x64xf32, #tpu.memory_space<vmem>>, vector<1x16xf32>,
    %swap3A_1595 = vector.shape_cast %swap3A_1594 : vector<1x16xf32> to vector<16xf32>
    %swap3A_1596 = vector.shape_cast %broadcast_in_dim3A_1 : vector<16xf32> to vector<1x16xf32>
    tpu.vector_store %arg10[%swap3A_1592, %swap3A_1593], %swap3A_1596 {strides = array<i32>} : memref<80x64xf32, #tpu.memory_space<vmem>>, vector<1x16xf32>,
    %swap3A_1597 = arith.constant 66 : i32
    %swap3A_1598 = arith.index_cast %swap3A_1597 : i32 to index
    %swap3A_1599 = arith.constant 32 : index
    %swap3A_1600 = tpu.vector_load %arg10[%swap3A_1598, %swap3A_1599] {strides = array<i32>} : memref<80x64xf32, #tpu.memory_space<vmem>>, vector<1x16xf32>,
    %swap3A_1601 = vector.shape_cast %swap3A_1600 : vector<1x16xf32> to vector<16xf32>
    %swap3A_1602 = vector.shape_cast %broadcast_in_dim3A_1 : vector<16xf32> to vector<1x16xf32>
    tpu.vector_store %arg10[%swap3A_1598, %swap3A_1599], %swap3A_1602 {strides = array<i32>} : memref<80x64xf32, #tpu.memory_space<vmem>>, vector<1x16xf32>,
    %swap3A_1603 = arith.constant 66 : i32
    %swap3A_1604 = arith.index_cast %swap3A_1603 : i32 to index
    %swap3A_1605 = arith.constant 48 : index
    %swap3A_1606 = tpu.vector_load %arg10[%swap3A_1604, %swap3A_1605] {strides = array<i32>} : memref<80x64xf32, #tpu.memory_space<vmem>>, vector<1x16xf32>,
    %swap3A_1607 = vector.shape_cast %swap3A_1606 : vector<1x16xf32> to vector<16xf32>
    %swap3A_1608 = vector.shape_cast %broadcast_in_dim3A_1 : vector<16xf32> to vector<1x16xf32>
    tpu.vector_store %arg10[%swap3A_1604, %swap3A_1605], %swap3A_1608 {strides = array<i32>} : memref<80x64xf32, #tpu.memory_space<vmem>>, vector<1x16xf32>,
    %swap3A_1609 = arith.constant 67 : i32
    %swap3A_1610 = arith.index_cast %swap3A_1609 : i32 to index
    %swap3A_1611 = arith.constant 0 : index
    %swap3A_1612 = tpu.vector_load %arg10[%swap3A_1610, %swap3A_1611] {strides = array<i32>} : memref<80x64xf32, #tpu.memory_space<vmem>>, vector<1x16xf32>,
    %swap3A_1613 = vector.shape_cast %swap3A_1612 : vector<1x16xf32> to vector<16xf32>
    %swap3A_1614 = vector.shape_cast %broadcast_in_dim3A_1 : vector<16xf32> to vector<1x16xf32>
    tpu.vector_store %arg10[%swap3A_1610, %swap3A_1611], %swap3A_1614 {strides = array<i32>} : memref<80x64xf32, #tpu.memory_space<vmem>>, vector<1x16xf32>,
    %swap3A_1615 = arith.constant 67 : i32
    %swap3A_1616 = arith.index_cast %swap3A_1615 : i32 to index
    %swap3A_1617 = arith.constant 16 : index
    %swap3A_1618 = tpu.vector_load %arg10[%swap3A_1616, %swap3A_1617] {strides = array<i32>} : memref<80x64xf32, #tpu.memory_space<vmem>>, vector<1x16xf32>,
    %swap3A_1619 = vector.shape_cast %swap3A_1618 : vector<1x16xf32> to vector<16xf32>
    %swap3A_1620 = vector.shape_cast %broadcast_in_dim3A_1 : vector<16xf32> to vector<1x16xf32>
    tpu.vector_store %arg10[%swap3A_1616, %swap3A_1617], %swap3A_1620 {strides = array<i32>} : memref<80x64xf32, #tpu.memory_space<vmem>>, vector<1x16xf32>,
    %swap3A_1621 = arith.constant 67 : i32
    %swap3A_1622 = arith.index_cast %swap3A_1621 : i32 to index
    %swap3A_1623 = arith.constant 32 : index
    %swap3A_1624 = tpu.vector_load %arg10[%swap3A_1622, %swap3A_1623] {strides = array<i32>} : memref<80x64xf32, #tpu.memory_space<vmem>>, vector<1x16xf32>,
    %swap3A_1625 = vector.shape_cast %swap3A_1624 : vector<1x16xf32> to vector<16xf32>
    %swap3A_1626 = vector.shape_cast %broadcast_in_dim3A_1 : vector<16xf32> to vector<1x16xf32>
    tpu.vector_store %arg10[%swap3A_1622, %swap3A_1623], %swap3A_1626 {strides = array<i32>} : memref<80x64xf32, #tpu.memory_space<vmem>>, vector<1x16xf32>,
    %swap3A_1627 = arith.constant 67 : i32
    %swap3A_1628 = arith.index_cast %swap3A_1627 : i32 to index
    %swap3A_1629 = arith.constant 48 : index
    %swap3A_1630 = tpu.vector_load %arg10[%swap3A_1628, %swap3A_1629] {strides = array<i32>} : memref<80x64xf32, #tpu.memory_space<vmem>>, vector<1x16xf32>,
    %swap3A_1631 = vector.shape_cast %swap3A_1630 : vector<1x16xf32> to vector<16xf32>
    %swap3A_1632 = vector.shape_cast %broadcast_in_dim3A_1 : vector<16xf32> to vector<1x16xf32>
    tpu.vector_store %arg10[%swap3A_1628, %swap3A_1629], %swap3A_1632 {strides = array<i32>} : memref<80x64xf32, #tpu.memory_space<vmem>>, vector<1x16xf32>,
    %swap3A_1633 = arith.constant 68 : i32
    %swap3A_1634 = arith.index_cast %swap3A_1633 : i32 to index
    %swap3A_1635 = arith.constant 0 : index
    %swap3A_1636 = tpu.vector_load %arg10[%swap3A_1634, %swap3A_1635] {strides = array<i32>} : memref<80x64xf32, #tpu.memory_space<vmem>>, vector<1x16xf32>,
    %swap3A_1637 = vector.shape_cast %swap3A_1636 : vector<1x16xf32> to vector<16xf32>
    %swap3A_1638 = vector.shape_cast %broadcast_in_dim3A_1 : vector<16xf32> to vector<1x16xf32>
    tpu.vector_store %arg10[%swap3A_1634, %swap3A_1635], %swap3A_1638 {strides = array<i32>} : memref<80x64xf32, #tpu.memory_space<vmem>>, vector<1x16xf32>,
    %swap3A_1639 = arith.constant 68 : i32
    %swap3A_1640 = arith.index_cast %swap3A_1639 : i32 to index
    %swap3A_1641 = arith.constant 16 : index
    %swap3A_1642 = tpu.vector_load %arg10[%swap3A_1640, %swap3A_1641] {strides = array<i32>} : memref<80x64xf32, #tpu.memory_space<vmem>>, vector<1x16xf32>,
    %swap3A_1643 = vector.shape_cast %swap3A_1642 : vector<1x16xf32> to vector<16xf32>
    %swap3A_1644 = vector.shape_cast %broadcast_in_dim3A_1 : vector<16xf32> to vector<1x16xf32>
    tpu.vector_store %arg10[%swap3A_1640, %swap3A_1641], %swap3A_1644 {strides = array<i32>} : memref<80x64xf32, #tpu.memory_space<vmem>>, vector<1x16xf32>,
    %swap3A_1645 = arith.constant 68 : i32
    %swap3A_1646 = arith.index_cast %swap3A_1645 : i32 to index
    %swap3A_1647 = arith.constant 32 : index
    %swap3A_1648 = tpu.vector_load %arg10[%swap3A_1646, %swap3A_1647] {strides = array<i32>} : memref<80x64xf32, #tpu.memory_space<vmem>>, vector<1x16xf32>,
    %swap3A_1649 = vector.shape_cast %swap3A_1648 : vector<1x16xf32> to vector<16xf32>
    %swap3A_1650 = vector.shape_cast %broadcast_in_dim3A_1 : vector<16xf32> to vector<1x16xf32>
    tpu.vector_store %arg10[%swap3A_1646, %swap3A_1647], %swap3A_1650 {strides = array<i32>} : memref<80x64xf32, #tpu.memory_space<vmem>>, vector<1x16xf32>,
    %swap3A_1651 = arith.constant 68 : i32
    %swap3A_1652 = arith.index_cast %swap3A_1651 : i32 to index
    %swap3A_1653 = arith.constant 48 : index
    %swap3A_1654 = tpu.vector_load %arg10[%swap3A_1652, %swap3A_1653] {strides = array<i32>} : memref<80x64xf32, #tpu.memory_space<vmem>>, vector<1x16xf32>,
    %swap3A_1655 = vector.shape_cast %swap3A_1654 : vector<1x16xf32> to vector<16xf32>
    %swap3A_1656 = vector.shape_cast %broadcast_in_dim3A_1 : vector<16xf32> to vector<1x16xf32>
    tpu.vector_store %arg10[%swap3A_1652, %swap3A_1653], %swap3A_1656 {strides = array<i32>} : memref<80x64xf32, #tpu.memory_space<vmem>>, vector<1x16xf32>,
    %swap3A_1657 = arith.constant 69 : i32
    %swap3A_1658 = arith.index_cast %swap3A_1657 : i32 to index
    %swap3A_1659 = arith.constant 0 : index
    %swap3A_1660 = tpu.vector_load %arg10[%swap3A_1658, %swap3A_1659] {strides = array<i32>} : memref<80x64xf32, #tpu.memory_space<vmem>>, vector<1x16xf32>,
    %swap3A_1661 = vector.shape_cast %swap3A_1660 : vector<1x16xf32> to vector<16xf32>
    %swap3A_1662 = vector.shape_cast %broadcast_in_dim3A_1 : vector<16xf32> to vector<1x16xf32>
    tpu.vector_store %arg10[%swap3A_1658, %swap3A_1659], %swap3A_1662 {strides = array<i32>} : memref<80x64xf32, #tpu.memory_space<vmem>>, vector<1x16xf32>,
    %swap3A_1663 = arith.constant 69 : i32
    %swap3A_1664 = arith.index_cast %swap3A_1663 : i32 to index
    %swap3A_1665 = arith.constant 16 : index
    %swap3A_1666 = tpu.vector_load %arg10[%swap3A_1664, %swap3A_1665] {strides = array<i32>} : memref<80x64xf32, #tpu.memory_space<vmem>>, vector<1x16xf32>,
    %swap3A_1667 = vector.shape_cast %swap3A_1666 : vector<1x16xf32> to vector<16xf32>
    %swap3A_1668 = vector.shape_cast %broadcast_in_dim3A_1 : vector<16xf32> to vector<1x16xf32>
    tpu.vector_store %arg10[%swap3A_1664, %swap3A_1665], %swap3A_1668 {strides = array<i32>} : memref<80x64xf32, #tpu.memory_space<vmem>>, vector<1x16xf32>,
    %swap3A_1669 = arith.constant 69 : i32
    %swap3A_1670 = arith.index_cast %swap3A_1669 : i32 to index
    %swap3A_1671 = arith.constant 32 : index
    %swap3A_1672 = tpu.vector_load %arg10[%swap3A_1670, %swap3A_1671] {strides = array<i32>} : memref<80x64xf32, #tpu.memory_space<vmem>>, vector<1x16xf32>,
    %swap3A_1673 = vector.shape_cast %swap3A_1672 : vector<1x16xf32> to vector<16xf32>
    %swap3A_1674 = vector.shape_cast %broadcast_in_dim3A_1 : vector<16xf32> to vector<1x16xf32>
    tpu.vector_store %arg10[%swap3A_1670, %swap3A_1671], %swap3A_1674 {strides = array<i32>} : memref<80x64xf32, #tpu.memory_space<vmem>>, vector<1x16xf32>,
    %swap3A_1675 = arith.constant 69 : i32
    %swap3A_1676 = arith.index_cast %swap3A_1675 : i32 to index
    %swap3A_1677 = arith.constant 48 : index
    %swap3A_1678 = tpu.vector_load %arg10[%swap3A_1676, %swap3A_1677] {strides = array<i32>} : memref<80x64xf32, #tpu.memory_space<vmem>>, vector<1x16xf32>,
    %swap3A_1679 = vector.shape_cast %swap3A_1678 : vector<1x16xf32> to vector<16xf32>
    %swap3A_1680 = vector.shape_cast %broadcast_in_dim3A_1 : vector<16xf32> to vector<1x16xf32>
    tpu.vector_store %arg10[%swap3A_1676, %swap3A_1677], %swap3A_1680 {strides = array<i32>} : memref<80x64xf32, #tpu.memory_space<vmem>>, vector<1x16xf32>,
    %swap3A_1681 = arith.constant 70 : i32
    %swap3A_1682 = arith.index_cast %swap3A_1681 : i32 to index
    %swap3A_1683 = arith.constant 0 : index
    %swap3A_1684 = tpu.vector_load %arg10[%swap3A_1682, %swap3A_1683] {strides = array<i32>} : memref<80x64xf32, #tpu.memory_space<vmem>>, vector<1x16xf32>,
    %swap3A_1685 = vector.shape_cast %swap3A_1684 : vector<1x16xf32> to vector<16xf32>
    %swap3A_1686 = vector.shape_cast %broadcast_in_dim3A_1 : vector<16xf32> to vector<1x16xf32>
    tpu.vector_store %arg10[%swap3A_1682, %swap3A_1683], %swap3A_1686 {strides = array<i32>} : memref<80x64xf32, #tpu.memory_space<vmem>>, vector<1x16xf32>,
    %swap3A_1687 = arith.constant 70 : i32
    %swap3A_1688 = arith.index_cast %swap3A_1687 : i32 to index
    %swap3A_1689 = arith.constant 16 : index
    %swap3A_1690 = tpu.vector_load %arg10[%swap3A_1688, %swap3A_1689] {strides = array<i32>} : memref<80x64xf32, #tpu.memory_space<vmem>>, vector<1x16xf32>,
    %swap3A_1691 = vector.shape_cast %swap3A_1690 : vector<1x16xf32> to vector<16xf32>
    %swap3A_1692 = vector.shape_cast %broadcast_in_dim3A_1 : vector<16xf32> to vector<1x16xf32>
    tpu.vector_store %arg10[%swap3A_1688, %swap3A_1689], %swap3A_1692 {strides = array<i32>} : memref<80x64xf32, #tpu.memory_space<vmem>>, vector<1x16xf32>,
    %swap3A_1693 = arith.constant 70 : i32
    %swap3A_1694 = arith.index_cast %swap3A_1693 : i32 to index
    %swap3A_1695 = arith.constant 32 : index
    %swap3A_1696 = tpu.vector_load %arg10[%swap3A_1694, %swap3A_1695] {strides = array<i32>} : memref<80x64xf32, #tpu.memory_space<vmem>>, vector<1x16xf32>,
    %swap3A_1697 = vector.shape_cast %swap3A_1696 : vector<1x16xf32> to vector<16xf32>
    %swap3A_1698 = vector.shape_cast %broadcast_in_dim3A_1 : vector<16xf32> to vector<1x16xf32>
    tpu.vector_store %arg10[%swap3A_1694, %swap3A_1695], %swap3A_1698 {strides = array<i32>} : memref<80x64xf32, #tpu.memory_space<vmem>>, vector<1x16xf32>,
    %swap3A_1699 = arith.constant 70 : i32
    %swap3A_1700 = arith.index_cast %swap3A_1699 : i32 to index
    %swap3A_1701 = arith.constant 48 : index
    %swap3A_1702 = tpu.vector_load %arg10[%swap3A_1700, %swap3A_1701] {strides = array<i32>} : memref<80x64xf32, #tpu.memory_space<vmem>>, vector<1x16xf32>,
    %swap3A_1703 = vector.shape_cast %swap3A_1702 : vector<1x16xf32> to vector<16xf32>
    %swap3A_1704 = vector.shape_cast %broadcast_in_dim3A_1 : vector<16xf32> to vector<1x16xf32>
    tpu.vector_store %arg10[%swap3A_1700, %swap3A_1701], %swap3A_1704 {strides = array<i32>} : memref<80x64xf32, #tpu.memory_space<vmem>>, vector<1x16xf32>,
    %swap3A_1705 = arith.constant 71 : i32
    %swap3A_1706 = arith.index_cast %swap3A_1705 : i32 to index
    %swap3A_1707 = arith.constant 0 : index
    %swap3A_1708 = tpu.vector_load %arg10[%swap3A_1706, %swap3A_1707] {strides = array<i32>} : memref<80x64xf32, #tpu.memory_space<vmem>>, vector<1x16xf32>,
    %swap3A_1709 = vector.shape_cast %swap3A_1708 : vector<1x16xf32> to vector<16xf32>
    %swap3A_1710 = vector.shape_cast %broadcast_in_dim3A_1 : vector<16xf32> to vector<1x16xf32>
    tpu.vector_store %arg10[%swap3A_1706, %swap3A_1707], %swap3A_1710 {strides = array<i32>} : memref<80x64xf32, #tpu.memory_space<vmem>>, vector<1x16xf32>,
    %swap3A_1711 = arith.constant 71 : i32
    %swap3A_1712 = arith.index_cast %swap3A_1711 : i32 to index
    %swap3A_1713 = arith.constant 16 : index
    %swap3A_1714 = tpu.vector_load %arg10[%swap3A_1712, %swap3A_1713] {strides = array<i32>} : memref<80x64xf32, #tpu.memory_space<vmem>>, vector<1x16xf32>,
    %swap3A_1715 = vector.shape_cast %swap3A_1714 : vector<1x16xf32> to vector<16xf32>
    %swap3A_1716 = vector.shape_cast %broadcast_in_dim3A_1 : vector<16xf32> to vector<1x16xf32>
    tpu.vector_store %arg10[%swap3A_1712, %swap3A_1713], %swap3A_1716 {strides = array<i32>} : memref<80x64xf32, #tpu.memory_space<vmem>>, vector<1x16xf32>,
    %swap3A_1717 = arith.constant 71 : i32
    %swap3A_1718 = arith.index_cast %swap3A_1717 : i32 to index
    %swap3A_1719 = arith.constant 32 : index
    %swap3A_1720 = tpu.vector_load %arg10[%swap3A_1718, %swap3A_1719] {strides = array<i32>} : memref<80x64xf32, #tpu.memory_space<vmem>>, vector<1x16xf32>,
    %swap3A_1721 = vector.shape_cast %swap3A_1720 : vector<1x16xf32> to vector<16xf32>
    %swap3A_1722 = vector.shape_cast %broadcast_in_dim3A_1 : vector<16xf32> to vector<1x16xf32>
    tpu.vector_store %arg10[%swap3A_1718, %swap3A_1719], %swap3A_1722 {strides = array<i32>} : memref<80x64xf32, #tpu.memory_space<vmem>>, vector<1x16xf32>,
    %swap3A_1723 = arith.constant 71 : i32
    %swap3A_1724 = arith.index_cast %swap3A_1723 : i32 to index
    %swap3A_1725 = arith.constant 48 : index
    %swap3A_1726 = tpu.vector_load %arg10[%swap3A_1724, %swap3A_1725] {strides = array<i32>} : memref<80x64xf32, #tpu.memory_space<vmem>>, vector<1x16xf32>,
    %swap3A_1727 = vector.shape_cast %swap3A_1726 : vector<1x16xf32> to vector<16xf32>
    %swap3A_1728 = vector.shape_cast %broadcast_in_dim3A_1 : vector<16xf32> to vector<1x16xf32>
    tpu.vector_store %arg10[%swap3A_1724, %swap3A_1725], %swap3A_1728 {strides = array<i32>} : memref<80x64xf32, #tpu.memory_space<vmem>>, vector<1x16xf32>,
    %swap3A_1729 = arith.constant 72 : i32
    %swap3A_1730 = arith.index_cast %swap3A_1729 : i32 to index
    %swap3A_1731 = arith.constant 0 : index
    %swap3A_1732 = tpu.vector_load %arg10[%swap3A_1730, %swap3A_1731] {strides = array<i32>} : memref<80x64xf32, #tpu.memory_space<vmem>>, vector<1x16xf32>,
    %swap3A_1733 = vector.shape_cast %swap3A_1732 : vector<1x16xf32> to vector<16xf32>
    %swap3A_1734 = vector.shape_cast %broadcast_in_dim3A_1 : vector<16xf32> to vector<1x16xf32>
    tpu.vector_store %arg10[%swap3A_1730, %swap3A_1731], %swap3A_1734 {strides = array<i32>} : memref<80x64xf32, #tpu.memory_space<vmem>>, vector<1x16xf32>,
    %swap3A_1735 = arith.constant 72 : i32
    %swap3A_1736 = arith.index_cast %swap3A_1735 : i32 to index
    %swap3A_1737 = arith.constant 16 : index
    %swap3A_1738 = tpu.vector_load %arg10[%swap3A_1736, %swap3A_1737] {strides = array<i32>} : memref<80x64xf32, #tpu.memory_space<vmem>>, vector<1x16xf32>,
    %swap3A_1739 = vector.shape_cast %swap3A_1738 : vector<1x16xf32> to vector<16xf32>
    %swap3A_1740 = vector.shape_cast %broadcast_in_dim3A_1 : vector<16xf32> to vector<1x16xf32>
    tpu.vector_store %arg10[%swap3A_1736, %swap3A_1737], %swap3A_1740 {strides = array<i32>} : memref<80x64xf32, #tpu.memory_space<vmem>>, vector<1x16xf32>,
    %swap3A_1741 = arith.constant 72 : i32
    %swap3A_1742 = arith.index_cast %swap3A_1741 : i32 to index
    %swap3A_1743 = arith.constant 32 : index
    %swap3A_1744 = tpu.vector_load %arg10[%swap3A_1742, %swap3A_1743] {strides = array<i32>} : memref<80x64xf32, #tpu.memory_space<vmem>>, vector<1x16xf32>,
    %swap3A_1745 = vector.shape_cast %swap3A_1744 : vector<1x16xf32> to vector<16xf32>
    %swap3A_1746 = vector.shape_cast %broadcast_in_dim3A_1 : vector<16xf32> to vector<1x16xf32>
    tpu.vector_store %arg10[%swap3A_1742, %swap3A_1743], %swap3A_1746 {strides = array<i32>} : memref<80x64xf32, #tpu.memory_space<vmem>>, vector<1x16xf32>,
    %swap3A_1747 = arith.constant 72 : i32
    %swap3A_1748 = arith.index_cast %swap3A_1747 : i32 to index
    %swap3A_1749 = arith.constant 48 : index
    %swap3A_1750 = tpu.vector_load %arg10[%swap3A_1748, %swap3A_1749] {strides = array<i32>} : memref<80x64xf32, #tpu.memory_space<vmem>>, vector<1x16xf32>,
    %swap3A_1751 = vector.shape_cast %swap3A_1750 : vector<1x16xf32> to vector<16xf32>
    %swap3A_1752 = vector.shape_cast %broadcast_in_dim3A_1 : vector<16xf32> to vector<1x16xf32>
    tpu.vector_store %arg10[%swap3A_1748, %swap3A_1749], %swap3A_1752 {strides = array<i32>} : memref<80x64xf32, #tpu.memory_space<vmem>>, vector<1x16xf32>,
    %swap3A_1753 = arith.constant 73 : i32
    %swap3A_1754 = arith.index_cast %swap3A_1753 : i32 to index
    %swap3A_1755 = arith.constant 0 : index
    %swap3A_1756 = tpu.vector_load %arg10[%swap3A_1754, %swap3A_1755] {strides = array<i32>} : memref<80x64xf32, #tpu.memory_space<vmem>>, vector<1x16xf32>,
    %swap3A_1757 = vector.shape_cast %swap3A_1756 : vector<1x16xf32> to vector<16xf32>
    %swap3A_1758 = vector.shape_cast %broadcast_in_dim3A_1 : vector<16xf32> to vector<1x16xf32>
    tpu.vector_store %arg10[%swap3A_1754, %swap3A_1755], %swap3A_1758 {strides = array<i32>} : memref<80x64xf32, #tpu.memory_space<vmem>>, vector<1x16xf32>,
    %swap3A_1759 = arith.constant 73 : i32
    %swap3A_1760 = arith.index_cast %swap3A_1759 : i32 to index
    %swap3A_1761 = arith.constant 16 : index
    %swap3A_1762 = tpu.vector_load %arg10[%swap3A_1760, %swap3A_1761] {strides = array<i32>} : memref<80x64xf32, #tpu.memory_space<vmem>>, vector<1x16xf32>,
    %swap3A_1763 = vector.shape_cast %swap3A_1762 : vector<1x16xf32> to vector<16xf32>
    %swap3A_1764 = vector.shape_cast %broadcast_in_dim3A_1 : vector<16xf32> to vector<1x16xf32>
    tpu.vector_store %arg10[%swap3A_1760, %swap3A_1761], %swap3A_1764 {strides = array<i32>} : memref<80x64xf32, #tpu.memory_space<vmem>>, vector<1x16xf32>,
    %swap3A_1765 = arith.constant 73 : i32
    %swap3A_1766 = arith.index_cast %swap3A_1765 : i32 to index
    %swap3A_1767 = arith.constant 32 : index
    %swap3A_1768 = tpu.vector_load %arg10[%swap3A_1766, %swap3A_1767] {strides = array<i32>} : memref<80x64xf32, #tpu.memory_space<vmem>>, vector<1x16xf32>,
    %swap3A_1769 = vector.shape_cast %swap3A_1768 : vector<1x16xf32> to vector<16xf32>
    %swap3A_1770 = vector.shape_cast %broadcast_in_dim3A_1 : vector<16xf32> to vector<1x16xf32>
    tpu.vector_store %arg10[%swap3A_1766, %swap3A_1767], %swap3A_1770 {strides = array<i32>} : memref<80x64xf32, #tpu.memory_space<vmem>>, vector<1x16xf32>,
    %swap3A_1771 = arith.constant 73 : i32
    %swap3A_1772 = arith.index_cast %swap3A_1771 : i32 to index
    %swap3A_1773 = arith.constant 48 : index
    %swap3A_1774 = tpu.vector_load %arg10[%swap3A_1772, %swap3A_1773] {strides = array<i32>} : memref<80x64xf32, #tpu.memory_space<vmem>>, vector<1x16xf32>,
    %swap3A_1775 = vector.shape_cast %swap3A_1774 : vector<1x16xf32> to vector<16xf32>
    %swap3A_1776 = vector.shape_cast %broadcast_in_dim3A_1 : vector<16xf32> to vector<1x16xf32>
    tpu.vector_store %arg10[%swap3A_1772, %swap3A_1773], %swap3A_1776 {strides = array<i32>} : memref<80x64xf32, #tpu.memory_space<vmem>>, vector<1x16xf32>,
    %swap3A_1777 = arith.constant 74 : i32
    %swap3A_1778 = arith.index_cast %swap3A_1777 : i32 to index
    %swap3A_1779 = arith.constant 0 : index
    %swap3A_1780 = tpu.vector_load %arg10[%swap3A_1778, %swap3A_1779] {strides = array<i32>} : memref<80x64xf32, #tpu.memory_space<vmem>>, vector<1x16xf32>,
    %swap3A_1781 = vector.shape_cast %swap3A_1780 : vector<1x16xf32> to vector<16xf32>
    %swap3A_1782 = vector.shape_cast %broadcast_in_dim3A_1 : vector<16xf32> to vector<1x16xf32>
    tpu.vector_store %arg10[%swap3A_1778, %swap3A_1779], %swap3A_1782 {strides = array<i32>} : memref<80x64xf32, #tpu.memory_space<vmem>>, vector<1x16xf32>,
    %swap3A_1783 = arith.constant 74 : i32
    %swap3A_1784 = arith.index_cast %swap3A_1783 : i32 to index
    %swap3A_1785 = arith.constant 16 : index
    %swap3A_1786 = tpu.vector_load %arg10[%swap3A_1784, %swap3A_1785] {strides = array<i32>} : memref<80x64xf32, #tpu.memory_space<vmem>>, vector<1x16xf32>,
    %swap3A_1787 = vector.shape_cast %swap3A_1786 : vector<1x16xf32> to vector<16xf32>
    %swap3A_1788 = vector.shape_cast %broadcast_in_dim3A_1 : vector<16xf32> to vector<1x16xf32>
    tpu.vector_store %arg10[%swap3A_1784, %swap3A_1785], %swap3A_1788 {strides = array<i32>} : memref<80x64xf32, #tpu.memory_space<vmem>>, vector<1x16xf32>,
    %swap3A_1789 = arith.constant 74 : i32
    %swap3A_1790 = arith.index_cast %swap3A_1789 : i32 to index
    %swap3A_1791 = arith.constant 32 : index
    %swap3A_1792 = tpu.vector_load %arg10[%swap3A_1790, %swap3A_1791] {strides = array<i32>} : memref<80x64xf32, #tpu.memory_space<vmem>>, vector<1x16xf32>,
    %swap3A_1793 = vector.shape_cast %swap3A_1792 : vector<1x16xf32> to vector<16xf32>
    %swap3A_1794 = vector.shape_cast %broadcast_in_dim3A_1 : vector<16xf32> to vector<1x16xf32>
    tpu.vector_store %arg10[%swap3A_1790, %swap3A_1791], %swap3A_1794 {strides = array<i32>} : memref<80x64xf32, #tpu.memory_space<vmem>>, vector<1x16xf32>,
    %swap3A_1795 = arith.constant 74 : i32
    %swap3A_1796 = arith.index_cast %swap3A_1795 : i32 to index
    %swap3A_1797 = arith.constant 48 : index
    %swap3A_1798 = tpu.vector_load %arg10[%swap3A_1796, %swap3A_1797] {strides = array<i32>} : memref<80x64xf32, #tpu.memory_space<vmem>>, vector<1x16xf32>,
    %swap3A_1799 = vector.shape_cast %swap3A_1798 : vector<1x16xf32> to vector<16xf32>
    %swap3A_1800 = vector.shape_cast %broadcast_in_dim3A_1 : vector<16xf32> to vector<1x16xf32>
    tpu.vector_store %arg10[%swap3A_1796, %swap3A_1797], %swap3A_1800 {strides = array<i32>} : memref<80x64xf32, #tpu.memory_space<vmem>>, vector<1x16xf32>,
    %swap3A_1801 = arith.constant 75 : i32
    %swap3A_1802 = arith.index_cast %swap3A_1801 : i32 to index
    %swap3A_1803 = arith.constant 0 : index
    %swap3A_1804 = tpu.vector_load %arg10[%swap3A_1802, %swap3A_1803] {strides = array<i32>} : memref<80x64xf32, #tpu.memory_space<vmem>>, vector<1x16xf32>,
    %swap3A_1805 = vector.shape_cast %swap3A_1804 : vector<1x16xf32> to vector<16xf32>
    %swap3A_1806 = vector.shape_cast %broadcast_in_dim3A_1 : vector<16xf32> to vector<1x16xf32>
    tpu.vector_store %arg10[%swap3A_1802, %swap3A_1803], %swap3A_1806 {strides = array<i32>} : memref<80x64xf32, #tpu.memory_space<vmem>>, vector<1x16xf32>,
    %swap3A_1807 = arith.constant 75 : i32
    %swap3A_1808 = arith.index_cast %swap3A_1807 : i32 to index
    %swap3A_1809 = arith.constant 16 : index
    %swap3A_1810 = tpu.vector_load %arg10[%swap3A_1808, %swap3A_1809] {strides = array<i32>} : memref<80x64xf32, #tpu.memory_space<vmem>>, vector<1x16xf32>,
    %swap3A_1811 = vector.shape_cast %swap3A_1810 : vector<1x16xf32> to vector<16xf32>
    %swap3A_1812 = vector.shape_cast %broadcast_in_dim3A_1 : vector<16xf32> to vector<1x16xf32>
    tpu.vector_store %arg10[%swap3A_1808, %swap3A_1809], %swap3A_1812 {strides = array<i32>} : memref<80x64xf32, #tpu.memory_space<vmem>>, vector<1x16xf32>,
    %swap3A_1813 = arith.constant 75 : i32
    %swap3A_1814 = arith.index_cast %swap3A_1813 : i32 to index
    %swap3A_1815 = arith.constant 32 : index
    %swap3A_1816 = tpu.vector_load %arg10[%swap3A_1814, %swap3A_1815] {strides = array<i32>} : memref<80x64xf32, #tpu.memory_space<vmem>>, vector<1x16xf32>,
    %swap3A_1817 = vector.shape_cast %swap3A_1816 : vector<1x16xf32> to vector<16xf32>
    %swap3A_1818 = vector.shape_cast %broadcast_in_dim3A_1 : vector<16xf32> to vector<1x16xf32>
    tpu.vector_store %arg10[%swap3A_1814, %swap3A_1815], %swap3A_1818 {strides = array<i32>} : memref<80x64xf32, #tpu.memory_space<vmem>>, vector<1x16xf32>,
    %swap3A_1819 = arith.constant 75 : i32
    %swap3A_1820 = arith.index_cast %swap3A_1819 : i32 to index
    %swap3A_1821 = arith.constant 48 : index
    %swap3A_1822 = tpu.vector_load %arg10[%swap3A_1820, %swap3A_1821] {strides = array<i32>} : memref<80x64xf32, #tpu.memory_space<vmem>>, vector<1x16xf32>,
    %swap3A_1823 = vector.shape_cast %swap3A_1822 : vector<1x16xf32> to vector<16xf32>
    %swap3A_1824 = vector.shape_cast %broadcast_in_dim3A_1 : vector<16xf32> to vector<1x16xf32>
    tpu.vector_store %arg10[%swap3A_1820, %swap3A_1821], %swap3A_1824 {strides = array<i32>} : memref<80x64xf32, #tpu.memory_space<vmem>>, vector<1x16xf32>,
    %swap3A_1825 = arith.constant 76 : i32
    %swap3A_1826 = arith.index_cast %swap3A_1825 : i32 to index
    %swap3A_1827 = arith.constant 0 : index
    %swap3A_1828 = tpu.vector_load %arg10[%swap3A_1826, %swap3A_1827] {strides = array<i32>} : memref<80x64xf32, #tpu.memory_space<vmem>>, vector<1x16xf32>,
    %swap3A_1829 = vector.shape_cast %swap3A_1828 : vector<1x16xf32> to vector<16xf32>
    %swap3A_1830 = vector.shape_cast %broadcast_in_dim3A_1 : vector<16xf32> to vector<1x16xf32>
    tpu.vector_store %arg10[%swap3A_1826, %swap3A_1827], %swap3A_1830 {strides = array<i32>} : memref<80x64xf32, #tpu.memory_space<vmem>>, vector<1x16xf32>,
    %swap3A_1831 = arith.constant 76 : i32
    %swap3A_1832 = arith.index_cast %swap3A_1831 : i32 to index
    %swap3A_1833 = arith.constant 16 : index
    %swap3A_1834 = tpu.vector_load %arg10[%swap3A_1832, %swap3A_1833] {strides = array<i32>} : memref<80x64xf32, #tpu.memory_space<vmem>>, vector<1x16xf32>,
    %swap3A_1835 = vector.shape_cast %swap3A_1834 : vector<1x16xf32> to vector<16xf32>
    %swap3A_1836 = vector.shape_cast %broadcast_in_dim3A_1 : vector<16xf32> to vector<1x16xf32>
    tpu.vector_store %arg10[%swap3A_1832, %swap3A_1833], %swap3A_1836 {strides = array<i32>} : memref<80x64xf32, #tpu.memory_space<vmem>>, vector<1x16xf32>,
    %swap3A_1837 = arith.constant 76 : i32
    %swap3A_1838 = arith.index_cast %swap3A_1837 : i32 to index
    %swap3A_1839 = arith.constant 32 : index
    %swap3A_1840 = tpu.vector_load %arg10[%swap3A_1838, %swap3A_1839] {strides = array<i32>} : memref<80x64xf32, #tpu.memory_space<vmem>>, vector<1x16xf32>,
    %swap3A_1841 = vector.shape_cast %swap3A_1840 : vector<1x16xf32> to vector<16xf32>
    %swap3A_1842 = vector.shape_cast %broadcast_in_dim3A_1 : vector<16xf32> to vector<1x16xf32>
    tpu.vector_store %arg10[%swap3A_1838, %swap3A_1839], %swap3A_1842 {strides = array<i32>} : memref<80x64xf32, #tpu.memory_space<vmem>>, vector<1x16xf32>,
    %swap3A_1843 = arith.constant 76 : i32
    %swap3A_1844 = arith.index_cast %swap3A_1843 : i32 to index
    %swap3A_1845 = arith.constant 48 : index
    %swap3A_1846 = tpu.vector_load %arg10[%swap3A_1844, %swap3A_1845] {strides = array<i32>} : memref<80x64xf32, #tpu.memory_space<vmem>>, vector<1x16xf32>,
    %swap3A_1847 = vector.shape_cast %swap3A_1846 : vector<1x16xf32> to vector<16xf32>
    %swap3A_1848 = vector.shape_cast %broadcast_in_dim3A_1 : vector<16xf32> to vector<1x16xf32>
    tpu.vector_store %arg10[%swap3A_1844, %swap3A_1845], %swap3A_1848 {strides = array<i32>} : memref<80x64xf32, #tpu.memory_space<vmem>>, vector<1x16xf32>,
    %swap3A_1849 = arith.constant 77 : i32
    %swap3A_1850 = arith.index_cast %swap3A_1849 : i32 to index
    %swap3A_1851 = arith.constant 0 : index
    %swap3A_1852 = tpu.vector_load %arg10[%swap3A_1850, %swap3A_1851] {strides = array<i32>} : memref<80x64xf32, #tpu.memory_space<vmem>>, vector<1x16xf32>,
    %swap3A_1853 = vector.shape_cast %swap3A_1852 : vector<1x16xf32> to vector<16xf32>
    %swap3A_1854 = vector.shape_cast %broadcast_in_dim3A_1 : vector<16xf32> to vector<1x16xf32>
    tpu.vector_store %arg10[%swap3A_1850, %swap3A_1851], %swap3A_1854 {strides = array<i32>} : memref<80x64xf32, #tpu.memory_space<vmem>>, vector<1x16xf32>,
    %swap3A_1855 = arith.constant 77 : i32
    %swap3A_1856 = arith.index_cast %swap3A_1855 : i32 to index
    %swap3A_1857 = arith.constant 16 : index
    %swap3A_1858 = tpu.vector_load %arg10[%swap3A_1856, %swap3A_1857] {strides = array<i32>} : memref<80x64xf32, #tpu.memory_space<vmem>>, vector<1x16xf32>,
    %swap3A_1859 = vector.shape_cast %swap3A_1858 : vector<1x16xf32> to vector<16xf32>
    %swap3A_1860 = vector.shape_cast %broadcast_in_dim3A_1 : vector<16xf32> to vector<1x16xf32>
    tpu.vector_store %arg10[%swap3A_1856, %swap3A_1857], %swap3A_1860 {strides = array<i32>} : memref<80x64xf32, #tpu.memory_space<vmem>>, vector<1x16xf32>,
    %swap3A_1861 = arith.constant 77 : i32
    %swap3A_1862 = arith.index_cast %swap3A_1861 : i32 to index
    %swap3A_1863 = arith.constant 32 : index
    %swap3A_1864 = tpu.vector_load %arg10[%swap3A_1862, %swap3A_1863] {strides = array<i32>} : memref<80x64xf32, #tpu.memory_space<vmem>>, vector<1x16xf32>,
    %swap3A_1865 = vector.shape_cast %swap3A_1864 : vector<1x16xf32> to vector<16xf32>
    %swap3A_1866 = vector.shape_cast %broadcast_in_dim3A_1 : vector<16xf32> to vector<1x16xf32>
    tpu.vector_store %arg10[%swap3A_1862, %swap3A_1863], %swap3A_1866 {strides = array<i32>} : memref<80x64xf32, #tpu.memory_space<vmem>>, vector<1x16xf32>,
    %swap3A_1867 = arith.constant 77 : i32
    %swap3A_1868 = arith.index_cast %swap3A_1867 : i32 to index
    %swap3A_1869 = arith.constant 48 : index
    %swap3A_1870 = tpu.vector_load %arg10[%swap3A_1868, %swap3A_1869] {strides = array<i32>} : memref<80x64xf32, #tpu.memory_space<vmem>>, vector<1x16xf32>,
    %swap3A_1871 = vector.shape_cast %swap3A_1870 : vector<1x16xf32> to vector<16xf32>
    %swap3A_1872 = vector.shape_cast %broadcast_in_dim3A_1 : vector<16xf32> to vector<1x16xf32>
    tpu.vector_store %arg10[%swap3A_1868, %swap3A_1869], %swap3A_1872 {strides = array<i32>} : memref<80x64xf32, #tpu.memory_space<vmem>>, vector<1x16xf32>,
    %swap3A_1873 = arith.constant 78 : i32
    %swap3A_1874 = arith.index_cast %swap3A_1873 : i32 to index
    %swap3A_1875 = arith.constant 0 : index
    %swap3A_1876 = tpu.vector_load %arg10[%swap3A_1874, %swap3A_1875] {strides = array<i32>} : memref<80x64xf32, #tpu.memory_space<vmem>>, vector<1x16xf32>,
    %swap3A_1877 = vector.shape_cast %swap3A_1876 : vector<1x16xf32> to vector<16xf32>
    %swap3A_1878 = vector.shape_cast %broadcast_in_dim3A_1 : vector<16xf32> to vector<1x16xf32>
    tpu.vector_store %arg10[%swap3A_1874, %swap3A_1875], %swap3A_1878 {strides = array<i32>} : memref<80x64xf32, #tpu.memory_space<vmem>>, vector<1x16xf32>,
    %swap3A_1879 = arith.constant 78 : i32
    %swap3A_1880 = arith.index_cast %swap3A_1879 : i32 to index
    %swap3A_1881 = arith.constant 16 : index
    %swap3A_1882 = tpu.vector_load %arg10[%swap3A_1880, %swap3A_1881] {strides = array<i32>} : memref<80x64xf32, #tpu.memory_space<vmem>>, vector<1x16xf32>,
    %swap3A_1883 = vector.shape_cast %swap3A_1882 : vector<1x16xf32> to vector<16xf32>
    %swap3A_1884 = vector.shape_cast %broadcast_in_dim3A_1 : vector<16xf32> to vector<1x16xf32>
    tpu.vector_store %arg10[%swap3A_1880, %swap3A_1881], %swap3A_1884 {strides = array<i32>} : memref<80x64xf32, #tpu.memory_space<vmem>>, vector<1x16xf32>,
    %swap3A_1885 = arith.constant 78 : i32
    %swap3A_1886 = arith.index_cast %swap3A_1885 : i32 to index
    %swap3A_1887 = arith.constant 32 : index
    %swap3A_1888 = tpu.vector_load %arg10[%swap3A_1886, %swap3A_1887] {strides = array<i32>} : memref<80x64xf32, #tpu.memory_space<vmem>>, vector<1x16xf32>,
    %swap3A_1889 = vector.shape_cast %swap3A_1888 : vector<1x16xf32> to vector<16xf32>
    %swap3A_1890 = vector.shape_cast %broadcast_in_dim3A_1 : vector<16xf32> to vector<1x16xf32>
    tpu.vector_store %arg10[%swap3A_1886, %swap3A_1887], %swap3A_1890 {strides = array<i32>} : memref<80x64xf32, #tpu.memory_space<vmem>>, vector<1x16xf32>,
    %swap3A_1891 = arith.constant 78 : i32
    %swap3A_1892 = arith.index_cast %swap3A_1891 : i32 to index
    %swap3A_1893 = arith.constant 48 : index
    %swap3A_1894 = tpu.vector_load %arg10[%swap3A_1892, %swap3A_1893] {strides = array<i32>} : memref<80x64xf32, #tpu.memory_space<vmem>>, vector<1x16xf32>,
    %swap3A_1895 = vector.shape_cast %swap3A_1894 : vector<1x16xf32> to vector<16xf32>
    %swap3A_1896 = vector.shape_cast %broadcast_in_dim3A_1 : vector<16xf32> to vector<1x16xf32>
    tpu.vector_store %arg10[%swap3A_1892, %swap3A_1893], %swap3A_1896 {strides = array<i32>} : memref<80x64xf32, #tpu.memory_space<vmem>>, vector<1x16xf32>,
    %swap3A_1897 = arith.constant 79 : i32
    %swap3A_1898 = arith.index_cast %swap3A_1897 : i32 to index
    %swap3A_1899 = arith.constant 0 : index
    %swap3A_1900 = tpu.vector_load %arg10[%swap3A_1898, %swap3A_1899] {strides = array<i32>} : memref<80x64xf32, #tpu.memory_space<vmem>>, vector<1x16xf32>,
    %swap3A_1901 = vector.shape_cast %swap3A_1900 : vector<1x16xf32> to vector<16xf32>
    %swap3A_1902 = vector.shape_cast %broadcast_in_dim3A_1 : vector<16xf32> to vector<1x16xf32>
    tpu.vector_store %arg10[%swap3A_1898, %swap3A_1899], %swap3A_1902 {strides = array<i32>} : memref<80x64xf32, #tpu.memory_space<vmem>>, vector<1x16xf32>,
    %swap3A_1903 = arith.constant 79 : i32
    %swap3A_1904 = arith.index_cast %swap3A_1903 : i32 to index
    %swap3A_1905 = arith.constant 16 : index
    %swap3A_1906 = tpu.vector_load %arg10[%swap3A_1904, %swap3A_1905] {strides = array<i32>} : memref<80x64xf32, #tpu.memory_space<vmem>>, vector<1x16xf32>,
    %swap3A_1907 = vector.shape_cast %swap3A_1906 : vector<1x16xf32> to vector<16xf32>
    %swap3A_1908 = vector.shape_cast %broadcast_in_dim3A_1 : vector<16xf32> to vector<1x16xf32>
    tpu.vector_store %arg10[%swap3A_1904, %swap3A_1905], %swap3A_1908 {strides = array<i32>} : memref<80x64xf32, #tpu.memory_space<vmem>>, vector<1x16xf32>,
    %swap3A_1909 = arith.constant 79 : i32
    %swap3A_1910 = arith.index_cast %swap3A_1909 : i32 to index
    %swap3A_1911 = arith.constant 32 : index
    %swap3A_1912 = tpu.vector_load %arg10[%swap3A_1910, %swap3A_1911] {strides = array<i32>} : memref<80x64xf32, #tpu.memory_space<vmem>>, vector<1x16xf32>,
    %swap3A_1913 = vector.shape_cast %swap3A_1912 : vector<1x16xf32> to vector<16xf32>
    %swap3A_1914 = vector.shape_cast %broadcast_in_dim3A_1 : vector<16xf32> to vector<1x16xf32>
    tpu.vector_store %arg10[%swap3A_1910, %swap3A_1911], %swap3A_1914 {strides = array<i32>} : memref<80x64xf32, #tpu.memory_space<vmem>>, vector<1x16xf32>,
    %swap3A_1915 = arith.constant 79 : i32
    %swap3A_1916 = arith.index_cast %swap3A_1915 : i32 to index
    %swap3A_1917 = arith.constant 48 : index
    %swap3A_1918 = tpu.vector_load %arg10[%swap3A_1916, %swap3A_1917] {strides = array<i32>} : memref<80x64xf32, #tpu.memory_space<vmem>>, vector<1x16xf32>,
    %swap3A_1919 = vector.shape_cast %swap3A_1918 : vector<1x16xf32> to vector<16xf32>
    %swap3A_1920 = vector.shape_cast %broadcast_in_dim3A_1 : vector<16xf32> to vector<1x16xf32>
    tpu.vector_store %arg10[%swap3A_1916, %swap3A_1917], %swap3A_1920 {strides = array<i32>} : memref<80x64xf32, #tpu.memory_space<vmem>>, vector<1x16xf32>,
    %mul3A_1921 = arith.constant 1280 : i32
    %mul3A_1922 = arith.muli %arg1, %mul3A_1921 : i32
    %add3A = arith.constant 0 : i32
    %add3A_1923 = arith.addi %mul3A_1922, %add3A : i32
    "tpu.region"() ({
      %run_scoped3A = tpu.sem_alloc : memref<!tpu.dma_semaphore, #tpu.memory_space<semaphore_mem>>
      %dma_start3A = arith.constant 0 : i32
      %dma_start3A_1970 = tpu.memref_slice %arg11[%add3A_1923, %dma_start3A] : memref<20480x64xf32, #tpu.memory_space<vmem_shared>> -> memref<80x64xf32, #tpu.memory_space<vmem_shared>>
      %dma_start3A_1971 = arith.constant 0 : i32
      %dma_start3A_1972 = tpu.memref_slice %arg11[%add3A_1923, %dma_start3A_1971] : memref<20480x64xf32, #tpu.memory_space<vmem_shared>> -> memref<80x64xf32, #tpu.memory_space<vmem_shared>>
      tpu.enqueue_dma source(%arg10 : memref<80x64xf32, #tpu.memory_space<vmem>>) target(%dma_start3A_1972 : memref<80x64xf32, #tpu.memory_space<vmem_shared>>) target_semaphore(%run_scoped3A : memref<!tpu.dma_semaphore, #tpu.memory_space<semaphore_mem>>)
      %dma_wait3A = arith.constant 0 : i32
      %dma_wait3A_1973 = tpu.memref_slice %arg11[%add3A_1923, %dma_wait3A] : memref<20480x64xf32, #tpu.memory_space<vmem_shared>> -> memref<80x64xf32, #tpu.memory_space<vmem_shared>>
      %dma_wait3A_1974 = arith.constant 0 : i32
      %dma_wait3A_1975 = tpu.memref_slice %arg11[%add3A_1923, %dma_wait3A_1974] : memref<20480x64xf32, #tpu.memory_space<vmem_shared>> -> memref<80x64xf32, #tpu.memory_space<vmem_shared>>
      tpu.wait_dma2 semaphore(%run_scoped3A : memref<!tpu.dma_semaphore, #tpu.memory_space<semaphore_mem>>) src(%arg10 : memref<80x64xf32, #tpu.memory_space<vmem>>) dst(%dma_wait3A_1975 : memref<80x64xf32, #tpu.memory_space<vmem_shared>>)
      tpu.yield
    }) : () -> ()
    %add3A_1924 = arith.constant 80 : i32
    %add3A_1925 = arith.addi %mul3A_1922, %add3A_1924 : i32
    "tpu.region"() ({
      %run_scoped3A = tpu.sem_alloc : memref<!tpu.dma_semaphore, #tpu.memory_space<semaphore_mem>>
      %dma_start3A = arith.constant 0 : i32
      %dma_start3A_1970 = tpu.memref_slice %arg11[%add3A_1925, %dma_start3A] : memref<20480x64xf32, #tpu.memory_space<vmem_shared>> -> memref<80x64xf32, #tpu.memory_space<vmem_shared>>
      %dma_start3A_1971 = arith.constant 0 : i32
      %dma_start3A_1972 = tpu.memref_slice %arg11[%add3A_1925, %dma_start3A_1971] : memref<20480x64xf32, #tpu.memory_space<vmem_shared>> -> memref<80x64xf32, #tpu.memory_space<vmem_shared>>
      tpu.enqueue_dma source(%arg10 : memref<80x64xf32, #tpu.memory_space<vmem>>) target(%dma_start3A_1972 : memref<80x64xf32, #tpu.memory_space<vmem_shared>>) target_semaphore(%run_scoped3A : memref<!tpu.dma_semaphore, #tpu.memory_space<semaphore_mem>>)
      %dma_wait3A = arith.constant 0 : i32
      %dma_wait3A_1973 = tpu.memref_slice %arg11[%add3A_1925, %dma_wait3A] : memref<20480x64xf32, #tpu.memory_space<vmem_shared>> -> memref<80x64xf32, #tpu.memory_space<vmem_shared>>
      %dma_wait3A_1974 = arith.constant 0 : i32
      %dma_wait3A_1975 = tpu.memref_slice %arg11[%add3A_1925, %dma_wait3A_1974] : memref<20480x64xf32, #tpu.memory_space<vmem_shared>> -> memref<80x64xf32, #tpu.memory_space<vmem_shared>>
      tpu.wait_dma2 semaphore(%run_scoped3A : memref<!tpu.dma_semaphore, #tpu.memory_space<semaphore_mem>>) src(%arg10 : memref<80x64xf32, #tpu.memory_space<vmem>>) dst(%dma_wait3A_1975 : memref<80x64xf32, #tpu.memory_space<vmem_shared>>)
      tpu.yield
    }) : () -> ()
    %add3A_1926 = arith.constant 160 : i32
    %add3A_1927 = arith.addi %mul3A_1922, %add3A_1926 : i32
    "tpu.region"() ({
      %run_scoped3A = tpu.sem_alloc : memref<!tpu.dma_semaphore, #tpu.memory_space<semaphore_mem>>
      %dma_start3A = arith.constant 0 : i32
      %dma_start3A_1970 = tpu.memref_slice %arg11[%add3A_1927, %dma_start3A] : memref<20480x64xf32, #tpu.memory_space<vmem_shared>> -> memref<80x64xf32, #tpu.memory_space<vmem_shared>>
      %dma_start3A_1971 = arith.constant 0 : i32
      %dma_start3A_1972 = tpu.memref_slice %arg11[%add3A_1927, %dma_start3A_1971] : memref<20480x64xf32, #tpu.memory_space<vmem_shared>> -> memref<80x64xf32, #tpu.memory_space<vmem_shared>>
      tpu.enqueue_dma source(%arg10 : memref<80x64xf32, #tpu.memory_space<vmem>>) target(%dma_start3A_1972 : memref<80x64xf32, #tpu.memory_space<vmem_shared>>) target_semaphore(%run_scoped3A : memref<!tpu.dma_semaphore, #tpu.memory_space<semaphore_mem>>)
      %dma_wait3A = arith.constant 0 : i32
      %dma_wait3A_1973 = tpu.memref_slice %arg11[%add3A_1927, %dma_wait3A] : memref<20480x64xf32, #tpu.memory_space<vmem_shared>> -> memref<80x64xf32, #tpu.memory_space<vmem_shared>>
      %dma_wait3A_1974 = arith.constant 0 : i32
      %dma_wait3A_1975 = tpu.memref_slice %arg11[%add3A_1927, %dma_wait3A_1974] : memref<20480x64xf32, #tpu.memory_space<vmem_shared>> -> memref<80x64xf32, #tpu.memory_space<vmem_shared>>
      tpu.wait_dma2 semaphore(%run_scoped3A : memref<!tpu.dma_semaphore, #tpu.memory_space<semaphore_mem>>) src(%arg10 : memref<80x64xf32, #tpu.memory_space<vmem>>) dst(%dma_wait3A_1975 : memref<80x64xf32, #tpu.memory_space<vmem_shared>>)
      tpu.yield
    }) : () -> ()
    %add3A_1928 = arith.constant 240 : i32
    %add3A_1929 = arith.addi %mul3A_1922, %add3A_1928 : i32
    "tpu.region"() ({
      %run_scoped3A = tpu.sem_alloc : memref<!tpu.dma_semaphore, #tpu.memory_space<semaphore_mem>>
      %dma_start3A = arith.constant 0 : i32
      %dma_start3A_1970 = tpu.memref_slice %arg11[%add3A_1929, %dma_start3A] : memref<20480x64xf32, #tpu.memory_space<vmem_shared>> -> memref<80x64xf32, #tpu.memory_space<vmem_shared>>
      %dma_start3A_1971 = arith.constant 0 : i32
      %dma_start3A_1972 = tpu.memref_slice %arg11[%add3A_1929, %dma_start3A_1971] : memref<20480x64xf32, #tpu.memory_space<vmem_shared>> -> memref<80x64xf32, #tpu.memory_space<vmem_shared>>
      tpu.enqueue_dma source(%arg10 : memref<80x64xf32, #tpu.memory_space<vmem>>) target(%dma_start3A_1972 : memref<80x64xf32, #tpu.memory_space<vmem_shared>>) target_semaphore(%run_scoped3A : memref<!tpu.dma_semaphore, #tpu.memory_space<semaphore_mem>>)
      %dma_wait3A = arith.constant 0 : i32
      %dma_wait3A_1973 = tpu.memref_slice %arg11[%add3A_1929, %dma_wait3A] : memref<20480x64xf32, #tpu.memory_space<vmem_shared>> -> memref<80x64xf32, #tpu.memory_space<vmem_shared>>
      %dma_wait3A_1974 = arith.constant 0 : i32
      %dma_wait3A_1975 = tpu.memref_slice %arg11[%add3A_1929, %dma_wait3A_1974] : memref<20480x64xf32, #tpu.memory_space<vmem_shared>> -> memref<80x64xf32, #tpu.memory_space<vmem_shared>>
      tpu.wait_dma2 semaphore(%run_scoped3A : memref<!tpu.dma_semaphore, #tpu.memory_space<semaphore_mem>>) src(%arg10 : memref<80x64xf32, #tpu.memory_space<vmem>>) dst(%dma_wait3A_1975 : memref<80x64xf32, #tpu.memory_space<vmem_shared>>)
      tpu.yield
    }) : () -> ()
    %add3A_1930 = arith.constant 320 : i32
    %add3A_1931 = arith.addi %mul3A_1922, %add3A_1930 : i32
    "tpu.region"() ({
      %run_scoped3A = tpu.sem_alloc : memref<!tpu.dma_semaphore, #tpu.memory_space<semaphore_mem>>
      %dma_start3A = arith.constant 0 : i32
      %dma_start3A_1970 = tpu.memref_slice %arg11[%add3A_1931, %dma_start3A] : memref<20480x64xf32, #tpu.memory_space<vmem_shared>> -> memref<80x64xf32, #tpu.memory_space<vmem_shared>>
      %dma_start3A_1971 = arith.constant 0 : i32
      %dma_start3A_1972 = tpu.memref_slice %arg11[%add3A_1931, %dma_start3A_1971] : memref<20480x64xf32, #tpu.memory_space<vmem_shared>> -> memref<80x64xf32, #tpu.memory_space<vmem_shared>>
      tpu.enqueue_dma source(%arg10 : memref<80x64xf32, #tpu.memory_space<vmem>>) target(%dma_start3A_1972 : memref<80x64xf32, #tpu.memory_space<vmem_shared>>) target_semaphore(%run_scoped3A : memref<!tpu.dma_semaphore, #tpu.memory_space<semaphore_mem>>)
      %dma_wait3A = arith.constant 0 : i32
      %dma_wait3A_1973 = tpu.memref_slice %arg11[%add3A_1931, %dma_wait3A] : memref<20480x64xf32, #tpu.memory_space<vmem_shared>> -> memref<80x64xf32, #tpu.memory_space<vmem_shared>>
      %dma_wait3A_1974 = arith.constant 0 : i32
      %dma_wait3A_1975 = tpu.memref_slice %arg11[%add3A_1931, %dma_wait3A_1974] : memref<20480x64xf32, #tpu.memory_space<vmem_shared>> -> memref<80x64xf32, #tpu.memory_space<vmem_shared>>
      tpu.wait_dma2 semaphore(%run_scoped3A : memref<!tpu.dma_semaphore, #tpu.memory_space<semaphore_mem>>) src(%arg10 : memref<80x64xf32, #tpu.memory_space<vmem>>) dst(%dma_wait3A_1975 : memref<80x64xf32, #tpu.memory_space<vmem_shared>>)
      tpu.yield
    }) : () -> ()
    %add3A_1932 = arith.constant 400 : i32
    %add3A_1933 = arith.addi %mul3A_1922, %add3A_1932 : i32
    "tpu.region"() ({
      %run_scoped3A = tpu.sem_alloc : memref<!tpu.dma_semaphore, #tpu.memory_space<semaphore_mem>>
      %dma_start3A = arith.constant 0 : i32
      %dma_start3A_1970 = tpu.memref_slice %arg11[%add3A_1933, %dma_start3A] : memref<20480x64xf32, #tpu.memory_space<vmem_shared>> -> memref<80x64xf32, #tpu.memory_space<vmem_shared>>
      %dma_start3A_1971 = arith.constant 0 : i32
      %dma_start3A_1972 = tpu.memref_slice %arg11[%add3A_1933, %dma_start3A_1971] : memref<20480x64xf32, #tpu.memory_space<vmem_shared>> -> memref<80x64xf32, #tpu.memory_space<vmem_shared>>
      tpu.enqueue_dma source(%arg10 : memref<80x64xf32, #tpu.memory_space<vmem>>) target(%dma_start3A_1972 : memref<80x64xf32, #tpu.memory_space<vmem_shared>>) target_semaphore(%run_scoped3A : memref<!tpu.dma_semaphore, #tpu.memory_space<semaphore_mem>>)
      %dma_wait3A = arith.constant 0 : i32
      %dma_wait3A_1973 = tpu.memref_slice %arg11[%add3A_1933, %dma_wait3A] : memref<20480x64xf32, #tpu.memory_space<vmem_shared>> -> memref<80x64xf32, #tpu.memory_space<vmem_shared>>
      %dma_wait3A_1974 = arith.constant 0 : i32
      %dma_wait3A_1975 = tpu.memref_slice %arg11[%add3A_1933, %dma_wait3A_1974] : memref<20480x64xf32, #tpu.memory_space<vmem_shared>> -> memref<80x64xf32, #tpu.memory_space<vmem_shared>>
      tpu.wait_dma2 semaphore(%run_scoped3A : memref<!tpu.dma_semaphore, #tpu.memory_space<semaphore_mem>>) src(%arg10 : memref<80x64xf32, #tpu.memory_space<vmem>>) dst(%dma_wait3A_1975 : memref<80x64xf32, #tpu.memory_space<vmem_shared>>)
      tpu.yield
    }) : () -> ()
    %add3A_1934 = arith.constant 480 : i32
    %add3A_1935 = arith.addi %mul3A_1922, %add3A_1934 : i32
    "tpu.region"() ({
      %run_scoped3A = tpu.sem_alloc : memref<!tpu.dma_semaphore, #tpu.memory_space<semaphore_mem>>
      %dma_start3A = arith.constant 0 : i32
      %dma_start3A_1970 = tpu.memref_slice %arg11[%add3A_1935, %dma_start3A] : memref<20480x64xf32, #tpu.memory_space<vmem_shared>> -> memref<80x64xf32, #tpu.memory_space<vmem_shared>>
      %dma_start3A_1971 = arith.constant 0 : i32
      %dma_start3A_1972 = tpu.memref_slice %arg11[%add3A_1935, %dma_start3A_1971] : memref<20480x64xf32, #tpu.memory_space<vmem_shared>> -> memref<80x64xf32, #tpu.memory_space<vmem_shared>>
      tpu.enqueue_dma source(%arg10 : memref<80x64xf32, #tpu.memory_space<vmem>>) target(%dma_start3A_1972 : memref<80x64xf32, #tpu.memory_space<vmem_shared>>) target_semaphore(%run_scoped3A : memref<!tpu.dma_semaphore, #tpu.memory_space<semaphore_mem>>)
      %dma_wait3A = arith.constant 0 : i32
      %dma_wait3A_1973 = tpu.memref_slice %arg11[%add3A_1935, %dma_wait3A] : memref<20480x64xf32, #tpu.memory_space<vmem_shared>> -> memref<80x64xf32, #tpu.memory_space<vmem_shared>>
      %dma_wait3A_1974 = arith.constant 0 : i32
      %dma_wait3A_1975 = tpu.memref_slice %arg11[%add3A_1935, %dma_wait3A_1974] : memref<20480x64xf32, #tpu.memory_space<vmem_shared>> -> memref<80x64xf32, #tpu.memory_space<vmem_shared>>
      tpu.wait_dma2 semaphore(%run_scoped3A : memref<!tpu.dma_semaphore, #tpu.memory_space<semaphore_mem>>) src(%arg10 : memref<80x64xf32, #tpu.memory_space<vmem>>) dst(%dma_wait3A_1975 : memref<80x64xf32, #tpu.memory_space<vmem_shared>>)
      tpu.yield
    }) : () -> ()
    %add3A_1936 = arith.constant 560 : i32
    %add3A_1937 = arith.addi %mul3A_1922, %add3A_1936 : i32
    "tpu.region"() ({
      %run_scoped3A = tpu.sem_alloc : memref<!tpu.dma_semaphore, #tpu.memory_space<semaphore_mem>>
      %dma_start3A = arith.constant 0 : i32
      %dma_start3A_1970 = tpu.memref_slice %arg11[%add3A_1937, %dma_start3A] : memref<20480x64xf32, #tpu.memory_space<vmem_shared>> -> memref<80x64xf32, #tpu.memory_space<vmem_shared>>
      %dma_start3A_1971 = arith.constant 0 : i32
      %dma_start3A_1972 = tpu.memref_slice %arg11[%add3A_1937, %dma_start3A_1971] : memref<20480x64xf32, #tpu.memory_space<vmem_shared>> -> memref<80x64xf32, #tpu.memory_space<vmem_shared>>
      tpu.enqueue_dma source(%arg10 : memref<80x64xf32, #tpu.memory_space<vmem>>) target(%dma_start3A_1972 : memref<80x64xf32, #tpu.memory_space<vmem_shared>>) target_semaphore(%run_scoped3A : memref<!tpu.dma_semaphore, #tpu.memory_space<semaphore_mem>>)
      %dma_wait3A = arith.constant 0 : i32
      %dma_wait3A_1973 = tpu.memref_slice %arg11[%add3A_1937, %dma_wait3A] : memref<20480x64xf32, #tpu.memory_space<vmem_shared>> -> memref<80x64xf32, #tpu.memory_space<vmem_shared>>
      %dma_wait3A_1974 = arith.constant 0 : i32
      %dma_wait3A_1975 = tpu.memref_slice %arg11[%add3A_1937, %dma_wait3A_1974] : memref<20480x64xf32, #tpu.memory_space<vmem_shared>> -> memref<80x64xf32, #tpu.memory_space<vmem_shared>>
      tpu.wait_dma2 semaphore(%run_scoped3A : memref<!tpu.dma_semaphore, #tpu.memory_space<semaphore_mem>>) src(%arg10 : memref<80x64xf32, #tpu.memory_space<vmem>>) dst(%dma_wait3A_1975 : memref<80x64xf32, #tpu.memory_space<vmem_shared>>)
      tpu.yield
    }) : () -> ()
    %add3A_1938 = arith.constant 640 : i32
    %add3A_1939 = arith.addi %mul3A_1922, %add3A_1938 : i32
    "tpu.region"() ({
      %run_scoped3A = tpu.sem_alloc : memref<!tpu.dma_semaphore, #tpu.memory_space<semaphore_mem>>
      %dma_start3A = arith.constant 0 : i32
      %dma_start3A_1970 = tpu.memref_slice %arg11[%add3A_1939, %dma_start3A] : memref<20480x64xf32, #tpu.memory_space<vmem_shared>> -> memref<80x64xf32, #tpu.memory_space<vmem_shared>>
      %dma_start3A_1971 = arith.constant 0 : i32
      %dma_start3A_1972 = tpu.memref_slice %arg11[%add3A_1939, %dma_start3A_1971] : memref<20480x64xf32, #tpu.memory_space<vmem_shared>> -> memref<80x64xf32, #tpu.memory_space<vmem_shared>>
      tpu.enqueue_dma source(%arg10 : memref<80x64xf32, #tpu.memory_space<vmem>>) target(%dma_start3A_1972 : memref<80x64xf32, #tpu.memory_space<vmem_shared>>) target_semaphore(%run_scoped3A : memref<!tpu.dma_semaphore, #tpu.memory_space<semaphore_mem>>)
      %dma_wait3A = arith.constant 0 : i32
      %dma_wait3A_1973 = tpu.memref_slice %arg11[%add3A_1939, %dma_wait3A] : memref<20480x64xf32, #tpu.memory_space<vmem_shared>> -> memref<80x64xf32, #tpu.memory_space<vmem_shared>>
      %dma_wait3A_1974 = arith.constant 0 : i32
      %dma_wait3A_1975 = tpu.memref_slice %arg11[%add3A_1939, %dma_wait3A_1974] : memref<20480x64xf32, #tpu.memory_space<vmem_shared>> -> memref<80x64xf32, #tpu.memory_space<vmem_shared>>
      tpu.wait_dma2 semaphore(%run_scoped3A : memref<!tpu.dma_semaphore, #tpu.memory_space<semaphore_mem>>) src(%arg10 : memref<80x64xf32, #tpu.memory_space<vmem>>) dst(%dma_wait3A_1975 : memref<80x64xf32, #tpu.memory_space<vmem_shared>>)
      tpu.yield
    }) : () -> ()
    %add3A_1940 = arith.constant 720 : i32
    %add3A_1941 = arith.addi %mul3A_1922, %add3A_1940 : i32
    "tpu.region"() ({
      %run_scoped3A = tpu.sem_alloc : memref<!tpu.dma_semaphore, #tpu.memory_space<semaphore_mem>>
      %dma_start3A = arith.constant 0 : i32
      %dma_start3A_1970 = tpu.memref_slice %arg11[%add3A_1941, %dma_start3A] : memref<20480x64xf32, #tpu.memory_space<vmem_shared>> -> memref<80x64xf32, #tpu.memory_space<vmem_shared>>
      %dma_start3A_1971 = arith.constant 0 : i32
      %dma_start3A_1972 = tpu.memref_slice %arg11[%add3A_1941, %dma_start3A_1971] : memref<20480x64xf32, #tpu.memory_space<vmem_shared>> -> memref<80x64xf32, #tpu.memory_space<vmem_shared>>
      tpu.enqueue_dma source(%arg10 : memref<80x64xf32, #tpu.memory_space<vmem>>) target(%dma_start3A_1972 : memref<80x64xf32, #tpu.memory_space<vmem_shared>>) target_semaphore(%run_scoped3A : memref<!tpu.dma_semaphore, #tpu.memory_space<semaphore_mem>>)
      %dma_wait3A = arith.constant 0 : i32
      %dma_wait3A_1973 = tpu.memref_slice %arg11[%add3A_1941, %dma_wait3A] : memref<20480x64xf32, #tpu.memory_space<vmem_shared>> -> memref<80x64xf32, #tpu.memory_space<vmem_shared>>
      %dma_wait3A_1974 = arith.constant 0 : i32
      %dma_wait3A_1975 = tpu.memref_slice %arg11[%add3A_1941, %dma_wait3A_1974] : memref<20480x64xf32, #tpu.memory_space<vmem_shared>> -> memref<80x64xf32, #tpu.memory_space<vmem_shared>>
      tpu.wait_dma2 semaphore(%run_scoped3A : memref<!tpu.dma_semaphore, #tpu.memory_space<semaphore_mem>>) src(%arg10 : memref<80x64xf32, #tpu.memory_space<vmem>>) dst(%dma_wait3A_1975 : memref<80x64xf32, #tpu.memory_space<vmem_shared>>)
      tpu.yield
    }) : () -> ()
    %add3A_1942 = arith.constant 800 : i32
    %add3A_1943 = arith.addi %mul3A_1922, %add3A_1942 : i32
    "tpu.region"() ({
      %run_scoped3A = tpu.sem_alloc : memref<!tpu.dma_semaphore, #tpu.memory_space<semaphore_mem>>
      %dma_start3A = arith.constant 0 : i32
      %dma_start3A_1970 = tpu.memref_slice %arg11[%add3A_1943, %dma_start3A] : memref<20480x64xf32, #tpu.memory_space<vmem_shared>> -> memref<80x64xf32, #tpu.memory_space<vmem_shared>>
      %dma_start3A_1971 = arith.constant 0 : i32
      %dma_start3A_1972 = tpu.memref_slice %arg11[%add3A_1943, %dma_start3A_1971] : memref<20480x64xf32, #tpu.memory_space<vmem_shared>> -> memref<80x64xf32, #tpu.memory_space<vmem_shared>>
      tpu.enqueue_dma source(%arg10 : memref<80x64xf32, #tpu.memory_space<vmem>>) target(%dma_start3A_1972 : memref<80x64xf32, #tpu.memory_space<vmem_shared>>) target_semaphore(%run_scoped3A : memref<!tpu.dma_semaphore, #tpu.memory_space<semaphore_mem>>)
      %dma_wait3A = arith.constant 0 : i32
      %dma_wait3A_1973 = tpu.memref_slice %arg11[%add3A_1943, %dma_wait3A] : memref<20480x64xf32, #tpu.memory_space<vmem_shared>> -> memref<80x64xf32, #tpu.memory_space<vmem_shared>>
      %dma_wait3A_1974 = arith.constant 0 : i32
      %dma_wait3A_1975 = tpu.memref_slice %arg11[%add3A_1943, %dma_wait3A_1974] : memref<20480x64xf32, #tpu.memory_space<vmem_shared>> -> memref<80x64xf32, #tpu.memory_space<vmem_shared>>
      tpu.wait_dma2 semaphore(%run_scoped3A : memref<!tpu.dma_semaphore, #tpu.memory_space<semaphore_mem>>) src(%arg10 : memref<80x64xf32, #tpu.memory_space<vmem>>) dst(%dma_wait3A_1975 : memref<80x64xf32, #tpu.memory_space<vmem_shared>>)
      tpu.yield
    }) : () -> ()
    %add3A_1944 = arith.constant 880 : i32
    %add3A_1945 = arith.addi %mul3A_1922, %add3A_1944 : i32
    "tpu.region"() ({
      %run_scoped3A = tpu.sem_alloc : memref<!tpu.dma_semaphore, #tpu.memory_space<semaphore_mem>>
      %dma_start3A = arith.constant 0 : i32
      %dma_start3A_1970 = tpu.memref_slice %arg11[%add3A_1945, %dma_start3A] : memref<20480x64xf32, #tpu.memory_space<vmem_shared>> -> memref<80x64xf32, #tpu.memory_space<vmem_shared>>
      %dma_start3A_1971 = arith.constant 0 : i32
      %dma_start3A_1972 = tpu.memref_slice %arg11[%add3A_1945, %dma_start3A_1971] : memref<20480x64xf32, #tpu.memory_space<vmem_shared>> -> memref<80x64xf32, #tpu.memory_space<vmem_shared>>
      tpu.enqueue_dma source(%arg10 : memref<80x64xf32, #tpu.memory_space<vmem>>) target(%dma_start3A_1972 : memref<80x64xf32, #tpu.memory_space<vmem_shared>>) target_semaphore(%run_scoped3A : memref<!tpu.dma_semaphore, #tpu.memory_space<semaphore_mem>>)
      %dma_wait3A = arith.constant 0 : i32
      %dma_wait3A_1973 = tpu.memref_slice %arg11[%add3A_1945, %dma_wait3A] : memref<20480x64xf32, #tpu.memory_space<vmem_shared>> -> memref<80x64xf32, #tpu.memory_space<vmem_shared>>
      %dma_wait3A_1974 = arith.constant 0 : i32
      %dma_wait3A_1975 = tpu.memref_slice %arg11[%add3A_1945, %dma_wait3A_1974] : memref<20480x64xf32, #tpu.memory_space<vmem_shared>> -> memref<80x64xf32, #tpu.memory_space<vmem_shared>>
      tpu.wait_dma2 semaphore(%run_scoped3A : memref<!tpu.dma_semaphore, #tpu.memory_space<semaphore_mem>>) src(%arg10 : memref<80x64xf32, #tpu.memory_space<vmem>>) dst(%dma_wait3A_1975 : memref<80x64xf32, #tpu.memory_space<vmem_shared>>)
      tpu.yield
    }) : () -> ()
    %add3A_1946 = arith.constant 960 : i32
    %add3A_1947 = arith.addi %mul3A_1922, %add3A_1946 : i32
    "tpu.region"() ({
      %run_scoped3A = tpu.sem_alloc : memref<!tpu.dma_semaphore, #tpu.memory_space<semaphore_mem>>
      %dma_start3A = arith.constant 0 : i32
      %dma_start3A_1970 = tpu.memref_slice %arg11[%add3A_1947, %dma_start3A] : memref<20480x64xf32, #tpu.memory_space<vmem_shared>> -> memref<80x64xf32, #tpu.memory_space<vmem_shared>>
      %dma_start3A_1971 = arith.constant 0 : i32
      %dma_start3A_1972 = tpu.memref_slice %arg11[%add3A_1947, %dma_start3A_1971] : memref<20480x64xf32, #tpu.memory_space<vmem_shared>> -> memref<80x64xf32, #tpu.memory_space<vmem_shared>>
      tpu.enqueue_dma source(%arg10 : memref<80x64xf32, #tpu.memory_space<vmem>>) target(%dma_start3A_1972 : memref<80x64xf32, #tpu.memory_space<vmem_shared>>) target_semaphore(%run_scoped3A : memref<!tpu.dma_semaphore, #tpu.memory_space<semaphore_mem>>)
      %dma_wait3A = arith.constant 0 : i32
      %dma_wait3A_1973 = tpu.memref_slice %arg11[%add3A_1947, %dma_wait3A] : memref<20480x64xf32, #tpu.memory_space<vmem_shared>> -> memref<80x64xf32, #tpu.memory_space<vmem_shared>>
      %dma_wait3A_1974 = arith.constant 0 : i32
      %dma_wait3A_1975 = tpu.memref_slice %arg11[%add3A_1947, %dma_wait3A_1974] : memref<20480x64xf32, #tpu.memory_space<vmem_shared>> -> memref<80x64xf32, #tpu.memory_space<vmem_shared>>
      tpu.wait_dma2 semaphore(%run_scoped3A : memref<!tpu.dma_semaphore, #tpu.memory_space<semaphore_mem>>) src(%arg10 : memref<80x64xf32, #tpu.memory_space<vmem>>) dst(%dma_wait3A_1975 : memref<80x64xf32, #tpu.memory_space<vmem_shared>>)
      tpu.yield
    }) : () -> ()
    %add3A_1948 = arith.constant 1040 : i32
    %add3A_1949 = arith.addi %mul3A_1922, %add3A_1948 : i32
    "tpu.region"() ({
      %run_scoped3A = tpu.sem_alloc : memref<!tpu.dma_semaphore, #tpu.memory_space<semaphore_mem>>
      %dma_start3A = arith.constant 0 : i32
      %dma_start3A_1970 = tpu.memref_slice %arg11[%add3A_1949, %dma_start3A] : memref<20480x64xf32, #tpu.memory_space<vmem_shared>> -> memref<80x64xf32, #tpu.memory_space<vmem_shared>>
      %dma_start3A_1971 = arith.constant 0 : i32
      %dma_start3A_1972 = tpu.memref_slice %arg11[%add3A_1949, %dma_start3A_1971] : memref<20480x64xf32, #tpu.memory_space<vmem_shared>> -> memref<80x64xf32, #tpu.memory_space<vmem_shared>>
      tpu.enqueue_dma source(%arg10 : memref<80x64xf32, #tpu.memory_space<vmem>>) target(%dma_start3A_1972 : memref<80x64xf32, #tpu.memory_space<vmem_shared>>) target_semaphore(%run_scoped3A : memref<!tpu.dma_semaphore, #tpu.memory_space<semaphore_mem>>)
      %dma_wait3A = arith.constant 0 : i32
      %dma_wait3A_1973 = tpu.memref_slice %arg11[%add3A_1949, %dma_wait3A] : memref<20480x64xf32, #tpu.memory_space<vmem_shared>> -> memref<80x64xf32, #tpu.memory_space<vmem_shared>>
      %dma_wait3A_1974 = arith.constant 0 : i32
      %dma_wait3A_1975 = tpu.memref_slice %arg11[%add3A_1949, %dma_wait3A_1974] : memref<20480x64xf32, #tpu.memory_space<vmem_shared>> -> memref<80x64xf32, #tpu.memory_space<vmem_shared>>
      tpu.wait_dma2 semaphore(%run_scoped3A : memref<!tpu.dma_semaphore, #tpu.memory_space<semaphore_mem>>) src(%arg10 : memref<80x64xf32, #tpu.memory_space<vmem>>) dst(%dma_wait3A_1975 : memref<80x64xf32, #tpu.memory_space<vmem_shared>>)
      tpu.yield
    }) : () -> ()
    %add3A_1950 = arith.constant 1120 : i32
    %add3A_1951 = arith.addi %mul3A_1922, %add3A_1950 : i32
    "tpu.region"() ({
      %run_scoped3A = tpu.sem_alloc : memref<!tpu.dma_semaphore, #tpu.memory_space<semaphore_mem>>
      %dma_start3A = arith.constant 0 : i32
      %dma_start3A_1970 = tpu.memref_slice %arg11[%add3A_1951, %dma_start3A] : memref<20480x64xf32, #tpu.memory_space<vmem_shared>> -> memref<80x64xf32, #tpu.memory_space<vmem_shared>>
      %dma_start3A_1971 = arith.constant 0 : i32
      %dma_start3A_1972 = tpu.memref_slice %arg11[%add3A_1951, %dma_start3A_1971] : memref<20480x64xf32, #tpu.memory_space<vmem_shared>> -> memref<80x64xf32, #tpu.memory_space<vmem_shared>>
      tpu.enqueue_dma source(%arg10 : memref<80x64xf32, #tpu.memory_space<vmem>>) target(%dma_start3A_1972 : memref<80x64xf32, #tpu.memory_space<vmem_shared>>) target_semaphore(%run_scoped3A : memref<!tpu.dma_semaphore, #tpu.memory_space<semaphore_mem>>)
      %dma_wait3A = arith.constant 0 : i32
      %dma_wait3A_1973 = tpu.memref_slice %arg11[%add3A_1951, %dma_wait3A] : memref<20480x64xf32, #tpu.memory_space<vmem_shared>> -> memref<80x64xf32, #tpu.memory_space<vmem_shared>>
      %dma_wait3A_1974 = arith.constant 0 : i32
      %dma_wait3A_1975 = tpu.memref_slice %arg11[%add3A_1951, %dma_wait3A_1974] : memref<20480x64xf32, #tpu.memory_space<vmem_shared>> -> memref<80x64xf32, #tpu.memory_space<vmem_shared>>
      tpu.wait_dma2 semaphore(%run_scoped3A : memref<!tpu.dma_semaphore, #tpu.memory_space<semaphore_mem>>) src(%arg10 : memref<80x64xf32, #tpu.memory_space<vmem>>) dst(%dma_wait3A_1975 : memref<80x64xf32, #tpu.memory_space<vmem_shared>>)
      tpu.yield
    }) : () -> ()
    %add3A_1952 = arith.constant 1200 : i32
    %add3A_1953 = arith.addi %mul3A_1922, %add3A_1952 : i32
    "tpu.region"() ({
      %run_scoped3A = tpu.sem_alloc : memref<!tpu.dma_semaphore, #tpu.memory_space<semaphore_mem>>
      %dma_start3A = arith.constant 0 : i32
      %dma_start3A_1970 = tpu.memref_slice %arg11[%add3A_1953, %dma_start3A] : memref<20480x64xf32, #tpu.memory_space<vmem_shared>> -> memref<80x64xf32, #tpu.memory_space<vmem_shared>>
      %dma_start3A_1971 = arith.constant 0 : i32
      %dma_start3A_1972 = tpu.memref_slice %arg11[%add3A_1953, %dma_start3A_1971] : memref<20480x64xf32, #tpu.memory_space<vmem_shared>> -> memref<80x64xf32, #tpu.memory_space<vmem_shared>>
      tpu.enqueue_dma source(%arg10 : memref<80x64xf32, #tpu.memory_space<vmem>>) target(%dma_start3A_1972 : memref<80x64xf32, #tpu.memory_space<vmem_shared>>) target_semaphore(%run_scoped3A : memref<!tpu.dma_semaphore, #tpu.memory_space<semaphore_mem>>)
      %dma_wait3A = arith.constant 0 : i32
      %dma_wait3A_1973 = tpu.memref_slice %arg11[%add3A_1953, %dma_wait3A] : memref<20480x64xf32, #tpu.memory_space<vmem_shared>> -> memref<80x64xf32, #tpu.memory_space<vmem_shared>>
      %dma_wait3A_1974 = arith.constant 0 : i32
      %dma_wait3A_1975 = tpu.memref_slice %arg11[%add3A_1953, %dma_wait3A_1974] : memref<20480x64xf32, #tpu.memory_space<vmem_shared>> -> memref<80x64xf32, #tpu.memory_space<vmem_shared>>
      tpu.wait_dma2 semaphore(%run_scoped3A : memref<!tpu.dma_semaphore, #tpu.memory_space<semaphore_mem>>) src(%arg10 : memref<80x64xf32, #tpu.memory_space<vmem>>) dst(%dma_wait3A_1975 : memref<80x64xf32, #tpu.memory_space<vmem_shared>>)
      tpu.yield
    }) : () -> ()
    %barrier3A = arith.constant 0 : index
    tpu.barrier barrier_id(%barrier3A)
    %iota3A = tpu.iota {dimensions = array<i32: 0>} : vector<16xi32>
    %scan3A = arith.constant 0 : i32
    %scan3A_1954 = arith.constant 0 : i32
    %scan3A_1955 = arith.constant 10 : i32
    %scan3A_1956 = arith.addi %scan3A_1954, %scan3A_1955 : i32
    %scan3A_1957 = arith.constant 1 : i32
    %scan3A_1958 = scf.for %scan3A_1970 = %scan3A_1954 to %scan3A_1956 step %scan3A_1957 iter_args(%scan3A_1971 = %scan3A) -> (i32)  : i32 {
      "tpu.region"() ({
        %run_scoped3A = tpu.sem_alloc : memref<!tpu.dma_semaphore, #tpu.memory_space<semaphore_mem>>
        %dma_start3A = arith.constant 0 : i32
        %dma_start3A_1980 = tpu.memref_slice %arg3[%arg1, %scan3A_1970, %dma_start3A] : memref<16x10x2000xi32, #tpu.memory_space<hbm>> -> memref<1x1x2000xi32, #tpu.memory_space<hbm>>
        %dma_start3A_1981 = tpu.memref_squeeze %dma_start3A_1980 : memref<1x1x2000xi32, #tpu.memory_space<hbm>> -> memref<2000xi32, #tpu.memory_space<hbm>>
        %dma_start3A_1982 = arith.constant 0 : i32
        %dma_start3A_1983 = tpu.memref_slice %arg3[%arg1, %scan3A_1970, %dma_start3A_1982] : memref<16x10x2000xi32, #tpu.memory_space<hbm>> -> memref<1x1x2000xi32, #tpu.memory_space<hbm>>
        %dma_start3A_1984 = tpu.memref_squeeze %dma_start3A_1983 : memref<1x1x2000xi32, #tpu.memory_space<hbm>> -> memref<2000xi32, #tpu.memory_space<hbm>>
        tpu.enqueue_dma source(%dma_start3A_1984 : memref<2000xi32, #tpu.memory_space<hbm>>) target(%arg6 : memref<2000xi32, #tpu.memory_space<vmem>>) target_semaphore(%run_scoped3A : memref<!tpu.dma_semaphore, #tpu.memory_space<semaphore_mem>>)
        %dma_wait3A = arith.constant 0 : i32
        %dma_wait3A_1985 = tpu.memref_slice %arg3[%arg1, %scan3A_1970, %dma_wait3A] : memref<16x10x2000xi32, #tpu.memory_space<hbm>> -> memref<1x1x2000xi32, #tpu.memory_space<hbm>>
        %dma_wait3A_1986 = tpu.memref_squeeze %dma_wait3A_1985 : memref<1x1x2000xi32, #tpu.memory_space<hbm>> -> memref<2000xi32, #tpu.memory_space<hbm>>
        %dma_wait3A_1987 = arith.constant 0 : i32
        %dma_wait3A_1988 = tpu.memref_slice %arg3[%arg1, %scan3A_1970, %dma_wait3A_1987] : memref<16x10x2000xi32, #tpu.memory_space<hbm>> -> memref<1x1x2000xi32, #tpu.memory_space<hbm>>
        %dma_wait3A_1989 = tpu.memref_squeeze %dma_wait3A_1988 : memref<1x1x2000xi32, #tpu.memory_space<hbm>> -> memref<2000xi32, #tpu.memory_space<hbm>>
        tpu.wait_dma2 semaphore(%run_scoped3A : memref<!tpu.dma_semaphore, #tpu.memory_space<semaphore_mem>>) src(%dma_wait3A_1989 : memref<2000xi32, #tpu.memory_space<hbm>>) dst(%arg6 : memref<2000xi32, #tpu.memory_space<vmem>>)
        tpu.yield
      }) : () -> ()
      "tpu.region"() ({
        %run_scoped3A = tpu.sem_alloc : memref<!tpu.dma_semaphore, #tpu.memory_space<semaphore_mem>>
        %dma_start3A = arith.constant 0 : i32
        %dma_start3A_1980 = tpu.memref_slice %arg4[%arg1, %scan3A_1970, %dma_start3A] : memref<16x10x2000xi32, #tpu.memory_space<hbm>> -> memref<1x1x2000xi32, #tpu.memory_space<hbm>>
        %dma_start3A_1981 = tpu.memref_squeeze %dma_start3A_1980 : memref<1x1x2000xi32, #tpu.memory_space<hbm>> -> memref<2000xi32, #tpu.memory_space<hbm>>
        %dma_start3A_1982 = arith.constant 0 : i32
        %dma_start3A_1983 = tpu.memref_slice %arg4[%arg1, %scan3A_1970, %dma_start3A_1982] : memref<16x10x2000xi32, #tpu.memory_space<hbm>> -> memref<1x1x2000xi32, #tpu.memory_space<hbm>>
        %dma_start3A_1984 = tpu.memref_squeeze %dma_start3A_1983 : memref<1x1x2000xi32, #tpu.memory_space<hbm>> -> memref<2000xi32, #tpu.memory_space<hbm>>
        tpu.enqueue_dma source(%dma_start3A_1984 : memref<2000xi32, #tpu.memory_space<hbm>>) target(%arg7 : memref<2000xi32, #tpu.memory_space<vmem>>) target_semaphore(%run_scoped3A : memref<!tpu.dma_semaphore, #tpu.memory_space<semaphore_mem>>)
        %dma_wait3A = arith.constant 0 : i32
        %dma_wait3A_1985 = tpu.memref_slice %arg4[%arg1, %scan3A_1970, %dma_wait3A] : memref<16x10x2000xi32, #tpu.memory_space<hbm>> -> memref<1x1x2000xi32, #tpu.memory_space<hbm>>
        %dma_wait3A_1986 = tpu.memref_squeeze %dma_wait3A_1985 : memref<1x1x2000xi32, #tpu.memory_space<hbm>> -> memref<2000xi32, #tpu.memory_space<hbm>>
        %dma_wait3A_1987 = arith.constant 0 : i32
        %dma_wait3A_1988 = tpu.memref_slice %arg4[%arg1, %scan3A_1970, %dma_wait3A_1987] : memref<16x10x2000xi32, #tpu.memory_space<hbm>> -> memref<1x1x2000xi32, #tpu.memory_space<hbm>>
        %dma_wait3A_1989 = tpu.memref_squeeze %dma_wait3A_1988 : memref<1x1x2000xi32, #tpu.memory_space<hbm>> -> memref<2000xi32, #tpu.memory_space<hbm>>
        tpu.wait_dma2 semaphore(%run_scoped3A : memref<!tpu.dma_semaphore, #tpu.memory_space<semaphore_mem>>) src(%dma_wait3A_1989 : memref<2000xi32, #tpu.memory_space<hbm>>) dst(%arg7 : memref<2000xi32, #tpu.memory_space<vmem>>)
        tpu.yield
      }) : () -> ()
      %scan3A_1972 = arith.constant 0 : i32
      %scan3A_1973 = arith.constant 0 : i32
      %scan3A_1974 = arith.constant 25 : i32
      %scan3A_1975 = arith.addi %scan3A_1973, %scan3A_1974 : i32
      %scan3A_1976 = arith.constant 1 : i32
      %scan3A_1977 = scf.for %scan3A_1980 = %scan3A_1973 to %scan3A_1975 step %scan3A_1976 iter_args(%scan3A_1981 = %scan3A_1972) -> (i32)  : i32 {
        %mul3A_1982 = arith.constant 80 : i32
        %mul3A_1983 = arith.muli %scan3A_1980, %mul3A_1982 : i32
        %dma_start3A = tpu.memref_slice %arg6[%mul3A_1983] : memref<2000xi32, #tpu.memory_space<vmem>> -> memref<80xi32, #tpu.memory_space<vmem>>
        %dma_start3A_1984 = arith.constant 0 : i32
        %dma_start3A_1985 = arith.constant 0 : i32
        %dma_start3A_1986 = tpu.memref_slice %arg2[%dma_start3A_1984, %dma_start3A_1985] : memref<10000x64xf32, #tpu.memory_space<hbm>> -> memref<10000x64xf32, #tpu.memory_space<hbm>>
        tpu.enqueue_indirect_dma source(%dma_start3A_1986 : memref<10000x64xf32, #tpu.memory_space<hbm>>) target(%arg9 : memref<80x64xf32, #tpu.memory_space<vmem>>) offsets(%dma_start3A : memref<80xi32, #tpu.memory_space<vmem>>) semaphore(%arg12 : memref<!tpu.dma_semaphore, #tpu.memory_space<semaphore_mem>>)
        %add3A_1987 = arith.constant 0 : i32
        %add3A_1988 = arith.addi %mul3A_1983, %add3A_1987 : i32
        %get3A = arith.index_cast %add3A_1988 : i32 to index
        %get3A_1989 = tpu.vector_load %arg7[%get3A] {strides = array<i32>} : memref<2000xi32, #tpu.memory_space<vmem>>, vector<16xi32>,
        %get3A_1990 = vector.shape_cast %get3A_1989 : vector<16xi32> to vector<16xi32>
        %ge3A = vector.broadcast %mul3A_0 : i32 to vector<16xi32>
        %ge3A_1991 = arith.cmpi sge, %get3A_1990, %ge3A : vector<16xi32>
        %add3A_1992 = arith.constant 20000 : i32
        %add3A_1993 = arith.addi %mul3A_0, %add3A_1992 : i32
        %lt3A = vector.broadcast %add3A_1993 : i32 to vector<16xi32>
        %lt3A_1994 = arith.cmpi slt, %get3A_1990, %lt3A : vector<16xi32>
        %and3A = arith.andi %ge3A_1991, %lt3A_1994 : vector<16xi1>
        %mul3A_1995 = arith.constant 5 : i32
        %mul3A_1996 = arith.muli %scan3A_1980, %mul3A_1995 : i32
        %add3A_1997 = arith.constant 0 : i32
        %add3A_1998 = arith.addi %mul3A_1996, %add3A_1997 : i32
        %rem3A = arith.constant 30 : i32
        %rem3A_1999 = arith.remsi %add3A_1998, %rem3A : i32
        %mul3A_2000 = arith.constant 16 : i32
        %mul3A_2001 = arith.muli %rem3A_1999, %mul3A_2000 : i32
        %add3A_2002 = arith.constant 20000 : i32
        %add3A_2003 = arith.addi %add3A_2002, %mul3A_2001 : i32
        %add3A_2004 = vector.broadcast %add3A_2003 : i32 to vector<16xi32>
        %add3A_2005 = arith.addi %add3A_2004, %iota3A : vector<16xi32>
        %sub3A = vector.broadcast %mul3A_0 : i32 to vector<16xi32>
        %sub3A_2006 = arith.subi %get3A_1990, %sub3A : vector<16xi32>
        %select_n3A = arith.select %and3A, %sub3A_2006, %add3A_2005 : vector<16xi1>, vector<16xi32>
        %swap3A_2007 = arith.constant 0 : i32
        %swap3A_2008 = arith.index_cast %swap3A_2007 : i32 to index
        %swap3A_2009 = arith.constant 0 : index
        %swap3A_2010 = tpu.vector_load %arg8[%swap3A_2008, %swap3A_2009] {strides = array<i32>} : memref<1x80xi32, #tpu.memory_space<vmem>>, vector<1x16xi32>,
        %swap3A_2011 = vector.shape_cast %swap3A_2010 : vector<1x16xi32> to vector<16xi32>
        %swap3A_2012 = vector.shape_cast %select_n3A : vector<16xi32> to vector<1x16xi32>
        tpu.vector_store %arg8[%swap3A_2008, %swap3A_2009], %swap3A_2012 {strides = array<i32>} : memref<1x80xi32, #tpu.memory_space<vmem>>, vector<1x16xi32>,
        %add3A_2013 = arith.constant 16 : i32
        %add3A_2014 = arith.addi %mul3A_1983, %add3A_2013 : i32
        %get3A_2015 = arith.index_cast %add3A_2014 : i32 to index
        %get3A_2016 = tpu.vector_load %arg7[%get3A_2015] {strides = array<i32>} : memref<2000xi32, #tpu.memory_space<vmem>>, vector<16xi32>,
        %get3A_2017 = vector.shape_cast %get3A_2016 : vector<16xi32> to vector<16xi32>
        %ge3A_2018 = vector.broadcast %mul3A_0 : i32 to vector<16xi32>
        %ge3A_2019 = arith.cmpi sge, %get3A_2017, %ge3A_2018 : vector<16xi32>
        %add3A_2020 = arith.constant 20000 : i32
        %add3A_2021 = arith.addi %mul3A_0, %add3A_2020 : i32
        %lt3A_2022 = vector.broadcast %add3A_2021 : i32 to vector<16xi32>
        %lt3A_2023 = arith.cmpi slt, %get3A_2017, %lt3A_2022 : vector<16xi32>
        %and3A_2024 = arith.andi %ge3A_2019, %lt3A_2023 : vector<16xi1>
        %mul3A_2025 = arith.constant 5 : i32
        %mul3A_2026 = arith.muli %scan3A_1980, %mul3A_2025 : i32
        %add3A_2027 = arith.constant 1 : i32
        %add3A_2028 = arith.addi %mul3A_2026, %add3A_2027 : i32
        %rem3A_2029 = arith.constant 30 : i32
        %rem3A_2030 = arith.remsi %add3A_2028, %rem3A_2029 : i32
        %mul3A_2031 = arith.constant 16 : i32
        %mul3A_2032 = arith.muli %rem3A_2030, %mul3A_2031 : i32
        %add3A_2033 = arith.constant 20000 : i32
        %add3A_2034 = arith.addi %add3A_2033, %mul3A_2032 : i32
        %add3A_2035 = vector.broadcast %add3A_2034 : i32 to vector<16xi32>
        %add3A_2036 = arith.addi %add3A_2035, %iota3A : vector<16xi32>
        %sub3A_2037 = vector.broadcast %mul3A_0 : i32 to vector<16xi32>
        %sub3A_2038 = arith.subi %get3A_2017, %sub3A_2037 : vector<16xi32>
        %select_n3A_2039 = arith.select %and3A_2024, %sub3A_2038, %add3A_2036 : vector<16xi1>, vector<16xi32>
        %swap3A_2040 = arith.constant 0 : i32
        %swap3A_2041 = arith.index_cast %swap3A_2040 : i32 to index
        %swap3A_2042 = arith.constant 16 : index
        %swap3A_2043 = tpu.vector_load %arg8[%swap3A_2041, %swap3A_2042] {strides = array<i32>} : memref<1x80xi32, #tpu.memory_space<vmem>>, vector<1x16xi32>,
        %swap3A_2044 = vector.shape_cast %swap3A_2043 : vector<1x16xi32> to vector<16xi32>
        %swap3A_2045 = vector.shape_cast %select_n3A_2039 : vector<16xi32> to vector<1x16xi32>
        tpu.vector_store %arg8[%swap3A_2041, %swap3A_2042], %swap3A_2045 {strides = array<i32>} : memref<1x80xi32, #tpu.memory_space<vmem>>, vector<1x16xi32>,
        %add3A_2046 = arith.constant 32 : i32
        %add3A_2047 = arith.addi %mul3A_1983, %add3A_2046 : i32
        %get3A_2048 = arith.index_cast %add3A_2047 : i32 to index
        %get3A_2049 = tpu.vector_load %arg7[%get3A_2048] {strides = array<i32>} : memref<2000xi32, #tpu.memory_space<vmem>>, vector<16xi32>,
        %get3A_2050 = vector.shape_cast %get3A_2049 : vector<16xi32> to vector<16xi32>
        %ge3A_2051 = vector.broadcast %mul3A_0 : i32 to vector<16xi32>
        %ge3A_2052 = arith.cmpi sge, %get3A_2050, %ge3A_2051 : vector<16xi32>
        %add3A_2053 = arith.constant 20000 : i32
        %add3A_2054 = arith.addi %mul3A_0, %add3A_2053 : i32
        %lt3A_2055 = vector.broadcast %add3A_2054 : i32 to vector<16xi32>
        %lt3A_2056 = arith.cmpi slt, %get3A_2050, %lt3A_2055 : vector<16xi32>
        %and3A_2057 = arith.andi %ge3A_2052, %lt3A_2056 : vector<16xi1>
        %mul3A_2058 = arith.constant 5 : i32
        %mul3A_2059 = arith.muli %scan3A_1980, %mul3A_2058 : i32
        %add3A_2060 = arith.constant 2 : i32
        %add3A_2061 = arith.addi %mul3A_2059, %add3A_2060 : i32
        %rem3A_2062 = arith.constant 30 : i32
        %rem3A_2063 = arith.remsi %add3A_2061, %rem3A_2062 : i32
        %mul3A_2064 = arith.constant 16 : i32
        %mul3A_2065 = arith.muli %rem3A_2063, %mul3A_2064 : i32
        %add3A_2066 = arith.constant 20000 : i32
        %add3A_2067 = arith.addi %add3A_2066, %mul3A_2065 : i32
        %add3A_2068 = vector.broadcast %add3A_2067 : i32 to vector<16xi32>
        %add3A_2069 = arith.addi %add3A_2068, %iota3A : vector<16xi32>
        %sub3A_2070 = vector.broadcast %mul3A_0 : i32 to vector<16xi32>
        %sub3A_2071 = arith.subi %get3A_2050, %sub3A_2070 : vector<16xi32>
        %select_n3A_2072 = arith.select %and3A_2057, %sub3A_2071, %add3A_2069 : vector<16xi1>, vector<16xi32>
        %swap3A_2073 = arith.constant 0 : i32
        %swap3A_2074 = arith.index_cast %swap3A_2073 : i32 to index
        %swap3A_2075 = arith.constant 32 : index
        %swap3A_2076 = tpu.vector_load %arg8[%swap3A_2074, %swap3A_2075] {strides = array<i32>} : memref<1x80xi32, #tpu.memory_space<vmem>>, vector<1x16xi32>,
        %swap3A_2077 = vector.shape_cast %swap3A_2076 : vector<1x16xi32> to vector<16xi32>
        %swap3A_2078 = vector.shape_cast %select_n3A_2072 : vector<16xi32> to vector<1x16xi32>
        tpu.vector_store %arg8[%swap3A_2074, %swap3A_2075], %swap3A_2078 {strides = array<i32>} : memref<1x80xi32, #tpu.memory_space<vmem>>, vector<1x16xi32>,
        %add3A_2079 = arith.constant 48 : i32
        %add3A_2080 = arith.addi %mul3A_1983, %add3A_2079 : i32
        %get3A_2081 = arith.index_cast %add3A_2080 : i32 to index
        %get3A_2082 = tpu.vector_load %arg7[%get3A_2081] {strides = array<i32>} : memref<2000xi32, #tpu.memory_space<vmem>>, vector<16xi32>,
        %get3A_2083 = vector.shape_cast %get3A_2082 : vector<16xi32> to vector<16xi32>
        %ge3A_2084 = vector.broadcast %mul3A_0 : i32 to vector<16xi32>
        %ge3A_2085 = arith.cmpi sge, %get3A_2083, %ge3A_2084 : vector<16xi32>
        %add3A_2086 = arith.constant 20000 : i32
        %add3A_2087 = arith.addi %mul3A_0, %add3A_2086 : i32
        %lt3A_2088 = vector.broadcast %add3A_2087 : i32 to vector<16xi32>
        %lt3A_2089 = arith.cmpi slt, %get3A_2083, %lt3A_2088 : vector<16xi32>
        %and3A_2090 = arith.andi %ge3A_2085, %lt3A_2089 : vector<16xi1>
        %mul3A_2091 = arith.constant 5 : i32
        %mul3A_2092 = arith.muli %scan3A_1980, %mul3A_2091 : i32
        %add3A_2093 = arith.constant 3 : i32
        %add3A_2094 = arith.addi %mul3A_2092, %add3A_2093 : i32
        %rem3A_2095 = arith.constant 30 : i32
        %rem3A_2096 = arith.remsi %add3A_2094, %rem3A_2095 : i32
        %mul3A_2097 = arith.constant 16 : i32
        %mul3A_2098 = arith.muli %rem3A_2096, %mul3A_2097 : i32
        %add3A_2099 = arith.constant 20000 : i32
        %add3A_2100 = arith.addi %add3A_2099, %mul3A_2098 : i32
        %add3A_2101 = vector.broadcast %add3A_2100 : i32 to vector<16xi32>
        %add3A_2102 = arith.addi %add3A_2101, %iota3A : vector<16xi32>
        %sub3A_2103 = vector.broadcast %mul3A_0 : i32 to vector<16xi32>
        %sub3A_2104 = arith.subi %get3A_2083, %sub3A_2103 : vector<16xi32>
        %select_n3A_2105 = arith.select %and3A_2090, %sub3A_2104, %add3A_2102 : vector<16xi1>, vector<16xi32>
        %swap3A_2106 = arith.constant 0 : i32
        %swap3A_2107 = arith.index_cast %swap3A_2106 : i32 to index
        %swap3A_2108 = arith.constant 48 : index
        %swap3A_2109 = tpu.vector_load %arg8[%swap3A_2107, %swap3A_2108] {strides = array<i32>} : memref<1x80xi32, #tpu.memory_space<vmem>>, vector<1x16xi32>,
        %swap3A_2110 = vector.shape_cast %swap3A_2109 : vector<1x16xi32> to vector<16xi32>
        %swap3A_2111 = vector.shape_cast %select_n3A_2105 : vector<16xi32> to vector<1x16xi32>
        tpu.vector_store %arg8[%swap3A_2107, %swap3A_2108], %swap3A_2111 {strides = array<i32>} : memref<1x80xi32, #tpu.memory_space<vmem>>, vector<1x16xi32>,
        %add3A_2112 = arith.constant 64 : i32
        %add3A_2113 = arith.addi %mul3A_1983, %add3A_2112 : i32
        %get3A_2114 = arith.index_cast %add3A_2113 : i32 to index
        %get3A_2115 = tpu.vector_load %arg7[%get3A_2114] {strides = array<i32>} : memref<2000xi32, #tpu.memory_space<vmem>>, vector<16xi32>,
        %get3A_2116 = vector.shape_cast %get3A_2115 : vector<16xi32> to vector<16xi32>
        %ge3A_2117 = vector.broadcast %mul3A_0 : i32 to vector<16xi32>
        %ge3A_2118 = arith.cmpi sge, %get3A_2116, %ge3A_2117 : vector<16xi32>
        %add3A_2119 = arith.constant 20000 : i32
        %add3A_2120 = arith.addi %mul3A_0, %add3A_2119 : i32
        %lt3A_2121 = vector.broadcast %add3A_2120 : i32 to vector<16xi32>
        %lt3A_2122 = arith.cmpi slt, %get3A_2116, %lt3A_2121 : vector<16xi32>
        %and3A_2123 = arith.andi %ge3A_2118, %lt3A_2122 : vector<16xi1>
        %mul3A_2124 = arith.constant 5 : i32
        %mul3A_2125 = arith.muli %scan3A_1980, %mul3A_2124 : i32
        %add3A_2126 = arith.constant 4 : i32
        %add3A_2127 = arith.addi %mul3A_2125, %add3A_2126 : i32
        %rem3A_2128 = arith.constant 30 : i32
        %rem3A_2129 = arith.remsi %add3A_2127, %rem3A_2128 : i32
        %mul3A_2130 = arith.constant 16 : i32
        %mul3A_2131 = arith.muli %rem3A_2129, %mul3A_2130 : i32
        %add3A_2132 = arith.constant 20000 : i32
        %add3A_2133 = arith.addi %add3A_2132, %mul3A_2131 : i32
        %add3A_2134 = vector.broadcast %add3A_2133 : i32 to vector<16xi32>
        %add3A_2135 = arith.addi %add3A_2134, %iota3A : vector<16xi32>
        %sub3A_2136 = vector.broadcast %mul3A_0 : i32 to vector<16xi32>
        %sub3A_2137 = arith.subi %get3A_2116, %sub3A_2136 : vector<16xi32>
        %select_n3A_2138 = arith.select %and3A_2123, %sub3A_2137, %add3A_2135 : vector<16xi1>, vector<16xi32>
        %swap3A_2139 = arith.constant 0 : i32
        %swap3A_2140 = arith.index_cast %swap3A_2139 : i32 to index
        %swap3A_2141 = arith.constant 64 : index
        %swap3A_2142 = tpu.vector_load %arg8[%swap3A_2140, %swap3A_2141] {strides = array<i32>} : memref<1x80xi32, #tpu.memory_space<vmem>>, vector<1x16xi32>,
        %swap3A_2143 = vector.shape_cast %swap3A_2142 : vector<1x16xi32> to vector<16xi32>
        %swap3A_2144 = vector.shape_cast %select_n3A_2138 : vector<16xi32> to vector<1x16xi32>
        tpu.vector_store %arg8[%swap3A_2140, %swap3A_2141], %swap3A_2144 {strides = array<i32>} : memref<1x80xi32, #tpu.memory_space<vmem>>, vector<1x16xi32>,
        %dma_wait3A = tpu.memref_slice %arg6[%mul3A_1983] : memref<2000xi32, #tpu.memory_space<vmem>> -> memref<80xi32, #tpu.memory_space<vmem>>
        %dma_wait3A_2145 = arith.constant 0 : i32
        %dma_wait3A_2146 = arith.constant 0 : i32
        %dma_wait3A_2147 = tpu.memref_slice %arg2[%dma_wait3A_2145, %dma_wait3A_2146] : memref<10000x64xf32, #tpu.memory_space<hbm>> -> memref<10000x64xf32, #tpu.memory_space<hbm>>
        tpu.wait_indirect_dma semaphore(%arg12 : memref<!tpu.dma_semaphore, #tpu.memory_space<semaphore_mem>>) src(%dma_wait3A_2147 : memref<10000x64xf32, #tpu.memory_space<hbm>>) dst(%arg9 : memref<80x64xf32, #tpu.memory_space<vmem>>)
        %run_scoped3A = arith.constant 0 : i32
        "tpu.region"() ({
          %run_scoped3A_2149 = tpu.sem_alloc : memref<!tpu.dma_semaphore, #tpu.memory_space<semaphore_mem>>
          %dma_start3A_2150 = arith.constant 0 : i32
          %dma_start3A_2151 = tpu.memref_slice %arg8[%run_scoped3A, %dma_start3A_2150] : memref<1x80xi32, #tpu.memory_space<vmem>> -> memref<1x80xi32, #tpu.memory_space<vmem>>
          %dma_start3A_2152 = tpu.memref_squeeze %dma_start3A_2151 : memref<1x80xi32, #tpu.memory_space<vmem>> -> memref<80xi32, #tpu.memory_space<vmem>>
          %dma_start3A_2153 = arith.constant 0 : i32
          %dma_start3A_2154 = arith.constant 0 : i32
          %dma_start3A_2155 = tpu.memref_slice %arg11[%dma_start3A_2153, %dma_start3A_2154] : memref<20480x64xf32, #tpu.memory_space<vmem_shared>> -> memref<20480x64xf32, #tpu.memory_space<vmem_shared>>
          tpu.enqueue_indirect_dma source(%arg9 : memref<80x64xf32, #tpu.memory_space<vmem>>) target(%dma_start3A_2155 : memref<20480x64xf32, #tpu.memory_space<vmem_shared>>) offsets(%dma_start3A_2152 : memref<80xi32, #tpu.memory_space<vmem>>) semaphore(%run_scoped3A_2149 : memref<!tpu.dma_semaphore, #tpu.memory_space<semaphore_mem>>) {add = true}
          %dma_wait3A_2156 = arith.constant 0 : i32
          %dma_wait3A_2157 = tpu.memref_slice %arg8[%run_scoped3A, %dma_wait3A_2156] : memref<1x80xi32, #tpu.memory_space<vmem>> -> memref<1x80xi32, #tpu.memory_space<vmem>>
          %dma_wait3A_2158 = tpu.memref_squeeze %dma_wait3A_2157 : memref<1x80xi32, #tpu.memory_space<vmem>> -> memref<80xi32, #tpu.memory_space<vmem>>
          %dma_wait3A_2159 = arith.constant 0 : i32
          %dma_wait3A_2160 = arith.constant 0 : i32
          %dma_wait3A_2161 = tpu.memref_slice %arg11[%dma_wait3A_2159, %dma_wait3A_2160] : memref<20480x64xf32, #tpu.memory_space<vmem_shared>> -> memref<20480x64xf32, #tpu.memory_space<vmem_shared>>
          tpu.wait_indirect_dma semaphore(%run_scoped3A_2149 : memref<!tpu.dma_semaphore, #tpu.memory_space<semaphore_mem>>) src(%arg9 : memref<80x64xf32, #tpu.memory_space<vmem>>) dst(%dma_wait3A_2161 : memref<20480x64xf32, #tpu.memory_space<vmem_shared>>)
          tpu.yield
        }) : () -> ()
        %scan3A_2148 = arith.constant 0 : i32
        scf.yield %scan3A_2148 : i32
      }
      %scan3A_1978 = arith.constant 25 : i32
      %scan3A_1979 = arith.constant 0 : i32
      scf.yield %scan3A_1979 : i32
    }
    %scan3A_1959 = arith.constant 10 : i32
    %barrier3A_1960 = arith.constant 0 : index
    tpu.barrier barrier_id(%barrier3A_1960)
    %mul3A_1961 = arith.constant 1248 : i32
    %mul3A_1962 = arith.muli %arg1, %mul3A_1961 : i32
    %mul3A_1963 = arith.constant 20000 : i32
    %mul3A_1964 = arith.muli %arg0, %mul3A_1963 : i32
    %mul3A_1965 = arith.constant 1248 : i32
    %mul3A_1966 = arith.muli %arg1, %mul3A_1965 : i32
    %add3A_1967 = arith.addi %mul3A_1964, %mul3A_1966 : i32
    "tpu.region"() ({
      %run_scoped3A = tpu.sem_alloc : memref<!tpu.dma_semaphore, #tpu.memory_space<semaphore_mem>>
      %dma_start3A = arith.constant 0 : i32
      %dma_start3A_1970 = tpu.memref_slice %arg5[%add3A_1967, %dma_start3A] : memref<40000x64xf32, #tpu.memory_space<hbm>> -> memref<1248x64xf32, #tpu.memory_space<hbm>>
      %dma_start3A_1971 = arith.constant 0 : i32
      %dma_start3A_1972 = tpu.memref_slice %arg11[%mul3A_1962, %dma_start3A_1971] : memref<20480x64xf32, #tpu.memory_space<vmem_shared>> -> memref<1248x64xf32, #tpu.memory_space<vmem_shared>>
      tpu.enqueue_dma source(%dma_start3A_1972 : memref<1248x64xf32, #tpu.memory_space<vmem_shared>>) target(%dma_start3A_1970 : memref<1248x64xf32, #tpu.memory_space<hbm>>) target_semaphore(%run_scoped3A : memref<!tpu.dma_semaphore, #tpu.memory_space<semaphore_mem>>)
      %dma_wait3A = arith.constant 0 : i32
      %dma_wait3A_1973 = tpu.memref_slice %arg5[%add3A_1967, %dma_wait3A] : memref<40000x64xf32, #tpu.memory_space<hbm>> -> memref<1248x64xf32, #tpu.memory_space<hbm>>
      %dma_wait3A_1974 = arith.constant 0 : i32
      %dma_wait3A_1975 = tpu.memref_slice %arg11[%mul3A_1962, %dma_wait3A_1974] : memref<20480x64xf32, #tpu.memory_space<vmem_shared>> -> memref<1248x64xf32, #tpu.memory_space<vmem_shared>>
      tpu.wait_dma2 semaphore(%run_scoped3A : memref<!tpu.dma_semaphore, #tpu.memory_space<semaphore_mem>>) src(%dma_wait3A_1975 : memref<1248x64xf32, #tpu.memory_space<vmem_shared>>) dst(%dma_wait3A_1973 : memref<1248x64xf32, #tpu.memory_space<hbm>>)
      tpu.yield
    }) : () -> ()
    %eq3A = arith.constant 15 : i32
    %eq3A_1968 = arith.cmpi eq, %arg1, %eq3A : i32
    %convert_element_type3A = arith.extui %eq3A_1968 : i1 to i32
    %cond3A = arith.constant 0 : i32
    %cond3A_1969 = arith.cmpi ne, %convert_element_type3A, %cond3A : i32
    scf.if %cond3A_1969 {
      %mul3A_1970 = arith.constant 20000 : i32
      %mul3A_1971 = arith.muli %arg0, %mul3A_1970 : i32
      %add3A_1972 = arith.constant 19968 : i32
      %add3A_1973 = arith.addi %mul3A_1971, %add3A_1972 : i32
      "tpu.region"() ({
        %run_scoped3A = tpu.sem_alloc : memref<!tpu.dma_semaphore, #tpu.memory_space<semaphore_mem>>
        %dma_start3A = arith.constant 0 : i32
        %dma_start3A_1974 = tpu.memref_slice %arg5[%add3A_1973, %dma_start3A] : memref<40000x64xf32, #tpu.memory_space<hbm>> -> memref<32x64xf32, #tpu.memory_space<hbm>>
        %dma_start3A_1975 = arith.constant 19968 : i32
        %dma_start3A_1976 = arith.constant 0 : i32
        %dma_start3A_1977 = tpu.memref_slice %arg11[%dma_start3A_1975, %dma_start3A_1976] : memref<20480x64xf32, #tpu.memory_space<vmem_shared>> -> memref<32x64xf32, #tpu.memory_space<vmem_shared>>
        tpu.enqueue_dma source(%dma_start3A_1977 : memref<32x64xf32, #tpu.memory_space<vmem_shared>>) target(%dma_start3A_1974 : memref<32x64xf32, #tpu.memory_space<hbm>>) target_semaphore(%run_scoped3A : memref<!tpu.dma_semaphore, #tpu.memory_space<semaphore_mem>>)
        %dma_wait3A = arith.constant 0 : i32
        %dma_wait3A_1978 = tpu.memref_slice %arg5[%add3A_1973, %dma_wait3A] : memref<40000x64xf32, #tpu.memory_space<hbm>> -> memref<32x64xf32, #tpu.memory_space<hbm>>
        %dma_wait3A_1979 = arith.constant 19968 : i32
        %dma_wait3A_1980 = arith.constant 0 : i32
        %dma_wait3A_1981 = tpu.memref_slice %arg11[%dma_wait3A_1979, %dma_wait3A_1980] : memref<20480x64xf32, #tpu.memory_space<vmem_shared>> -> memref<32x64xf32, #tpu.memory_space<vmem_shared>>
        tpu.wait_dma2 semaphore(%run_scoped3A : memref<!tpu.dma_semaphore, #tpu.memory_space<semaphore_mem>>) src(%dma_wait3A_1981 : memref<32x64xf32, #tpu.memory_space<vmem_shared>>) dst(%dma_wait3A_1978 : memref<32x64xf32, #tpu.memory_space<hbm>>)
        tpu.yield
      }) : () -> ()
    } else {
    }
    return
  }
}

module attributes {stable_mosaic.version = 14 : i64} {
  func.func @_prep_body(%arg0: memref<2500x128xi32, #tpu.memory_space<vmem>>, %arg1: memref<2500x128xi32, #tpu.memory_space<vmem>>, %arg2: memref<2500x128xi32, #tpu.memory_space<vmem>>) attributes {dimension_semantics = [], scalar_prefetch = 0 : i64, scratch_operands = 0 : i64, tpu.core_type = #tpu.core_type<tc>} {
    %get3A = arith.constant 0 : index
    %get3A_0 = arith.constant 0 : index
    %get3A_1 = vector.load %arg0[%get3A, %get3A_0] : memref<2500x128xi32, #tpu.memory_space<vmem>>, vector<2500x128xi32>
    %mul3A = arith.constant 4 : i32
    %mul3A_2 = vector.broadcast %mul3A : i32 to vector<2500x128xi32>
    %mul3A_3 = arith.muli %get3A_1, %mul3A_2 : vector<2500x128xi32>
    %get3A_4 = arith.constant 0 : index
    %get3A_5 = arith.constant 0 : index
    %get3A_6 = vector.load %arg1[%get3A_4, %get3A_5] : memref<2500x128xi32, #tpu.memory_space<vmem>>, vector<2500x128xi32>
    %add3A = arith.addi %mul3A_3, %get3A_6 : vector<2500x128xi32>
    %swap3A = arith.constant 0 : index
    %swap3A_7 = arith.constant 0 : index
    %swap3A_8 = vector.load %arg2[%swap3A, %swap3A_7] : memref<2500x128xi32, #tpu.memory_space<vmem>>, vector<2500x128xi32>
    tpu.vector_store %arg2[%swap3A, %swap3A_7], %add3A {strides = array<i32>} : memref<2500x128xi32, #tpu.memory_space<vmem>>, vector<2500x128xi32>,
    return
  }
}

module attributes {stable_mosaic.version = 14 : i64} {
  func.func @_tc1_body(%arg0: i32, %arg1: memref<1000x4xf32, #tpu.memory_space<vmem>>, %arg2: memref<1000x64xf32, #tpu.memory_space<vmem>>, %arg3: memref<4x4xf32, #tpu.memory_space<vmem>>, %arg4: memref<4x16x64xf32, #tpu.memory_space<vmem>>, %arg5: memref<4x64xf32, #tpu.memory_space<vmem>>, %arg6: memref<1x64xf32, #tpu.memory_space<vmem>>, %arg7: memref<1x64xf32, #tpu.memory_space<vmem>>, %arg8: memref<1x64xf32, #tpu.memory_space<vmem>>, %arg9: memref<1000x64xf32, #tpu.memory_space<vmem>>) attributes {dimension_semantics = [#tpu.dimension_semantics<arbitrary>], iteration_bounds = array<i64: 10>, scalar_prefetch = 0 : i64, scratch_operands = 0 : i64, tpu.core_type = #tpu.core_type<tc>, window_params = [{transform_indices = @transform_0, window_bounds = array<i64: 1000, 4>}, {transform_indices = @transform_1, window_bounds = array<i64: 1000, 64>}, {pipeline_mode = #tpu.pipeline_mode<synchronous>, transform_indices = @transform_2, window_bounds = array<i64: 4, 4>}, {pipeline_mode = #tpu.pipeline_mode<synchronous>, transform_indices = @transform_3, window_bounds = array<i64: 4, 16, 64>}, {pipeline_mode = #tpu.pipeline_mode<synchronous>, transform_indices = @transform_4, window_bounds = array<i64: 4, 64>}, {pipeline_mode = #tpu.pipeline_mode<synchronous>, transform_indices = @transform_5, window_bounds = array<i64: 1, 64>}, {pipeline_mode = #tpu.pipeline_mode<synchronous>, transform_indices = @transform_6, window_bounds = array<i64: 1, 64>}, {pipeline_mode = #tpu.pipeline_mode<synchronous>, transform_indices = @transform_7, window_bounds = array<i64: 1, 64>}, {transform_indices = @transform_8, window_bounds = array<i64: 1000, 64>}]} {
    %get3A = arith.constant 0 : index
    %get3A_0 = arith.constant 0 : index
    %get3A_1 = vector.load %arg3[%get3A, %get3A_0] : memref<4x4xf32, #tpu.memory_space<vmem>>, vector<4x4xf32>
    %slice3A = vector.extract_strided_slice %get3A_1 {offsets = [0, 0], sizes = [1, 1], strides = [1, 1]} : vector<4x4xf32> to vector<1x1xf32>
    %squeeze3A = vector.extract %slice3A[0, 0] : f32 from vector<1x1xf32>
    %get3A_2 = arith.constant 0 : index
    %get3A_3 = arith.constant 0 : index
    %get3A_4 = arith.constant 0 : index
    %get3A_5 = vector.load %arg4[%get3A_2, %get3A_3, %get3A_4] : memref<4x16x64xf32, #tpu.memory_space<vmem>>, vector<1x16x64xf32>
    %get3A_6 = vector.shape_cast %get3A_5 : vector<1x16x64xf32> to vector<16x64xf32>
    %mul3A = vector.broadcast %squeeze3A : f32 to vector<16x64xf32>
    %mul3A_7 = arith.mulf %mul3A, %get3A_6 : vector<16x64xf32>
    %slice3A_8 = vector.extract_strided_slice %get3A_1 {offsets = [0, 1], sizes = [1, 1], strides = [1, 1]} : vector<4x4xf32> to vector<1x1xf32>
    %squeeze3A_9 = vector.extract %slice3A_8[0, 0] : f32 from vector<1x1xf32>
    %get3A_10 = arith.constant 1 : index
    %get3A_11 = arith.constant 0 : index
    %get3A_12 = arith.constant 0 : index
    %get3A_13 = vector.load %arg4[%get3A_10, %get3A_11, %get3A_12] : memref<4x16x64xf32, #tpu.memory_space<vmem>>, vector<1x16x64xf32>
    %get3A_14 = vector.shape_cast %get3A_13 : vector<1x16x64xf32> to vector<16x64xf32>
    %mul3A_15 = vector.broadcast %squeeze3A_9 : f32 to vector<16x64xf32>
    %mul3A_16 = arith.mulf %mul3A_15, %get3A_14 : vector<16x64xf32>
    %add3A = arith.addf %mul3A_7, %mul3A_16 : vector<16x64xf32>
    %slice3A_17 = vector.extract_strided_slice %get3A_1 {offsets = [0, 2], sizes = [1, 1], strides = [1, 1]} : vector<4x4xf32> to vector<1x1xf32>
    %squeeze3A_18 = vector.extract %slice3A_17[0, 0] : f32 from vector<1x1xf32>
    %get3A_19 = arith.constant 2 : index
    %get3A_20 = arith.constant 0 : index
    %get3A_21 = arith.constant 0 : index
    %get3A_22 = vector.load %arg4[%get3A_19, %get3A_20, %get3A_21] : memref<4x16x64xf32, #tpu.memory_space<vmem>>, vector<1x16x64xf32>
    %get3A_23 = vector.shape_cast %get3A_22 : vector<1x16x64xf32> to vector<16x64xf32>
    %mul3A_24 = vector.broadcast %squeeze3A_18 : f32 to vector<16x64xf32>
    %mul3A_25 = arith.mulf %mul3A_24, %get3A_23 : vector<16x64xf32>
    %add3A_26 = arith.addf %add3A, %mul3A_25 : vector<16x64xf32>
    %slice3A_27 = vector.extract_strided_slice %get3A_1 {offsets = [0, 3], sizes = [1, 1], strides = [1, 1]} : vector<4x4xf32> to vector<1x1xf32>
    %squeeze3A_28 = vector.extract %slice3A_27[0, 0] : f32 from vector<1x1xf32>
    %get3A_29 = arith.constant 3 : index
    %get3A_30 = arith.constant 0 : index
    %get3A_31 = arith.constant 0 : index
    %get3A_32 = vector.load %arg4[%get3A_29, %get3A_30, %get3A_31] : memref<4x16x64xf32, #tpu.memory_space<vmem>>, vector<1x16x64xf32>
    %get3A_33 = vector.shape_cast %get3A_32 : vector<1x16x64xf32> to vector<16x64xf32>
    %mul3A_34 = vector.broadcast %squeeze3A_28 : f32 to vector<16x64xf32>
    %mul3A_35 = arith.mulf %mul3A_34, %get3A_33 : vector<16x64xf32>
    %add3A_36 = arith.addf %add3A_26, %mul3A_35 : vector<16x64xf32>
    %slice3A_37 = vector.extract_strided_slice %get3A_1 {offsets = [1, 0], sizes = [1, 1], strides = [1, 1]} : vector<4x4xf32> to vector<1x1xf32>
    %squeeze3A_38 = vector.extract %slice3A_37[0, 0] : f32 from vector<1x1xf32>
    %get3A_39 = arith.constant 0 : index
    %get3A_40 = arith.constant 0 : index
    %get3A_41 = arith.constant 0 : index
    %get3A_42 = vector.load %arg4[%get3A_39, %get3A_40, %get3A_41] : memref<4x16x64xf32, #tpu.memory_space<vmem>>, vector<1x16x64xf32>
    %get3A_43 = vector.shape_cast %get3A_42 : vector<1x16x64xf32> to vector<16x64xf32>
    %mul3A_44 = vector.broadcast %squeeze3A_38 : f32 to vector<16x64xf32>
    %mul3A_45 = arith.mulf %mul3A_44, %get3A_43 : vector<16x64xf32>
    %slice3A_46 = vector.extract_strided_slice %get3A_1 {offsets = [1, 1], sizes = [1, 1], strides = [1, 1]} : vector<4x4xf32> to vector<1x1xf32>
    %squeeze3A_47 = vector.extract %slice3A_46[0, 0] : f32 from vector<1x1xf32>
    %get3A_48 = arith.constant 1 : index
    %get3A_49 = arith.constant 0 : index
    %get3A_50 = arith.constant 0 : index
    %get3A_51 = vector.load %arg4[%get3A_48, %get3A_49, %get3A_50] : memref<4x16x64xf32, #tpu.memory_space<vmem>>, vector<1x16x64xf32>
    %get3A_52 = vector.shape_cast %get3A_51 : vector<1x16x64xf32> to vector<16x64xf32>
    %mul3A_53 = vector.broadcast %squeeze3A_47 : f32 to vector<16x64xf32>
    %mul3A_54 = arith.mulf %mul3A_53, %get3A_52 : vector<16x64xf32>
    %add3A_55 = arith.addf %mul3A_45, %mul3A_54 : vector<16x64xf32>
    %slice3A_56 = vector.extract_strided_slice %get3A_1 {offsets = [1, 2], sizes = [1, 1], strides = [1, 1]} : vector<4x4xf32> to vector<1x1xf32>
    %squeeze3A_57 = vector.extract %slice3A_56[0, 0] : f32 from vector<1x1xf32>
    %get3A_58 = arith.constant 2 : index
    %get3A_59 = arith.constant 0 : index
    %get3A_60 = arith.constant 0 : index
    %get3A_61 = vector.load %arg4[%get3A_58, %get3A_59, %get3A_60] : memref<4x16x64xf32, #tpu.memory_space<vmem>>, vector<1x16x64xf32>
    %get3A_62 = vector.shape_cast %get3A_61 : vector<1x16x64xf32> to vector<16x64xf32>
    %mul3A_63 = vector.broadcast %squeeze3A_57 : f32 to vector<16x64xf32>
    %mul3A_64 = arith.mulf %mul3A_63, %get3A_62 : vector<16x64xf32>
    %add3A_65 = arith.addf %add3A_55, %mul3A_64 : vector<16x64xf32>
    %slice3A_66 = vector.extract_strided_slice %get3A_1 {offsets = [1, 3], sizes = [1, 1], strides = [1, 1]} : vector<4x4xf32> to vector<1x1xf32>
    %squeeze3A_67 = vector.extract %slice3A_66[0, 0] : f32 from vector<1x1xf32>
    %get3A_68 = arith.constant 3 : index
    %get3A_69 = arith.constant 0 : index
    %get3A_70 = arith.constant 0 : index
    %get3A_71 = vector.load %arg4[%get3A_68, %get3A_69, %get3A_70] : memref<4x16x64xf32, #tpu.memory_space<vmem>>, vector<1x16x64xf32>
    %get3A_72 = vector.shape_cast %get3A_71 : vector<1x16x64xf32> to vector<16x64xf32>
    %mul3A_73 = vector.broadcast %squeeze3A_67 : f32 to vector<16x64xf32>
    %mul3A_74 = arith.mulf %mul3A_73, %get3A_72 : vector<16x64xf32>
    %add3A_75 = arith.addf %add3A_65, %mul3A_74 : vector<16x64xf32>
    %slice3A_76 = vector.extract_strided_slice %get3A_1 {offsets = [2, 0], sizes = [1, 1], strides = [1, 1]} : vector<4x4xf32> to vector<1x1xf32>
    %squeeze3A_77 = vector.extract %slice3A_76[0, 0] : f32 from vector<1x1xf32>
    %get3A_78 = arith.constant 0 : index
    %get3A_79 = arith.constant 0 : index
    %get3A_80 = arith.constant 0 : index
    %get3A_81 = vector.load %arg4[%get3A_78, %get3A_79, %get3A_80] : memref<4x16x64xf32, #tpu.memory_space<vmem>>, vector<1x16x64xf32>
    %get3A_82 = vector.shape_cast %get3A_81 : vector<1x16x64xf32> to vector<16x64xf32>
    %mul3A_83 = vector.broadcast %squeeze3A_77 : f32 to vector<16x64xf32>
    %mul3A_84 = arith.mulf %mul3A_83, %get3A_82 : vector<16x64xf32>
    %slice3A_85 = vector.extract_strided_slice %get3A_1 {offsets = [2, 1], sizes = [1, 1], strides = [1, 1]} : vector<4x4xf32> to vector<1x1xf32>
    %squeeze3A_86 = vector.extract %slice3A_85[0, 0] : f32 from vector<1x1xf32>
    %get3A_87 = arith.constant 1 : index
    %get3A_88 = arith.constant 0 : index
    %get3A_89 = arith.constant 0 : index
    %get3A_90 = vector.load %arg4[%get3A_87, %get3A_88, %get3A_89] : memref<4x16x64xf32, #tpu.memory_space<vmem>>, vector<1x16x64xf32>
    %get3A_91 = vector.shape_cast %get3A_90 : vector<1x16x64xf32> to vector<16x64xf32>
    %mul3A_92 = vector.broadcast %squeeze3A_86 : f32 to vector<16x64xf32>
    %mul3A_93 = arith.mulf %mul3A_92, %get3A_91 : vector<16x64xf32>
    %add3A_94 = arith.addf %mul3A_84, %mul3A_93 : vector<16x64xf32>
    %slice3A_95 = vector.extract_strided_slice %get3A_1 {offsets = [2, 2], sizes = [1, 1], strides = [1, 1]} : vector<4x4xf32> to vector<1x1xf32>
    %squeeze3A_96 = vector.extract %slice3A_95[0, 0] : f32 from vector<1x1xf32>
    %get3A_97 = arith.constant 2 : index
    %get3A_98 = arith.constant 0 : index
    %get3A_99 = arith.constant 0 : index
    %get3A_100 = vector.load %arg4[%get3A_97, %get3A_98, %get3A_99] : memref<4x16x64xf32, #tpu.memory_space<vmem>>, vector<1x16x64xf32>
    %get3A_101 = vector.shape_cast %get3A_100 : vector<1x16x64xf32> to vector<16x64xf32>
    %mul3A_102 = vector.broadcast %squeeze3A_96 : f32 to vector<16x64xf32>
    %mul3A_103 = arith.mulf %mul3A_102, %get3A_101 : vector<16x64xf32>
    %add3A_104 = arith.addf %add3A_94, %mul3A_103 : vector<16x64xf32>
    %slice3A_105 = vector.extract_strided_slice %get3A_1 {offsets = [2, 3], sizes = [1, 1], strides = [1, 1]} : vector<4x4xf32> to vector<1x1xf32>
    %squeeze3A_106 = vector.extract %slice3A_105[0, 0] : f32 from vector<1x1xf32>
    %get3A_107 = arith.constant 3 : index
    %get3A_108 = arith.constant 0 : index
    %get3A_109 = arith.constant 0 : index
    %get3A_110 = vector.load %arg4[%get3A_107, %get3A_108, %get3A_109] : memref<4x16x64xf32, #tpu.memory_space<vmem>>, vector<1x16x64xf32>
    %get3A_111 = vector.shape_cast %get3A_110 : vector<1x16x64xf32> to vector<16x64xf32>
    %mul3A_112 = vector.broadcast %squeeze3A_106 : f32 to vector<16x64xf32>
    %mul3A_113 = arith.mulf %mul3A_112, %get3A_111 : vector<16x64xf32>
    %add3A_114 = arith.addf %add3A_104, %mul3A_113 : vector<16x64xf32>
    %slice3A_115 = vector.extract_strided_slice %get3A_1 {offsets = [3, 0], sizes = [1, 1], strides = [1, 1]} : vector<4x4xf32> to vector<1x1xf32>
    %squeeze3A_116 = vector.extract %slice3A_115[0, 0] : f32 from vector<1x1xf32>
    %get3A_117 = arith.constant 0 : index
    %get3A_118 = arith.constant 0 : index
    %get3A_119 = arith.constant 0 : index
    %get3A_120 = vector.load %arg4[%get3A_117, %get3A_118, %get3A_119] : memref<4x16x64xf32, #tpu.memory_space<vmem>>, vector<1x16x64xf32>
    %get3A_121 = vector.shape_cast %get3A_120 : vector<1x16x64xf32> to vector<16x64xf32>
    %mul3A_122 = vector.broadcast %squeeze3A_116 : f32 to vector<16x64xf32>
    %mul3A_123 = arith.mulf %mul3A_122, %get3A_121 : vector<16x64xf32>
    %slice3A_124 = vector.extract_strided_slice %get3A_1 {offsets = [3, 1], sizes = [1, 1], strides = [1, 1]} : vector<4x4xf32> to vector<1x1xf32>
    %squeeze3A_125 = vector.extract %slice3A_124[0, 0] : f32 from vector<1x1xf32>
    %get3A_126 = arith.constant 1 : index
    %get3A_127 = arith.constant 0 : index
    %get3A_128 = arith.constant 0 : index
    %get3A_129 = vector.load %arg4[%get3A_126, %get3A_127, %get3A_128] : memref<4x16x64xf32, #tpu.memory_space<vmem>>, vector<1x16x64xf32>
    %get3A_130 = vector.shape_cast %get3A_129 : vector<1x16x64xf32> to vector<16x64xf32>
    %mul3A_131 = vector.broadcast %squeeze3A_125 : f32 to vector<16x64xf32>
    %mul3A_132 = arith.mulf %mul3A_131, %get3A_130 : vector<16x64xf32>
    %add3A_133 = arith.addf %mul3A_123, %mul3A_132 : vector<16x64xf32>
    %slice3A_134 = vector.extract_strided_slice %get3A_1 {offsets = [3, 2], sizes = [1, 1], strides = [1, 1]} : vector<4x4xf32> to vector<1x1xf32>
    %squeeze3A_135 = vector.extract %slice3A_134[0, 0] : f32 from vector<1x1xf32>
    %get3A_136 = arith.constant 2 : index
    %get3A_137 = arith.constant 0 : index
    %get3A_138 = arith.constant 0 : index
    %get3A_139 = vector.load %arg4[%get3A_136, %get3A_137, %get3A_138] : memref<4x16x64xf32, #tpu.memory_space<vmem>>, vector<1x16x64xf32>
    %get3A_140 = vector.shape_cast %get3A_139 : vector<1x16x64xf32> to vector<16x64xf32>
    %mul3A_141 = vector.broadcast %squeeze3A_135 : f32 to vector<16x64xf32>
    %mul3A_142 = arith.mulf %mul3A_141, %get3A_140 : vector<16x64xf32>
    %add3A_143 = arith.addf %add3A_133, %mul3A_142 : vector<16x64xf32>
    %slice3A_144 = vector.extract_strided_slice %get3A_1 {offsets = [3, 3], sizes = [1, 1], strides = [1, 1]} : vector<4x4xf32> to vector<1x1xf32>
    %squeeze3A_145 = vector.extract %slice3A_144[0, 0] : f32 from vector<1x1xf32>
    %get3A_146 = arith.constant 3 : index
    %get3A_147 = arith.constant 0 : index
    %get3A_148 = arith.constant 0 : index
    %get3A_149 = vector.load %arg4[%get3A_146, %get3A_147, %get3A_148] : memref<4x16x64xf32, #tpu.memory_space<vmem>>, vector<1x16x64xf32>
    %get3A_150 = vector.shape_cast %get3A_149 : vector<1x16x64xf32> to vector<16x64xf32>
    %mul3A_151 = vector.broadcast %squeeze3A_145 : f32 to vector<16x64xf32>
    %mul3A_152 = arith.mulf %mul3A_151, %get3A_150 : vector<16x64xf32>
    %add3A_153 = arith.addf %add3A_143, %mul3A_152 : vector<16x64xf32>
    %concatenate3A = tpu.concatenate %add3A_36, %add3A_75, %add3A_114, %add3A_153 in 0 : vector<16x64xf32>, vector<16x64xf32>, vector<16x64xf32>, vector<16x64xf32> -> vector<64x64xf32>
    %get3A_154 = arith.constant 0 : index
    %get3A_155 = arith.constant 0 : index
    %get3A_156 = vector.load %arg2[%get3A_154, %get3A_155] : memref<1000x64xf32, #tpu.memory_space<vmem>>, vector<1000x64xf32>
    %dot_general3A = arith.constant dense<0.000000e+00> : vector<1000x64xf32>
    %dot_general3A_157 = tpu.matmul %get3A_156, %concatenate3A, %dot_general3A {dimension_numbers = #tpu.dot_dimension_numbers<[1], [0], [0], [1], [0, 0, 1, 1], [], []>, transpose_lhs_hint = false} : vector<1000x64xf32>, vector<64x64xf32>, vector<1000x64xf32> -> vector<1000x64xf32>
    %get3A_158 = arith.constant 0 : index
    %get3A_159 = arith.constant 0 : index
    %get3A_160 = vector.load %arg1[%get3A_158, %get3A_159] : memref<1000x4xf32, #tpu.memory_space<vmem>>, vector<1000x4xf32>
    %get3A_161 = arith.constant 0 : index
    %get3A_162 = arith.constant 0 : index
    %get3A_163 = vector.load %arg5[%get3A_161, %get3A_162] : memref<4x64xf32, #tpu.memory_space<vmem>>, vector<4x64xf32>
    %dot_general3A_164 = arith.constant dense<0.000000e+00> : vector<1000x64xf32>
    %dot_general3A_165 = tpu.matmul %get3A_160, %get3A_163, %dot_general3A_164 {dimension_numbers = #tpu.dot_dimension_numbers<[1], [0], [0], [1], [0, 0, 1, 1], [], []>, transpose_lhs_hint = false} : vector<1000x4xf32>, vector<4x64xf32>, vector<1000x64xf32> -> vector<1000x64xf32>
    %add3A_166 = arith.addf %dot_general3A_157, %dot_general3A_165 : vector<1000x64xf32>
    %get3A_167 = arith.constant 0 : index
    %get3A_168 = arith.constant 0 : index
    %get3A_169 = vector.load %arg6[%get3A_167, %get3A_168] : memref<1x64xf32, #tpu.memory_space<vmem>>, vector<1x64xf32>
    %add3A_170 = vector.broadcast %get3A_169 : vector<1x64xf32> to vector<1000x64xf32>
    %add3A_171 = arith.addf %add3A_166, %add3A_170 : vector<1000x64xf32>
    %gt3A = arith.constant 0.000000e+00 : f32
    %gt3A_172 = vector.broadcast %gt3A : f32 to vector<1000x64xf32>
    %gt3A_173 = arith.cmpf ogt, %add3A_171, %gt3A_172 : vector<1000x64xf32>
    %mul3A_174 = arith.constant 1.000000e-01 : f32
    %mul3A_175 = vector.broadcast %mul3A_174 : f32 to vector<1000x64xf32>
    %mul3A_176 = arith.mulf %mul3A_175, %add3A_171 : vector<1000x64xf32>
    %select_n3A = arith.select %gt3A_173, %add3A_171, %mul3A_176 : vector<1000x64xi1>, vector<1000x64xf32>
    %reduce_sum3A = arith.constant dense<0.000000e+00> : vector<1000xf32>
    %reduce_sum3A_177 = vector.multi_reduction <add>, %select_n3A, %reduce_sum3A [1] : vector<1000x64xf32> to vector<1000xf32>
    %broadcast_in_dim3A = vector.shape_cast %reduce_sum3A_177 : vector<1000xf32> to vector<1000x1xf32>
    %div3A = arith.constant 6.400000e+01 : f32
    %div3A_178 = vector.broadcast %div3A : f32 to vector<1000x1xf32>
    %div3A_179 = arith.divf %broadcast_in_dim3A, %div3A_178 : vector<1000x1xf32>
    %sub3A = vector.broadcast %div3A_179 : vector<1000x1xf32> to vector<1000x64xf32>
    %sub3A_180 = arith.subf %select_n3A, %sub3A : vector<1000x64xf32>
    %integer_pow3A = arith.mulf %sub3A_180, %sub3A_180 : vector<1000x64xf32>
    %reduce_sum3A_181 = arith.constant dense<0.000000e+00> : vector<1000xf32>
    %reduce_sum3A_182 = vector.multi_reduction <add>, %integer_pow3A, %reduce_sum3A_181 [1] : vector<1000x64xf32> to vector<1000xf32>
    %broadcast_in_dim3A_183 = vector.shape_cast %reduce_sum3A_182 : vector<1000xf32> to vector<1000x1xf32>
    %div3A_184 = arith.constant 6.400000e+01 : f32
    %div3A_185 = vector.broadcast %div3A_184 : f32 to vector<1000x1xf32>
    %div3A_186 = arith.divf %broadcast_in_dim3A_183, %div3A_185 : vector<1000x1xf32>
    %sub3A_187 = vector.broadcast %div3A_179 : vector<1000x1xf32> to vector<1000x64xf32>
    %sub3A_188 = arith.subf %select_n3A, %sub3A_187 : vector<1000x64xf32>
    %add3A_189 = arith.constant 9.99999974E-6 : f32
    %add3A_190 = vector.broadcast %add3A_189 : f32 to vector<1000x1xf32>
    %add3A_191 = arith.addf %div3A_186, %add3A_190 : vector<1000x1xf32>
    %rsqrt3A = math.rsqrt %add3A_191 : vector<1000x1xf32>
    %mul3A_192 = vector.broadcast %rsqrt3A : vector<1000x1xf32> to vector<1000x64xf32>
    %mul3A_193 = arith.mulf %sub3A_188, %mul3A_192 : vector<1000x64xf32>
    %get3A_194 = arith.constant 0 : index
    %get3A_195 = arith.constant 0 : index
    %get3A_196 = vector.load %arg7[%get3A_194, %get3A_195] : memref<1x64xf32, #tpu.memory_space<vmem>>, vector<1x64xf32>
    %mul3A_197 = vector.broadcast %get3A_196 : vector<1x64xf32> to vector<1000x64xf32>
    %mul3A_198 = arith.mulf %mul3A_193, %mul3A_197 : vector<1000x64xf32>
    %get3A_199 = arith.constant 0 : index
    %get3A_200 = arith.constant 0 : index
    %get3A_201 = vector.load %arg8[%get3A_199, %get3A_200] : memref<1x64xf32, #tpu.memory_space<vmem>>, vector<1x64xf32>
    %add3A_202 = vector.broadcast %get3A_201 : vector<1x64xf32> to vector<1000x64xf32>
    %add3A_203 = arith.addf %mul3A_198, %add3A_202 : vector<1000x64xf32>
    %swap3A = arith.constant 0 : index
    %swap3A_204 = arith.constant 0 : index
    %swap3A_205 = vector.load %arg9[%swap3A, %swap3A_204] : memref<1000x64xf32, #tpu.memory_space<vmem>>, vector<1000x64xf32>
    tpu.vector_store %arg9[%swap3A, %swap3A_204], %add3A_203 {strides = array<i32>} : memref<1000x64xf32, #tpu.memory_space<vmem>>, vector<1000x64xf32>,
    return
  }
  func.func @transform_0(%arg0: i32) -> (i32, i32) {
    %c0_i32 = arith.constant 0 : i32
    %c0_i32_0 = arith.constant 0 : i32
    return %arg0, %c0_i32 : i32, i32
  }
  func.func @transform_1(%arg0: i32) -> (i32, i32) {
    %c0_i32 = arith.constant 0 : i32
    %c0_i32_0 = arith.constant 0 : i32
    return %arg0, %c0_i32 : i32, i32
  }
  func.func @transform_2(%arg0: i32) -> (i32, i32) {
    %c0_i32 = arith.constant 0 : i32
    %c0_i32_0 = arith.constant 0 : i32
    %c0_i32_1 = arith.constant 0 : i32
    return %c0_i32, %c0_i32_0 : i32, i32
  }
  func.func @transform_3(%arg0: i32) -> (i32, i32, i32) {
    %c0_i32 = arith.constant 0 : i32
    %c0_i32_0 = arith.constant 0 : i32
    %c0_i32_1 = arith.constant 0 : i32
    %c0_i32_2 = arith.constant 0 : i32
    return %c0_i32, %c0_i32_0, %c0_i32_1 : i32, i32, i32
  }
  func.func @transform_4(%arg0: i32) -> (i32, i32) {
    %c0_i32 = arith.constant 0 : i32
    %c0_i32_0 = arith.constant 0 : i32
    %c0_i32_1 = arith.constant 0 : i32
    return %c0_i32, %c0_i32_0 : i32, i32
  }
  func.func @transform_5(%arg0: i32) -> (i32, i32) {
    %c0_i32 = arith.constant 0 : i32
    %c0_i32_0 = arith.constant 0 : i32
    %c0_i32_1 = arith.constant 0 : i32
    return %c0_i32, %c0_i32_0 : i32, i32
  }
  func.func @transform_6(%arg0: i32) -> (i32, i32) {
    %c0_i32 = arith.constant 0 : i32
    %c0_i32_0 = arith.constant 0 : i32
    %c0_i32_1 = arith.constant 0 : i32
    return %c0_i32, %c0_i32_0 : i32, i32
  }
  func.func @transform_7(%arg0: i32) -> (i32, i32) {
    %c0_i32 = arith.constant 0 : i32
    %c0_i32_0 = arith.constant 0 : i32
    %c0_i32_1 = arith.constant 0 : i32
    return %c0_i32, %c0_i32_0 : i32, i32
  }
  func.func @transform_8(%arg0: i32) -> (i32, i32) {
    %c0_i32 = arith.constant 0 : i32
    %c0_i32_0 = arith.constant 0 : i32
    return %arg0, %c0_i32 : i32, i32
  }
}

module attributes {stable_mosaic.version = 14 : i64} {
  func.func @_tc2_body(%arg0: memref<10000x256xf32, #tpu.memory_space<vmem>>, %arg1: memref<10000x64xf32, #tpu.memory_space<vmem>>, %arg2: memref<1x32xf32, #tpu.memory_space<vmem>>, %arg3: memref<4x4xf32, #tpu.memory_space<vmem>>, %arg4: memref<4x64x128xf32, #tpu.memory_space<vmem>>, %arg5: memref<64x128xf32, #tpu.memory_space<vmem>>, %arg6: memref<1x128xf32, #tpu.memory_space<vmem>>, %arg7: memref<1x128xf32, #tpu.memory_space<vmem>>, %arg8: memref<1x128xf32, #tpu.memory_space<vmem>>, %arg9: memref<128x64xf32, #tpu.memory_space<vmem>>, %arg10: memref<1x64xf32, #tpu.memory_space<vmem>>, %arg11: memref<64x1xf32, #tpu.memory_space<vmem>>, %arg12: memref<1x1xf32, #tpu.memory_space<vmem>>, %arg13: memref<128x32xf32, #tpu.memory_space<vmem>>, %arg14: memref<1x32xf32, #tpu.memory_space<vmem>>, %arg15: memref<128x32xf32, #tpu.memory_space<vmem>>, %arg16: memref<1x32xf32, #tpu.memory_space<vmem>>, %arg17: memref<32x128xf32, #tpu.memory_space<vmem>>, %arg18: memref<1x128xf32, #tpu.memory_space<vmem>>, %arg19: memref<128x128xf32, #tpu.memory_space<vmem>>, %arg20: memref<1x128xf32, #tpu.memory_space<vmem>>, %arg21: memref<128x64xf32, #tpu.memory_space<vmem>>, %arg22: memref<1x64xf32, #tpu.memory_space<vmem>>, %arg23: memref<64x4xf32, #tpu.memory_space<vmem>>, %arg24: memref<1x4xf32, #tpu.memory_space<vmem>>, %arg25: memref<256x64xf32, #tpu.memory_space<vmem>>, %arg26: memref<1x64xf32, #tpu.memory_space<vmem>>, %arg27: memref<64x3xf32, #tpu.memory_space<vmem>>, %arg28: memref<1x3xf32, #tpu.memory_space<vmem>>, %arg29: memref<38x64xf32, #tpu.memory_space<vmem>>, %arg30: memref<1x64xf32, #tpu.memory_space<vmem>>, %arg31: memref<64x2xf32, #tpu.memory_space<vmem>>, %arg32: memref<1x2xf32, #tpu.memory_space<vmem>>, %arg33: memref<38x64xf32, #tpu.memory_space<vmem>>, %arg34: memref<1x64xf32, #tpu.memory_space<vmem>>, %arg35: memref<64x9xf32, #tpu.memory_space<vmem>>, %arg36: memref<1x9xf32, #tpu.memory_space<vmem>>, %arg37: memref<10000x128xf32, #tpu.memory_space<vmem>>, %arg38: memref<1x32xf32, #tpu.memory_space<vmem>>, %arg39: memref<1x32xf32, #tpu.memory_space<vmem>>, %arg40: memref<1x32xf32, #tpu.memory_space<vmem>>, %arg41: memref<10000x4xf32, #tpu.memory_space<vmem>>, %arg42: memref<1x3xf32, #tpu.memory_space<vmem>>, %arg43: memref<1x2xf32, #tpu.memory_space<vmem>>, %arg44: memref<1x9xf32, #tpu.memory_space<vmem>>) attributes {dimension_semantics = [], scalar_prefetch = 0 : i64, scratch_operands = 0 : i64, tpu.core_type = #tpu.core_type<tc>} {
    %get3A = arith.constant 0 : index
    %get3A_0 = arith.constant 0 : index
    %get3A_1 = vector.load %arg3[%get3A, %get3A_0] : memref<4x4xf32, #tpu.memory_space<vmem>>, vector<4x4xf32>
    %slice3A = vector.extract_strided_slice %get3A_1 {offsets = [0, 0], sizes = [1, 1], strides = [1, 1]} : vector<4x4xf32> to vector<1x1xf32>
    %squeeze3A = vector.extract %slice3A[0, 0] : f32 from vector<1x1xf32>
    %get3A_2 = arith.constant 0 : index
    %get3A_3 = arith.constant 0 : index
    %get3A_4 = arith.constant 0 : index
    %get3A_5 = vector.load %arg4[%get3A_2, %get3A_3, %get3A_4] : memref<4x64x128xf32, #tpu.memory_space<vmem>>, vector<1x64x128xf32>
    %get3A_6 = vector.shape_cast %get3A_5 : vector<1x64x128xf32> to vector<64x128xf32>
    %mul3A = vector.broadcast %squeeze3A : f32 to vector<64x128xf32>
    %mul3A_7 = arith.mulf %mul3A, %get3A_6 : vector<64x128xf32>
    %slice3A_8 = vector.extract_strided_slice %get3A_1 {offsets = [0, 1], sizes = [1, 1], strides = [1, 1]} : vector<4x4xf32> to vector<1x1xf32>
    %squeeze3A_9 = vector.extract %slice3A_8[0, 0] : f32 from vector<1x1xf32>
    %get3A_10 = arith.constant 1 : index
    %get3A_11 = arith.constant 0 : index
    %get3A_12 = arith.constant 0 : index
    %get3A_13 = vector.load %arg4[%get3A_10, %get3A_11, %get3A_12] : memref<4x64x128xf32, #tpu.memory_space<vmem>>, vector<1x64x128xf32>
    %get3A_14 = vector.shape_cast %get3A_13 : vector<1x64x128xf32> to vector<64x128xf32>
    %mul3A_15 = vector.broadcast %squeeze3A_9 : f32 to vector<64x128xf32>
    %mul3A_16 = arith.mulf %mul3A_15, %get3A_14 : vector<64x128xf32>
    %add3A = arith.addf %mul3A_7, %mul3A_16 : vector<64x128xf32>
    %slice3A_17 = vector.extract_strided_slice %get3A_1 {offsets = [0, 2], sizes = [1, 1], strides = [1, 1]} : vector<4x4xf32> to vector<1x1xf32>
    %squeeze3A_18 = vector.extract %slice3A_17[0, 0] : f32 from vector<1x1xf32>
    %get3A_19 = arith.constant 2 : index
    %get3A_20 = arith.constant 0 : index
    %get3A_21 = arith.constant 0 : index
    %get3A_22 = vector.load %arg4[%get3A_19, %get3A_20, %get3A_21] : memref<4x64x128xf32, #tpu.memory_space<vmem>>, vector<1x64x128xf32>
    %get3A_23 = vector.shape_cast %get3A_22 : vector<1x64x128xf32> to vector<64x128xf32>
    %mul3A_24 = vector.broadcast %squeeze3A_18 : f32 to vector<64x128xf32>
    %mul3A_25 = arith.mulf %mul3A_24, %get3A_23 : vector<64x128xf32>
    %add3A_26 = arith.addf %add3A, %mul3A_25 : vector<64x128xf32>
    %slice3A_27 = vector.extract_strided_slice %get3A_1 {offsets = [0, 3], sizes = [1, 1], strides = [1, 1]} : vector<4x4xf32> to vector<1x1xf32>
    %squeeze3A_28 = vector.extract %slice3A_27[0, 0] : f32 from vector<1x1xf32>
    %get3A_29 = arith.constant 3 : index
    %get3A_30 = arith.constant 0 : index
    %get3A_31 = arith.constant 0 : index
    %get3A_32 = vector.load %arg4[%get3A_29, %get3A_30, %get3A_31] : memref<4x64x128xf32, #tpu.memory_space<vmem>>, vector<1x64x128xf32>
    %get3A_33 = vector.shape_cast %get3A_32 : vector<1x64x128xf32> to vector<64x128xf32>
    %mul3A_34 = vector.broadcast %squeeze3A_28 : f32 to vector<64x128xf32>
    %mul3A_35 = arith.mulf %mul3A_34, %get3A_33 : vector<64x128xf32>
    %add3A_36 = arith.addf %add3A_26, %mul3A_35 : vector<64x128xf32>
    %slice3A_37 = vector.extract_strided_slice %get3A_1 {offsets = [1, 0], sizes = [1, 1], strides = [1, 1]} : vector<4x4xf32> to vector<1x1xf32>
    %squeeze3A_38 = vector.extract %slice3A_37[0, 0] : f32 from vector<1x1xf32>
    %get3A_39 = arith.constant 0 : index
    %get3A_40 = arith.constant 0 : index
    %get3A_41 = arith.constant 0 : index
    %get3A_42 = vector.load %arg4[%get3A_39, %get3A_40, %get3A_41] : memref<4x64x128xf32, #tpu.memory_space<vmem>>, vector<1x64x128xf32>
    %get3A_43 = vector.shape_cast %get3A_42 : vector<1x64x128xf32> to vector<64x128xf32>
    %mul3A_44 = vector.broadcast %squeeze3A_38 : f32 to vector<64x128xf32>
    %mul3A_45 = arith.mulf %mul3A_44, %get3A_43 : vector<64x128xf32>
    %slice3A_46 = vector.extract_strided_slice %get3A_1 {offsets = [1, 1], sizes = [1, 1], strides = [1, 1]} : vector<4x4xf32> to vector<1x1xf32>
    %squeeze3A_47 = vector.extract %slice3A_46[0, 0] : f32 from vector<1x1xf32>
    %get3A_48 = arith.constant 1 : index
    %get3A_49 = arith.constant 0 : index
    %get3A_50 = arith.constant 0 : index
    %get3A_51 = vector.load %arg4[%get3A_48, %get3A_49, %get3A_50] : memref<4x64x128xf32, #tpu.memory_space<vmem>>, vector<1x64x128xf32>
    %get3A_52 = vector.shape_cast %get3A_51 : vector<1x64x128xf32> to vector<64x128xf32>
    %mul3A_53 = vector.broadcast %squeeze3A_47 : f32 to vector<64x128xf32>
    %mul3A_54 = arith.mulf %mul3A_53, %get3A_52 : vector<64x128xf32>
    %add3A_55 = arith.addf %mul3A_45, %mul3A_54 : vector<64x128xf32>
    %slice3A_56 = vector.extract_strided_slice %get3A_1 {offsets = [1, 2], sizes = [1, 1], strides = [1, 1]} : vector<4x4xf32> to vector<1x1xf32>
    %squeeze3A_57 = vector.extract %slice3A_56[0, 0] : f32 from vector<1x1xf32>
    %get3A_58 = arith.constant 2 : index
    %get3A_59 = arith.constant 0 : index
    %get3A_60 = arith.constant 0 : index
    %get3A_61 = vector.load %arg4[%get3A_58, %get3A_59, %get3A_60] : memref<4x64x128xf32, #tpu.memory_space<vmem>>, vector<1x64x128xf32>
    %get3A_62 = vector.shape_cast %get3A_61 : vector<1x64x128xf32> to vector<64x128xf32>
    %mul3A_63 = vector.broadcast %squeeze3A_57 : f32 to vector<64x128xf32>
    %mul3A_64 = arith.mulf %mul3A_63, %get3A_62 : vector<64x128xf32>
    %add3A_65 = arith.addf %add3A_55, %mul3A_64 : vector<64x128xf32>
    %slice3A_66 = vector.extract_strided_slice %get3A_1 {offsets = [1, 3], sizes = [1, 1], strides = [1, 1]} : vector<4x4xf32> to vector<1x1xf32>
    %squeeze3A_67 = vector.extract %slice3A_66[0, 0] : f32 from vector<1x1xf32>
    %get3A_68 = arith.constant 3 : index
    %get3A_69 = arith.constant 0 : index
    %get3A_70 = arith.constant 0 : index
    %get3A_71 = vector.load %arg4[%get3A_68, %get3A_69, %get3A_70] : memref<4x64x128xf32, #tpu.memory_space<vmem>>, vector<1x64x128xf32>
    %get3A_72 = vector.shape_cast %get3A_71 : vector<1x64x128xf32> to vector<64x128xf32>
    %mul3A_73 = vector.broadcast %squeeze3A_67 : f32 to vector<64x128xf32>
    %mul3A_74 = arith.mulf %mul3A_73, %get3A_72 : vector<64x128xf32>
    %add3A_75 = arith.addf %add3A_65, %mul3A_74 : vector<64x128xf32>
    %slice3A_76 = vector.extract_strided_slice %get3A_1 {offsets = [2, 0], sizes = [1, 1], strides = [1, 1]} : vector<4x4xf32> to vector<1x1xf32>
    %squeeze3A_77 = vector.extract %slice3A_76[0, 0] : f32 from vector<1x1xf32>
    %get3A_78 = arith.constant 0 : index
    %get3A_79 = arith.constant 0 : index
    %get3A_80 = arith.constant 0 : index
    %get3A_81 = vector.load %arg4[%get3A_78, %get3A_79, %get3A_80] : memref<4x64x128xf32, #tpu.memory_space<vmem>>, vector<1x64x128xf32>
    %get3A_82 = vector.shape_cast %get3A_81 : vector<1x64x128xf32> to vector<64x128xf32>
    %mul3A_83 = vector.broadcast %squeeze3A_77 : f32 to vector<64x128xf32>
    %mul3A_84 = arith.mulf %mul3A_83, %get3A_82 : vector<64x128xf32>
    %slice3A_85 = vector.extract_strided_slice %get3A_1 {offsets = [2, 1], sizes = [1, 1], strides = [1, 1]} : vector<4x4xf32> to vector<1x1xf32>
    %squeeze3A_86 = vector.extract %slice3A_85[0, 0] : f32 from vector<1x1xf32>
    %get3A_87 = arith.constant 1 : index
    %get3A_88 = arith.constant 0 : index
    %get3A_89 = arith.constant 0 : index
    %get3A_90 = vector.load %arg4[%get3A_87, %get3A_88, %get3A_89] : memref<4x64x128xf32, #tpu.memory_space<vmem>>, vector<1x64x128xf32>
    %get3A_91 = vector.shape_cast %get3A_90 : vector<1x64x128xf32> to vector<64x128xf32>
    %mul3A_92 = vector.broadcast %squeeze3A_86 : f32 to vector<64x128xf32>
    %mul3A_93 = arith.mulf %mul3A_92, %get3A_91 : vector<64x128xf32>
    %add3A_94 = arith.addf %mul3A_84, %mul3A_93 : vector<64x128xf32>
    %slice3A_95 = vector.extract_strided_slice %get3A_1 {offsets = [2, 2], sizes = [1, 1], strides = [1, 1]} : vector<4x4xf32> to vector<1x1xf32>
    %squeeze3A_96 = vector.extract %slice3A_95[0, 0] : f32 from vector<1x1xf32>
    %get3A_97 = arith.constant 2 : index
    %get3A_98 = arith.constant 0 : index
    %get3A_99 = arith.constant 0 : index
    %get3A_100 = vector.load %arg4[%get3A_97, %get3A_98, %get3A_99] : memref<4x64x128xf32, #tpu.memory_space<vmem>>, vector<1x64x128xf32>
    %get3A_101 = vector.shape_cast %get3A_100 : vector<1x64x128xf32> to vector<64x128xf32>
    %mul3A_102 = vector.broadcast %squeeze3A_96 : f32 to vector<64x128xf32>
    %mul3A_103 = arith.mulf %mul3A_102, %get3A_101 : vector<64x128xf32>
    %add3A_104 = arith.addf %add3A_94, %mul3A_103 : vector<64x128xf32>
    %slice3A_105 = vector.extract_strided_slice %get3A_1 {offsets = [2, 3], sizes = [1, 1], strides = [1, 1]} : vector<4x4xf32> to vector<1x1xf32>
    %squeeze3A_106 = vector.extract %slice3A_105[0, 0] : f32 from vector<1x1xf32>
    %get3A_107 = arith.constant 3 : index
    %get3A_108 = arith.constant 0 : index
    %get3A_109 = arith.constant 0 : index
    %get3A_110 = vector.load %arg4[%get3A_107, %get3A_108, %get3A_109] : memref<4x64x128xf32, #tpu.memory_space<vmem>>, vector<1x64x128xf32>
    %get3A_111 = vector.shape_cast %get3A_110 : vector<1x64x128xf32> to vector<64x128xf32>
    %mul3A_112 = vector.broadcast %squeeze3A_106 : f32 to vector<64x128xf32>
    %mul3A_113 = arith.mulf %mul3A_112, %get3A_111 : vector<64x128xf32>
    %add3A_114 = arith.addf %add3A_104, %mul3A_113 : vector<64x128xf32>
    %slice3A_115 = vector.extract_strided_slice %get3A_1 {offsets = [3, 0], sizes = [1, 1], strides = [1, 1]} : vector<4x4xf32> to vector<1x1xf32>
    %squeeze3A_116 = vector.extract %slice3A_115[0, 0] : f32 from vector<1x1xf32>
    %get3A_117 = arith.constant 0 : index
    %get3A_118 = arith.constant 0 : index
    %get3A_119 = arith.constant 0 : index
    %get3A_120 = vector.load %arg4[%get3A_117, %get3A_118, %get3A_119] : memref<4x64x128xf32, #tpu.memory_space<vmem>>, vector<1x64x128xf32>
    %get3A_121 = vector.shape_cast %get3A_120 : vector<1x64x128xf32> to vector<64x128xf32>
    %mul3A_122 = vector.broadcast %squeeze3A_116 : f32 to vector<64x128xf32>
    %mul3A_123 = arith.mulf %mul3A_122, %get3A_121 : vector<64x128xf32>
    %slice3A_124 = vector.extract_strided_slice %get3A_1 {offsets = [3, 1], sizes = [1, 1], strides = [1, 1]} : vector<4x4xf32> to vector<1x1xf32>
    %squeeze3A_125 = vector.extract %slice3A_124[0, 0] : f32 from vector<1x1xf32>
    %get3A_126 = arith.constant 1 : index
    %get3A_127 = arith.constant 0 : index
    %get3A_128 = arith.constant 0 : index
    %get3A_129 = vector.load %arg4[%get3A_126, %get3A_127, %get3A_128] : memref<4x64x128xf32, #tpu.memory_space<vmem>>, vector<1x64x128xf32>
    %get3A_130 = vector.shape_cast %get3A_129 : vector<1x64x128xf32> to vector<64x128xf32>
    %mul3A_131 = vector.broadcast %squeeze3A_125 : f32 to vector<64x128xf32>
    %mul3A_132 = arith.mulf %mul3A_131, %get3A_130 : vector<64x128xf32>
    %add3A_133 = arith.addf %mul3A_123, %mul3A_132 : vector<64x128xf32>
    %slice3A_134 = vector.extract_strided_slice %get3A_1 {offsets = [3, 2], sizes = [1, 1], strides = [1, 1]} : vector<4x4xf32> to vector<1x1xf32>
    %squeeze3A_135 = vector.extract %slice3A_134[0, 0] : f32 from vector<1x1xf32>
    %get3A_136 = arith.constant 2 : index
    %get3A_137 = arith.constant 0 : index
    %get3A_138 = arith.constant 0 : index
    %get3A_139 = vector.load %arg4[%get3A_136, %get3A_137, %get3A_138] : memref<4x64x128xf32, #tpu.memory_space<vmem>>, vector<1x64x128xf32>
    %get3A_140 = vector.shape_cast %get3A_139 : vector<1x64x128xf32> to vector<64x128xf32>
    %mul3A_141 = vector.broadcast %squeeze3A_135 : f32 to vector<64x128xf32>
    %mul3A_142 = arith.mulf %mul3A_141, %get3A_140 : vector<64x128xf32>
    %add3A_143 = arith.addf %add3A_133, %mul3A_142 : vector<64x128xf32>
    %slice3A_144 = vector.extract_strided_slice %get3A_1 {offsets = [3, 3], sizes = [1, 1], strides = [1, 1]} : vector<4x4xf32> to vector<1x1xf32>
    %squeeze3A_145 = vector.extract %slice3A_144[0, 0] : f32 from vector<1x1xf32>
    %get3A_146 = arith.constant 3 : index
    %get3A_147 = arith.constant 0 : index
    %get3A_148 = arith.constant 0 : index
    %get3A_149 = vector.load %arg4[%get3A_146, %get3A_147, %get3A_148] : memref<4x64x128xf32, #tpu.memory_space<vmem>>, vector<1x64x128xf32>
    %get3A_150 = vector.shape_cast %get3A_149 : vector<1x64x128xf32> to vector<64x128xf32>
    %mul3A_151 = vector.broadcast %squeeze3A_145 : f32 to vector<64x128xf32>
    %mul3A_152 = arith.mulf %mul3A_151, %get3A_150 : vector<64x128xf32>
    %add3A_153 = arith.addf %add3A_143, %mul3A_152 : vector<64x128xf32>
    %concatenate3A = tpu.concatenate %add3A_36, %add3A_75, %add3A_114, %add3A_153 in 0 : vector<64x128xf32>, vector<64x128xf32>, vector<64x128xf32>, vector<64x128xf32> -> vector<256x128xf32>
    %get3A_154 = arith.constant 0 : index
    %get3A_155 = arith.constant 0 : index
    %get3A_156 = vector.load %arg0[%get3A_154, %get3A_155] : memref<10000x256xf32, #tpu.memory_space<vmem>>, vector<10000x256xf32>
    %dot_general3A = arith.constant dense<0.000000e+00> : vector<10000x128xf32>
    %dot_general3A_157 = tpu.matmul %get3A_156, %concatenate3A, %dot_general3A {dimension_numbers = #tpu.dot_dimension_numbers<[1], [0], [0], [1], [0, 0, 1, 1], [], []>, transpose_lhs_hint = false} : vector<10000x256xf32>, vector<256x128xf32>, vector<10000x128xf32> -> vector<10000x128xf32>
    %get3A_158 = arith.constant 0 : index
    %get3A_159 = arith.constant 0 : index
    %get3A_160 = vector.load %arg1[%get3A_158, %get3A_159] : memref<10000x64xf32, #tpu.memory_space<vmem>>, vector<10000x64xf32>
    %get3A_161 = arith.constant 0 : index
    %get3A_162 = arith.constant 0 : index
    %get3A_163 = vector.load %arg5[%get3A_161, %get3A_162] : memref<64x128xf32, #tpu.memory_space<vmem>>, vector<64x128xf32>
    %dot_general3A_164 = arith.constant dense<0.000000e+00> : vector<10000x128xf32>
    %dot_general3A_165 = tpu.matmul %get3A_160, %get3A_163, %dot_general3A_164 {dimension_numbers = #tpu.dot_dimension_numbers<[1], [0], [0], [1], [0, 0, 1, 1], [], []>, transpose_lhs_hint = false} : vector<10000x64xf32>, vector<64x128xf32>, vector<10000x128xf32> -> vector<10000x128xf32>
    %add3A_166 = arith.addf %dot_general3A_157, %dot_general3A_165 : vector<10000x128xf32>
    %get3A_167 = arith.constant 0 : index
    %get3A_168 = arith.constant 0 : index
    %get3A_169 = vector.load %arg6[%get3A_167, %get3A_168] : memref<1x128xf32, #tpu.memory_space<vmem>>, vector<1x128xf32>
    %add3A_170 = vector.broadcast %get3A_169 : vector<1x128xf32> to vector<10000x128xf32>
    %add3A_171 = arith.addf %add3A_166, %add3A_170 : vector<10000x128xf32>
    %gt3A = arith.constant 0.000000e+00 : f32
    %gt3A_172 = vector.broadcast %gt3A : f32 to vector<10000x128xf32>
    %gt3A_173 = arith.cmpf ogt, %add3A_171, %gt3A_172 : vector<10000x128xf32>
    %mul3A_174 = arith.constant 1.000000e-01 : f32
    %mul3A_175 = vector.broadcast %mul3A_174 : f32 to vector<10000x128xf32>
    %mul3A_176 = arith.mulf %mul3A_175, %add3A_171 : vector<10000x128xf32>
    %select_n3A = arith.select %gt3A_173, %add3A_171, %mul3A_176 : vector<10000x128xi1>, vector<10000x128xf32>
    %reduce_sum3A = arith.constant dense<0.000000e+00> : vector<10000xf32>
    %reduce_sum3A_177 = vector.multi_reduction <add>, %select_n3A, %reduce_sum3A [1] : vector<10000x128xf32> to vector<10000xf32>
    %broadcast_in_dim3A = vector.shape_cast %reduce_sum3A_177 : vector<10000xf32> to vector<10000x1xf32>
    %div3A = arith.constant 1.280000e+02 : f32
    %div3A_178 = vector.broadcast %div3A : f32 to vector<10000x1xf32>
    %div3A_179 = arith.divf %broadcast_in_dim3A, %div3A_178 : vector<10000x1xf32>
    %sub3A = vector.broadcast %div3A_179 : vector<10000x1xf32> to vector<10000x128xf32>
    %sub3A_180 = arith.subf %select_n3A, %sub3A : vector<10000x128xf32>
    %integer_pow3A = arith.mulf %sub3A_180, %sub3A_180 : vector<10000x128xf32>
    %reduce_sum3A_181 = arith.constant dense<0.000000e+00> : vector<10000xf32>
    %reduce_sum3A_182 = vector.multi_reduction <add>, %integer_pow3A, %reduce_sum3A_181 [1] : vector<10000x128xf32> to vector<10000xf32>
    %broadcast_in_dim3A_183 = vector.shape_cast %reduce_sum3A_182 : vector<10000xf32> to vector<10000x1xf32>
    %div3A_184 = arith.constant 1.280000e+02 : f32
    %div3A_185 = vector.broadcast %div3A_184 : f32 to vector<10000x1xf32>
    %div3A_186 = arith.divf %broadcast_in_dim3A_183, %div3A_185 : vector<10000x1xf32>
    %sub3A_187 = vector.broadcast %div3A_179 : vector<10000x1xf32> to vector<10000x128xf32>
    %sub3A_188 = arith.subf %select_n3A, %sub3A_187 : vector<10000x128xf32>
    %add3A_189 = arith.constant 9.99999974E-6 : f32
    %add3A_190 = vector.broadcast %add3A_189 : f32 to vector<10000x1xf32>
    %add3A_191 = arith.addf %div3A_186, %add3A_190 : vector<10000x1xf32>
    %rsqrt3A = math.rsqrt %add3A_191 : vector<10000x1xf32>
    %mul3A_192 = vector.broadcast %rsqrt3A : vector<10000x1xf32> to vector<10000x128xf32>
    %mul3A_193 = arith.mulf %sub3A_188, %mul3A_192 : vector<10000x128xf32>
    %get3A_194 = arith.constant 0 : index
    %get3A_195 = arith.constant 0 : index
    %get3A_196 = vector.load %arg7[%get3A_194, %get3A_195] : memref<1x128xf32, #tpu.memory_space<vmem>>, vector<1x128xf32>
    %mul3A_197 = vector.broadcast %get3A_196 : vector<1x128xf32> to vector<10000x128xf32>
    %mul3A_198 = arith.mulf %mul3A_193, %mul3A_197 : vector<10000x128xf32>
    %get3A_199 = arith.constant 0 : index
    %get3A_200 = arith.constant 0 : index
    %get3A_201 = vector.load %arg8[%get3A_199, %get3A_200] : memref<1x128xf32, #tpu.memory_space<vmem>>, vector<1x128xf32>
    %add3A_202 = vector.broadcast %get3A_201 : vector<1x128xf32> to vector<10000x128xf32>
    %add3A_203 = arith.addf %mul3A_198, %add3A_202 : vector<10000x128xf32>
    %swap3A = arith.constant 0 : index
    %swap3A_204 = arith.constant 0 : index
    %swap3A_205 = vector.load %arg37[%swap3A, %swap3A_204] : memref<10000x128xf32, #tpu.memory_space<vmem>>, vector<10000x128xf32>
    tpu.vector_store %arg37[%swap3A, %swap3A_204], %add3A_203 {strides = array<i32>} : memref<10000x128xf32, #tpu.memory_space<vmem>>, vector<10000x128xf32>,
    %get3A_206 = arith.constant 0 : index
    %get3A_207 = arith.constant 0 : index
    %get3A_208 = vector.load %arg9[%get3A_206, %get3A_207] : memref<128x64xf32, #tpu.memory_space<vmem>>, vector<128x64xf32>
    %dot_general3A_209 = arith.constant dense<0.000000e+00> : vector<10000x64xf32>
    %dot_general3A_210 = tpu.matmul %add3A_203, %get3A_208, %dot_general3A_209 {dimension_numbers = #tpu.dot_dimension_numbers<[1], [0], [0], [1], [0, 0, 1, 1], [], []>, transpose_lhs_hint = false} : vector<10000x128xf32>, vector<128x64xf32>, vector<10000x64xf32> -> vector<10000x64xf32>
    %get3A_211 = arith.constant 0 : index
    %get3A_212 = arith.constant 0 : index
    %get3A_213 = vector.load %arg10[%get3A_211, %get3A_212] : memref<1x64xf32, #tpu.memory_space<vmem>>, vector<1x64xf32>
    %add3A_214 = vector.broadcast %get3A_213 : vector<1x64xf32> to vector<10000x64xf32>
    %add3A_215 = arith.addf %dot_general3A_210, %add3A_214 : vector<10000x64xf32>
    %max3A = arith.constant 0.000000e+00 : f32
    %max3A_216 = vector.broadcast %max3A : f32 to vector<10000x64xf32>
    %max3A_217 = arith.maximumf %add3A_215, %max3A_216 : vector<10000x64xf32>
    %get3A_218 = arith.constant 0 : index
    %get3A_219 = arith.constant 0 : index
    %get3A_220 = vector.load %arg11[%get3A_218, %get3A_219] : memref<64x1xf32, #tpu.memory_space<vmem>>, vector<64x1xf32>
    %dot_general3A_221 = arith.constant dense<0.000000e+00> : vector<10000x1xf32>
    %dot_general3A_222 = tpu.matmul %max3A_217, %get3A_220, %dot_general3A_221 {dimension_numbers = #tpu.dot_dimension_numbers<[1], [0], [0], [1], [0, 0, 1, 1], [], []>, transpose_lhs_hint = false} : vector<10000x64xf32>, vector<64x1xf32>, vector<10000x1xf32> -> vector<10000x1xf32>
    %get3A_223 = arith.constant 0 : index
    %get3A_224 = arith.constant 0 : index
    %get3A_225 = vector.load %arg12[%get3A_223, %get3A_224] : memref<1x1xf32, #tpu.memory_space<vmem>>, vector<1x1xf32>
    %add3A_226 = vector.broadcast %get3A_225 : vector<1x1xf32> to vector<10000x1xf32>
    %add3A_227 = arith.addf %dot_general3A_222, %add3A_226 : vector<10000x1xf32>
    %reduce_max3A = arith.constant dense<0xFF800000> : vector<1xf32>
    %reduce_max3A_228 = vector.multi_reduction <maximumf>, %add3A_227, %reduce_max3A [0] : vector<10000x1xf32> to vector<1xf32>
    %broadcast_in_dim3A_229 = vector.shape_cast %reduce_max3A_228 : vector<1xf32> to vector<1x1xf32>
    %sub3A_230 = vector.broadcast %broadcast_in_dim3A_229 : vector<1x1xf32> to vector<10000x1xf32>
    %sub3A_231 = arith.subf %add3A_227, %sub3A_230 : vector<10000x1xf32>
    %exp3A = math.exp %sub3A_231 : vector<10000x1xf32>
    %reduce_sum3A_232 = arith.constant dense<0.000000e+00> : vector<1xf32>
    %reduce_sum3A_233 = vector.multi_reduction <add>, %exp3A, %reduce_sum3A_232 [0] : vector<10000x1xf32> to vector<1xf32>
    %broadcast_in_dim3A_234 = vector.shape_cast %reduce_sum3A_233 : vector<1xf32> to vector<1x1xf32>
    %div3A_235 = vector.broadcast %broadcast_in_dim3A_234 : vector<1x1xf32> to vector<10000x1xf32>
    %div3A_236 = arith.divf %exp3A, %div3A_235 : vector<10000x1xf32>
    %mul3A_237 = vector.broadcast %div3A_236 : vector<10000x1xf32> to vector<10000x128xf32>
    %mul3A_238 = arith.mulf %mul3A_237, %add3A_203 : vector<10000x128xf32>
    %reduce_sum3A_239 = arith.constant dense<0.000000e+00> : vector<128xf32>
    %reduce_sum3A_240 = vector.multi_reduction <add>, %mul3A_238, %reduce_sum3A_239 [0] : vector<10000x128xf32> to vector<128xf32>
    %broadcast_in_dim3A_241 = vector.shape_cast %reduce_sum3A_240 : vector<128xf32> to vector<1x128xf32>
    %get3A_242 = arith.constant 0 : index
    %get3A_243 = arith.constant 0 : index
    %get3A_244 = vector.load %arg13[%get3A_242, %get3A_243] : memref<128x32xf32, #tpu.memory_space<vmem>>, vector<128x32xf32>
    %dot_general3A_245 = arith.constant dense<0.000000e+00> : vector<1x32xf32>
    %dot_general3A_246 = tpu.matmul %broadcast_in_dim3A_241, %get3A_244, %dot_general3A_245 {dimension_numbers = #tpu.dot_dimension_numbers<[1], [0], [0], [1], [0, 0, 1, 1], [], []>, transpose_lhs_hint = false} : vector<1x128xf32>, vector<128x32xf32>, vector<1x32xf32> -> vector<1x32xf32>
    %get3A_247 = arith.constant 0 : index
    %get3A_248 = arith.constant 0 : index
    %get3A_249 = vector.load %arg14[%get3A_247, %get3A_248] : memref<1x32xf32, #tpu.memory_space<vmem>>, vector<1x32xf32>
    %add3A_250 = arith.addf %dot_general3A_246, %get3A_249 : vector<1x32xf32>
    %jit3A = arith.constant -5.000000e+00 : f32
    %jit3A_251 = arith.constant 5.000000e+00 : f32
    %max3A_252 = vector.broadcast %jit3A : f32 to vector<1x32xf32>
    %max3A_253 = arith.maximumf %max3A_252, %add3A_250 : vector<1x32xf32>
    %min3A = vector.broadcast %jit3A_251 : f32 to vector<1x32xf32>
    %min3A_254 = arith.minimumf %min3A, %max3A_253 : vector<1x32xf32>
    %get3A_255 = arith.constant 0 : index
    %get3A_256 = arith.constant 0 : index
    %get3A_257 = vector.load %arg15[%get3A_255, %get3A_256] : memref<128x32xf32, #tpu.memory_space<vmem>>, vector<128x32xf32>
    %dot_general3A_258 = arith.constant dense<0.000000e+00> : vector<1x32xf32>
    %dot_general3A_259 = tpu.matmul %broadcast_in_dim3A_241, %get3A_257, %dot_general3A_258 {dimension_numbers = #tpu.dot_dimension_numbers<[1], [0], [0], [1], [0, 0, 1, 1], [], []>, transpose_lhs_hint = false} : vector<1x128xf32>, vector<128x32xf32>, vector<1x32xf32> -> vector<1x32xf32>
    %get3A_260 = arith.constant 0 : index
    %get3A_261 = arith.constant 0 : index
    %get3A_262 = vector.load %arg16[%get3A_260, %get3A_261] : memref<1x32xf32, #tpu.memory_space<vmem>>, vector<1x32xf32>
    %add3A_263 = arith.addf %dot_general3A_259, %get3A_262 : vector<1x32xf32>
    %jit3A_264 = arith.constant -1.000000e+01 : f32
    %jit3A_265 = arith.constant 1.000000e+01 : f32
    %max3A_266 = vector.broadcast %jit3A_264 : f32 to vector<1x32xf32>
    %max3A_267 = arith.maximumf %max3A_266, %add3A_263 : vector<1x32xf32>
    %min3A_268 = vector.broadcast %jit3A_265 : f32 to vector<1x32xf32>
    %min3A_269 = arith.minimumf %min3A_268, %max3A_267 : vector<1x32xf32>
    %mul3A_270 = arith.constant 5.000000e-01 : f32
    %mul3A_271 = vector.broadcast %mul3A_270 : f32 to vector<1x32xf32>
    %mul3A_272 = arith.mulf %mul3A_271, %min3A_269 : vector<1x32xf32>
    %exp3A_273 = math.exp %mul3A_272 : vector<1x32xf32>
    %jit3A_274 = arith.constant 9.99999997E-7 : f32
    %jit3A_275 = arith.constant 1.000000e+06 : f32
    %max3A_276 = vector.broadcast %jit3A_274 : f32 to vector<1x32xf32>
    %max3A_277 = arith.maximumf %max3A_276, %exp3A_273 : vector<1x32xf32>
    %min3A_278 = vector.broadcast %jit3A_275 : f32 to vector<1x32xf32>
    %min3A_279 = arith.minimumf %min3A_278, %max3A_277 : vector<1x32xf32>
    %get3A_280 = arith.constant 0 : index
    %get3A_281 = arith.constant 0 : index
    %get3A_282 = vector.load %arg2[%get3A_280, %get3A_281] : memref<1x32xf32, #tpu.memory_space<vmem>>, vector<1x32xf32>
    %mul3A_283 = arith.mulf %get3A_282, %min3A_279 : vector<1x32xf32>
    %add3A_284 = arith.addf %min3A_254, %mul3A_283 : vector<1x32xf32>
    %swap3A_285 = arith.constant 0 : index
    %swap3A_286 = arith.constant 0 : index
    %swap3A_287 = vector.load %arg38[%swap3A_285, %swap3A_286] : memref<1x32xf32, #tpu.memory_space<vmem>>, vector<1x32xf32>
    tpu.vector_store %arg38[%swap3A_285, %swap3A_286], %min3A_254 {strides = array<i32>} : memref<1x32xf32, #tpu.memory_space<vmem>>, vector<1x32xf32>,
    %swap3A_288 = arith.constant 0 : index
    %swap3A_289 = arith.constant 0 : index
    %swap3A_290 = vector.load %arg39[%swap3A_288, %swap3A_289] : memref<1x32xf32, #tpu.memory_space<vmem>>, vector<1x32xf32>
    tpu.vector_store %arg39[%swap3A_288, %swap3A_289], %min3A_269 {strides = array<i32>} : memref<1x32xf32, #tpu.memory_space<vmem>>, vector<1x32xf32>,
    %swap3A_291 = arith.constant 0 : index
    %swap3A_292 = arith.constant 0 : index
    %swap3A_293 = vector.load %arg40[%swap3A_291, %swap3A_292] : memref<1x32xf32, #tpu.memory_space<vmem>>, vector<1x32xf32>
    tpu.vector_store %arg40[%swap3A_291, %swap3A_292], %add3A_284 {strides = array<i32>} : memref<1x32xf32, #tpu.memory_space<vmem>>, vector<1x32xf32>,
    %get3A_294 = arith.constant 0 : index
    %get3A_295 = arith.constant 0 : index
    %get3A_296 = vector.load %arg17[%get3A_294, %get3A_295] : memref<32x128xf32, #tpu.memory_space<vmem>>, vector<32x128xf32>
    %dot_general3A_297 = arith.constant dense<0.000000e+00> : vector<1x128xf32>
    %dot_general3A_298 = tpu.matmul %add3A_284, %get3A_296, %dot_general3A_297 {dimension_numbers = #tpu.dot_dimension_numbers<[1], [0], [0], [1], [0, 0, 1, 1], [], []>, transpose_lhs_hint = false} : vector<1x32xf32>, vector<32x128xf32>, vector<1x128xf32> -> vector<1x128xf32>
    %get3A_299 = arith.constant 0 : index
    %get3A_300 = arith.constant 0 : index
    %get3A_301 = vector.load %arg18[%get3A_299, %get3A_300] : memref<1x128xf32, #tpu.memory_space<vmem>>, vector<1x128xf32>
    %add3A_302 = arith.addf %dot_general3A_298, %get3A_301 : vector<1x128xf32>
    %max3A_303 = arith.constant 0.000000e+00 : f32
    %max3A_304 = vector.broadcast %max3A_303 : f32 to vector<1x128xf32>
    %max3A_305 = arith.maximumf %add3A_302, %max3A_304 : vector<1x128xf32>
    %get3A_306 = arith.constant 0 : index
    %get3A_307 = arith.constant 0 : index
    %get3A_308 = vector.load %arg19[%get3A_306, %get3A_307] : memref<128x128xf32, #tpu.memory_space<vmem>>, vector<128x128xf32>
    %dot_general3A_309 = arith.constant dense<0.000000e+00> : vector<10000x128xf32>
    %dot_general3A_310 = tpu.matmul %add3A_203, %get3A_308, %dot_general3A_309 {dimension_numbers = #tpu.dot_dimension_numbers<[1], [0], [0], [1], [0, 0, 1, 1], [], []>, transpose_lhs_hint = false} : vector<10000x128xf32>, vector<128x128xf32>, vector<10000x128xf32> -> vector<10000x128xf32>
    %get3A_311 = arith.constant 0 : index
    %get3A_312 = arith.constant 0 : index
    %get3A_313 = vector.load %arg20[%get3A_311, %get3A_312] : memref<1x128xf32, #tpu.memory_space<vmem>>, vector<1x128xf32>
    %add3A_314 = vector.broadcast %get3A_313 : vector<1x128xf32> to vector<10000x128xf32>
    %add3A_315 = arith.addf %dot_general3A_310, %add3A_314 : vector<10000x128xf32>
    %max3A_316 = arith.constant 0.000000e+00 : f32
    %max3A_317 = vector.broadcast %max3A_316 : f32 to vector<10000x128xf32>
    %max3A_318 = arith.maximumf %add3A_315, %max3A_317 : vector<10000x128xf32>
    %add3A_319 = vector.broadcast %max3A_305 : vector<1x128xf32> to vector<10000x128xf32>
    %add3A_320 = arith.addf %add3A_319, %max3A_318 : vector<10000x128xf32>
    %get3A_321 = arith.constant 0 : index
    %get3A_322 = arith.constant 0 : index
    %get3A_323 = vector.load %arg21[%get3A_321, %get3A_322] : memref<128x64xf32, #tpu.memory_space<vmem>>, vector<128x64xf32>
    %dot_general3A_324 = arith.constant dense<0.000000e+00> : vector<10000x64xf32>
    %dot_general3A_325 = tpu.matmul %add3A_320, %get3A_323, %dot_general3A_324 {dimension_numbers = #tpu.dot_dimension_numbers<[1], [0], [0], [1], [0, 0, 1, 1], [], []>, transpose_lhs_hint = false} : vector<10000x128xf32>, vector<128x64xf32>, vector<10000x64xf32> -> vector<10000x64xf32>
    %get3A_326 = arith.constant 0 : index
    %get3A_327 = arith.constant 0 : index
    %get3A_328 = vector.load %arg22[%get3A_326, %get3A_327] : memref<1x64xf32, #tpu.memory_space<vmem>>, vector<1x64xf32>
    %add3A_329 = vector.broadcast %get3A_328 : vector<1x64xf32> to vector<10000x64xf32>
    %add3A_330 = arith.addf %dot_general3A_325, %add3A_329 : vector<10000x64xf32>
    %max3A_331 = arith.constant 0.000000e+00 : f32
    %max3A_332 = vector.broadcast %max3A_331 : f32 to vector<10000x64xf32>
    %max3A_333 = arith.maximumf %add3A_330, %max3A_332 : vector<10000x64xf32>
    %get3A_334 = arith.constant 0 : index
    %get3A_335 = arith.constant 0 : index
    %get3A_336 = vector.load %arg23[%get3A_334, %get3A_335] : memref<64x4xf32, #tpu.memory_space<vmem>>, vector<64x4xf32>
    %dot_general3A_337 = arith.constant dense<0.000000e+00> : vector<10000x4xf32>
    %dot_general3A_338 = tpu.matmul %max3A_333, %get3A_336, %dot_general3A_337 {dimension_numbers = #tpu.dot_dimension_numbers<[1], [0], [0], [1], [0, 0, 1, 1], [], []>, transpose_lhs_hint = false} : vector<10000x64xf32>, vector<64x4xf32>, vector<10000x4xf32> -> vector<10000x4xf32>
    %get3A_339 = arith.constant 0 : index
    %get3A_340 = arith.constant 0 : index
    %get3A_341 = vector.load %arg24[%get3A_339, %get3A_340] : memref<1x4xf32, #tpu.memory_space<vmem>>, vector<1x4xf32>
    %add3A_342 = vector.broadcast %get3A_341 : vector<1x4xf32> to vector<10000x4xf32>
    %add3A_343 = arith.addf %dot_general3A_338, %add3A_342 : vector<10000x4xf32>
    %swap3A_344 = arith.constant 0 : index
    %swap3A_345 = arith.constant 0 : index
    %swap3A_346 = vector.load %arg41[%swap3A_344, %swap3A_345] : memref<10000x4xf32, #tpu.memory_space<vmem>>, vector<10000x4xf32>
    tpu.vector_store %arg41[%swap3A_344, %swap3A_345], %add3A_343 {strides = array<i32>} : memref<10000x4xf32, #tpu.memory_space<vmem>>, vector<10000x4xf32>,
    %concatenate3A_347 = tpu.concatenate %max3A_305, %max3A_305 in 1 : vector<1x128xf32>, vector<1x128xf32> -> vector<1x256xf32>
    %get3A_348 = arith.constant 0 : index
    %get3A_349 = arith.constant 0 : index
    %get3A_350 = vector.load %arg25[%get3A_348, %get3A_349] : memref<256x64xf32, #tpu.memory_space<vmem>>, vector<256x64xf32>
    %dot_general3A_351 = arith.constant dense<0.000000e+00> : vector<1x64xf32>
    %dot_general3A_352 = tpu.matmul %concatenate3A_347, %get3A_350, %dot_general3A_351 {dimension_numbers = #tpu.dot_dimension_numbers<[1], [0], [0], [1], [0, 0, 1, 1], [], []>, transpose_lhs_hint = false} : vector<1x256xf32>, vector<256x64xf32>, vector<1x64xf32> -> vector<1x64xf32>
    %get3A_353 = arith.constant 0 : index
    %get3A_354 = arith.constant 0 : index
    %get3A_355 = vector.load %arg26[%get3A_353, %get3A_354] : memref<1x64xf32, #tpu.memory_space<vmem>>, vector<1x64xf32>
    %add3A_356 = arith.addf %dot_general3A_352, %get3A_355 : vector<1x64xf32>
    %max3A_357 = arith.constant 0.000000e+00 : f32
    %max3A_358 = vector.broadcast %max3A_357 : f32 to vector<1x64xf32>
    %max3A_359 = arith.maximumf %add3A_356, %max3A_358 : vector<1x64xf32>
    %get3A_360 = arith.constant 0 : index
    %get3A_361 = arith.constant 0 : index
    %get3A_362 = vector.load %arg27[%get3A_360, %get3A_361] : memref<64x3xf32, #tpu.memory_space<vmem>>, vector<64x3xf32>
    %dot_general3A_363 = arith.constant dense<0.000000e+00> : vector<1x3xf32>
    %dot_general3A_364 = tpu.matmul %max3A_359, %get3A_362, %dot_general3A_363 {dimension_numbers = #tpu.dot_dimension_numbers<[1], [0], [0], [1], [0, 0, 1, 1], [], []>, transpose_lhs_hint = false} : vector<1x64xf32>, vector<64x3xf32>, vector<1x3xf32> -> vector<1x3xf32>
    %get3A_365 = arith.constant 0 : index
    %get3A_366 = arith.constant 0 : index
    %get3A_367 = vector.load %arg28[%get3A_365, %get3A_366] : memref<1x3xf32, #tpu.memory_space<vmem>>, vector<1x3xf32>
    %add3A_368 = arith.addf %dot_general3A_364, %get3A_367 : vector<1x3xf32>
    %swap3A_369 = arith.constant 0 : index
    %swap3A_370 = arith.constant 0 : index
    %swap3A_371 = vector.load %arg42[%swap3A_369, %swap3A_370] : memref<1x3xf32, #tpu.memory_space<vmem>>, vector<1x3xf32>
    tpu.vector_store %arg42[%swap3A_369, %swap3A_370], %add3A_368 {strides = array<i32>} : memref<1x3xf32, #tpu.memory_space<vmem>>, vector<1x3xf32>,
    %get3A_372 = arith.constant 0 : index
    %get3A_373 = arith.constant 0 : index
    %get3A_374 = vector.load %arg29[%get3A_372, %get3A_373] : memref<38x64xf32, #tpu.memory_space<vmem>>, vector<32x64xf32>
    %dot_general3A_375 = arith.constant dense<0.000000e+00> : vector<1x64xf32>
    %dot_general3A_376 = tpu.matmul %add3A_284, %get3A_374, %dot_general3A_375 {dimension_numbers = #tpu.dot_dimension_numbers<[1], [0], [0], [1], [0, 0, 1, 1], [], []>, transpose_lhs_hint = false} : vector<1x32xf32>, vector<32x64xf32>, vector<1x64xf32> -> vector<1x64xf32>
    %get3A_377 = arith.constant 0 : index
    %get3A_378 = arith.constant 0 : index
    %get3A_379 = vector.load %arg30[%get3A_377, %get3A_378] : memref<1x64xf32, #tpu.memory_space<vmem>>, vector<1x64xf32>
    %add3A_380 = arith.addf %dot_general3A_376, %get3A_379 : vector<1x64xf32>
    %max3A_381 = arith.constant 0.000000e+00 : f32
    %max3A_382 = vector.broadcast %max3A_381 : f32 to vector<1x64xf32>
    %max3A_383 = arith.maximumf %add3A_380, %max3A_382 : vector<1x64xf32>
    %get3A_384 = arith.constant 0 : index
    %get3A_385 = arith.constant 0 : index
    %get3A_386 = vector.load %arg31[%get3A_384, %get3A_385] : memref<64x2xf32, #tpu.memory_space<vmem>>, vector<64x2xf32>
    %dot_general3A_387 = arith.constant dense<0.000000e+00> : vector<1x2xf32>
    %dot_general3A_388 = tpu.matmul %max3A_383, %get3A_386, %dot_general3A_387 {dimension_numbers = #tpu.dot_dimension_numbers<[1], [0], [0], [1], [0, 0, 1, 1], [], []>, transpose_lhs_hint = false} : vector<1x64xf32>, vector<64x2xf32>, vector<1x2xf32> -> vector<1x2xf32>
    %get3A_389 = arith.constant 0 : index
    %get3A_390 = arith.constant 0 : index
    %get3A_391 = vector.load %arg32[%get3A_389, %get3A_390] : memref<1x2xf32, #tpu.memory_space<vmem>>, vector<1x2xf32>
    %add3A_392 = arith.addf %dot_general3A_388, %get3A_391 : vector<1x2xf32>
    %swap3A_393 = arith.constant 0 : index
    %swap3A_394 = arith.constant 0 : index
    %swap3A_395 = vector.load %arg43[%swap3A_393, %swap3A_394] : memref<1x2xf32, #tpu.memory_space<vmem>>, vector<1x2xf32>
    tpu.vector_store %arg43[%swap3A_393, %swap3A_394], %add3A_392 {strides = array<i32>} : memref<1x2xf32, #tpu.memory_space<vmem>>, vector<1x2xf32>,
    %get3A_396 = arith.constant 0 : index
    %get3A_397 = arith.constant 0 : index
    %get3A_398 = vector.load %arg33[%get3A_396, %get3A_397] : memref<38x64xf32, #tpu.memory_space<vmem>>, vector<32x64xf32>
    %dot_general3A_399 = arith.constant dense<0.000000e+00> : vector<1x64xf32>
    %dot_general3A_400 = tpu.matmul %add3A_284, %get3A_398, %dot_general3A_399 {dimension_numbers = #tpu.dot_dimension_numbers<[1], [0], [0], [1], [0, 0, 1, 1], [], []>, transpose_lhs_hint = false} : vector<1x32xf32>, vector<32x64xf32>, vector<1x64xf32> -> vector<1x64xf32>
    %get3A_401 = arith.constant 0 : index
    %get3A_402 = arith.constant 0 : index
    %get3A_403 = vector.load %arg34[%get3A_401, %get3A_402] : memref<1x64xf32, #tpu.memory_space<vmem>>, vector<1x64xf32>
    %add3A_404 = arith.addf %dot_general3A_400, %get3A_403 : vector<1x64xf32>
    %max3A_405 = arith.constant 0.000000e+00 : f32
    %max3A_406 = vector.broadcast %max3A_405 : f32 to vector<1x64xf32>
    %max3A_407 = arith.maximumf %add3A_404, %max3A_406 : vector<1x64xf32>
    %get3A_408 = arith.constant 0 : index
    %get3A_409 = arith.constant 0 : index
    %get3A_410 = vector.load %arg35[%get3A_408, %get3A_409] : memref<64x9xf32, #tpu.memory_space<vmem>>, vector<64x9xf32>
    %dot_general3A_411 = arith.constant dense<0.000000e+00> : vector<1x9xf32>
    %dot_general3A_412 = tpu.matmul %max3A_407, %get3A_410, %dot_general3A_411 {dimension_numbers = #tpu.dot_dimension_numbers<[1], [0], [0], [1], [0, 0, 1, 1], [], []>, transpose_lhs_hint = false} : vector<1x64xf32>, vector<64x9xf32>, vector<1x9xf32> -> vector<1x9xf32>
    %get3A_413 = arith.constant 0 : index
    %get3A_414 = arith.constant 0 : index
    %get3A_415 = vector.load %arg36[%get3A_413, %get3A_414] : memref<1x9xf32, #tpu.memory_space<vmem>>, vector<1x9xf32>
    %add3A_416 = arith.addf %dot_general3A_412, %get3A_415 : vector<1x9xf32>
    %swap3A_417 = arith.constant 0 : index
    %swap3A_418 = arith.constant 0 : index
    %swap3A_419 = vector.load %arg44[%swap3A_417, %swap3A_418] : memref<1x9xf32, #tpu.memory_space<vmem>>, vector<1x9xf32>
    tpu.vector_store %arg44[%swap3A_417, %swap3A_418], %add3A_416 {strides = array<i32>} : memref<1x9xf32, #tpu.memory_space<vmem>>, vector<1x9xf32>,
    return
  }
}

</mosaic_0001>

<sc_bundles>
// kernel: kernel.10.cloned.1.call-start
scs
__scs_entry_jumppad:
0x0: {  	(pc) =	sbr.rel $0x88, $3  }
0x1: {  	(tag) =	ssettag $0x0;
	lr =	simm.s32 $0x1  }
0x2: {  	[smem:$0x3F75] =	sst lr;
	_ =	strace $0xD0000000  }
0x3: {  	_ = 	snop  }
0x4: {  	_ = 	snop  }
0x5: {  	_ = 	snop  }
0x6: {  	_ = 	snop  }
0x7: {  	_ = 	snop  }
__scs_overlays_trampoline_lowered:
0x8: {  	[smem:$0x3F84] =	sst s0  }
0x9: {  	[smem:$0x3F85] =	sst s1  }
0xa: {  	[smem:$0x3F86] =	sst s2  }
0xb: {  	[smem:$0x3F87] =	sst s3  }
0xc: {  	[smem:$0x3F88] =	sst s4  }
0xd: {  	[smem:$0x3F89] =	sst s5  }
0xe: {  	[smem:$0x3F8A] =	sst s6  }
0xf: {  	[smem:$0x3F8B] =	sst s7  }
0x10: {  	[smem:$0x3F8C] =	sst s8  }
0x11: {  	[smem:$0x3F8D] =	sst s9;
	s0 =	simm.s32 @!p0 $0x0  }
0x12: {  	s1 =	sld [smem:$0x3F73];
	s0 =	simm.s32 @p0 $0x1  }
0x13: {  	[smem:$0x3F8E] =	sst s0;
	s0 =	simm.s32 @!p1 $0x0  }
0x14: {  	s2 =	sld [smem:$0x3F72];
	s0 =	simm.s32 @p1 $0x1  }
0x15: {  	[smem:$0x3F8F] =	sst s0;
	s0 =	simm.s32 @!p2 $0x0  }
0x16: {  	s3 =	sld [smem:$0x3FDB];
	s0 =	simm.s32 @p2 $0x1  }
0x17: {  	s4 =	simm.s32 $0x1BF5;
	[smem:$0x3F91] =	sst s0  }
0x18: {  	s0 =	sld [smem:$0x3F74];
	_ =	swait.ge [sflag:s4], $0x0  }
0x19: {  	s7 =	sld [smem:$0x3F75]  }
0x1a: {  	s8 =	sadd.s32 $0xFFFFE003, lr  }
0x1b: {  	s9 =	sadd.s32 $0xFFFFFEF7, lr;
	s5 =	simm.s32 $0xFFFFFFFF;
	p2 =	slt.u32 s8, $0xFFFFF086  }
0x1c: {  	p1 =	slt.u32 s9, $0xF7A;
	s5 =	simm.s32 @!p2 $0x0  }
0x1d: {  	s5 =	simm.s32 @p1 $0x1;
	p0 =	seq.s32 s7, s2  }
0x1e: {  	s7 =	smul.u32 @!p0 $0xF7A, s2;
	p2 =	seq.s32 @!p0 s5, $0x0  }
0x1f: {  	s9 =	smul.u32 $0xF7A, s1;
	s8 =	simm.s32 @!p0 $0x1BF5;
	p2 =	por !p2, p0  }
0x20: {  	[sflag:s8] =	ssyncset.s32 @!p0 $0xFFFFF086;
	s6 =	sadd.s32 @!p0 s3, s7;
	s7 =	simm.s32 @!p0 $0x108  }
0x21: {  	s3 =	sadd.s32 s3, s9;
	s6 =	sadd.s32 @!p0 $0x88, s6;
	s7 =	simm.s32 @p2 $0x1082  }
0x22: {  	[simem:s7], [sflag:s8] =	dma.local @!p0 [hbm:s6], $0xF7A  }
0x23: {  	s9 =	sor.u32 $0xD0000000, s2;
	s6 =	simm.s32 $0x108;
	_ =	swait.ge @!p0 [sflag:s8], $0x0  }
0x24: {  	s3 =	sadd.s32 $0x88, s3;
	s6 =	simm.s32 @!p1 $0x1082;
	[sflag:s4] =	ssyncset.s32 $0xFFFFF086  }
0x25: {  	[simem:s6], [sflag:s4] =	dma.local [hbm:s3], $0xF7A  }
0x26: {  	[smem:$0x3F75] =	sst s1;
	(tag) =	ssettag s2;
	_ =	strace s9  }
0x27: {  	s1 =	sld [smem:$0x3F85]  }
0x28: {  	s2 =	sld [smem:$0x3F86]  }
0x29: {  	s4 =	sld [smem:$0x3F88]  }
0x2a: {  	p0 =	seq.s32 s5, $0x0;
	s5 =	sld [smem:$0x3F89]  }
0x2b: {  	s6 =	sld [smem:$0x3F8A]  }
0x2c: {  	s7 =	sld [smem:$0x3F8B]  }
0x2d: {  	s3 =	simm.s32 $0x108;
	s8 =	sld [smem:$0x3F8C]  }
0x2e: {  	s3 =	simm.s32 @!p0 $0x1082;
	s9 =	sld [smem:$0x3F8D]  }
0x2f: {  	lr =	sadd.s32 s0, s3;
	s0 =	sld [smem:$0x3F84]  }
0x30: {  	s3 =	sld [smem:$0x3F87]  }
0x31: {  	[smem:$0x3F90] =	sst s10  }
0x32: {  	s10 =	sld [smem:$0x3F8E];
	_ =	sdelay $0x3  }
0x33: {  	p0 =	seq.s32 s10, $0x1;
	s10 =	sld [smem:$0x3F90];
	_ =	sdelay $0x3  }
0x34: {  	[smem:$0x3F90] =	sst s10  }
0x35: {  	s10 =	sld [smem:$0x3F8F];
	_ =	sdelay $0x3  }
0x36: {  	p1 =	seq.s32 s10, $0x1;
	s10 =	sld [smem:$0x3F90];
	_ =	sdelay $0x3  }
0x37: {  	[smem:$0x3F90] =	sst s10  }
0x38: {  	s10 =	sld [smem:$0x3F91]  }
0x39: {  	_ = 	snop;
	(pc) =	sbr.ind lr, $3  }
0x3a: {  	_ = 	snop  }
0x3b: {  	_ = 	snop  }
0x3c: {  	p2 =	seq.s32 s10, $0x1;
	s10 =	sld [smem:$0x3F90]  }
0x3d: {  	_ =	shalt  }
0x3e: {  	_ =	shalt  }
0x3f: {  	_ =	shalt  }
0x40: {  	_ =	shalt  }
0x41: {  	_ =	shalt  }
0x42: {  	_ =	shalt  }
0x43: {  	_ =	shalt  }
0x44: {  	_ =	shalt  }
0x45: {  	_ =	shalt  }
0x46: {  	_ =	shalt  }
0x47: {  	_ =	shalt  }
0x48: {  	_ =	shalt  }
0x49: {  	_ =	shalt  }
0x4a: {  	_ =	shalt  }
0x4b: {  	_ =	shalt  }
0x4c: {  	_ =	shalt  }
0x4d: {  	_ =	shalt  }
0x4e: {  	_ =	shalt  }
0x4f: {  	_ =	shalt  }
0x50: {  	_ =	shalt  }
0x51: {  	_ =	shalt  }
0x52: {  	_ =	shalt  }
0x53: {  	_ =	shalt  }
0x54: {  	_ =	shalt  }
0x55: {  	_ =	shalt  }
0x56: {  	_ =	shalt  }
0x57: {  	_ =	shalt  }
0x58: {  	_ =	shalt  }
0x59: {  	_ =	shalt  }
0x5a: {  	_ =	shalt  }
0x5b: {  	_ =	shalt  }
0x5c: {  	_ =	shalt  }
0x5d: {  	_ =	shalt  }
0x5e: {  	_ =	shalt  }
0x5f: {  	_ =	shalt  }
0x60: {  	_ =	shalt  }
0x61: {  	_ =	shalt  }
0x62: {  	_ =	shalt  }
0x63: {  	_ =	shalt  }
0x64: {  	_ =	shalt  }
0x65: {  	_ =	shalt  }
0x66: {  	_ =	shalt  }
0x67: {  	_ =	shalt  }
0x68: {  	_ =	shalt  }
0x69: {  	_ =	shalt  }
0x6a: {  	_ =	shalt  }
0x6b: {  	_ =	shalt  }
0x6c: {  	_ =	shalt  }
0x6d: {  	_ =	shalt  }
0x6e: {  	_ =	shalt  }
0x6f: {  	_ =	shalt  }
0x70: {  	_ =	shalt  }
0x71: {  	_ =	shalt  }
0x72: {  	_ =	shalt  }
0x73: {  	_ =	shalt  }
0x74: {  	_ =	shalt  }
0x75: {  	_ =	shalt  }
0x76: {  	_ =	shalt  }
0x77: {  	_ =	shalt  }
0x78: {  	_ =	shalt  }
0x79: {  	_ =	shalt  }
0x7a: {  	_ =	shalt  }
0x7b: {  	_ =	shalt  }
0x7c: {  	_ =	shalt  }
0x7d: {  	_ =	shalt  }
0x7e: {  	_ =	shalt  }
0x7f: {  	_ =	shalt  }
0x80: {  	_ =	shalt  }
0x81: {  	_ =	shalt  }
0x82: {  	_ =	shalt  }
0x83: {  	_ =	shalt  }
0x84: {  	_ =	shalt  }
0x85: {  	_ =	shalt  }
0x86: {  	_ =	shalt  }
0x87: {  	_ =	shalt  }
.Lfunc_end0:
.L_simem_size_0:
called_computation.1_lowered:
.L_overlay_start_0:
0x88: {  	s2 =	sld [smem:$0x3FD9]  }
0x89: {  	s3 =	sld [smem:$0x3FFE];
	_ =	sdelay $0x1  }
0x8a: {  	s1 =	srdreg.scid  }
0x8b: {  	s0 =	sand.u32 $0x1, s1  }
0x8c: {  	s14 =	sshll.u32 s0, $0xA;
	s2 =	sadd.s32 s3, s2  }
0x8d: {  	s2 =	sadd.s32 s2, s14  }
0x8e: {  	[smem:$0x3F9C] =	sst s2  }
0x8f: {  	_ = 	snop  }
0x90: {  	s2 =	sld [smem:$0x3FD0];
	_ =	sdelay $0x2  }
0x91: {  	s15 =	simm.s32 $0xA;
	s4 =	simm.s32 $0x10  }
0x92: {  	[smem:s4], [sflag:s15] =	dma.local [hbm:s2], $0x1  }
0x93: {  	_ =	swait.eq [sflag:s15], $0x1  }
0x94: {  	[sflag:s15] =	ssyncset.done $0x0  }
0x95: {  	s16 =	sld [smem:$0x13];
	[sflag:s15] =	ssyncadd.s32 $0xFFFFFFFF  }
0x96: {  	s17 =	sld [smem:$0x15];
	(tm) =	ssettm $0x1  }
0x97: {  	s18 =	sld [smem:$0x3FFB];
	_ =	sdelay $0x3  }
0x98: {  	_ =	strace s18  }
0x99: {  	s4 =	sld [smem:$0x3FFC];
	_ =	sdelay $0x3  }
0x9a: {  	_ =	strace s4  }
0x9b: {  	s4 =	sld [smem:$0x3FFD];
	_ =	sdelay $0x3  }
0x9c: {  	_ =	strace s4  }
0x9d: {  	_ =	strace $0x8FFFFFFF  }
0x9e: {  	s19 =	sld [smem:$0x3FDB];
	_ =	sdelay $0x1  }
0x9f: {  	s5 =	simm.s32 $_scs_section_size  }
0xa0: {  	s6 =	simm.s32 $_size__tile_overlayer_lowered;
	s7 =	simm.s32 $_tile_overlayer_lowered  }
0xa1: {  	s22 =	simm.s32 $0x1BFF;
	s21 =	sshll.u32 s7, $0x1;
	s4 =	sadd.s32 s5, s19  }
0xa2: {  	s8 =	simm.s32 $0x0;
	s20 =	sshll.u32 s6, $0x1;
	s6 =	sadd.s32 s21, s4  }
0xa3: {  	[timem:s8], [sflag:s22] =	dma.local [hbm:s6], s20  }
0xa4: {  	_ =	swait.ge [sflag:s22], s20  }
0xa5: {  	s5 =	ssub.s32 $0x0, s20;
	[sflag:s22] =	ssyncset.done $0x0  }
0xa6: {  	[sflag:s22] =	ssyncadd.s32 s5;
	_ =	sdelay $0x1  }
0xa7: {  	s23 =	simm.s32 $0x1B8B  }
0xa8: {  	_ =	swait.ge [sflag:s23], $0x1  }
0xa9: {  	[sflag:s23] =	ssyncset.done $0x0  }
0xaa: {  	s25 =	simm.s32 $0x1B8E;
	s24 =	sld [smem:$0x3FFE];
	[sflag:s23] =	ssyncadd.s32 $0xFFFFFFFF  }
0xab: {  	s26 =	simm.s32 $execute0_lowered;
	[smem:$0x3FD2] =	sst s25  }
0xac: {  	s6 =	sshll.u32 s26, $0x1;
	_ =	strace $0x80000049;
	[dreg:$0x1] =	wrdreg $0xFFFFFFFF  }
0xad: {  	s28 =	simm.s32 $_size_execute0_lowered;
	s4 =	sadd.s32 s4, s6;
	[dreg:$0x0] =	wrdreg $0x0  }
0xae: {  	s6 =	sshll.u32 s28, $0x1;
	[dreg:$0x2] =	wrdreg s4  }
0xaf: {  	[dreg:$0x3] =	wrdreg s6  }
0xb0: {  	[dreg:$0x4] =	wrdreg $0xC0  }
0xb1: {  	_ =	task [dreg:s8], $0x5FFFF  }
0xb2: {  	[dreg:$0x1] =	wrdreg $0xFFFFFFFF  }
0xb3: {  	[dreg:$0x0] =	wrdreg $0x60  }
0xb4: {  	[dreg:$0x2] =	wrdreg s17  }
0xb5: {  	[dreg:$0x3] =	wrdreg s16  }
0xb6: {  	[dreg:$0x4] =	wrdreg s24  }
0xb7: {  	[dreg:$0x5] =	wrdreg $0x37F00  }
0xb8: {  	[dreg:$0x6] =	wrdreg $0x9  }
0xb9: {  	_ =	task.clear_ibuf [dreg:s8], $0x7FFFF;
	_ =	strace $0x90000049  }
0xba: {  	s29 =	simm.s32 $0x9;
	_ =	strace $0x8000004B  }
0xbb: {  	_ =	swait.ge [sflag:s29], $0x1  }
0xbc: {  	[sflag:s29] =	ssyncadd.s32 $0xFFFFFFFF  }
0xbd: {  	_ =	strace $0x9000004B  }
0xbe: {  	_ =	sfence  }
0xbf: {  	s30 =	sld [smem:$0x0];
	_ =	sdelay $0x2  }
0xc0: {  	s31 =	sshll.u32 s1, $0xD;
	s1 =	sshrl.u32 s1, $0x2  }
0xc1: {  	s3 =	sand.u32 $0x4000, s31;
	s1 =	sadd.s32 s1, s30  }
0xc2: {  	s0 =	sor.u32 s3, s0;
	s1 =	sshll.u32 s1, $0x11  }
0xc3: {  	s0 =	sor.u32 s1, s0  }
0xc4: {  	s0 =	sadd.s32 $0x8F2B, s0  }
0xc5: {  	[sflag:s0] =	ssyncadd.remote.s32 $0x1  }
0xc6: {  	_ =	sfence.sel $0xFFFF  }
0xc7: {  	[dreg:$0x0] =	wrdreg $0xFFFFFFFF;
	(pc) =	sbr.abs _section_cstart, $3  }
0xc8: {  	[dreg:$0x1] =	wrdreg $0xFFFFFFFF  }
0xc9: {  	_ =	task.clear_ibuf [dreg:s8], $0x2FFFF;
	_ =	strace $0x9FFFFFFF  }
0xca: {  	(tm) =	ssettm $0x7FFFFFFF  }
0xcb: {  	_ =	shalt  }
tec
execute0_lowered:
.L_overlay_start_1:
0x0: {  	(tag) =	ssettag $0x1  }
0x1: {  	s0 =	rddreg [dreg:$0x0]  }
0x2: {  	s1 =	rddreg [dreg:$0x1]  }
0x3: {  	s22 =	rddreg [dreg:$0x2]  }
0x4: {  	s3 =	rddreg [dreg:$0x3]  }
0x5: {  	s4 =	simm.s32 $0x0;
	s2 =	srdreg.scid;
	s11 =	stileid.u32  }
0x6: {  	s20 =	simm.s32 $0xFA0;
	s29 =	simm.s32 $0x23F0;
	s30 =	simm.s32 $0x2  }
0x7: {  	s31 =	simm.s32 $0x7D0;
	[dreg:$0x5] =	wrdreg s0;
	s6 =	smul.u32 $0x50000, s11  }
0x8: {  	[smem:$0x7FF] =	sst s4;
	s2 =	sand.u32 $0x1, s2;
	s5 =	sadd.s32 $0xA800, s22  }
0x9: {  	s0 =	sadd.s32 $0x14600, s22;
	s13 =	smul.u32 $0x4E0, s11;
	s6 =	sshrl.u32 s6, $0x2  }
0xa: {  	s18 =	smul.u32 $0x4E000, s11;
	p0 =	sne.s32 s11, $0xF;
	s6 =	sadd.s32 s6, s3  }
0xb: {  	_ =	strace $0x8000004A;
	[dreg:$0x6] =	wrdreg s20;
	s9 =	sadd.s32 $0x1400, s6  }
0xc: {  	s28 =	smul.u32 $0x4E20, s11;
	s23 =	sadd.s32 $0x2800, s6;
	[dreg:$0x7] =	wrdreg s9  }
0xd: {  	s7 =	ssub.s32 $0x2, s2;
	s24 =	sadd.s32 $0x3C00, s6;
	[dreg:$0x8] =	wrdreg s23  }
0xe: {  	s8 =	sshrl.u32 s7, $0x1;
	s25 =	sadd.s32 $0x5000, s6;
	[dreg:$0x9] =	wrdreg s24  }
0xf: {  	s19 =	sshrl.u32 s18, $0x2;
	s26 =	sadd.s32 $0x6400, s6;
	[dreg:$0xa] =	wrdreg s25  }
0x10: {  	s7 =	ssub.s32 s7, s8;
	s10 =	sadd.s32 $0x7800, s6;
	[dreg:$0xb] =	wrdreg s26  }
0x11: {  	s8 =	smul.u32 $0x4E20, s2;
	s12 =	sadd.s32 $0x8C00, s6;
	[dreg:$0xc] =	wrdreg s10  }
0x12: {  	s2 =	smul.u32 $0x138800, s2;
	s14 =	sadd.s32 $0xB400, s6;
	[dreg:$0xd] =	wrdreg s12  }
0x13: {  	s15 =	sadd.s32 $0xC800, s6;
	s16 =	sadd.s32 $0xDC00, s6;
	[dreg:$0xf] =	wrdreg s14  }
0x14: {  	s17 =	sadd.s32 $0xF000, s6;
	s22 =	smax.u32 s7, $0x1;
	[dreg:$0x10] =	wrdreg s15  }
0x15: {  	s7 =	simm.s32 $0x1;
	s10 =	sadd.s32 $0xA000, s6;
	[dreg:$0x11] =	wrdreg s16  }
0x16: {  	s9 =	sadd.s32 s13, s8;
	[dreg:$0x12] =	wrdreg s17;
	s12 =	sadd.s32 $0x10400, s6  }
0x17: {  	s2 =	sshrl.u32 s2, $0x3;
	s25 =	sadd.s32 $0x11800, s6;
	s26 =	sadd.s32 $0x12C00, s6  }
0x18: {  	s21 =	sadd.s32 $0x4E20, s8;
	[dreg:$0xe] =	wrdreg s10;
	s9 =	sshll.u32 s9, $0x3  }
0x19: {  	[dreg:$0x13] =	wrdreg s12;
	s9 =	sadd.s32 s0, s9;
	s0 =	sadd.s32 s0, s2  }
0x1a: {  	s2 =	simm.s32 $0xFF0;
	[dreg:$0x14] =	wrdreg s9;
	s0 =	sadd.s32 $0x27000, s0  }
0x1b: {  	v2 =	vimm.f32 $0.0e+00;
	s9 =	sadd.s32 s19, s3;
	[dreg:$0x15] =	wrdreg s0;
	s0 =	sadd.s32 $0x138000, s3  }
0x1c: {  	v3 =	vlaneseq.u32;
	v0 =	vmov s8;
	v1 =	vmov s21;
	s23 =	sshrl.u32 s9, $0x3;
	s24 =	sshrl.u32 @!p0 s0, $0x3;
	s0 =	simm.s32 $0x50  }
.LBB2_1:
0x1d: {  	[tilespmem:$0x23F0] =	vst v2  }
0x1e: {  	[tilespmem:$0x2400] =	vst v2  }
0x1f: {  	[tilespmem:$0x2410] =	vst v2  }
0x20: {  	[tilespmem:$0x2420] =	vst v2  }
0x21: {  	[tilespmem:$0x2430] =	vst v2  }
0x22: {  	[tilespmem:$0x2440] =	vst v2  }
0x23: {  	[tilespmem:$0x2450] =	vst v2  }
0x24: {  	[tilespmem:$0x2460] =	vst v2  }
0x25: {  	[tilespmem:$0x2470] =	vst v2  }
0x26: {  	[tilespmem:$0x2480] =	vst v2  }
0x27: {  	[tilespmem:$0x2490] =	vst v2  }
0x28: {  	[tilespmem:$0x24A0] =	vst v2  }
0x29: {  	[tilespmem:$0x24B0] =	vst v2  }
0x2a: {  	[tilespmem:$0x24C0] =	vst v2  }
0x2b: {  	[tilespmem:$0x24D0] =	vst v2  }
0x2c: {  	[tilespmem:$0x24E0] =	vst v2  }
0x2d: {  	[tilespmem:$0x24F0] =	vst v2  }
0x2e: {  	[tilespmem:$0x2500] =	vst v2  }
0x2f: {  	[tilespmem:$0x2510] =	vst v2  }
0x30: {  	[tilespmem:$0x2520] =	vst v2  }
0x31: {  	[tilespmem:$0x2530] =	vst v2  }
0x32: {  	[tilespmem:$0x2540] =	vst v2  }
0x33: {  	[tilespmem:$0x2550] =	vst v2  }
0x34: {  	[tilespmem:$0x2560] =	vst v2  }
0x35: {  	[tilespmem:$0x2570] =	vst v2  }
0x36: {  	[tilespmem:$0x2580] =	vst v2  }
0x37: {  	[tilespmem:$0x2590] =	vst v2  }
0x38: {  	[tilespmem:$0x25A0] =	vst v2  }
0x39: {  	[tilespmem:$0x25B0] =	vst v2  }
0x3a: {  	[tilespmem:$0x25C0] =	vst v2  }
0x3b: {  	[tilespmem:$0x25D0] =	vst v2  }
0x3c: {  	[tilespmem:$0x25E0] =	vst v2  }
0x3d: {  	[tilespmem:$0x25F0] =	vst v2  }
0x3e: {  	[tilespmem:$0x2600] =	vst v2  }
0x3f: {  	[tilespmem:$0x2610] =	vst v2  }
0x40: {  	[tilespmem:$0x2620] =	vst v2  }
0x41: {  	[tilespmem:$0x2630] =	vst v2  }
0x42: {  	[tilespmem:$0x2640] =	vst v2  }
0x43: {  	[tilespmem:$0x2650] =	vst v2  }
0x44: {  	[tilespmem:$0x2660] =	vst v2  }
0x45: {  	[tilespmem:$0x2670] =	vst v2  }
0x46: {  	[tilespmem:$0x2680] =	vst v2  }
0x47: {  	[tilespmem:$0x2690] =	vst v2  }
0x48: {  	[tilespmem:$0x26A0] =	vst v2  }
0x49: {  	[tilespmem:$0x26B0] =	vst v2  }
0x4a: {  	[tilespmem:$0x26C0] =	vst v2  }
0x4b: {  	[tilespmem:$0x26D0] =	vst v2  }
0x4c: {  	[tilespmem:$0x26E0] =	vst v2  }
0x4d: {  	[tilespmem:$0x26F0] =	vst v2  }
0x4e: {  	[tilespmem:$0x2700] =	vst v2  }
0x4f: {  	[tilespmem:$0x2710] =	vst v2  }
0x50: {  	[tilespmem:$0x2720] =	vst v2  }
0x51: {  	[tilespmem:$0x2730] =	vst v2  }
0x52: {  	[tilespmem:$0x2740] =	vst v2  }
0x53: {  	[tilespmem:$0x2750] =	vst v2  }
0x54: {  	[tilespmem:$0x2760] =	vst v2  }
0x55: {  	[tilespmem:$0x2770] =	vst v2  }
0x56: {  	[tilespmem:$0x2780] =	vst v2  }
0x57: {  	[tilespmem:$0x2790] =	vst v2  }
0x58: {  	[tilespmem:$0x27A0] =	vst v2  }
0x59: {  	[tilespmem:$0x27B0] =	vst v2  }
0x5a: {  	[tilespmem:$0x27C0] =	vst v2  }
0x5b: {  	[tilespmem:$0x27D0] =	vst v2  }
0x5c: {  	[tilespmem:$0x27E0] =	vst v2  }
0x5d: {  	[tilespmem:$0x27F0] =	vst v2  }
0x5e: {  	[tilespmem:$0x2800] =	vst v2  }
0x5f: {  	[tilespmem:$0x2810] =	vst v2  }
0x60: {  	[tilespmem:$0x2820] =	vst v2  }
0x61: {  	[tilespmem:$0x2830] =	vst v2  }
0x62: {  	[tilespmem:$0x2840] =	vst v2  }
0x63: {  	[tilespmem:$0x2850] =	vst v2  }
0x64: {  	[tilespmem:$0x2860] =	vst v2  }
0x65: {  	[tilespmem:$0x2870] =	vst v2  }
0x66: {  	[tilespmem:$0x2880] =	vst v2  }
0x67: {  	[tilespmem:$0x2890] =	vst v2  }
0x68: {  	[tilespmem:$0x28A0] =	vst v2  }
0x69: {  	[tilespmem:$0x28B0] =	vst v2  }
0x6a: {  	[tilespmem:$0x28C0] =	vst v2  }
0x6b: {  	[tilespmem:$0x28D0] =	vst v2  }
0x6c: {  	[tilespmem:$0x28E0] =	vst v2  }
0x6d: {  	[tilespmem:$0x28F0] =	vst v2  }
0x6e: {  	[tilespmem:$0x2900] =	vst v2  }
0x6f: {  	[tilespmem:$0x2910] =	vst v2  }
0x70: {  	[tilespmem:$0x2920] =	vst v2  }
0x71: {  	[tilespmem:$0x2930] =	vst v2  }
0x72: {  	[tilespmem:$0x2940] =	vst v2  }
0x73: {  	[tilespmem:$0x2950] =	vst v2  }
0x74: {  	[tilespmem:$0x2960] =	vst v2  }
0x75: {  	[tilespmem:$0x2970] =	vst v2  }
0x76: {  	[tilespmem:$0x2980] =	vst v2  }
0x77: {  	[tilespmem:$0x2990] =	vst v2  }
0x78: {  	[tilespmem:$0x29A0] =	vst v2  }
0x79: {  	[tilespmem:$0x29B0] =	vst v2  }
0x7a: {  	[tilespmem:$0x29C0] =	vst v2  }
0x7b: {  	[tilespmem:$0x29D0] =	vst v2  }
0x7c: {  	[tilespmem:$0x29E0] =	vst v2  }
0x7d: {  	[tilespmem:$0x29F0] =	vst v2  }
0x7e: {  	[tilespmem:$0x2A00] =	vst v2  }
0x7f: {  	[tilespmem:$0x2A10] =	vst v2  }
0x80: {  	[tilespmem:$0x2A20] =	vst v2  }
0x81: {  	[tilespmem:$0x2A30] =	vst v2  }
0x82: {  	[tilespmem:$0x2A40] =	vst v2  }
0x83: {  	[tilespmem:$0x2A50] =	vst v2  }
0x84: {  	[tilespmem:$0x2A60] =	vst v2  }
0x85: {  	[tilespmem:$0x2A70] =	vst v2  }
0x86: {  	[tilespmem:$0x2A80] =	vst v2  }
0x87: {  	[tilespmem:$0x2A90] =	vst v2  }
0x88: {  	[tilespmem:$0x2AA0] =	vst v2  }
0x89: {  	[tilespmem:$0x2AB0] =	vst v2  }
0x8a: {  	[tilespmem:$0x2AC0] =	vst v2  }
0x8b: {  	[tilespmem:$0x2AD0] =	vst v2  }
0x8c: {  	[tilespmem:$0x2AE0] =	vst v2  }
0x8d: {  	[tilespmem:$0x2AF0] =	vst v2  }
0x8e: {  	[tilespmem:$0x2B00] =	vst v2  }
0x8f: {  	[tilespmem:$0x2B10] =	vst v2  }
0x90: {  	[tilespmem:$0x2B20] =	vst v2  }
0x91: {  	[tilespmem:$0x2B30] =	vst v2  }
0x92: {  	[tilespmem:$0x2B40] =	vst v2  }
0x93: {  	[tilespmem:$0x2B50] =	vst v2  }
0x94: {  	[tilespmem:$0x2B60] =	vst v2  }
0x95: {  	[tilespmem:$0x2B70] =	vst v2  }
0x96: {  	[tilespmem:$0x2B80] =	vst v2  }
0x97: {  	[tilespmem:$0x2B90] =	vst v2  }
0x98: {  	[tilespmem:$0x2BA0] =	vst v2  }
0x99: {  	[tilespmem:$0x2BB0] =	vst v2  }
0x9a: {  	[tilespmem:$0x2BC0] =	vst v2  }
0x9b: {  	[tilespmem:$0x2BD0] =	vst v2  }
0x9c: {  	[tilespmem:$0x2BE0] =	vst v2  }
0x9d: {  	[tilespmem:$0x2BF0] =	vst v2  }
0x9e: {  	[tilespmem:$0x2C00] =	vst v2  }
0x9f: {  	[tilespmem:$0x2C10] =	vst v2  }
0xa0: {  	[tilespmem:$0x2C20] =	vst v2  }
0xa1: {  	[tilespmem:$0x2C30] =	vst v2  }
0xa2: {  	[tilespmem:$0x2C40] =	vst v2  }
0xa3: {  	[tilespmem:$0x2C50] =	vst v2  }
0xa4: {  	[tilespmem:$0x2C60] =	vst v2  }
0xa5: {  	[tilespmem:$0x2C70] =	vst v2  }
0xa6: {  	[tilespmem:$0x2C80] =	vst v2  }
0xa7: {  	[tilespmem:$0x2C90] =	vst v2  }
0xa8: {  	[tilespmem:$0x2CA0] =	vst v2  }
0xa9: {  	[tilespmem:$0x2CB0] =	vst v2  }
0xaa: {  	[tilespmem:$0x2CC0] =	vst v2  }
0xab: {  	[tilespmem:$0x2CD0] =	vst v2  }
0xac: {  	[tilespmem:$0x2CE0] =	vst v2  }
0xad: {  	[tilespmem:$0x2CF0] =	vst v2  }
0xae: {  	[tilespmem:$0x2D00] =	vst v2  }
0xaf: {  	[tilespmem:$0x2D10] =	vst v2  }
0xb0: {  	[tilespmem:$0x2D20] =	vst v2  }
0xb1: {  	[tilespmem:$0x2D30] =	vst v2  }
0xb2: {  	[tilespmem:$0x2D40] =	vst v2  }
0xb3: {  	[tilespmem:$0x2D50] =	vst v2  }
0xb4: {  	[tilespmem:$0x2D60] =	vst v2  }
0xb5: {  	[tilespmem:$0x2D70] =	vst v2  }
0xb6: {  	[tilespmem:$0x2D80] =	vst v2  }
0xb7: {  	[tilespmem:$0x2D90] =	vst v2  }
0xb8: {  	[tilespmem:$0x2DA0] =	vst v2  }
0xb9: {  	[tilespmem:$0x2DB0] =	vst v2  }
0xba: {  	[tilespmem:$0x2DC0] =	vst v2  }
0xbb: {  	[tilespmem:$0x2DD0] =	vst v2  }
0xbc: {  	[tilespmem:$0x2DE0] =	vst v2  }
0xbd: {  	[tilespmem:$0x2DF0] =	vst v2  }
0xbe: {  	[tilespmem:$0x2E00] =	vst v2  }
0xbf: {  	[tilespmem:$0x2E10] =	vst v2  }
0xc0: {  	[tilespmem:$0x2E20] =	vst v2  }
0xc1: {  	[tilespmem:$0x2E30] =	vst v2  }
0xc2: {  	[tilespmem:$0x2E40] =	vst v2  }
0xc3: {  	[tilespmem:$0x2E50] =	vst v2  }
0xc4: {  	[tilespmem:$0x2E60] =	vst v2  }
0xc5: {  	[tilespmem:$0x2E70] =	vst v2  }
0xc6: {  	[tilespmem:$0x2E80] =	vst v2  }
0xc7: {  	[tilespmem:$0x2E90] =	vst v2  }
0xc8: {  	[tilespmem:$0x2EA0] =	vst v2  }
0xc9: {  	[tilespmem:$0x2EB0] =	vst v2  }
0xca: {  	[tilespmem:$0x2EC0] =	vst v2  }
0xcb: {  	[tilespmem:$0x2ED0] =	vst v2  }
0xcc: {  	[tilespmem:$0x2EE0] =	vst v2  }
0xcd: {  	[tilespmem:$0x2EF0] =	vst v2  }
0xce: {  	[tilespmem:$0x2F00] =	vst v2  }
0xcf: {  	[tilespmem:$0x2F10] =	vst v2  }
0xd0: {  	[tilespmem:$0x2F20] =	vst v2  }
0xd1: {  	[tilespmem:$0x2F30] =	vst v2  }
0xd2: {  	[tilespmem:$0x2F40] =	vst v2  }
0xd3: {  	[tilespmem:$0x2F50] =	vst v2  }
0xd4: {  	[tilespmem:$0x2F60] =	vst v2  }
0xd5: {  	[tilespmem:$0x2F70] =	vst v2  }
0xd6: {  	[tilespmem:$0x2F80] =	vst v2  }
0xd7: {  	[tilespmem:$0x2F90] =	vst v2  }
0xd8: {  	[tilespmem:$0x2FA0] =	vst v2  }
0xd9: {  	[tilespmem:$0x2FB0] =	vst v2  }
0xda: {  	[tilespmem:$0x2FC0] =	vst v2  }
0xdb: {  	[tilespmem:$0x2FD0] =	vst v2  }
0xdc: {  	[tilespmem:$0x2FE0] =	vst v2  }
0xdd: {  	[tilespmem:$0x2FF0] =	vst v2  }
0xde: {  	[tilespmem:$0x3000] =	vst v2  }
0xdf: {  	[tilespmem:$0x3010] =	vst v2  }
0xe0: {  	[tilespmem:$0x3020] =	vst v2  }
0xe1: {  	[tilespmem:$0x3030] =	vst v2  }
0xe2: {  	[tilespmem:$0x3040] =	vst v2  }
0xe3: {  	[tilespmem:$0x3050] =	vst v2  }
0xe4: {  	[tilespmem:$0x3060] =	vst v2  }
0xe5: {  	[tilespmem:$0x3070] =	vst v2  }
0xe6: {  	[tilespmem:$0x3080] =	vst v2  }
0xe7: {  	[tilespmem:$0x3090] =	vst v2  }
0xe8: {  	[tilespmem:$0x30A0] =	vst v2  }
0xe9: {  	[tilespmem:$0x30B0] =	vst v2  }
0xea: {  	[tilespmem:$0x30C0] =	vst v2  }
0xeb: {  	[tilespmem:$0x30D0] =	vst v2  }
0xec: {  	[tilespmem:$0x30E0] =	vst v2  }
0xed: {  	[tilespmem:$0x30F0] =	vst v2  }
0xee: {  	[tilespmem:$0x3100] =	vst v2  }
0xef: {  	[tilespmem:$0x3110] =	vst v2  }
0xf0: {  	[tilespmem:$0x3120] =	vst v2  }
0xf1: {  	[tilespmem:$0x3130] =	vst v2  }
0xf2: {  	[tilespmem:$0x3140] =	vst v2  }
0xf3: {  	[tilespmem:$0x3150] =	vst v2  }
0xf4: {  	[tilespmem:$0x3160] =	vst v2  }
0xf5: {  	[tilespmem:$0x3170] =	vst v2  }
0xf6: {  	[tilespmem:$0x3180] =	vst v2  }
0xf7: {  	[tilespmem:$0x3190] =	vst v2  }
0xf8: {  	[tilespmem:$0x31A0] =	vst v2  }
0xf9: {  	[tilespmem:$0x31B0] =	vst v2  }
0xfa: {  	[tilespmem:$0x31C0] =	vst v2  }
0xfb: {  	[tilespmem:$0x31D0] =	vst v2  }
0xfc: {  	[tilespmem:$0x31E0] =	vst v2  }
0xfd: {  	[tilespmem:$0x31F0] =	vst v2  }
0xfe: {  	[tilespmem:$0x3200] =	vst v2  }
0xff: {  	[tilespmem:$0x3210] =	vst v2  }
0x100: {  	[tilespmem:$0x3220] =	vst v2  }
0x101: {  	[tilespmem:$0x3230] =	vst v2  }
0x102: {  	[tilespmem:$0x3240] =	vst v2  }
0x103: {  	[tilespmem:$0x3250] =	vst v2  }
0x104: {  	[tilespmem:$0x3260] =	vst v2  }
0x105: {  	[tilespmem:$0x3270] =	vst v2  }
0x106: {  	[tilespmem:$0x3280] =	vst v2  }
0x107: {  	[tilespmem:$0x3290] =	vst v2  }
0x108: {  	[tilespmem:$0x32A0] =	vst v2  }
0x109: {  	[tilespmem:$0x32B0] =	vst v2  }
0x10a: {  	[tilespmem:$0x32C0] =	vst v2  }
0x10b: {  	[tilespmem:$0x32D0] =	vst v2  }
0x10c: {  	[tilespmem:$0x32E0] =	vst v2  }
0x10d: {  	[tilespmem:$0x32F0] =	vst v2  }
0x10e: {  	[tilespmem:$0x3300] =	vst v2  }
0x10f: {  	[tilespmem:$0x3310] =	vst v2  }
0x110: {  	[tilespmem:$0x3320] =	vst v2  }
0x111: {  	[tilespmem:$0x3330] =	vst v2  }
0x112: {  	[tilespmem:$0x3340] =	vst v2  }
0x113: {  	[tilespmem:$0x3350] =	vst v2  }
0x114: {  	[tilespmem:$0x3360] =	vst v2  }
0x115: {  	[tilespmem:$0x3370] =	vst v2  }
0x116: {  	[tilespmem:$0x3380] =	vst v2  }
0x117: {  	[tilespmem:$0x3390] =	vst v2  }
0x118: {  	[tilespmem:$0x33A0] =	vst v2  }
0x119: {  	[tilespmem:$0x33B0] =	vst v2  }
0x11a: {  	[tilespmem:$0x33C0] =	vst v2  }
0x11b: {  	[tilespmem:$0x33D0] =	vst v2  }
0x11c: {  	[tilespmem:$0x33E0] =	vst v2  }
0x11d: {  	[tilespmem:$0x33F0] =	vst v2  }
0x11e: {  	[tilespmem:$0x3400] =	vst v2  }
0x11f: {  	[tilespmem:$0x3410] =	vst v2  }
0x120: {  	[tilespmem:$0x3420] =	vst v2  }
0x121: {  	[tilespmem:$0x3430] =	vst v2  }
0x122: {  	[tilespmem:$0x3440] =	vst v2  }
0x123: {  	[tilespmem:$0x3450] =	vst v2  }
0x124: {  	[tilespmem:$0x3460] =	vst v2  }
0x125: {  	[tilespmem:$0x3470] =	vst v2  }
0x126: {  	[tilespmem:$0x3480] =	vst v2  }
0x127: {  	[tilespmem:$0x3490] =	vst v2  }
0x128: {  	[tilespmem:$0x34A0] =	vst v2  }
0x129: {  	[tilespmem:$0x34B0] =	vst v2  }
0x12a: {  	[tilespmem:$0x34C0] =	vst v2  }
0x12b: {  	[tilespmem:$0x34D0] =	vst v2  }
0x12c: {  	[tilespmem:$0x34E0] =	vst v2  }
0x12d: {  	[tilespmem:$0x34F0] =	vst v2  }
0x12e: {  	[tilespmem:$0x3500] =	vst v2  }
0x12f: {  	[tilespmem:$0x3510] =	vst v2  }
0x130: {  	[tilespmem:$0x3520] =	vst v2  }
0x131: {  	[tilespmem:$0x3530] =	vst v2  }
0x132: {  	[tilespmem:$0x3540] =	vst v2  }
0x133: {  	[tilespmem:$0x3550] =	vst v2  }
0x134: {  	[tilespmem:$0x3560] =	vst v2  }
0x135: {  	[tilespmem:$0x3570] =	vst v2  }
0x136: {  	[tilespmem:$0x3580] =	vst v2  }
0x137: {  	[tilespmem:$0x3590] =	vst v2  }
0x138: {  	[tilespmem:$0x35A0] =	vst v2  }
0x139: {  	[tilespmem:$0x35B0] =	vst v2  }
0x13a: {  	[tilespmem:$0x35C0] =	vst v2  }
0x13b: {  	[tilespmem:$0x35D0] =	vst v2  }
0x13c: {  	[tilespmem:$0x35E0] =	vst v2  }
0x13d: {  	[tilespmem:$0x35F0] =	vst v2  }
0x13e: {  	[tilespmem:$0x3600] =	vst v2  }
0x13f: {  	[tilespmem:$0x3610] =	vst v2  }
0x140: {  	[tilespmem:$0x3620] =	vst v2  }
0x141: {  	[tilespmem:$0x3630] =	vst v2  }
0x142: {  	[tilespmem:$0x3640] =	vst v2  }
0x143: {  	[tilespmem:$0x3650] =	vst v2  }
0x144: {  	[tilespmem:$0x3660] =	vst v2  }
0x145: {  	[tilespmem:$0x3670] =	vst v2  }
0x146: {  	[tilespmem:$0x3680] =	vst v2  }
0x147: {  	[tilespmem:$0x3690] =	vst v2  }
0x148: {  	[tilespmem:$0x36A0] =	vst v2  }
0x149: {  	[tilespmem:$0x36B0] =	vst v2  }
0x14a: {  	[tilespmem:$0x36C0] =	vst v2  }
0x14b: {  	[tilespmem:$0x36D0] =	vst v2  }
0x14c: {  	[tilespmem:$0x36E0] =	vst v2  }
0x14d: {  	[tilespmem:$0x36F0] =	vst v2  }
0x14e: {  	[tilespmem:$0x3700] =	vst v2  }
0x14f: {  	[tilespmem:$0x3710] =	vst v2  }
0x150: {  	[tilespmem:$0x3720] =	vst v2  }
0x151: {  	[tilespmem:$0x3730] =	vst v2  }
0x152: {  	[tilespmem:$0x3740] =	vst v2  }
0x153: {  	[tilespmem:$0x3750] =	vst v2  }
0x154: {  	[tilespmem:$0x3760] =	vst v2  }
0x155: {  	[tilespmem:$0x3770] =	vst v2  }
0x156: {  	[tilespmem:$0x3780] =	vst v2  }
0x157: {  	[tilespmem:$0x3790] =	vst v2  }
0x158: {  	[tilespmem:$0x37A0] =	vst v2  }
0x159: {  	[tilespmem:$0x37B0] =	vst v2  }
0x15a: {  	[tilespmem:$0x37C0] =	vst v2  }
0x15b: {  	[tilespmem:$0x37D0] =	vst v2  }
0x15c: {  	[tilespmem:$0x37E0] =	vst v2  }
0x15d: {  	[spmem:s6] =	stream.linear.scatter [tilespmem:s29], [sflag:$0x2], $0x1400, $0x38;
	[tilespmem:$0x177F0] =	vst v63  }
0x15e: {  	_ =	swait.ge [sflag:s30], $0x1400  }
0x15f: {  	[sflag:s30] =	ssyncset.done $0x0  }
0x160: {  	s8 =	rddreg [dreg:$0x7];
	[sflag:s30] =	ssyncadd.s32 $0xFFFFEC00  }
0x161: {  	[spmem:s8] =	stream.linear.scatter [tilespmem:s29], [sflag:$0x2], $0x1400, $0x38;
	[tilespmem:$0x177F0] =	vst v63  }
0x162: {  	_ =	swait.ge [sflag:s30], $0x1400  }
0x163: {  	[sflag:s30] =	ssyncset.done $0x0  }
0x164: {  	s10 =	rddreg [dreg:$0x8];
	[sflag:s30] =	ssyncadd.s32 $0xFFFFEC00  }
0x165: {  	[spmem:s10] =	stream.linear.scatter [tilespmem:s29], [sflag:$0x2], $0x1400, $0x38;
	[tilespmem:$0x177F0] =	vst v63  }
0x166: {  	_ =	swait.ge [sflag:s30], $0x1400  }
0x167: {  	[sflag:s30] =	ssyncset.done $0x0  }
0x168: {  	s11 =	rddreg [dreg:$0x9];
	[sflag:s30] =	ssyncadd.s32 $0xFFFFEC00  }
0x169: {  	[spmem:s11] =	stream.linear.scatter [tilespmem:s29], [sflag:$0x2], $0x1400, $0x38;
	[tilespmem:$0x177F0] =	vst v63  }
0x16a: {  	_ =	swait.ge [sflag:s30], $0x1400  }
0x16b: {  	[sflag:s30] =	ssyncset.done $0x0  }
0x16c: {  	s12 =	rddreg [dreg:$0xa];
	[sflag:s30] =	ssyncadd.s32 $0xFFFFEC00  }
0x16d: {  	[spmem:s12] =	stream.linear.scatter [tilespmem:s29], [sflag:$0x2], $0x1400, $0x38;
	[tilespmem:$0x177F0] =	vst v63  }
0x16e: {  	_ =	swait.ge [sflag:s30], $0x1400  }
0x16f: {  	[sflag:s30] =	ssyncset.done $0x0  }
0x170: {  	s13 =	rddreg [dreg:$0xb];
	[sflag:s30] =	ssyncadd.s32 $0xFFFFEC00  }
0x171: {  	[spmem:s13] =	stream.linear.scatter [tilespmem:s29], [sflag:$0x2], $0x1400, $0x38;
	[tilespmem:$0x177F0] =	vst v63  }
0x172: {  	_ =	swait.ge [sflag:s30], $0x1400  }
0x173: {  	[sflag:s30] =	ssyncset.done $0x0  }
0x174: {  	s14 =	rddreg [dreg:$0xc];
	[sflag:s30] =	ssyncadd.s32 $0xFFFFEC00  }
0x175: {  	[spmem:s14] =	stream.linear.scatter [tilespmem:s29], [sflag:$0x2], $0x1400, $0x38;
	[tilespmem:$0x177F0] =	vst v63  }
0x176: {  	_ =	swait.ge [sflag:s30], $0x1400  }
0x177: {  	[sflag:s30] =	ssyncset.done $0x0  }
0x178: {  	s15 =	rddreg [dreg:$0xd];
	[sflag:s30] =	ssyncadd.s32 $0xFFFFEC00  }
0x179: {  	[spmem:s15] =	stream.linear.scatter [tilespmem:s29], [sflag:$0x2], $0x1400, $0x38;
	[tilespmem:$0x177F0] =	vst v63  }
0x17a: {  	_ =	swait.ge [sflag:s30], $0x1400  }
0x17b: {  	[sflag:s30] =	ssyncset.done $0x0  }
0x17c: {  	s16 =	rddreg [dreg:$0xe];
	[sflag:s30] =	ssyncadd.s32 $0xFFFFEC00  }
0x17d: {  	[spmem:s16] =	stream.linear.scatter [tilespmem:s29], [sflag:$0x2], $0x1400, $0x38;
	[tilespmem:$0x177F0] =	vst v63  }
0x17e: {  	_ =	swait.ge [sflag:s30], $0x1400  }
0x17f: {  	[sflag:s30] =	ssyncset.done $0x0  }
0x180: {  	s17 =	rddreg [dreg:$0xf];
	[sflag:s30] =	ssyncadd.s32 $0xFFFFEC00  }
0x181: {  	[spmem:s17] =	stream.linear.scatter [tilespmem:s29], [sflag:$0x2], $0x1400, $0x38;
	[tilespmem:$0x177F0] =	vst v63  }
0x182: {  	_ =	swait.ge [sflag:s30], $0x1400  }
0x183: {  	[sflag:s30] =	ssyncset.done $0x0  }
0x184: {  	s18 =	rddreg [dreg:$0x10];
	[sflag:s30] =	ssyncadd.s32 $0xFFFFEC00  }
0x185: {  	[spmem:s18] =	stream.linear.scatter [tilespmem:s29], [sflag:$0x2], $0x1400, $0x38;
	[tilespmem:$0x177F0] =	vst v63  }
0x186: {  	_ =	swait.ge [sflag:s30], $0x1400  }
0x187: {  	[sflag:s30] =	ssyncset.done $0x0  }
0x188: {  	s19 =	rddreg [dreg:$0x11];
	[sflag:s30] =	ssyncadd.s32 $0xFFFFEC00  }
0x189: {  	[spmem:s19] =	stream.linear.scatter [tilespmem:s29], [sflag:$0x2], $0x1400, $0x38;
	[tilespmem:$0x177F0] =	vst v63  }
0x18a: {  	_ =	swait.ge [sflag:s30], $0x1400  }
0x18b: {  	[sflag:s30] =	ssyncset.done $0x0  }
0x18c: {  	s20 =	rddreg [dreg:$0x12];
	[sflag:s30] =	ssyncadd.s32 $0xFFFFEC00  }
0x18d: {  	[spmem:s20] =	stream.linear.scatter [tilespmem:s29], [sflag:$0x2], $0x1400, $0x38;
	[tilespmem:$0x177F0] =	vst v63  }
0x18e: {  	_ =	swait.ge [sflag:s30], $0x1400  }
0x18f: {  	[sflag:s30] =	ssyncset.done $0x0  }
0x190: {  	s21 =	rddreg [dreg:$0x13];
	[sflag:s30] =	ssyncadd.s32 $0xFFFFEC00  }
0x191: {  	[spmem:s21] =	stream.linear.scatter [tilespmem:s29], [sflag:$0x2], $0x1400, $0x38;
	[tilespmem:$0x177F0] =	vst v63  }
0x192: {  	_ =	swait.ge [sflag:s30], $0x1400  }
0x193: {  	[sflag:s30] =	ssyncset.done $0x0  }
0x194: {  	[sflag:s30] =	ssyncadd.s32 $0xFFFFEC00  }
0x195: {  	[spmem:s25] =	stream.linear.scatter [tilespmem:s29], [sflag:$0x2], $0x1400, $0x38;
	[tilespmem:$0x177F0] =	vst v63  }
0x196: {  	_ =	swait.ge [sflag:s30], $0x1400  }
0x197: {  	[sflag:s30] =	ssyncset.done $0x0  }
0x198: {  	[sflag:s30] =	ssyncadd.s32 $0xFFFFEC00  }
0x199: {  	[spmem:s26] =	stream.linear.scatter [tilespmem:s29], [sflag:$0x2], $0x1400, $0x38;
	[tilespmem:$0x177F0] =	vst v63  }
0x19a: {  	_ =	swait.ge [sflag:s30], $0x1400  }
0x19b: {  	[sflag:s30] =	ssyncset.done $0x0  }
0x19c: {  	[sflag:s30] =	ssyncadd.s32 $0xFFFFEC00  }
0x19d: {  	s8 =	simm.s32 $0x0;
	[bflag:$0x0] =	sbarrier.arrive $0xFFFF  }
.LBB2_2:
0x19e: {  	s9 =	smul.u32 $0x7D0, s8;
	_ =	sdelay $0x1  }
0x19f: {  	s9 =	sadd.s32 s28, s9  }
0x1a0: {  	s9 =	sshrl.u32 s9, $0x3  }
0x1a1: {  	s11 =	simm.s32 $0x0;
	s10 =	sadd.s32 s1, s9  }
0x1a2: {  	[tilespmem:s11], [sflag:$0x2] =	stream.linear.gather [hbm4b:s10+s11], $0x7D0, $0x38;
	[tilespmem:$0x177F0] =	vst v63  }
0x1a3: {  	s10 =	smul.u32 $0x5, s11;
	_ =	swait.ge [sflag:s30], $0x7D0  }
0x1a4: {  	[sflag:s30] =	ssyncset.done $0x0  }
0x1a5: {  	s9 =	sadd.s32 s5, s9;
	s15 =	sand.u32 $0xFF, s10;
	[sflag:s30] =	ssyncadd.s32 $0xFFFFF830  }
0x1a6: {  	[tilespmem:s31], [sflag:$0x2] =	stream.linear.gather [hbm4b:s9+s11], $0x7D0, $0x38;
	[tilespmem:$0x177F0] =	vst v63  }
0x1a7: {  	s13 =	smul.u32 $0x89, s15;
	_ =	swait.ge [sflag:s30], $0x7D0  }
0x1a8: {  	s9 =	simm.s32 $0x7F0;
	[sflag:s30] =	ssyncset.done $0x0  }
0x1a9: {  	s13 =	sshrl.u32 s13, $0xC;
	s12 =	rddreg [dreg:$0x5];
	[sflag:s30] =	ssyncadd.s32 $0xFFFFF830  }
0x1aa: {  	[tilespmem:s2], [sflag:$0x1] =	stream.indirect.gather [hbm4b:s12+s0], $0x40, s11, s0, $0xb8;
	[tilespmem:$0x177F0] =	vst v63  }
0x1ab: {  	s16 =	smul.u32 $0x1E, s13;
	v4 =	vld [tilespmem:s9+$0xFFFFFFE0];
	_ =	sdelay $0x1  }
0x1ac: {  	s11 =	ssub.s32 s10, s16  }
0x1ad: {  	s11 =	sand.u32 $0xFF, s11  }
0x1ae: {  	s17 =	sadd.s32 $0x1, s10;
	s11 =	sshll.u32 s11, $0x4  }
0x1af: {  	s18 =	sand.u32 $0xFF, s17;
	s11 =	sadd.s32 $0x4E20, s11;
	vm0 =	vge.s32 v4, v0;
	vm1 =	vlt.s32 v4, v1  }
0x1b0: {  	s13 =	smul.u32 $0x89, s18;
	v5 =	vor.u32 s11, v3;
	v4 =	vsub.s32 v4, v0;
	vm0 =	vmand vm0, vm1  }
0x1b1: {  	v4 =	vsel vm0, v4, v5  }
0x1b2: {  	s19 =	sshrl.u32 s13, $0xC;
	[tilespmem:$0xFA0] =	vst v4  }
0x1b3: {  	s11 =	smul.u32 $0x1E, s19;
	v4 =	vld [tilespmem:s9+$0xFFFFFFF0];
	_ =	sdelay $0x1  }
0x1b4: {  	s11 =	ssub.s32 s17, s11  }
0x1b5: {  	s11 =	sand.u32 $0xFF, s11  }
0x1b6: {  	s20 =	sadd.s32 $0x2, s10;
	s11 =	sshll.u32 s11, $0x4  }
0x1b7: {  	s21 =	sand.u32 $0xFF, s20;
	s11 =	sadd.s32 $0x4E20, s11;
	vm8 =	vge.s32 v4, v0;
	vm9 =	vlt.s32 v4, v1  }
0x1b8: {  	s13 =	smul.u32 $0x89, s21;
	v5 =	vor.u32 s11, v3;
	v4 =	vsub.s32 v4, v0;
	vm0 =	vmand vm8, vm9  }
0x1b9: {  	v4 =	vsel vm0, v4, v5  }
0x1ba: {  	s13 =	sshrl.u32 s13, $0xC;
	[tilespmem:$0xFB0] =	vst v4  }
0x1bb: {  	s11 =	smul.u32 $0x1E, s13;
	v4 =	vld [tilespmem:s9+$0x0];
	_ =	sdelay $0x1  }
0x1bc: {  	s11 =	ssub.s32 s20, s11  }
0x1bd: {  	s11 =	sand.u32 $0xFF, s11  }
0x1be: {  	s14 =	sadd.s32 $0x3, s10;
	s11 =	sshll.u32 s11, $0x4  }
0x1bf: {  	s15 =	sand.u32 $0xFF, s14;
	s11 =	sadd.s32 $0x4E20, s11;
	vm10 =	vge.s32 v4, v0;
	vm11 =	vlt.s32 v4, v1  }
0x1c0: {  	s13 =	smul.u32 $0x89, s15;
	v5 =	vor.u32 s11, v3;
	v4 =	vsub.s32 v4, v0;
	vm0 =	vmand vm10, vm11  }
0x1c1: {  	v4 =	vsel vm0, v4, v5  }
0x1c2: {  	s16 =	sshrl.u32 s13, $0xC;
	[tilespmem:$0xFC0] =	vst v4  }
0x1c3: {  	s11 =	smul.u32 $0x1E, s16;
	v4 =	vld [tilespmem:s9+$0x10];
	_ =	sdelay $0x1  }
0x1c4: {  	s11 =	ssub.s32 s14, s11  }
0x1c5: {  	s11 =	sand.u32 $0xFF, s11  }
0x1c6: {  	s10 =	sadd.s32 $0x4, s10;
	s11 =	sshll.u32 s11, $0x4  }
0x1c7: {  	s17 =	sand.u32 $0xFF, s10;
	s11 =	sadd.s32 $0x4E20, s11;
	vm12 =	vge.s32 v4, v0;
	vm13 =	vlt.s32 v4, v1  }
0x1c8: {  	s12 =	smul.u32 $0x89, s17;
	v5 =	vor.u32 s11, v3;
	v4 =	vsub.s32 v4, v0;
	vm0 =	vmand vm12, vm13  }
0x1c9: {  	v4 =	vsel vm0, v4, v5  }
0x1ca: {  	s18 =	sshrl.u32 s12, $0xC;
	[tilespmem:$0xFD0] =	vst v4  }
0x1cb: {  	s11 =	smul.u32 $0x1E, s18;
	v4 =	vld [tilespmem:s9+$0x20];
	_ =	sdelay $0x1  }
0x1cc: {  	s19 =	ssub.s32 s10, s11  }
0x1cd: {  	s9 =	sand.u32 $0xFF, s19  }
0x1ce: {  	s9 =	sshll.u32 s9, $0x4  }
0x1cf: {  	s9 =	sadd.s32 $0x4E20, s9;
	vm14 =	vge.s32 v4, v0;
	vm15 =	vlt.s32 v4, v1  }
0x1d0: {  	v5 =	vor.u32 s9, v3;
	v4 =	vsub.s32 v4, v0;
	vm0 =	vmand vm14, vm15  }
0x1d1: {  	s21 =	simm.s32 $0x1;
	v4 =	vsel vm0, v4, v5  }
0x1d2: {  	s13 =	smul.u32 $0x5, s21;
	[tilespmem:$0xFE0] =	vst v4  }
0x1d3: {  	_ =	swait.ge [sflag:s7], $0x1400  }
0x1d4: {  	s12 =	simm.s32 $0x2;
	s14 =	sadd.s32 $0x1, s13;
	[sflag:s7] =	ssyncset.done $0x0  }
0x1d5: {  	s10 =	simm.s32 $0x50;
	s20 =	rddreg [dreg:$0x6];
	[sflag:s7] =	ssyncadd.s32 $0xFFFFEC00  }
0x1d6: {  	[spmem:s3] =	stream.indirect.scatter.add.f32 [tilespmem:s2], [sflag:$0x2], $0x40, s20, s0, $0xb8;
	[tilespmem:$0x177F0] =	vst v63  }
0x1d7: {  	s11 =	sand.u32 $0xFF, s13;
	s9 =	simm.s32 $0x840;
	_ =	swait.ge [sflag:s30], $0x1400  }
.LBB2_3:
0x1d8: {  	s16 =	smul.u32 $0x89, s11  }
0x1d9: {  	s15 =	rddreg [dreg:$0x5];
	[sflag:s30] =	ssyncset.done $0x0;
	s11 =	smov.u32 s12  }
0x1da: {  	s17 =	sadd.s32 $0x2, s13;
	[sflag:s30] =	ssyncadd.s32 $0xFFFFEC00;
	s16 =	sshrl.u32 s16, $0xC  }
0x1db: {  	[tilespmem:s2], [sflag:$0x1] =	stream.indirect.gather [hbm4b:s15+s0], $0x40, s10, s0, $0xb8;
	[tilespmem:$0x177F0] =	vst v63  }
0x1dc: {  	s18 =	sadd.s32 $0x3, s13;
	s21 =	sadd.s32 $0x4, s13;
	v4 =	vld [tilespmem:s9+$0xFFFFFFE0];
	s16 =	smul.u32 $0x1E, s16  }
0x1dd: {  	p1 =	sne.s32 s12, $0x18;
	s19 =	sand.u32 $0xFF, s17;
	s15 =	sadd.s32 $0x1, s12  }
0x1de: {  	s12 =	smul.u32 $0x89, s19;
	s19 =	sand.u32 $0xFF, s21;
	s13 =	ssub.s32 s13, s16  }
0x1df: {  	s20 =	sand.u32 $0xFF, s18;
	s19 =	smul.u32 $0x89, s19;
	s13 =	sand.u32 $0xFF, s13  }
0x1e0: {  	s12 =	sshrl.u32 s12, $0xC;
	s16 =	smul.u32 $0x89, s20;
	s13 =	sshll.u32 s13, $0x4  }
0x1e1: {  	s20 =	sand.u32 $0xFF, s14;
	s12 =	smul.u32 $0x1E, s12;
	vm0 =	vge.s32 v4, v0;
	vm1 =	vlt.s32 v4, v1;
	s13 =	sadd.s32 $0x4E20, s13  }
0x1e2: {  	s20 =	smul.u32 $0x89, s20;
	s16 =	sshrl.u32 s16, $0xC;
	v4 =	vsub.s32 v4, v0;
	vm0 =	vmand vm0, vm1;
	v5 =	vor.u32 s13, v3  }
0x1e3: {  	s12 =	ssub.s32 s17, s12;
	s17 =	sshrl.u32 s19, $0xC;
	s13 =	smul.u32 $0x1E, s16;
	v4 =	vsel vm0, v4, v5  }
0x1e4: {  	s19 =	sshrl.u32 s20, $0xC;
	s16 =	smul.u32 $0x1E, s17;
	[tilespmem:$0xFA0] =	vst v4  }
0x1e5: {  	s17 =	smul.u32 $0x1E, s19;
	v4 =	vld [tilespmem:s9+$0xFFFFFFF0];
	_ =	sdelay $0x1  }
0x1e6: {  	s20 =	ssub.s32 s14, s17  }
0x1e7: {  	s14 =	sand.u32 $0xFF, s20  }
0x1e8: {  	s14 =	sshll.u32 s14, $0x4  }
0x1e9: {  	s14 =	sadd.s32 $0x4E20, s14;
	vm8 =	vge.s32 v4, v0;
	vm9 =	vlt.s32 v4, v1  }
0x1ea: {  	v5 =	vor.u32 s14, v3;
	v4 =	vsub.s32 v4, v0;
	vm0 =	vmand vm8, vm9  }
0x1eb: {  	v4 =	vsel vm0, v4, v5  }
0x1ec: {  	[tilespmem:$0xFB0] =	vst v4  }
0x1ed: {  	v4 =	vld [tilespmem:s9+$0x0];
	_ =	sdelay $0x2  }
0x1ee: {  	s12 =	sand.u32 $0xFF, s12  }
0x1ef: {  	s12 =	sshll.u32 s12, $0x4  }
0x1f0: {  	s12 =	sadd.s32 $0x4E20, s12;
	vm10 =	vge.s32 v4, v0;
	vm11 =	vlt.s32 v4, v1  }
0x1f1: {  	v5 =	vor.u32 s12, v3;
	v4 =	vsub.s32 v4, v0;
	vm0 =	vmand vm10, vm11  }
0x1f2: {  	v4 =	vsel vm0, v4, v5  }
0x1f3: {  	[tilespmem:$0xFC0] =	vst v4  }
0x1f4: {  	v4 =	vld [tilespmem:s9+$0x10];
	_ =	sdelay $0x1  }
0x1f5: {  	s13 =	ssub.s32 s18, s13  }
0x1f6: {  	s13 =	sand.u32 $0xFF, s13  }
0x1f7: {  	s13 =	sshll.u32 s13, $0x4  }
0x1f8: {  	s13 =	sadd.s32 $0x4E20, s13;
	vm12 =	vge.s32 v4, v0;
	vm13 =	vlt.s32 v4, v1  }
0x1f9: {  	v5 =	vor.u32 s13, v3;
	v4 =	vsub.s32 v4, v0;
	vm0 =	vmand vm12, vm13  }
0x1fa: {  	v4 =	vsel vm0, v4, v5  }
0x1fb: {  	[tilespmem:$0xFD0] =	vst v4  }
0x1fc: {  	v4 =	vld [tilespmem:s9+$0x20];
	_ =	sdelay $0x1  }
0x1fd: {  	s16 =	ssub.s32 s21, s16  }
0x1fe: {  	s16 =	sand.u32 $0xFF, s16  }
0x1ff: {  	s16 =	sshll.u32 s16, $0x4  }
0x200: {  	s16 =	sadd.s32 $0x4E20, s16;
	vm14 =	vge.s32 v4, v0;
	vm15 =	vlt.s32 v4, v1  }
0x201: {  	v5 =	vor.u32 s16, v3;
	v4 =	vsub.s32 v4, v0;
	vm0 =	vmand vm14, vm15  }
0x202: {  	v4 =	vsel vm0, v4, v5  }
0x203: {  	s13 =	smul.u32 $0x5, s11;
	[tilespmem:$0xFE0] =	vst v4  }
.Ltmp0:
0x204: {  	_ =	swait.ge [sflag:s7], $0x1400;
	(pc) =	sbr.rel @p1 .LBB2_3-.Ltmp0, $4  }
0x205: {  	s10 =	sadd.s32 $0x50, s10;
	s12 =	smov.u32 s15;
	[sflag:s7] =	ssyncset.done $0x0  }
0x206: {  	s11 =	sand.u32 $0xFF, s13;
	s21 =	rddreg [dreg:$0x6];
	[sflag:s7] =	ssyncadd.s32 $0xFFFFEC00  }
0x207: {  	[spmem:s3] =	stream.indirect.scatter.add.f32 [tilespmem:s2], [sflag:$0x2], $0x40, s21, s0, $0xb8;
	[tilespmem:$0x177F0] =	vst v63  }
0x208: {  	s14 =	sadd.s32 $0x1, s13;
	s9 =	sadd.s32 $0x50, s9;
	_ =	swait.ge [sflag:s30], $0x1400  }
0x209: {  	s11 =	smul.u32 $0x89, s11  }
0x20a: {  	[sflag:s30] =	ssyncset.done $0x0  }
0x20b: {  	s12 =	rddreg [dreg:$0x5];
	[sflag:s30] =	ssyncadd.s32 $0xFFFFEC00;
	s11 =	sshrl.u32 s11, $0xC  }
0x20c: {  	[tilespmem:s2], [sflag:$0x1] =	stream.indirect.gather [hbm4b:s12+s0], $0x40, s10, s0, $0xb8;
	[tilespmem:$0x177F0] =	vst v63  }
0x20d: {  	v4 =	vld [tilespmem:s9+$0xFFFFFFE0];
	s17 =	smul.u32 $0x1E, s11;
	_ =	sdelay $0x1  }
0x20e: {  	s10 =	ssub.s32 s13, s17  }
0x20f: {  	s10 =	sand.u32 $0xFF, s10  }
0x210: {  	s10 =	sshll.u32 s10, $0x4  }
0x211: {  	s18 =	sand.u32 $0xFF, s14;
	vm0 =	vge.s32 v4, v0;
	vm1 =	vlt.s32 v4, v1;
	s10 =	sadd.s32 $0x4E20, s10  }
0x212: {  	s11 =	smul.u32 $0x89, s18;
	v4 =	vsub.s32 v4, v0;
	vm0 =	vmand vm0, vm1;
	v5 =	vor.u32 s10, v3  }
0x213: {  	v4 =	vsel vm0, v4, v5  }
0x214: {  	s19 =	sshrl.u32 s11, $0xC;
	[tilespmem:$0xFA0] =	vst v4  }
0x215: {  	s10 =	smul.u32 $0x1E, s19;
	v4 =	vld [tilespmem:s9+$0xFFFFFFF0];
	_ =	sdelay $0x1  }
0x216: {  	s10 =	ssub.s32 s14, s10  }
0x217: {  	s10 =	sand.u32 $0xFF, s10  }
0x218: {  	s20 =	sadd.s32 $0x2, s13;
	s10 =	sshll.u32 s10, $0x4  }
0x219: {  	s21 =	sand.u32 $0xFF, s20;
	s10 =	sadd.s32 $0x4E20, s10;
	vm8 =	vge.s32 v4, v0;
	vm9 =	vlt.s32 v4, v1  }
0x21a: {  	s12 =	smul.u32 $0x89, s21;
	v5 =	vor.u32 s10, v3;
	v4 =	vsub.s32 v4, v0;
	vm0 =	vmand vm8, vm9  }
0x21b: {  	v4 =	vsel vm0, v4, v5  }
0x21c: {  	s12 =	sshrl.u32 s12, $0xC;
	[tilespmem:$0xFB0] =	vst v4  }
0x21d: {  	s10 =	smul.u32 $0x1E, s12;
	v4 =	vld [tilespmem:s9+$0x0];
	_ =	sdelay $0x1  }
0x21e: {  	s10 =	ssub.s32 s20, s10  }
0x21f: {  	s10 =	sand.u32 $0xFF, s10  }
0x220: {  	s14 =	sadd.s32 $0x3, s13;
	s10 =	sshll.u32 s10, $0x4  }
0x221: {  	s15 =	sand.u32 $0xFF, s14;
	s10 =	sadd.s32 $0x4E20, s10;
	vm10 =	vge.s32 v4, v0;
	vm11 =	vlt.s32 v4, v1  }
0x222: {  	s12 =	smul.u32 $0x89, s15;
	v5 =	vor.u32 s10, v3;
	v4 =	vsub.s32 v4, v0;
	vm0 =	vmand vm10, vm11  }
0x223: {  	v4 =	vsel vm0, v4, v5  }
0x224: {  	s16 =	sshrl.u32 s12, $0xC;
	[tilespmem:$0xFC0] =	vst v4  }
0x225: {  	s10 =	smul.u32 $0x1E, s16;
	v4 =	vld [tilespmem:s9+$0x10];
	_ =	sdelay $0x1  }
0x226: {  	s10 =	ssub.s32 s14, s10  }
0x227: {  	s10 =	sand.u32 $0xFF, s10  }
0x228: {  	s17 =	sadd.s32 $0x4, s13;
	s10 =	sshll.u32 s10, $0x4  }
0x229: {  	s18 =	sand.u32 $0xFF, s17;
	s10 =	sadd.s32 $0x4E20, s10;
	vm12 =	vge.s32 v4, v0;
	vm13 =	vlt.s32 v4, v1  }
0x22a: {  	s12 =	smul.u32 $0x89, s18;
	v5 =	vor.u32 s10, v3;
	v4 =	vsub.s32 v4, v0;
	vm0 =	vmand vm12, vm13  }
0x22b: {  	v4 =	vsel vm0, v4, v5  }
0x22c: {  	s19 =	sshrl.u32 s12, $0xC;
	[tilespmem:$0xFD0] =	vst v4  }
0x22d: {  	s10 =	smul.u32 $0x1E, s19;
	v4 =	vld [tilespmem:s9+$0x20];
	_ =	sdelay $0x1  }
0x22e: {  	s20 =	ssub.s32 s17, s10  }
0x22f: {  	s9 =	sand.u32 $0xFF, s20  }
0x230: {  	s9 =	sshll.u32 s9, $0x4  }
0x231: {  	s9 =	sadd.s32 $0x4E20, s9;
	vm14 =	vge.s32 v4, v0;
	vm15 =	vlt.s32 v4, v1  }
0x232: {  	v5 =	vor.u32 s9, v3;
	v4 =	vsub.s32 v4, v0;
	vm0 =	vmand vm14, vm15  }
0x233: {  	v4 =	vsel vm0, v4, v5  }
0x234: {  	[tilespmem:$0xFE0] =	vst v4  }
0x235: {  	s8 =	sadd.s32 $0x1, s8;
	_ =	swait.ge [sflag:s7], $0x1400  }
0x236: {  	p1 =	sne.s32 s8, $0xA;
	[sflag:s7] =	ssyncset.done $0x0  }
.Ltmp1:
0x237: {  	s21 =	rddreg [dreg:$0x6];
	[sflag:s7] =	ssyncadd.s32 $0xFFFFEC00;
	(pc) =	sbr.rel @p1 .LBB2_2-.Ltmp1, $4  }
0x238: {  	[spmem:s3] =	stream.indirect.scatter.add.f32 [tilespmem:s2], [sflag:$0x2], $0x40, s21, s0, $0xb8;
	[tilespmem:$0x177F0] =	vst v63  }
0x239: {  	_ =	swait.ge [sflag:s30], $0x1400  }
0x23a: {  	[sflag:s30] =	ssyncset.done $0x0  }
0x23b: {  	[sflag:s30] =	ssyncadd.s32 $0xFFFFEC00  }
0x23c: {  	s8 =	stileid.u32  }
0x23d: {  	[bflag:$0x0] =	sbarrier.arrive $0xFFFF;
	s8 =	sshll.u32 s8, $0x6  }
0x23e: {  	s9 =	rddreg [dreg:$0x14];
	s8 =	sor.u32 $0x1C02, s8  }
0x23f: {  	[hbm:s9], [sflag:s8] =	dma.local [spmem:s23], $0x2700  }
0x240: {  	_ =	swait.ge [sflag:s30], $0x2700  }
0x241: {  	s4 =	sadd.s32 $0x1, s4;
	[sflag:s30] =	ssyncset.done $0x0  }
0x242: {  	p1 =	sne.s32 s4, s22;
	s9 =	rddreg [dreg:$0x15];
	[sflag:s30] =	ssyncadd.s32 $0xFFFFD900  }
0x243: {  	[hbm:s9], [sflag:s8] =	dma.local @!p0 [spmem:s24], $0x100  }
.Ltmp2:
0x244: {  	_ = 	snop;
	(pc) =	sbr.rel @p1 .LBB2_1-.Ltmp2, $4  }
0x245: {  	s8 =	simm.s32 @!p0 $0x2  }
0x246: {  	_ =	swait.ge @!p0 [sflag:s8], $0x100  }
0x247: {  	[sflag:s8] =	ssyncset.done @!p0 $0x0  }
0x248: {  	[sflag:s8] =	ssyncadd.s32 @!p0 $0xFFFFFF00  }
0x249: {  	_ =	sfence.sel $0x180000  }
0x24a: {  	[bflag:$0x0] =	sbarrier.arrive $0xFFFF  }
0x24b: {  	_ =	strace $0x9000004A  }
0x24c: {  	s0 =	stileid.u32;
	[bflag:$0x2] =	sbarrier.arrive $0xFFFF  }
0x24d: {  	p0 =	sne.s32 s0, $0x0;
	s0 =	rddreg [dreg:$0x4]  }
0x24e: {  	s0 =	sadd.s32 @!p0 $0x100000, s0  }
0x24f: {  	[sflag:s0] =	ssyncadd.tile.s32 @!p0 $0x1;
	_ =	shalt  }
.Lfunc_end2:
_tile_overlayer_lowered:
.L_overlay_start_2:
0x250: {  	(tag) =	ssettag $0x2  }
0x251: {  	s0 =	rddreg [dreg:$0x0];
	s2 =	stileid.u32  }
0x252: {  	s1 =	rddreg [dreg:$0x1];
	p0 =	sne.s32 s2, $0x0  }
0x253: {  	s3 =	rddreg [dreg:$0x2];
	[bflag:$0x3] =	sbarrier.arrive $0xFFFF;
	s2 =	simm.s32 @!p0 $0x1C02  }
0x254: {  	[timem:s3], [sflag:s2] =	dma.local @!p0 [hbm:s0], s1  }
0x255: {  	s0 =	simm.s32 @!p0 $0x2  }
0x256: {  	_ =	swait.ge @!p0 [sflag:s0], s1  }
0x257: {  	s1 =	ssub.s32 @!p0 $0x0, s1;
	[sflag:s0] =	ssyncset.done @!p0 $0x0  }
0x258: {  	[sflag:s0] =	ssyncadd.s32 @!p0 s1  }
0x259: {  	[bflag:$0x3] =	sbarrier.arrive $0xFFFF  }
0x25a: {  	_ =	shalt  }

// kernel: kernel.7.cloned.1.call-start
scs
__scs_entry_jumppad:
0x0: {  	(pc) =	sbr.rel $0x88, $3  }
0x1: {  	(tag) =	ssettag $0x0;
	lr =	simm.s32 $0x1  }
0x2: {  	[smem:$0x3F75] =	sst lr;
	_ =	strace $0xD0000000  }
0x3: {  	_ = 	snop  }
0x4: {  	_ = 	snop  }
0x5: {  	_ = 	snop  }
0x6: {  	_ = 	snop  }
0x7: {  	_ = 	snop  }
__scs_overlays_trampoline_lowered:
0x8: {  	[smem:$0x3F84] =	sst s0  }
0x9: {  	[smem:$0x3F85] =	sst s1  }
0xa: {  	[smem:$0x3F86] =	sst s2  }
0xb: {  	[smem:$0x3F87] =	sst s3  }
0xc: {  	[smem:$0x3F88] =	sst s4  }
0xd: {  	[smem:$0x3F89] =	sst s5  }
0xe: {  	[smem:$0x3F8A] =	sst s6  }
0xf: {  	[smem:$0x3F8B] =	sst s7  }
0x10: {  	[smem:$0x3F8C] =	sst s8  }
0x11: {  	[smem:$0x3F8D] =	sst s9;
	s0 =	simm.s32 @!p0 $0x0  }
0x12: {  	s1 =	sld [smem:$0x3F73];
	s0 =	simm.s32 @p0 $0x1  }
0x13: {  	[smem:$0x3F8E] =	sst s0;
	s0 =	simm.s32 @!p1 $0x0  }
0x14: {  	s2 =	sld [smem:$0x3F72];
	s0 =	simm.s32 @p1 $0x1  }
0x15: {  	[smem:$0x3F8F] =	sst s0;
	s0 =	simm.s32 @!p2 $0x0  }
0x16: {  	s3 =	sld [smem:$0x3FDB];
	s0 =	simm.s32 @p2 $0x1  }
0x17: {  	s4 =	simm.s32 $0x1BF5;
	[smem:$0x3F91] =	sst s0  }
0x18: {  	s0 =	sld [smem:$0x3F74];
	_ =	swait.ge [sflag:s4], $0x0  }
0x19: {  	s7 =	sld [smem:$0x3F75]  }
0x1a: {  	s8 =	sadd.s32 $0xFFFFE003, lr  }
0x1b: {  	s9 =	sadd.s32 $0xFFFFFEF7, lr;
	s5 =	simm.s32 $0xFFFFFFFF;
	p2 =	slt.u32 s8, $0xFFFFF086  }
0x1c: {  	p1 =	slt.u32 s9, $0xF7A;
	s5 =	simm.s32 @!p2 $0x0  }
0x1d: {  	s5 =	simm.s32 @p1 $0x1;
	p0 =	seq.s32 s7, s2  }
0x1e: {  	s7 =	smul.u32 @!p0 $0xF7A, s2;
	p2 =	seq.s32 @!p0 s5, $0x0  }
0x1f: {  	s9 =	smul.u32 $0xF7A, s1;
	s8 =	simm.s32 @!p0 $0x1BF5;
	p2 =	por !p2, p0  }
0x20: {  	[sflag:s8] =	ssyncset.s32 @!p0 $0xFFFFF086;
	s6 =	sadd.s32 @!p0 s3, s7;
	s7 =	simm.s32 @!p0 $0x108  }
0x21: {  	s3 =	sadd.s32 s3, s9;
	s6 =	sadd.s32 @!p0 $0x88, s6;
	s7 =	simm.s32 @p2 $0x1082  }
0x22: {  	[simem:s7], [sflag:s8] =	dma.local @!p0 [hbm:s6], $0xF7A  }
0x23: {  	s9 =	sor.u32 $0xD0000000, s2;
	s6 =	simm.s32 $0x108;
	_ =	swait.ge @!p0 [sflag:s8], $0x0  }
0x24: {  	s3 =	sadd.s32 $0x88, s3;
	s6 =	simm.s32 @!p1 $0x1082;
	[sflag:s4] =	ssyncset.s32 $0xFFFFF086  }
0x25: {  	[simem:s6], [sflag:s4] =	dma.local [hbm:s3], $0xF7A  }
0x26: {  	[smem:$0x3F75] =	sst s1;
	(tag) =	ssettag s2;
	_ =	strace s9  }
0x27: {  	s1 =	sld [smem:$0x3F85]  }
0x28: {  	s2 =	sld [smem:$0x3F86]  }
0x29: {  	s4 =	sld [smem:$0x3F88]  }
0x2a: {  	p0 =	seq.s32 s5, $0x0;
	s5 =	sld [smem:$0x3F89]  }
0x2b: {  	s6 =	sld [smem:$0x3F8A]  }
0x2c: {  	s7 =	sld [smem:$0x3F8B]  }
0x2d: {  	s3 =	simm.s32 $0x108;
	s8 =	sld [smem:$0x3F8C]  }
0x2e: {  	s3 =	simm.s32 @!p0 $0x1082;
	s9 =	sld [smem:$0x3F8D]  }
0x2f: {  	lr =	sadd.s32 s0, s3;
	s0 =	sld [smem:$0x3F84]  }
0x30: {  	s3 =	sld [smem:$0x3F87]  }
0x31: {  	[smem:$0x3F90] =	sst s10  }
0x32: {  	s10 =	sld [smem:$0x3F8E];
	_ =	sdelay $0x3  }
0x33: {  	p0 =	seq.s32 s10, $0x1;
	s10 =	sld [smem:$0x3F90];
	_ =	sdelay $0x3  }
0x34: {  	[smem:$0x3F90] =	sst s10  }
0x35: {  	s10 =	sld [smem:$0x3F8F];
	_ =	sdelay $0x3  }
0x36: {  	p1 =	seq.s32 s10, $0x1;
	s10 =	sld [smem:$0x3F90];
	_ =	sdelay $0x3  }
0x37: {  	[smem:$0x3F90] =	sst s10  }
0x38: {  	s10 =	sld [smem:$0x3F91]  }
0x39: {  	_ = 	snop;
	(pc) =	sbr.ind lr, $3  }
0x3a: {  	_ = 	snop  }
0x3b: {  	_ = 	snop  }
0x3c: {  	p2 =	seq.s32 s10, $0x1;
	s10 =	sld [smem:$0x3F90]  }
0x3d: {  	_ =	shalt  }
0x3e: {  	_ =	shalt  }
0x3f: {  	_ =	shalt  }
0x40: {  	_ =	shalt  }
0x41: {  	_ =	shalt  }
0x42: {  	_ =	shalt  }
0x43: {  	_ =	shalt  }
0x44: {  	_ =	shalt  }
0x45: {  	_ =	shalt  }
0x46: {  	_ =	shalt  }
0x47: {  	_ =	shalt  }
0x48: {  	_ =	shalt  }
0x49: {  	_ =	shalt  }
0x4a: {  	_ =	shalt  }
0x4b: {  	_ =	shalt  }
0x4c: {  	_ =	shalt  }
0x4d: {  	_ =	shalt  }
0x4e: {  	_ =	shalt  }
0x4f: {  	_ =	shalt  }
0x50: {  	_ =	shalt  }
0x51: {  	_ =	shalt  }
0x52: {  	_ =	shalt  }
0x53: {  	_ =	shalt  }
0x54: {  	_ =	shalt  }
0x55: {  	_ =	shalt  }
0x56: {  	_ =	shalt  }
0x57: {  	_ =	shalt  }
0x58: {  	_ =	shalt  }
0x59: {  	_ =	shalt  }
0x5a: {  	_ =	shalt  }
0x5b: {  	_ =	shalt  }
0x5c: {  	_ =	shalt  }
0x5d: {  	_ =	shalt  }
0x5e: {  	_ =	shalt  }
0x5f: {  	_ =	shalt  }
0x60: {  	_ =	shalt  }
0x61: {  	_ =	shalt  }
0x62: {  	_ =	shalt  }
0x63: {  	_ =	shalt  }
0x64: {  	_ =	shalt  }
0x65: {  	_ =	shalt  }
0x66: {  	_ =	shalt  }
0x67: {  	_ =	shalt  }
0x68: {  	_ =	shalt  }
0x69: {  	_ =	shalt  }
0x6a: {  	_ =	shalt  }
0x6b: {  	_ =	shalt  }
0x6c: {  	_ =	shalt  }
0x6d: {  	_ =	shalt  }
0x6e: {  	_ =	shalt  }
0x6f: {  	_ =	shalt  }
0x70: {  	_ =	shalt  }
0x71: {  	_ =	shalt  }
0x72: {  	_ =	shalt  }
0x73: {  	_ =	shalt  }
0x74: {  	_ =	shalt  }
0x75: {  	_ =	shalt  }
0x76: {  	_ =	shalt  }
0x77: {  	_ =	shalt  }
0x78: {  	_ =	shalt  }
0x79: {  	_ =	shalt  }
0x7a: {  	_ =	shalt  }
0x7b: {  	_ =	shalt  }
0x7c: {  	_ =	shalt  }
0x7d: {  	_ =	shalt  }
0x7e: {  	_ =	shalt  }
0x7f: {  	_ =	shalt  }
0x80: {  	_ =	shalt  }
0x81: {  	_ =	shalt  }
0x82: {  	_ =	shalt  }
0x83: {  	_ =	shalt  }
0x84: {  	_ =	shalt  }
0x85: {  	_ =	shalt  }
0x86: {  	_ =	shalt  }
0x87: {  	_ =	shalt  }
.Lfunc_end0:
.L_simem_size_0:
called_computation_lowered:
.L_overlay_start_0:
0x88: {  	s2 =	sld [smem:$0x3FD9]  }
0x89: {  	s3 =	sld [smem:$0x3FFE];
	_ =	sdelay $0x1  }
0x8a: {  	s1 =	srdreg.scid  }
0x8b: {  	s0 =	sand.u32 $0x1, s1  }
0x8c: {  	s14 =	sshll.u32 s0, $0xA;
	s2 =	sadd.s32 s3, s2  }
0x8d: {  	s2 =	sadd.s32 s2, s14  }
0x8e: {  	[smem:$0x3F9C] =	sst s2  }
0x8f: {  	_ = 	snop  }
0x90: {  	s2 =	sld [smem:$0x3FD0];
	_ =	sdelay $0x2  }
0x91: {  	s15 =	simm.s32 $0xA;
	s4 =	simm.s32 $0x10  }
0x92: {  	[smem:s4], [sflag:s15] =	dma.local [hbm:s2], $0x1  }
0x93: {  	_ =	swait.eq [sflag:s15], $0x1  }
0x94: {  	[sflag:s15] =	ssyncset.done $0x0  }
0x95: {  	s16 =	sld [smem:$0x13];
	[sflag:s15] =	ssyncadd.s32 $0xFFFFFFFF  }
0x96: {  	s17 =	sld [smem:$0x15];
	(tm) =	ssettm $0x1  }
0x97: {  	s18 =	sld [smem:$0x3FFB];
	_ =	sdelay $0x3  }
0x98: {  	_ =	strace s18  }
0x99: {  	s4 =	sld [smem:$0x3FFC];
	_ =	sdelay $0x3  }
0x9a: {  	_ =	strace s4  }
0x9b: {  	s4 =	sld [smem:$0x3FFD];
	_ =	sdelay $0x3  }
0x9c: {  	_ =	strace s4  }
0x9d: {  	_ =	strace $0x8FFFFFFF  }
0x9e: {  	s19 =	sld [smem:$0x3FDB];
	_ =	sdelay $0x1  }
0x9f: {  	s5 =	simm.s32 $_scs_section_size  }
0xa0: {  	s6 =	simm.s32 $_size__tile_overlayer_lowered;
	s7 =	simm.s32 $_tile_overlayer_lowered  }
0xa1: {  	s22 =	simm.s32 $0x1BFF;
	s21 =	sshll.u32 s7, $0x1;
	s4 =	sadd.s32 s5, s19  }
0xa2: {  	s8 =	simm.s32 $0x0;
	s20 =	sshll.u32 s6, $0x1;
	s6 =	sadd.s32 s21, s4  }
0xa3: {  	[timem:s8], [sflag:s22] =	dma.local [hbm:s6], s20  }
0xa4: {  	_ =	swait.ge [sflag:s22], s20  }
0xa5: {  	s5 =	ssub.s32 $0x0, s20;
	[sflag:s22] =	ssyncset.done $0x0  }
0xa6: {  	[sflag:s22] =	ssyncadd.s32 s5;
	_ =	sdelay $0x1  }
0xa7: {  	s23 =	simm.s32 $0x1B8B  }
0xa8: {  	_ =	swait.ge [sflag:s23], $0x1  }
0xa9: {  	[sflag:s23] =	ssyncset.done $0x0  }
0xaa: {  	s25 =	simm.s32 $0x1B8E;
	s24 =	sld [smem:$0x3FFE];
	[sflag:s23] =	ssyncadd.s32 $0xFFFFFFFF  }
0xab: {  	s26 =	simm.s32 $execute0_lowered;
	[smem:$0x3FD2] =	sst s25  }
0xac: {  	s6 =	sshll.u32 s26, $0x1;
	_ =	strace $0x80000046;
	[dreg:$0x1] =	wrdreg $0xFFFFFFFF  }
0xad: {  	s28 =	simm.s32 $_size_execute0_lowered;
	s4 =	sadd.s32 s4, s6;
	[dreg:$0x0] =	wrdreg $0x0  }
0xae: {  	s6 =	sshll.u32 s28, $0x1;
	[dreg:$0x2] =	wrdreg s4  }
0xaf: {  	[dreg:$0x3] =	wrdreg s6  }
0xb0: {  	[dreg:$0x4] =	wrdreg $0xC0  }
0xb1: {  	_ =	task [dreg:s8], $0x5FFFF  }
0xb2: {  	[dreg:$0x1] =	wrdreg $0xFFFFFFFF  }
0xb3: {  	[dreg:$0x0] =	wrdreg $0x60  }
0xb4: {  	[dreg:$0x2] =	wrdreg s24  }
0xb5: {  	[dreg:$0x3] =	wrdreg s16  }
0xb6: {  	[dreg:$0x4] =	wrdreg s17  }
0xb7: {  	[dreg:$0x5] =	wrdreg $0x19F00  }
0xb8: {  	[dreg:$0x6] =	wrdreg $0x9  }
0xb9: {  	_ =	task.clear_ibuf [dreg:s8], $0x7FFFF;
	_ =	strace $0x90000046  }
0xba: {  	s29 =	simm.s32 $0x9;
	_ =	strace $0x80000048  }
0xbb: {  	_ =	swait.ge [sflag:s29], $0x1  }
0xbc: {  	[sflag:s29] =	ssyncadd.s32 $0xFFFFFFFF  }
0xbd: {  	_ =	strace $0x90000048  }
0xbe: {  	_ =	sfence  }
0xbf: {  	s30 =	sld [smem:$0x0];
	_ =	sdelay $0x2  }
0xc0: {  	s31 =	sshll.u32 s1, $0xD;
	s1 =	sshrl.u32 s1, $0x2  }
0xc1: {  	s3 =	sand.u32 $0x4000, s31;
	s1 =	sadd.s32 s1, s30  }
0xc2: {  	s0 =	sor.u32 s3, s0;
	s1 =	sshll.u32 s1, $0x11  }
0xc3: {  	s0 =	sor.u32 s1, s0  }
0xc4: {  	s0 =	sadd.s32 $0x8F2B, s0  }
0xc5: {  	[sflag:s0] =	ssyncadd.remote.s32 $0x1  }
0xc6: {  	_ =	sfence.sel $0xFFFF  }
0xc7: {  	[dreg:$0x0] =	wrdreg $0xFFFFFFFF;
	(pc) =	sbr.abs _section_cstart, $3  }
0xc8: {  	[dreg:$0x1] =	wrdreg $0xFFFFFFFF  }
0xc9: {  	_ =	task.clear_ibuf [dreg:s8], $0x2FFFF;
	_ =	strace $0x9FFFFFFF  }
0xca: {  	(tm) =	ssettm $0x7FFFFFFF  }
0xcb: {  	_ =	shalt  }
tec
execute0_lowered:
.L_overlay_start_1:
0x0: {  	(tag) =	ssettag $0x1  }
0x1: {  	s0 =	rddreg [dreg:$0x0]  }
0x2: {  	s1 =	rddreg [dreg:$0x1]  }
0x3: {  	s2 =	rddreg [dreg:$0x2]  }
0x4: {  	s3 =	rddreg [dreg:$0x3]  }
0x5: {  	s4 =	simm.s32 $0x0;
	s5 =	srdreg.scid;
	s11 =	stileid.u32  }
0x6: {  	s29 =	simm.s32 $0x14F0;
	s30 =	simm.s32 $0x2;
	s31 =	simm.s32 $0x7D0  }
0x7: {  	[smem:$0x7FF] =	sst s4;
	s7 =	sand.u32 $0x1, s5;
	s20 =	smul.u32 $0x14000, s11  }
0x8: {  	s6 =	sadd.s32 $0x5800, s0;
	s5 =	sadd.s32 $0xA800, s0;
	s13 =	smul.u32 $0x4E0, s11  }
0x9: {  	s18 =	smul.u32 $0x13800, s11;
	_ =	strace $0x80000047;
	s9 =	sshrl.u32 s20, $0x2  }
0xa: {  	[dreg:$0x5] =	wrdreg s6;
	s20 =	simm.s32 $0xFA0;
	s6 =	sadd.s32 s9, s3  }
0xb: {  	p0 =	sne.s32 s11, $0xF;
	[dreg:$0x6] =	wrdreg s20;
	s9 =	sadd.s32 $0x500, s6  }
0xc: {  	s28 =	smul.u32 $0x4E20, s11;
	s23 =	sadd.s32 $0xA00, s6;
	[dreg:$0x7] =	wrdreg s9  }
0xd: {  	s0 =	simm.s32 $0x50;
	s24 =	sadd.s32 $0xF00, s6;
	[dreg:$0x8] =	wrdreg s23  }
0xe: {  	s8 =	ssub.s32 $0x2, s7;
	s25 =	sadd.s32 $0x1400, s6;
	[dreg:$0x9] =	wrdreg s24  }
0xf: {  	s21 =	sshrl.u32 s8, $0x1;
	s26 =	sadd.s32 $0x1900, s6;
	[dreg:$0xa] =	wrdreg s25  }
0x10: {  	s19 =	sshrl.u32 s18, $0x2;
	s10 =	sadd.s32 $0x1E00, s6;
	[dreg:$0xb] =	wrdreg s26  }
0x11: {  	s22 =	ssub.s32 s8, s21;
	s12 =	sadd.s32 $0x2300, s6;
	[dreg:$0xc] =	wrdreg s10  }
0x12: {  	s8 =	smul.u32 $0x4E20, s7;
	s14 =	sadd.s32 $0x2D00, s6;
	[dreg:$0xd] =	wrdreg s12  }
0x13: {  	s7 =	smul.u32 $0x4E200, s7;
	s15 =	sadd.s32 $0x3200, s6;
	[dreg:$0xf] =	wrdreg s14  }
0x14: {  	s16 =	sadd.s32 $0x3700, s6;
	s17 =	sadd.s32 $0x3C00, s6;
	[dreg:$0x10] =	wrdreg s15  }
0x15: {  	s22 =	smax.u32 s22, $0x1;
	s10 =	sadd.s32 $0x2800, s6;
	[dreg:$0x11] =	wrdreg s16  }
0x16: {  	s9 =	sadd.s32 s13, s8;
	[dreg:$0x12] =	wrdreg s17;
	s12 =	sadd.s32 $0x4100, s6  }
0x17: {  	s7 =	sshrl.u32 s7, $0x3;
	s25 =	sadd.s32 $0x4600, s6;
	s26 =	sadd.s32 $0x4B00, s6  }
0x18: {  	s21 =	sadd.s32 $0x4E20, s8;
	[dreg:$0xe] =	wrdreg s10;
	s9 =	sshll.u32 s9, $0x1  }
0x19: {  	[dreg:$0x13] =	wrdreg s12;
	s9 =	sadd.s32 s2, s9;
	s2 =	sadd.s32 s2, s7  }
0x1a: {  	s7 =	simm.s32 $0x1;
	[dreg:$0x14] =	wrdreg s9;
	s2 =	sadd.s32 $0x9C00, s2  }
0x1b: {  	v2 =	vimm.f32 $0.0e+00;
	s9 =	sadd.s32 s19, s3;
	[dreg:$0x15] =	wrdreg s2;
	s2 =	sadd.s32 $0x4E000, s3  }
0x1c: {  	v3 =	vlaneseq.u32;
	v0 =	vmov s8;
	v1 =	vmov s21;
	s23 =	sshrl.u32 s9, $0x3;
	s24 =	sshrl.u32 @!p0 s2, $0x3;
	s2 =	simm.s32 $0xFF0  }
.LBB2_1:
0x1d: {  	[tilespmem:$0x14F0] =	vst v2  }
0x1e: {  	[tilespmem:$0x1500] =	vst v2  }
0x1f: {  	[tilespmem:$0x1510] =	vst v2  }
0x20: {  	[tilespmem:$0x1520] =	vst v2  }
0x21: {  	[tilespmem:$0x1530] =	vst v2  }
0x22: {  	[tilespmem:$0x1540] =	vst v2  }
0x23: {  	[tilespmem:$0x1550] =	vst v2  }
0x24: {  	[tilespmem:$0x1560] =	vst v2  }
0x25: {  	[tilespmem:$0x1570] =	vst v2  }
0x26: {  	[tilespmem:$0x1580] =	vst v2  }
0x27: {  	[tilespmem:$0x1590] =	vst v2  }
0x28: {  	[tilespmem:$0x15A0] =	vst v2  }
0x29: {  	[tilespmem:$0x15B0] =	vst v2  }
0x2a: {  	[tilespmem:$0x15C0] =	vst v2  }
0x2b: {  	[tilespmem:$0x15D0] =	vst v2  }
0x2c: {  	[tilespmem:$0x15E0] =	vst v2  }
0x2d: {  	[tilespmem:$0x15F0] =	vst v2  }
0x2e: {  	[tilespmem:$0x1600] =	vst v2  }
0x2f: {  	[tilespmem:$0x1610] =	vst v2  }
0x30: {  	[tilespmem:$0x1620] =	vst v2  }
0x31: {  	[tilespmem:$0x1630] =	vst v2  }
0x32: {  	[tilespmem:$0x1640] =	vst v2  }
0x33: {  	[tilespmem:$0x1650] =	vst v2  }
0x34: {  	[tilespmem:$0x1660] =	vst v2  }
0x35: {  	[tilespmem:$0x1670] =	vst v2  }
0x36: {  	[tilespmem:$0x1680] =	vst v2  }
0x37: {  	[tilespmem:$0x1690] =	vst v2  }
0x38: {  	[tilespmem:$0x16A0] =	vst v2  }
0x39: {  	[tilespmem:$0x16B0] =	vst v2  }
0x3a: {  	[tilespmem:$0x16C0] =	vst v2  }
0x3b: {  	[tilespmem:$0x16D0] =	vst v2  }
0x3c: {  	[tilespmem:$0x16E0] =	vst v2  }
0x3d: {  	[tilespmem:$0x16F0] =	vst v2  }
0x3e: {  	[tilespmem:$0x1700] =	vst v2  }
0x3f: {  	[tilespmem:$0x1710] =	vst v2  }
0x40: {  	[tilespmem:$0x1720] =	vst v2  }
0x41: {  	[tilespmem:$0x1730] =	vst v2  }
0x42: {  	[tilespmem:$0x1740] =	vst v2  }
0x43: {  	[tilespmem:$0x1750] =	vst v2  }
0x44: {  	[tilespmem:$0x1760] =	vst v2  }
0x45: {  	[tilespmem:$0x1770] =	vst v2  }
0x46: {  	[tilespmem:$0x1780] =	vst v2  }
0x47: {  	[tilespmem:$0x1790] =	vst v2  }
0x48: {  	[tilespmem:$0x17A0] =	vst v2  }
0x49: {  	[tilespmem:$0x17B0] =	vst v2  }
0x4a: {  	[tilespmem:$0x17C0] =	vst v2  }
0x4b: {  	[tilespmem:$0x17D0] =	vst v2  }
0x4c: {  	[tilespmem:$0x17E0] =	vst v2  }
0x4d: {  	[tilespmem:$0x17F0] =	vst v2  }
0x4e: {  	[tilespmem:$0x1800] =	vst v2  }
0x4f: {  	[tilespmem:$0x1810] =	vst v2  }
0x50: {  	[tilespmem:$0x1820] =	vst v2  }
0x51: {  	[tilespmem:$0x1830] =	vst v2  }
0x52: {  	[tilespmem:$0x1840] =	vst v2  }
0x53: {  	[tilespmem:$0x1850] =	vst v2  }
0x54: {  	[tilespmem:$0x1860] =	vst v2  }
0x55: {  	[tilespmem:$0x1870] =	vst v2  }
0x56: {  	[tilespmem:$0x1880] =	vst v2  }
0x57: {  	[tilespmem:$0x1890] =	vst v2  }
0x58: {  	[tilespmem:$0x18A0] =	vst v2  }
0x59: {  	[tilespmem:$0x18B0] =	vst v2  }
0x5a: {  	[tilespmem:$0x18C0] =	vst v2  }
0x5b: {  	[tilespmem:$0x18D0] =	vst v2  }
0x5c: {  	[tilespmem:$0x18E0] =	vst v2  }
0x5d: {  	[tilespmem:$0x18F0] =	vst v2  }
0x5e: {  	[tilespmem:$0x1900] =	vst v2  }
0x5f: {  	[tilespmem:$0x1910] =	vst v2  }
0x60: {  	[tilespmem:$0x1920] =	vst v2  }
0x61: {  	[tilespmem:$0x1930] =	vst v2  }
0x62: {  	[tilespmem:$0x1940] =	vst v2  }
0x63: {  	[tilespmem:$0x1950] =	vst v2  }
0x64: {  	[tilespmem:$0x1960] =	vst v2  }
0x65: {  	[tilespmem:$0x1970] =	vst v2  }
0x66: {  	[tilespmem:$0x1980] =	vst v2  }
0x67: {  	[tilespmem:$0x1990] =	vst v2  }
0x68: {  	[tilespmem:$0x19A0] =	vst v2  }
0x69: {  	[tilespmem:$0x19B0] =	vst v2  }
0x6a: {  	[tilespmem:$0x19C0] =	vst v2  }
0x6b: {  	[tilespmem:$0x19D0] =	vst v2  }
0x6c: {  	[tilespmem:$0x19E0] =	vst v2  }
0x6d: {  	[spmem:s6] =	stream.linear.scatter [tilespmem:s29], [sflag:$0x2], $0x500, $0x38;
	[tilespmem:$0x69F0] =	vst v63  }
0x6e: {  	_ =	swait.ge [sflag:s30], $0x500  }
0x6f: {  	[sflag:s30] =	ssyncset.done $0x0  }
0x70: {  	s8 =	rddreg [dreg:$0x7];
	[sflag:s30] =	ssyncadd.s32 $0xFFFFFB00  }
0x71: {  	[spmem:s8] =	stream.linear.scatter [tilespmem:s29], [sflag:$0x2], $0x500, $0x38;
	[tilespmem:$0x69F0] =	vst v63  }
0x72: {  	_ =	swait.ge [sflag:s30], $0x500  }
0x73: {  	[sflag:s30] =	ssyncset.done $0x0  }
0x74: {  	s10 =	rddreg [dreg:$0x8];
	[sflag:s30] =	ssyncadd.s32 $0xFFFFFB00  }
0x75: {  	[spmem:s10] =	stream.linear.scatter [tilespmem:s29], [sflag:$0x2], $0x500, $0x38;
	[tilespmem:$0x69F0] =	vst v63  }
0x76: {  	_ =	swait.ge [sflag:s30], $0x500  }
0x77: {  	[sflag:s30] =	ssyncset.done $0x0  }
0x78: {  	s11 =	rddreg [dreg:$0x9];
	[sflag:s30] =	ssyncadd.s32 $0xFFFFFB00  }
0x79: {  	[spmem:s11] =	stream.linear.scatter [tilespmem:s29], [sflag:$0x2], $0x500, $0x38;
	[tilespmem:$0x69F0] =	vst v63  }
0x7a: {  	_ =	swait.ge [sflag:s30], $0x500  }
0x7b: {  	[sflag:s30] =	ssyncset.done $0x0  }
0x7c: {  	s12 =	rddreg [dreg:$0xa];
	[sflag:s30] =	ssyncadd.s32 $0xFFFFFB00  }
0x7d: {  	[spmem:s12] =	stream.linear.scatter [tilespmem:s29], [sflag:$0x2], $0x500, $0x38;
	[tilespmem:$0x69F0] =	vst v63  }
0x7e: {  	_ =	swait.ge [sflag:s30], $0x500  }
0x7f: {  	[sflag:s30] =	ssyncset.done $0x0  }
0x80: {  	s13 =	rddreg [dreg:$0xb];
	[sflag:s30] =	ssyncadd.s32 $0xFFFFFB00  }
0x81: {  	[spmem:s13] =	stream.linear.scatter [tilespmem:s29], [sflag:$0x2], $0x500, $0x38;
	[tilespmem:$0x69F0] =	vst v63  }
0x82: {  	_ =	swait.ge [sflag:s30], $0x500  }
0x83: {  	[sflag:s30] =	ssyncset.done $0x0  }
0x84: {  	s14 =	rddreg [dreg:$0xc];
	[sflag:s30] =	ssyncadd.s32 $0xFFFFFB00  }
0x85: {  	[spmem:s14] =	stream.linear.scatter [tilespmem:s29], [sflag:$0x2], $0x500, $0x38;
	[tilespmem:$0x69F0] =	vst v63  }
0x86: {  	_ =	swait.ge [sflag:s30], $0x500  }
0x87: {  	[sflag:s30] =	ssyncset.done $0x0  }
0x88: {  	s15 =	rddreg [dreg:$0xd];
	[sflag:s30] =	ssyncadd.s32 $0xFFFFFB00  }
0x89: {  	[spmem:s15] =	stream.linear.scatter [tilespmem:s29], [sflag:$0x2], $0x500, $0x38;
	[tilespmem:$0x69F0] =	vst v63  }
0x8a: {  	_ =	swait.ge [sflag:s30], $0x500  }
0x8b: {  	[sflag:s30] =	ssyncset.done $0x0  }
0x8c: {  	s16 =	rddreg [dreg:$0xe];
	[sflag:s30] =	ssyncadd.s32 $0xFFFFFB00  }
0x8d: {  	[spmem:s16] =	stream.linear.scatter [tilespmem:s29], [sflag:$0x2], $0x500, $0x38;
	[tilespmem:$0x69F0] =	vst v63  }
0x8e: {  	_ =	swait.ge [sflag:s30], $0x500  }
0x8f: {  	[sflag:s30] =	ssyncset.done $0x0  }
0x90: {  	s17 =	rddreg [dreg:$0xf];
	[sflag:s30] =	ssyncadd.s32 $0xFFFFFB00  }
0x91: {  	[spmem:s17] =	stream.linear.scatter [tilespmem:s29], [sflag:$0x2], $0x500, $0x38;
	[tilespmem:$0x69F0] =	vst v63  }
0x92: {  	_ =	swait.ge [sflag:s30], $0x500  }
0x93: {  	[sflag:s30] =	ssyncset.done $0x0  }
0x94: {  	s18 =	rddreg [dreg:$0x10];
	[sflag:s30] =	ssyncadd.s32 $0xFFFFFB00  }
0x95: {  	[spmem:s18] =	stream.linear.scatter [tilespmem:s29], [sflag:$0x2], $0x500, $0x38;
	[tilespmem:$0x69F0] =	vst v63  }
0x96: {  	_ =	swait.ge [sflag:s30], $0x500  }
0x97: {  	[sflag:s30] =	ssyncset.done $0x0  }
0x98: {  	s19 =	rddreg [dreg:$0x11];
	[sflag:s30] =	ssyncadd.s32 $0xFFFFFB00  }
0x99: {  	[spmem:s19] =	stream.linear.scatter [tilespmem:s29], [sflag:$0x2], $0x500, $0x38;
	[tilespmem:$0x69F0] =	vst v63  }
0x9a: {  	_ =	swait.ge [sflag:s30], $0x500  }
0x9b: {  	[sflag:s30] =	ssyncset.done $0x0  }
0x9c: {  	s20 =	rddreg [dreg:$0x12];
	[sflag:s30] =	ssyncadd.s32 $0xFFFFFB00  }
0x9d: {  	[spmem:s20] =	stream.linear.scatter [tilespmem:s29], [sflag:$0x2], $0x500, $0x38;
	[tilespmem:$0x69F0] =	vst v63  }
0x9e: {  	_ =	swait.ge [sflag:s30], $0x500  }
0x9f: {  	[sflag:s30] =	ssyncset.done $0x0  }
0xa0: {  	s21 =	rddreg [dreg:$0x13];
	[sflag:s30] =	ssyncadd.s32 $0xFFFFFB00  }
0xa1: {  	[spmem:s21] =	stream.linear.scatter [tilespmem:s29], [sflag:$0x2], $0x500, $0x38;
	[tilespmem:$0x69F0] =	vst v63  }
0xa2: {  	_ =	swait.ge [sflag:s30], $0x500  }
0xa3: {  	[sflag:s30] =	ssyncset.done $0x0  }
0xa4: {  	[sflag:s30] =	ssyncadd.s32 $0xFFFFFB00  }
0xa5: {  	[spmem:s25] =	stream.linear.scatter [tilespmem:s29], [sflag:$0x2], $0x500, $0x38;
	[tilespmem:$0x69F0] =	vst v63  }
0xa6: {  	_ =	swait.ge [sflag:s30], $0x500  }
0xa7: {  	[sflag:s30] =	ssyncset.done $0x0  }
0xa8: {  	[sflag:s30] =	ssyncadd.s32 $0xFFFFFB00  }
0xa9: {  	[spmem:s26] =	stream.linear.scatter [tilespmem:s29], [sflag:$0x2], $0x500, $0x38;
	[tilespmem:$0x69F0] =	vst v63  }
0xaa: {  	_ =	swait.ge [sflag:s30], $0x500  }
0xab: {  	[sflag:s30] =	ssyncset.done $0x0  }
0xac: {  	[sflag:s30] =	ssyncadd.s32 $0xFFFFFB00  }
0xad: {  	s8 =	simm.s32 $0x0;
	[bflag:$0x0] =	sbarrier.arrive $0xFFFF  }
.LBB2_2:
0xae: {  	s9 =	smul.u32 $0x7D0, s8;
	_ =	sdelay $0x1  }
0xaf: {  	s9 =	sadd.s32 s28, s9  }
0xb0: {  	s9 =	sshrl.u32 s9, $0x3  }
0xb1: {  	s11 =	simm.s32 $0x0;
	s10 =	sadd.s32 s1, s9  }
0xb2: {  	[tilespmem:s11], [sflag:$0x2] =	stream.linear.gather [hbm4b:s10+s11], $0x7D0, $0x38;
	[tilespmem:$0x69F0] =	vst v63  }
0xb3: {  	s10 =	smul.u32 $0x5, s11;
	_ =	swait.ge [sflag:s30], $0x7D0  }
0xb4: {  	[sflag:s30] =	ssyncset.done $0x0  }
0xb5: {  	s9 =	sadd.s32 s5, s9;
	s15 =	sand.u32 $0xFF, s10;
	[sflag:s30] =	ssyncadd.s32 $0xFFFFF830  }
0xb6: {  	[tilespmem:s31], [sflag:$0x2] =	stream.linear.gather [hbm4b:s9+s11], $0x7D0, $0x38;
	[tilespmem:$0x69F0] =	vst v63  }
0xb7: {  	s13 =	smul.u32 $0x89, s15;
	_ =	swait.ge [sflag:s30], $0x7D0  }
0xb8: {  	s9 =	simm.s32 $0x7F0;
	[sflag:s30] =	ssyncset.done $0x0  }
0xb9: {  	s13 =	sshrl.u32 s13, $0xC;
	s12 =	rddreg [dreg:$0x5];
	[sflag:s30] =	ssyncadd.s32 $0xFFFFF830  }
0xba: {  	[tilespmem:s2], [sflag:$0x1] =	stream.indirect.gather [hbm4b:s12+s0], $0x10, s11, s0, $0xb8;
	[tilespmem:$0x69F0] =	vst v63  }
0xbb: {  	s16 =	smul.u32 $0x1E, s13;
	v4 =	vld [tilespmem:s9+$0xFFFFFFE0];
	_ =	sdelay $0x1  }
0xbc: {  	s11 =	ssub.s32 s10, s16  }
0xbd: {  	s11 =	sand.u32 $0xFF, s11  }
0xbe: {  	s17 =	sadd.s32 $0x1, s10;
	s11 =	sshll.u32 s11, $0x4  }
0xbf: {  	s18 =	sand.u32 $0xFF, s17;
	s11 =	sadd.s32 $0x4E20, s11;
	vm0 =	vge.s32 v4, v0;
	vm1 =	vlt.s32 v4, v1  }
0xc0: {  	s13 =	smul.u32 $0x89, s18;
	v5 =	vor.u32 s11, v3;
	v4 =	vsub.s32 v4, v0;
	vm0 =	vmand vm0, vm1  }
0xc1: {  	v4 =	vsel vm0, v4, v5  }
0xc2: {  	s19 =	sshrl.u32 s13, $0xC;
	[tilespmem:$0xFA0] =	vst v4  }
0xc3: {  	s11 =	smul.u32 $0x1E, s19;
	v4 =	vld [tilespmem:s9+$0xFFFFFFF0];
	_ =	sdelay $0x1  }
0xc4: {  	s11 =	ssub.s32 s17, s11  }
0xc5: {  	s11 =	sand.u32 $0xFF, s11  }
0xc6: {  	s20 =	sadd.s32 $0x2, s10;
	s11 =	sshll.u32 s11, $0x4  }
0xc7: {  	s21 =	sand.u32 $0xFF, s20;
	s11 =	sadd.s32 $0x4E20, s11;
	vm8 =	vge.s32 v4, v0;
	vm9 =	vlt.s32 v4, v1  }
0xc8: {  	s13 =	smul.u32 $0x89, s21;
	v5 =	vor.u32 s11, v3;
	v4 =	vsub.s32 v4, v0;
	vm0 =	vmand vm8, vm9  }
0xc9: {  	v4 =	vsel vm0, v4, v5  }
0xca: {  	s13 =	sshrl.u32 s13, $0xC;
	[tilespmem:$0xFB0] =	vst v4  }
0xcb: {  	s11 =	smul.u32 $0x1E, s13;
	v4 =	vld [tilespmem:s9+$0x0];
	_ =	sdelay $0x1  }
0xcc: {  	s11 =	ssub.s32 s20, s11  }
0xcd: {  	s11 =	sand.u32 $0xFF, s11  }
0xce: {  	s14 =	sadd.s32 $0x3, s10;
	s11 =	sshll.u32 s11, $0x4  }
0xcf: {  	s15 =	sand.u32 $0xFF, s14;
	s11 =	sadd.s32 $0x4E20, s11;
	vm10 =	vge.s32 v4, v0;
	vm11 =	vlt.s32 v4, v1  }
0xd0: {  	s13 =	smul.u32 $0x89, s15;
	v5 =	vor.u32 s11, v3;
	v4 =	vsub.s32 v4, v0;
	vm0 =	vmand vm10, vm11  }
0xd1: {  	v4 =	vsel vm0, v4, v5  }
0xd2: {  	s16 =	sshrl.u32 s13, $0xC;
	[tilespmem:$0xFC0] =	vst v4  }
0xd3: {  	s11 =	smul.u32 $0x1E, s16;
	v4 =	vld [tilespmem:s9+$0x10];
	_ =	sdelay $0x1  }
0xd4: {  	s11 =	ssub.s32 s14, s11  }
0xd5: {  	s11 =	sand.u32 $0xFF, s11  }
0xd6: {  	s10 =	sadd.s32 $0x4, s10;
	s11 =	sshll.u32 s11, $0x4  }
0xd7: {  	s17 =	sand.u32 $0xFF, s10;
	s11 =	sadd.s32 $0x4E20, s11;
	vm12 =	vge.s32 v4, v0;
	vm13 =	vlt.s32 v4, v1  }
0xd8: {  	s12 =	smul.u32 $0x89, s17;
	v5 =	vor.u32 s11, v3;
	v4 =	vsub.s32 v4, v0;
	vm0 =	vmand vm12, vm13  }
0xd9: {  	v4 =	vsel vm0, v4, v5  }
0xda: {  	s18 =	sshrl.u32 s12, $0xC;
	[tilespmem:$0xFD0] =	vst v4  }
0xdb: {  	s11 =	smul.u32 $0x1E, s18;
	v4 =	vld [tilespmem:s9+$0x20];
	_ =	sdelay $0x1  }
0xdc: {  	s19 =	ssub.s32 s10, s11  }
0xdd: {  	s9 =	sand.u32 $0xFF, s19  }
0xde: {  	s9 =	sshll.u32 s9, $0x4  }
0xdf: {  	s9 =	sadd.s32 $0x4E20, s9;
	vm14 =	vge.s32 v4, v0;
	vm15 =	vlt.s32 v4, v1  }
0xe0: {  	v5 =	vor.u32 s9, v3;
	v4 =	vsub.s32 v4, v0;
	vm0 =	vmand vm14, vm15  }
0xe1: {  	s21 =	simm.s32 $0x1;
	v4 =	vsel vm0, v4, v5  }
0xe2: {  	s13 =	smul.u32 $0x5, s21;
	[tilespmem:$0xFE0] =	vst v4  }
0xe3: {  	_ =	swait.ge [sflag:s7], $0x500  }
0xe4: {  	s12 =	simm.s32 $0x2;
	s14 =	sadd.s32 $0x1, s13;
	[sflag:s7] =	ssyncset.done $0x0  }
0xe5: {  	s10 =	simm.s32 $0x50;
	s20 =	rddreg [dreg:$0x6];
	[sflag:s7] =	ssyncadd.s32 $0xFFFFFB00  }
0xe6: {  	[spmem:s3] =	stream.indirect.scatter.add.f32 [tilespmem:s2], [sflag:$0x2], $0x10, s20, s0, $0xb8;
	[tilespmem:$0x69F0] =	vst v63  }
0xe7: {  	s11 =	sand.u32 $0xFF, s13;
	s9 =	simm.s32 $0x840;
	_ =	swait.ge [sflag:s30], $0x500  }
.LBB2_3:
0xe8: {  	s16 =	smul.u32 $0x89, s11  }
0xe9: {  	s15 =	rddreg [dreg:$0x5];
	[sflag:s30] =	ssyncset.done $0x0;
	s11 =	smov.u32 s12  }
0xea: {  	s17 =	sadd.s32 $0x2, s13;
	[sflag:s30] =	ssyncadd.s32 $0xFFFFFB00;
	s16 =	sshrl.u32 s16, $0xC  }
0xeb: {  	[tilespmem:s2], [sflag:$0x1] =	stream.indirect.gather [hbm4b:s15+s0], $0x10, s10, s0, $0xb8;
	[tilespmem:$0x69F0] =	vst v63  }
0xec: {  	s18 =	sadd.s32 $0x3, s13;
	s21 =	sadd.s32 $0x4, s13;
	v4 =	vld [tilespmem:s9+$0xFFFFFFE0];
	s16 =	smul.u32 $0x1E, s16  }
0xed: {  	p1 =	sne.s32 s12, $0x18;
	s19 =	sand.u32 $0xFF, s17;
	s15 =	sadd.s32 $0x1, s12  }
0xee: {  	s12 =	smul.u32 $0x89, s19;
	s19 =	sand.u32 $0xFF, s21;
	s13 =	ssub.s32 s13, s16  }
0xef: {  	s20 =	sand.u32 $0xFF, s18;
	s19 =	smul.u32 $0x89, s19;
	s13 =	sand.u32 $0xFF, s13  }
0xf0: {  	s12 =	sshrl.u32 s12, $0xC;
	s16 =	smul.u32 $0x89, s20;
	s13 =	sshll.u32 s13, $0x4  }
0xf1: {  	s20 =	sand.u32 $0xFF, s14;
	s12 =	smul.u32 $0x1E, s12;
	vm0 =	vge.s32 v4, v0;
	vm1 =	vlt.s32 v4, v1;
	s13 =	sadd.s32 $0x4E20, s13  }
0xf2: {  	s20 =	smul.u32 $0x89, s20;
	s16 =	sshrl.u32 s16, $0xC;
	v4 =	vsub.s32 v4, v0;
	vm0 =	vmand vm0, vm1;
	v5 =	vor.u32 s13, v3  }
0xf3: {  	s12 =	ssub.s32 s17, s12;
	s17 =	sshrl.u32 s19, $0xC;
	s13 =	smul.u32 $0x1E, s16;
	v4 =	vsel vm0, v4, v5  }
0xf4: {  	s19 =	sshrl.u32 s20, $0xC;
	s16 =	smul.u32 $0x1E, s17;
	[tilespmem:$0xFA0] =	vst v4  }
0xf5: {  	s17 =	smul.u32 $0x1E, s19;
	v4 =	vld [tilespmem:s9+$0xFFFFFFF0];
	_ =	sdelay $0x1  }
0xf6: {  	s20 =	ssub.s32 s14, s17  }
0xf7: {  	s14 =	sand.u32 $0xFF, s20  }
0xf8: {  	s14 =	sshll.u32 s14, $0x4  }
0xf9: {  	s14 =	sadd.s32 $0x4E20, s14;
	vm8 =	vge.s32 v4, v0;
	vm9 =	vlt.s32 v4, v1  }
0xfa: {  	v5 =	vor.u32 s14, v3;
	v4 =	vsub.s32 v4, v0;
	vm0 =	vmand vm8, vm9  }
0xfb: {  	v4 =	vsel vm0, v4, v5  }
0xfc: {  	[tilespmem:$0xFB0] =	vst v4  }
0xfd: {  	v4 =	vld [tilespmem:s9+$0x0];
	_ =	sdelay $0x2  }
0xfe: {  	s12 =	sand.u32 $0xFF, s12  }
0xff: {  	s12 =	sshll.u32 s12, $0x4  }
0x100: {  	s12 =	sadd.s32 $0x4E20, s12;
	vm10 =	vge.s32 v4, v0;
	vm11 =	vlt.s32 v4, v1  }
0x101: {  	v5 =	vor.u32 s12, v3;
	v4 =	vsub.s32 v4, v0;
	vm0 =	vmand vm10, vm11  }
0x102: {  	v4 =	vsel vm0, v4, v5  }
0x103: {  	[tilespmem:$0xFC0] =	vst v4  }
0x104: {  	v4 =	vld [tilespmem:s9+$0x10];
	_ =	sdelay $0x1  }
0x105: {  	s13 =	ssub.s32 s18, s13  }
0x106: {  	s13 =	sand.u32 $0xFF, s13  }
0x107: {  	s13 =	sshll.u32 s13, $0x4  }
0x108: {  	s13 =	sadd.s32 $0x4E20, s13;
	vm12 =	vge.s32 v4, v0;
	vm13 =	vlt.s32 v4, v1  }
0x109: {  	v5 =	vor.u32 s13, v3;
	v4 =	vsub.s32 v4, v0;
	vm0 =	vmand vm12, vm13  }
0x10a: {  	v4 =	vsel vm0, v4, v5  }
0x10b: {  	[tilespmem:$0xFD0] =	vst v4  }
0x10c: {  	v4 =	vld [tilespmem:s9+$0x20];
	_ =	sdelay $0x1  }
0x10d: {  	s16 =	ssub.s32 s21, s16  }
0x10e: {  	s16 =	sand.u32 $0xFF, s16  }
0x10f: {  	s16 =	sshll.u32 s16, $0x4  }
0x110: {  	s16 =	sadd.s32 $0x4E20, s16;
	vm14 =	vge.s32 v4, v0;
	vm15 =	vlt.s32 v4, v1  }
0x111: {  	v5 =	vor.u32 s16, v3;
	v4 =	vsub.s32 v4, v0;
	vm0 =	vmand vm14, vm15  }
0x112: {  	v4 =	vsel vm0, v4, v5  }
0x113: {  	s13 =	smul.u32 $0x5, s11;
	[tilespmem:$0xFE0] =	vst v4  }
.Ltmp0:
0x114: {  	_ =	swait.ge [sflag:s7], $0x500;
	(pc) =	sbr.rel @p1 .LBB2_3-.Ltmp0, $4  }
0x115: {  	s10 =	sadd.s32 $0x50, s10;
	s12 =	smov.u32 s15;
	[sflag:s7] =	ssyncset.done $0x0  }
0x116: {  	s11 =	sand.u32 $0xFF, s13;
	s21 =	rddreg [dreg:$0x6];
	[sflag:s7] =	ssyncadd.s32 $0xFFFFFB00  }
0x117: {  	[spmem:s3] =	stream.indirect.scatter.add.f32 [tilespmem:s2], [sflag:$0x2], $0x10, s21, s0, $0xb8;
	[tilespmem:$0x69F0] =	vst v63  }
0x118: {  	s14 =	sadd.s32 $0x1, s13;
	s9 =	sadd.s32 $0x50, s9;
	_ =	swait.ge [sflag:s30], $0x500  }
0x119: {  	s11 =	smul.u32 $0x89, s11  }
0x11a: {  	[sflag:s30] =	ssyncset.done $0x0  }
0x11b: {  	s12 =	rddreg [dreg:$0x5];
	[sflag:s30] =	ssyncadd.s32 $0xFFFFFB00;
	s11 =	sshrl.u32 s11, $0xC  }
0x11c: {  	[tilespmem:s2], [sflag:$0x1] =	stream.indirect.gather [hbm4b:s12+s0], $0x10, s10, s0, $0xb8;
	[tilespmem:$0x69F0] =	vst v63  }
0x11d: {  	v4 =	vld [tilespmem:s9+$0xFFFFFFE0];
	s17 =	smul.u32 $0x1E, s11;
	_ =	sdelay $0x1  }
0x11e: {  	s10 =	ssub.s32 s13, s17  }
0x11f: {  	s10 =	sand.u32 $0xFF, s10  }
0x120: {  	s10 =	sshll.u32 s10, $0x4  }
0x121: {  	s18 =	sand.u32 $0xFF, s14;
	vm0 =	vge.s32 v4, v0;
	vm1 =	vlt.s32 v4, v1;
	s10 =	sadd.s32 $0x4E20, s10  }
0x122: {  	s11 =	smul.u32 $0x89, s18;
	v4 =	vsub.s32 v4, v0;
	vm0 =	vmand vm0, vm1;
	v5 =	vor.u32 s10, v3  }
0x123: {  	v4 =	vsel vm0, v4, v5  }
0x124: {  	s19 =	sshrl.u32 s11, $0xC;
	[tilespmem:$0xFA0] =	vst v4  }
0x125: {  	s10 =	smul.u32 $0x1E, s19;
	v4 =	vld [tilespmem:s9+$0xFFFFFFF0];
	_ =	sdelay $0x1  }
0x126: {  	s10 =	ssub.s32 s14, s10  }
0x127: {  	s10 =	sand.u32 $0xFF, s10  }
0x128: {  	s20 =	sadd.s32 $0x2, s13;
	s10 =	sshll.u32 s10, $0x4  }
0x129: {  	s21 =	sand.u32 $0xFF, s20;
	s10 =	sadd.s32 $0x4E20, s10;
	vm8 =	vge.s32 v4, v0;
	vm9 =	vlt.s32 v4, v1  }
0x12a: {  	s12 =	smul.u32 $0x89, s21;
	v5 =	vor.u32 s10, v3;
	v4 =	vsub.s32 v4, v0;
	vm0 =	vmand vm8, vm9  }
0x12b: {  	v4 =	vsel vm0, v4, v5  }
0x12c: {  	s12 =	sshrl.u32 s12, $0xC;
	[tilespmem:$0xFB0] =	vst v4  }
0x12d: {  	s10 =	smul.u32 $0x1E, s12;
	v4 =	vld [tilespmem:s9+$0x0];
	_ =	sdelay $0x1  }
0x12e: {  	s10 =	ssub.s32 s20, s10  }
0x12f: {  	s10 =	sand.u32 $0xFF, s10  }
0x130: {  	s14 =	sadd.s32 $0x3, s13;
	s10 =	sshll.u32 s10, $0x4  }
0x131: {  	s15 =	sand.u32 $0xFF, s14;
	s10 =	sadd.s32 $0x4E20, s10;
	vm10 =	vge.s32 v4, v0;
	vm11 =	vlt.s32 v4, v1  }
0x132: {  	s12 =	smul.u32 $0x89, s15;
	v5 =	vor.u32 s10, v3;
	v4 =	vsub.s32 v4, v0;
	vm0 =	vmand vm10, vm11  }
0x133: {  	v4 =	vsel vm0, v4, v5  }
0x134: {  	s16 =	sshrl.u32 s12, $0xC;
	[tilespmem:$0xFC0] =	vst v4  }
0x135: {  	s10 =	smul.u32 $0x1E, s16;
	v4 =	vld [tilespmem:s9+$0x10];
	_ =	sdelay $0x1  }
0x136: {  	s10 =	ssub.s32 s14, s10  }
0x137: {  	s10 =	sand.u32 $0xFF, s10  }
0x138: {  	s17 =	sadd.s32 $0x4, s13;
	s10 =	sshll.u32 s10, $0x4  }
0x139: {  	s18 =	sand.u32 $0xFF, s17;
	s10 =	sadd.s32 $0x4E20, s10;
	vm12 =	vge.s32 v4, v0;
	vm13 =	vlt.s32 v4, v1  }
0x13a: {  	s12 =	smul.u32 $0x89, s18;
	v5 =	vor.u32 s10, v3;
	v4 =	vsub.s32 v4, v0;
	vm0 =	vmand vm12, vm13  }
0x13b: {  	v4 =	vsel vm0, v4, v5  }
0x13c: {  	s19 =	sshrl.u32 s12, $0xC;
	[tilespmem:$0xFD0] =	vst v4  }
0x13d: {  	s10 =	smul.u32 $0x1E, s19;
	v4 =	vld [tilespmem:s9+$0x20];
	_ =	sdelay $0x1  }
0x13e: {  	s20 =	ssub.s32 s17, s10  }
0x13f: {  	s9 =	sand.u32 $0xFF, s20  }
0x140: {  	s9 =	sshll.u32 s9, $0x4  }
0x141: {  	s9 =	sadd.s32 $0x4E20, s9;
	vm14 =	vge.s32 v4, v0;
	vm15 =	vlt.s32 v4, v1  }
0x142: {  	v5 =	vor.u32 s9, v3;
	v4 =	vsub.s32 v4, v0;
	vm0 =	vmand vm14, vm15  }
0x143: {  	v4 =	vsel vm0, v4, v5  }
0x144: {  	[tilespmem:$0xFE0] =	vst v4  }
0x145: {  	s8 =	sadd.s32 $0x1, s8;
	_ =	swait.ge [sflag:s7], $0x500  }
0x146: {  	p1 =	sne.s32 s8, $0xA;
	[sflag:s7] =	ssyncset.done $0x0  }
.Ltmp1:
0x147: {  	s21 =	rddreg [dreg:$0x6];
	[sflag:s7] =	ssyncadd.s32 $0xFFFFFB00;
	(pc) =	sbr.rel @p1 .LBB2_2-.Ltmp1, $4  }
0x148: {  	[spmem:s3] =	stream.indirect.scatter.add.f32 [tilespmem:s2], [sflag:$0x2], $0x10, s21, s0, $0xb8;
	[tilespmem:$0x69F0] =	vst v63  }
0x149: {  	_ =	swait.ge [sflag:s30], $0x500  }
0x14a: {  	[sflag:s30] =	ssyncset.done $0x0  }
0x14b: {  	[sflag:s30] =	ssyncadd.s32 $0xFFFFFB00  }
0x14c: {  	s8 =	stileid.u32  }
0x14d: {  	[bflag:$0x0] =	sbarrier.arrive $0xFFFF;
	s8 =	sshll.u32 s8, $0x6  }
0x14e: {  	s9 =	rddreg [dreg:$0x14];
	s8 =	sor.u32 $0x1C02, s8  }
0x14f: {  	[hbm:s9], [sflag:s8] =	dma.local [spmem:s23], $0x9C0  }
0x150: {  	_ =	swait.ge [sflag:s30], $0x9C0  }
0x151: {  	s4 =	sadd.s32 $0x1, s4;
	[sflag:s30] =	ssyncset.done $0x0  }
0x152: {  	p1 =	sne.s32 s4, s22;
	s9 =	rddreg [dreg:$0x15];
	[sflag:s30] =	ssyncadd.s32 $0xFFFFF640  }
0x153: {  	[hbm:s9], [sflag:s8] =	dma.local @!p0 [spmem:s24], $0x40  }
.Ltmp2:
0x154: {  	_ = 	snop;
	(pc) =	sbr.rel @p1 .LBB2_1-.Ltmp2, $4  }
0x155: {  	s8 =	simm.s32 @!p0 $0x2  }
0x156: {  	_ =	swait.ge @!p0 [sflag:s8], $0x40  }
0x157: {  	[sflag:s8] =	ssyncset.done @!p0 $0x0  }
0x158: {  	[sflag:s8] =	ssyncadd.s32 @!p0 $0xFFFFFFC0  }
0x159: {  	_ =	sfence.sel $0x180000  }
0x15a: {  	[bflag:$0x0] =	sbarrier.arrive $0xFFFF  }
0x15b: {  	_ =	strace $0x90000047  }
0x15c: {  	s0 =	stileid.u32;
	[bflag:$0x2] =	sbarrier.arrive $0xFFFF  }
0x15d: {  	p0 =	sne.s32 s0, $0x0;
	s0 =	rddreg [dreg:$0x4]  }
0x15e: {  	s0 =	sadd.s32 @!p0 $0x100000, s0  }
0x15f: {  	[sflag:s0] =	ssyncadd.tile.s32 @!p0 $0x1;
	_ =	shalt  }
.Lfunc_end2:
_tile_overlayer_lowered:
.L_overlay_start_2:
0x160: {  	(tag) =	ssettag $0x2  }
0x161: {  	s0 =	rddreg [dreg:$0x0];
	s2 =	stileid.u32  }
0x162: {  	s1 =	rddreg [dreg:$0x1];
	p0 =	sne.s32 s2, $0x0  }
0x163: {  	s3 =	rddreg [dreg:$0x2];
	[bflag:$0x3] =	sbarrier.arrive $0xFFFF;
	s2 =	simm.s32 @!p0 $0x1C02  }
0x164: {  	[timem:s3], [sflag:s2] =	dma.local @!p0 [hbm:s0], s1  }
0x165: {  	s0 =	simm.s32 @!p0 $0x2  }
0x166: {  	_ =	swait.ge @!p0 [sflag:s0], s1  }
0x167: {  	s1 =	ssub.s32 @!p0 $0x0, s1;
	[sflag:s0] =	ssyncset.done @!p0 $0x0  }
0x168: {  	[sflag:s0] =	ssyncadd.s32 @!p0 s1  }
0x169: {  	[bflag:$0x3] =	sbarrier.arrive $0xFFFF  }
0x16a: {  	_ =	shalt  }

</sc_bundles>
